<compile_context>
chip_gen: v7x
topology: tpu7x:2x2x1
jax: 0.10.2.dev20260603
libtpu: 0.0.44.dev20260713+nightly
codegen_flags: <defaults>
</compile_context>

<pallas_src>
import functools

import jax
import jax.numpy as jnp
from jax import lax
from jax.experimental import pallas as pl
from jax.experimental.pallas import tpu as pltpu
from jax.experimental.pallas import tpu_sc as plsc

N = 10000
E = 320000
D = 128
C = 60

NC = 2
NS = 16
NW = NC * NS
PER_W = E // NW
DCH = 200
DSTEPS = PER_W // DCH
CHUNK = 40
NSTEPS = PER_W // CHUNK
NBUF = 5
NPAD = 10240
ZCH = 40
ROWS_PER_TILE = NPAD // NS

_SC_MESH = plsc.VectorSubcoreMesh(core_axis_name="c", subcore_axis_name="s")


@functools.partial(
    pl.kernel,
    out_type=(jax.ShapeDtypeStruct((2, NPAD, 16), jnp.float32),
              jax.ShapeDtypeStruct((2, NPAD, 16), jnp.float32)),
    mesh=_SC_MESH,
    scratch_types=[
        pltpu.VMEM_SHARED((NPAD, 16), jnp.float32),
        pltpu.VMEM_SHARED((NPAD, 16), jnp.float32),
        pltpu.VMEM((PER_W,), jnp.int32),
        pltpu.VMEM((PER_W,), jnp.int32),
        pltpu.VMEM((DCH, 16), jnp.float32),
        pltpu.VMEM((ROWS_PER_TILE, 16), jnp.float32),
        [pltpu.SemaphoreType.DMA for _ in range(8)],
    ],
    compiler_params=pltpu.CompilerParams(use_tc_tiling_on_sc=False),
)
def _sc_degrees(edge_hbm, ones_hbm, zeros_hbm, outs_hbm, outd_hbm,
                deg_s, deg_d, sbuf, dbuf, obuf, zbuf, ms):
    c = lax.axis_index("c")
    s = lax.axis_index("s")
    wid = c * NS + s

    pltpu.sync_copy(zeros_hbm, zbuf)
    r0 = s * ROWS_PER_TILE
    pltpu.sync_copy(zbuf, deg_s.at[pl.ds(r0, ROWS_PER_TILE)])
    pltpu.sync_copy(zbuf, deg_d.at[pl.ds(r0, ROWS_PER_TILE)])
    pltpu.sync_copy(ones_hbm, obuf)
    base = wid * PER_W
    pltpu.sync_copy(edge_hbm.at[0, pl.ds(base, PER_W)], sbuf)
    pltpu.sync_copy(edge_hbm.at[1, pl.ds(base, PER_W)], dbuf)
    plsc.subcore_barrier()

    def step(k, carry):
        ds_ = []
        for u in range(4):
            o = (k * 4 + u) * DCH
            ds_.append(pltpu.async_copy(
                obuf, deg_s.at[sbuf.at[pl.ds(o, DCH)]], ms[2 * u], add=True))
            ds_.append(pltpu.async_copy(
                obuf, deg_d.at[dbuf.at[pl.ds(o, DCH)]], ms[2 * u + 1],
                add=True))
        for d in ds_:
            d.wait()
        return carry

    lax.fori_loop(0, DSTEPS // 4, step, 0)
    for u in range(DSTEPS % 4):
        o = ((DSTEPS // 4) * 4 + u) * DCH
        pltpu.async_copy(obuf, deg_s.at[sbuf.at[pl.ds(o, DCH)]], ms[0],
                         add=True).wait()
        pltpu.async_copy(obuf, deg_d.at[dbuf.at[pl.ds(o, DCH)]], ms[1],
                         add=True).wait()
    plsc.subcore_barrier()

    pltpu.sync_copy(deg_s.at[pl.ds(r0, ROWS_PER_TILE)], zbuf)
    pltpu.sync_copy(zbuf, outs_hbm.at[c, pl.ds(r0, ROWS_PER_TILE)])
    pltpu.sync_copy(deg_d.at[pl.ds(r0, ROWS_PER_TILE)], zbuf)
    pltpu.sync_copy(zbuf, outd_hbm.at[c, pl.ds(r0, ROWS_PER_TILE)])


@functools.partial(
    pl.kernel,
    out_type=jax.ShapeDtypeStruct((2, NPAD, D), jnp.float32),
    mesh=_SC_MESH,
    scratch_types=[
        pltpu.VMEM_SHARED((NPAD, D), jnp.float32),
        pltpu.VMEM((PER_W,), jnp.int32),
        pltpu.VMEM((PER_W,), jnp.int32),
        [pltpu.VMEM((CHUNK, D), jnp.float32) for _ in range(NBUF)],
        [pltpu.SemaphoreType.DMA for _ in range(NBUF)],
        [pltpu.SemaphoreType.DMA for _ in range(NBUF)],
    ],
    compiler_params=pltpu.CompilerParams(use_tc_tiling_on_sc=False),
)
def _sc_aggregate(feat_hbm, edge_hbm, zeros_hbm, out_hbm,
                  agg, sbuf, dbuf, rows, gs, ss):
    c = lax.axis_index("c")
    s = lax.axis_index("s")
    wid = c * NS + s

    base = wid * PER_W
    pltpu.sync_copy(edge_hbm.at[0, pl.ds(base, PER_W)], sbuf)
    pltpu.sync_copy(edge_hbm.at[1, pl.ds(base, PER_W)], dbuf)
    pltpu.sync_copy(zeros_hbm, rows[0])
    zd = []
    for t in range(ROWS_PER_TILE // ZCH):
        zd.append(pltpu.async_copy(
            rows[0], agg.at[pl.ds(s * ROWS_PER_TILE + t * ZCH, ZCH)],
            ss[t % 2]))
    for d in zd:
        d.wait()
    plsc.subcore_barrier()

    for b in range(NBUF):
        pltpu.async_copy(feat_hbm.at[sbuf.at[pl.ds(b * CHUNK, CHUNK)]],
                         rows[b], gs[b])

    def step(k, carry):
        j = k * NBUF * CHUNK
        for b in range(NBUF):
            jb = j + b * CHUNK
            didx = dbuf.at[pl.ds(jb, CHUNK)]
            pltpu.make_async_copy(
                feat_hbm.at[sbuf.at[pl.ds(jb, CHUNK)]], rows[b],
                gs[b]).wait()
            pltpu.async_copy(rows[b], agg.at[didx], ss[b], add=True)
        for b in range(NBUF):
            jb = j + b * CHUNK
            didx = dbuf.at[pl.ds(jb, CHUNK)]
            pltpu.make_async_copy(rows[b], agg.at[didx], ss[b]).wait()
            nxt = jb + NBUF * CHUNK

            @pl.when(nxt < PER_W)
            def _():
                pltpu.async_copy(feat_hbm.at[sbuf.at[pl.ds(nxt, CHUNK)]],
                                 rows[b], gs[b])

        return carry

    lax.fori_loop(0, NSTEPS // NBUF, step, 0)
    plsc.subcore_barrier()

    nexp = ROWS_PER_TILE // ZCH
    ind = [None] * nexp
    outd = [None] * nexp
    for t in range(NBUF):
        r0 = s * ROWS_PER_TILE + t * ZCH
        ind[t] = pltpu.async_copy(agg.at[pl.ds(r0, ZCH)], rows[t % NBUF],
                                  gs[t % NBUF])
    for t in range(nexp):
        b = t % NBUF
        r0 = s * ROWS_PER_TILE + t * ZCH
        ind[t].wait()
        outd[t] = pltpu.async_copy(rows[b], out_hbm.at[c, pl.ds(r0, ZCH)],
                                   ss[b])
        nt = t + NBUF
        if nt < nexp:
            outd[t].wait()
            rn = s * ROWS_PER_TILE + nt * ZCH
            ind[nt] = pltpu.async_copy(agg.at[pl.ds(rn, ZCH)], rows[b],
                                       gs[b])
    for t in range(nexp - NBUF, nexp):
        outd[t].wait()


BLK = 2000
EPS = 1e-5


def _norm_from_deg(degp_blk):
    deg = degp_blk[0, :, 0] + degp_blk[1, :, 0]
    return lax.rsqrt(jnp.maximum(deg, 1.0))


def _embed_body(nf, w, b, degs, x_out, feat_out):
    x = jnp.dot(nf[...], w[...], preferred_element_type=jnp.float32) + b[...]
    x_out[...] = x
    ns = _norm_from_deg(degs[...])
    feat_out[...] = x * ns[:, None]


def _tc_embed(nf, w_emb, b_emb, degs):
    return pl.pallas_call(
        _embed_body,
        grid=(N // BLK,),
        in_specs=[
            pl.BlockSpec((BLK, D), lambda i: (i, 0)),
            pl.BlockSpec((D, D), lambda i: (0, 0)),
            pl.BlockSpec((1, D), lambda i: (0, 0)),
            pl.BlockSpec((2, BLK, 16), lambda i: (0, i, 0)),
        ],
        out_specs=[
            pl.BlockSpec((BLK, D), lambda i: (i, 0)),
            pl.BlockSpec((BLK, D), lambda i: (i, 0)),
        ],
        out_shape=[
            jax.ShapeDtypeStruct((N, D), jnp.float32),
            jax.ShapeDtypeStruct((N, D), jnp.float32),
        ],
    )(nf, w_emb, b_emb, degs)


NB = N // BLK


def _bn_relu_from_acc(h, acc, g, be):
    mean = acc[0, :] / N
    var = acc[1, :] / N - mean * mean
    inv = lax.rsqrt(var + EPS)
    hn = (h - mean) * inv * g + be
    return jnp.maximum(hn, 0.0)


def _mid_body(aggp, x, degs, degd, w1, b1, g, be, w2, b2, feat_out, acc,
              hbuf):
    i = pl.program_id(0)

    @pl.when(i == 0)
    def _():
        acc[...] = jnp.zeros_like(acc)

    @pl.when(i < NB)
    def _():
        nd = _norm_from_deg(degd[...])
        a = (aggp[0] + aggp[1]) * nd[:, None]
        h = (x[...] + jnp.dot(a, w1[...], preferred_element_type=jnp.float32)
             + b1[...])
        hbuf[pl.ds(i * BLK, BLK), :] = h
        acc[0, :] += jnp.sum(h, axis=0)
        acc[1, :] += jnp.sum(h * h, axis=0)

    @pl.when(i >= NB)
    def _():
        h = hbuf[pl.ds((i - NB) * BLK, BLK), :]
        r = _bn_relu_from_acc(h, acc[...], g[...], be[...])
        tt = jnp.dot(r, w2[...], preferred_element_type=jnp.float32) + b2[...]
        ns = _norm_from_deg(degs[...])
        feat_out[...] = tt * ns[:, None]


def _tc_mid(aggp, x, degs, degd, w1, b1, g, be, w2, b2):
    cst = lambda i: (0, 0)
    p1 = lambda i: (jnp.where(i < NB, i, NB - 1), 0)
    p1agg = lambda i: (0, jnp.where(i < NB, i, NB - 1), 0)
    ps = lambda i: (0, jnp.where(i < NB, 0, i - NB), 0)
    pd = lambda i: (0, jnp.where(i < NB, i, NB - 1), 0)
    return pl.pallas_call(
        _mid_body,
        grid=(2 * NB,),
        in_specs=[
            pl.BlockSpec((2, BLK, D), p1agg),
            pl.BlockSpec((BLK, D), p1),
            pl.BlockSpec((2, BLK, 16), ps),
            pl.BlockSpec((2, BLK, 16), pd),
            pl.BlockSpec((D, D), cst),
            pl.BlockSpec((1, D), cst),
            pl.BlockSpec((1, D), cst),
            pl.BlockSpec((1, D), cst),
            pl.BlockSpec((D, D), cst),
            pl.BlockSpec((1, D), cst),
        ],
        out_specs=pl.BlockSpec((BLK, D), lambda i: (jnp.where(i < NB, 0,
                                                              i - NB), 0)),
        out_shape=jax.ShapeDtypeStruct((N, D), jnp.float32),
        scratch_shapes=[pltpu.VMEM((2, D), jnp.float32),
                        pltpu.VMEM((N, D), jnp.float32)],
    )(aggp, x, degs, degd, w1, b1, g, be, w2, b2)


def _fin_body(aggp, x, degd, w1, b1, g, be, w3, b3, wc, bc,
              hf_out, label_out, acc, hbuf):
    i = pl.program_id(0)

    @pl.when(i == 0)
    def _():
        acc[...] = jnp.zeros_like(acc)

    @pl.when(i < NB)
    def _():
        nd = _norm_from_deg(degd[...])
        a = (aggp[0] + aggp[1]) * nd[:, None]
        h = (x[...] + jnp.dot(a, w1[...], preferred_element_type=jnp.float32)
             + b1[...])
        hbuf[pl.ds(i * BLK, BLK), :] = h
        acc[0, :] += jnp.sum(h, axis=0)
        acc[1, :] += jnp.sum(h * h, axis=0)

    @pl.when(i >= NB)
    def _():
        h = hbuf[pl.ds((i - NB) * BLK, BLK), :]
        r = _bn_relu_from_acc(h, acc[...], g[...], be[...])
        ho = jnp.dot(r, w3[...], preferred_element_type=jnp.float32) + b3[...]
        hf_out[...] = ho
        acc[2, :] += jnp.sum(ho, axis=0)

    @pl.when(i == 2 * NB - 1)
    def _():
        y = acc[2:3, :] / N
        label_out[...] = (
            jnp.dot(y, wc[...], preferred_element_type=jnp.float32) + bc[...]
        )


def _tc_fin(aggp, x, degd, w1, b1, g, be, w3, b3, wc, bc):
    cst = lambda i: (0, 0)
    p1 = lambda i: (jnp.where(i < NB, i, NB - 1), 0)
    p1agg = lambda i: (0, jnp.where(i < NB, i, NB - 1), 0)
    pd = lambda i: (0, jnp.where(i < NB, i, NB - 1), 0)
    return pl.pallas_call(
        _fin_body,
        grid=(2 * NB,),
        in_specs=[
            pl.BlockSpec((2, BLK, D), p1agg),
            pl.BlockSpec((BLK, D), p1),
            pl.BlockSpec((2, BLK, 16), pd),
            pl.BlockSpec((D, D), cst),
            pl.BlockSpec((1, D), cst),
            pl.BlockSpec((1, D), cst),
            pl.BlockSpec((1, D), cst),
            pl.BlockSpec((D, D), cst),
            pl.BlockSpec((1, D), cst),
            pl.BlockSpec((D, C), cst),
            pl.BlockSpec((1, C), cst),
        ],
        out_specs=[
            pl.BlockSpec((BLK, D), lambda i: (jnp.where(i < NB, 0, i - NB),
                                              0)),
            pl.BlockSpec((1, C), cst),
        ],
        out_shape=[
            jax.ShapeDtypeStruct((N, D), jnp.float32),
            jax.ShapeDtypeStruct((1, C), jnp.float32),
        ],
        scratch_shapes=[pltpu.VMEM((3, D), jnp.float32),
                        pltpu.VMEM((N, D), jnp.float32)],
    )(aggp, x, degd, w1, b1, g, be, w3, b3, wc, bc)


def kernel(node_features, edge_index, W_emb, b_emb, W_c1, b_c1, g1, be1,
           W_l2, b_l2, W_c2, b_c2, g2, be2, W_l3, b_l3, W_cls, b_cls):
    ones16 = jnp.ones((DCH, 16), jnp.float32)
    zeros16 = jnp.zeros((ROWS_PER_TILE, 16), jnp.float32)
    zeros128 = jnp.zeros((ZCH, D), jnp.float32)

    degs, degd = _sc_degrees(edge_index, ones16, zeros16)
    x, feat1 = _tc_embed(node_features, W_emb, b_emb.reshape(1, D), degs)
    agg1 = _sc_aggregate(feat1, edge_index, zeros128)
    feat2 = _tc_mid(agg1, x, degs, degd, W_c1, b_c1.reshape(1, D),
                    g1.reshape(1, D), be1.reshape(1, D),
                    W_l2, b_l2.reshape(1, D))
    agg2 = _sc_aggregate(feat2, edge_index, zeros128)
    h_out, label = _tc_fin(agg2, x, degd, W_c2, b_c2.reshape(1, D),
                           g2.reshape(1, D), be2.reshape(1, D),
                           W_l3, b_l3.reshape(1, D), W_cls,
                           b_cls.reshape(1, C))
    return (h_out, label)

# --- scband reference (transcript-rebuilt; emitter-appended) ---
"""Pipeline reference for scband-simple-pose-gnn-21371757265053 (READ-ONLY COPY).

The authoritative reference and input builder live on the scoring server;
editing this copy changes nothing except your own understanding.
"""

import jax, jax.numpy as jnp
import numpy as np

N = 10000
E = 320000
D = 128
H = 128
OUT = 128
C = 60


def setup_inputs(seed: int = 0):
    key = jax.random.key(seed)
    ks = jax.random.split(key, 20)
    s = 0.05
    inp = {}
    inp['node_features'] = jax.random.normal(ks[0], (N, D), jnp.float32)
    inp['edge_index'] = jax.random.randint(ks[1], (2, E), 0, N, dtype=jnp.int32)
    inp['W_emb'] = jax.random.normal(ks[2], (D, H), jnp.float32) * s
    inp['b_emb'] = jnp.zeros((H,), jnp.float32)
    inp['W_c1'] = jax.random.normal(ks[3], (H, H), jnp.float32) * s
    inp['b_c1'] = jnp.zeros((H,), jnp.float32)
    inp['g1'] = jnp.ones((H,), jnp.float32)
    inp['be1'] = jnp.zeros((H,), jnp.float32)
    inp['W_l2'] = jax.random.normal(ks[4], (H, H), jnp.float32) * s
    inp['b_l2'] = jnp.zeros((H,), jnp.float32)
    inp['W_c2'] = jax.random.normal(ks[5], (H, H), jnp.float32) * s
    inp['b_c2'] = jnp.zeros((H,), jnp.float32)
    inp['g2'] = jnp.ones((H,), jnp.float32)
    inp['be2'] = jnp.zeros((H,), jnp.float32)
    inp['W_l3'] = jax.random.normal(ks[6], (H, OUT), jnp.float32) * s
    inp['b_l3'] = jnp.zeros((OUT,), jnp.float32)
    inp['W_cls'] = jax.random.normal(ks[7], (OUT, C), jnp.float32) * s
    inp['b_cls'] = jnp.zeros((C,), jnp.float32)
    return inp


def _graph_conv(x, src, dst, W, b):
    # DGL GraphConv with norm='both': D^-1/2 A D^-1/2 X, then linear
    ones = jnp.ones((E,), x.dtype)
    deg_out = jnp.zeros((N,), x.dtype).at[src].add(ones)
    deg_in = jnp.zeros((N,), x.dtype).at[dst].add(ones)
    norm_src = jnp.power(jnp.clip(deg_out, 1.0, None), -0.5)
    norm_dst = jnp.power(jnp.clip(deg_in, 1.0, None), -0.5)
    feat = x * norm_src[:, None]
    msg = jnp.take(feat, src, axis=0)
    agg = jnp.zeros((N, x.shape[1]), x.dtype).at[dst].add(msg)
    agg = agg * norm_dst[:, None]
    return agg @ W + b


def _batch_norm(h, gamma, beta, eps=1e-5):
    mean = jnp.mean(h, axis=0)
    var = jnp.var(h, axis=0)
    return (h - mean) / jnp.sqrt(var + eps) * gamma + beta


def reference(node_features, edge_index, W_emb, b_emb, W_c1, b_c1, g1, be1, W_l2, b_l2, W_c2, b_c2, g2, be2, W_l3, b_l3, W_cls, b_cls):
    src = edge_index[0]
    dst = edge_index[1]
    x = node_features @ W_emb + b_emb
    h = x + _graph_conv(x, src, dst, W_c1, b_c1)
    h = _batch_norm(h, g1, be1)
    h = jax.nn.relu(h)
    h = h @ W_l2 + b_l2
    h = x + _graph_conv(h, src, dst, W_c2, b_c2)
    h = _batch_norm(h, g2, be2)
    h = jax.nn.relu(h)
    h = h @ W_l3 + b_l3
    y = jnp.mean(h, axis=0, keepdims=True)  # dgl.mean_nodes on single graph
    label = y @ W_cls + b_cls
    return (h, label)

if __name__ == "__main__":
    import jax
    _d = setup_inputs()
    print(jax.jit(kernel)(*tuple(_d.values())))

</pallas_src>

<mosaic_0001>
#map = affine_map<(d0, d1) -> (0, 0)>
#map1 = affine_map<(d0, d1) -> (0, 0, 0)>
module attributes {stable_mosaic.version = 14 : i64} {
  func.func @_sc_aggregate(%arg0: i32, %arg1: i32, %arg2: memref<10000x128xf32, #tpu.memory_space<hbm>>, %arg3: memref<2x320000xi32, #tpu.memory_space<hbm>>, %arg4: memref<40x128xf32, #tpu.memory_space<hbm>>, %arg5: memref<2x10240x128xf32, #tpu.memory_space<hbm>>, %arg6: memref<10240x128xf32, #tpu.memory_space<vmem_shared>>, %arg7: memref<10000xi32, #tpu.memory_space<vmem>>, %arg8: memref<10000xi32, #tpu.memory_space<vmem>>, %arg9: memref<40x128xf32, #tpu.memory_space<vmem>>, %arg10: memref<40x128xf32, #tpu.memory_space<vmem>>, %arg11: memref<40x128xf32, #tpu.memory_space<vmem>>, %arg12: memref<40x128xf32, #tpu.memory_space<vmem>>, %arg13: memref<40x128xf32, #tpu.memory_space<vmem>>, %arg14: memref<!tpu.dma_semaphore, #tpu.memory_space<semaphore_mem>>, %arg15: memref<!tpu.dma_semaphore, #tpu.memory_space<semaphore_mem>>, %arg16: memref<!tpu.dma_semaphore, #tpu.memory_space<semaphore_mem>>, %arg17: memref<!tpu.dma_semaphore, #tpu.memory_space<semaphore_mem>>, %arg18: memref<!tpu.dma_semaphore, #tpu.memory_space<semaphore_mem>>, %arg19: memref<!tpu.dma_semaphore, #tpu.memory_space<semaphore_mem>>, %arg20: memref<!tpu.dma_semaphore, #tpu.memory_space<semaphore_mem>>, %arg21: memref<!tpu.dma_semaphore, #tpu.memory_space<semaphore_mem>>, %arg22: memref<!tpu.dma_semaphore, #tpu.memory_space<semaphore_mem>>, %arg23: memref<!tpu.dma_semaphore, #tpu.memory_space<semaphore_mem>>) attributes {dimension_semantics = [#tpu.dimension_semantics<core_parallel>, #tpu.dimension_semantics<subcore_parallel>], iteration_bounds = array<i64: 2, 16>, scalar_prefetch = 0 : i64, scratch_operands = 18 : i64, tpu.core_type = #tpu.core_type<sc_vector_subcore>, window_params = [{transform_indices = #map}, {transform_indices = #map}, {transform_indices = #map}, {transform_indices = #map1}]} {
    %mul3A = arith.constant 16 : i32
    %mul3A_0 = arith.muli %arg0, %mul3A : i32
    %add3A = arith.addi %mul3A_0, %arg1 : i32
    %mul3A_1 = arith.constant 10000 : i32
    %mul3A_2 = arith.muli %add3A, %mul3A_1 : i32
    %run_scoped3A = arith.constant 0 : i32
    "tpu.region"() ({
      %run_scoped3A_673 = tpu.sem_alloc : memref<!tpu.dma_semaphore, #tpu.memory_space<semaphore_mem>>
      %dma_start3A_674 = tpu.memref_slice %arg3[%run_scoped3A, %mul3A_2] : memref<2x320000xi32, #tpu.memory_space<hbm>> -> memref<1x10000xi32, #tpu.memory_space<hbm>>
      %dma_start3A_675 = tpu.memref_squeeze %dma_start3A_674 : memref<1x10000xi32, #tpu.memory_space<hbm>> -> memref<10000xi32, #tpu.memory_space<hbm>>
      %dma_start3A_676 = tpu.memref_slice %arg3[%run_scoped3A, %mul3A_2] : memref<2x320000xi32, #tpu.memory_space<hbm>> -> memref<1x10000xi32, #tpu.memory_space<hbm>>
      %dma_start3A_677 = tpu.memref_squeeze %dma_start3A_676 : memref<1x10000xi32, #tpu.memory_space<hbm>> -> memref<10000xi32, #tpu.memory_space<hbm>>
      tpu.enqueue_dma source(%dma_start3A_677 : memref<10000xi32, #tpu.memory_space<hbm>>) target(%arg7 : memref<10000xi32, #tpu.memory_space<vmem>>) target_semaphore(%run_scoped3A_673 : memref<!tpu.dma_semaphore, #tpu.memory_space<semaphore_mem>>)
      %dma_wait3A_678 = tpu.memref_slice %arg3[%run_scoped3A, %mul3A_2] : memref<2x320000xi32, #tpu.memory_space<hbm>> -> memref<1x10000xi32, #tpu.memory_space<hbm>>
      %dma_wait3A_679 = tpu.memref_squeeze %dma_wait3A_678 : memref<1x10000xi32, #tpu.memory_space<hbm>> -> memref<10000xi32, #tpu.memory_space<hbm>>
      %dma_wait3A_680 = tpu.memref_slice %arg3[%run_scoped3A, %mul3A_2] : memref<2x320000xi32, #tpu.memory_space<hbm>> -> memref<1x10000xi32, #tpu.memory_space<hbm>>
      %dma_wait3A_681 = tpu.memref_squeeze %dma_wait3A_680 : memref<1x10000xi32, #tpu.memory_space<hbm>> -> memref<10000xi32, #tpu.memory_space<hbm>>
      tpu.wait_dma2 semaphore(%run_scoped3A_673 : memref<!tpu.dma_semaphore, #tpu.memory_space<semaphore_mem>>) src(%dma_wait3A_681 : memref<10000xi32, #tpu.memory_space<hbm>>) dst(%arg7 : memref<10000xi32, #tpu.memory_space<vmem>>)
      tpu.yield
    }) : () -> ()
    %run_scoped3A_3 = arith.constant 1 : i32
    "tpu.region"() ({
      %run_scoped3A_673 = tpu.sem_alloc : memref<!tpu.dma_semaphore, #tpu.memory_space<semaphore_mem>>
      %dma_start3A_674 = tpu.memref_slice %arg3[%run_scoped3A_3, %mul3A_2] : memref<2x320000xi32, #tpu.memory_space<hbm>> -> memref<1x10000xi32, #tpu.memory_space<hbm>>
      %dma_start3A_675 = tpu.memref_squeeze %dma_start3A_674 : memref<1x10000xi32, #tpu.memory_space<hbm>> -> memref<10000xi32, #tpu.memory_space<hbm>>
      %dma_start3A_676 = tpu.memref_slice %arg3[%run_scoped3A_3, %mul3A_2] : memref<2x320000xi32, #tpu.memory_space<hbm>> -> memref<1x10000xi32, #tpu.memory_space<hbm>>
      %dma_start3A_677 = tpu.memref_squeeze %dma_start3A_676 : memref<1x10000xi32, #tpu.memory_space<hbm>> -> memref<10000xi32, #tpu.memory_space<hbm>>
      tpu.enqueue_dma source(%dma_start3A_677 : memref<10000xi32, #tpu.memory_space<hbm>>) target(%arg8 : memref<10000xi32, #tpu.memory_space<vmem>>) target_semaphore(%run_scoped3A_673 : memref<!tpu.dma_semaphore, #tpu.memory_space<semaphore_mem>>)
      %dma_wait3A_678 = tpu.memref_slice %arg3[%run_scoped3A_3, %mul3A_2] : memref<2x320000xi32, #tpu.memory_space<hbm>> -> memref<1x10000xi32, #tpu.memory_space<hbm>>
      %dma_wait3A_679 = tpu.memref_squeeze %dma_wait3A_678 : memref<1x10000xi32, #tpu.memory_space<hbm>> -> memref<10000xi32, #tpu.memory_space<hbm>>
      %dma_wait3A_680 = tpu.memref_slice %arg3[%run_scoped3A_3, %mul3A_2] : memref<2x320000xi32, #tpu.memory_space<hbm>> -> memref<1x10000xi32, #tpu.memory_space<hbm>>
      %dma_wait3A_681 = tpu.memref_squeeze %dma_wait3A_680 : memref<1x10000xi32, #tpu.memory_space<hbm>> -> memref<10000xi32, #tpu.memory_space<hbm>>
      tpu.wait_dma2 semaphore(%run_scoped3A_673 : memref<!tpu.dma_semaphore, #tpu.memory_space<semaphore_mem>>) src(%dma_wait3A_681 : memref<10000xi32, #tpu.memory_space<hbm>>) dst(%arg8 : memref<10000xi32, #tpu.memory_space<vmem>>)
      tpu.yield
    }) : () -> ()
    "tpu.region"() ({
      %run_scoped3A_673 = tpu.sem_alloc : memref<!tpu.dma_semaphore, #tpu.memory_space<semaphore_mem>>
      tpu.enqueue_dma source(%arg4 : memref<40x128xf32, #tpu.memory_space<hbm>>) target(%arg9 : memref<40x128xf32, #tpu.memory_space<vmem>>) target_semaphore(%run_scoped3A_673 : memref<!tpu.dma_semaphore, #tpu.memory_space<semaphore_mem>>)
      tpu.wait_dma2 semaphore(%run_scoped3A_673 : memref<!tpu.dma_semaphore, #tpu.memory_space<semaphore_mem>>) src(%arg4 : memref<40x128xf32, #tpu.memory_space<hbm>>) dst(%arg9 : memref<40x128xf32, #tpu.memory_space<vmem>>)
      tpu.yield
    }) : () -> ()
    %mul3A_4 = arith.constant 640 : i32
    %mul3A_5 = arith.muli %arg1, %mul3A_4 : i32
    %add3A_6 = arith.constant 0 : i32
    %add3A_7 = arith.addi %mul3A_5, %add3A_6 : i32
    %dma_start3A = arith.constant 0 : i32
    %dma_start3A_8 = tpu.memref_slice %arg6[%add3A_7, %dma_start3A] : memref<10240x128xf32, #tpu.memory_space<vmem_shared>> -> memref<40x128xf32, #tpu.memory_space<vmem_shared>>
    %dma_start3A_9 = arith.constant 0 : i32
    %dma_start3A_10 = tpu.memref_slice %arg6[%add3A_7, %dma_start3A_9] : memref<10240x128xf32, #tpu.memory_space<vmem_shared>> -> memref<40x128xf32, #tpu.memory_space<vmem_shared>>
    tpu.enqueue_dma source(%arg9 : memref<40x128xf32, #tpu.memory_space<vmem>>) target(%dma_start3A_10 : memref<40x128xf32, #tpu.memory_space<vmem_shared>>) target_semaphore(%arg19 : memref<!tpu.dma_semaphore, #tpu.memory_space<semaphore_mem>>)
    %mul3A_11 = arith.constant 640 : i32
    %mul3A_12 = arith.muli %arg1, %mul3A_11 : i32
    %add3A_13 = arith.constant 40 : i32
    %add3A_14 = arith.addi %mul3A_12, %add3A_13 : i32
    %dma_start3A_15 = arith.constant 0 : i32
    %dma_start3A_16 = tpu.memref_slice %arg6[%add3A_14, %dma_start3A_15] : memref<10240x128xf32, #tpu.memory_space<vmem_shared>> -> memref<40x128xf32, #tpu.memory_space<vmem_shared>>
    %dma_start3A_17 = arith.constant 0 : i32
    %dma_start3A_18 = tpu.memref_slice %arg6[%add3A_14, %dma_start3A_17] : memref<10240x128xf32, #tpu.memory_space<vmem_shared>> -> memref<40x128xf32, #tpu.memory_space<vmem_shared>>
    tpu.enqueue_dma source(%arg9 : memref<40x128xf32, #tpu.memory_space<vmem>>) target(%dma_start3A_18 : memref<40x128xf32, #tpu.memory_space<vmem_shared>>) target_semaphore(%arg20 : memref<!tpu.dma_semaphore, #tpu.memory_space<semaphore_mem>>)
    %mul3A_19 = arith.constant 640 : i32
    %mul3A_20 = arith.muli %arg1, %mul3A_19 : i32
    %add3A_21 = arith.constant 80 : i32
    %add3A_22 = arith.addi %mul3A_20, %add3A_21 : i32
    %dma_start3A_23 = arith.constant 0 : i32
    %dma_start3A_24 = tpu.memref_slice %arg6[%add3A_22, %dma_start3A_23] : memref<10240x128xf32, #tpu.memory_space<vmem_shared>> -> memref<40x128xf32, #tpu.memory_space<vmem_shared>>
    %dma_start3A_25 = arith.constant 0 : i32
    %dma_start3A_26 = tpu.memref_slice %arg6[%add3A_22, %dma_start3A_25] : memref<10240x128xf32, #tpu.memory_space<vmem_shared>> -> memref<40x128xf32, #tpu.memory_space<vmem_shared>>
    tpu.enqueue_dma source(%arg9 : memref<40x128xf32, #tpu.memory_space<vmem>>) target(%dma_start3A_26 : memref<40x128xf32, #tpu.memory_space<vmem_shared>>) target_semaphore(%arg19 : memref<!tpu.dma_semaphore, #tpu.memory_space<semaphore_mem>>)
    %mul3A_27 = arith.constant 640 : i32
    %mul3A_28 = arith.muli %arg1, %mul3A_27 : i32
    %add3A_29 = arith.constant 120 : i32
    %add3A_30 = arith.addi %mul3A_28, %add3A_29 : i32
    %dma_start3A_31 = arith.constant 0 : i32
    %dma_start3A_32 = tpu.memref_slice %arg6[%add3A_30, %dma_start3A_31] : memref<10240x128xf32, #tpu.memory_space<vmem_shared>> -> memref<40x128xf32, #tpu.memory_space<vmem_shared>>
    %dma_start3A_33 = arith.constant 0 : i32
    %dma_start3A_34 = tpu.memref_slice %arg6[%add3A_30, %dma_start3A_33] : memref<10240x128xf32, #tpu.memory_space<vmem_shared>> -> memref<40x128xf32, #tpu.memory_space<vmem_shared>>
    tpu.enqueue_dma source(%arg9 : memref<40x128xf32, #tpu.memory_space<vmem>>) target(%dma_start3A_34 : memref<40x128xf32, #tpu.memory_space<vmem_shared>>) target_semaphore(%arg20 : memref<!tpu.dma_semaphore, #tpu.memory_space<semaphore_mem>>)
    %mul3A_35 = arith.constant 640 : i32
    %mul3A_36 = arith.muli %arg1, %mul3A_35 : i32
    %add3A_37 = arith.constant 160 : i32
    %add3A_38 = arith.addi %mul3A_36, %add3A_37 : i32
    %dma_start3A_39 = arith.constant 0 : i32
    %dma_start3A_40 = tpu.memref_slice %arg6[%add3A_38, %dma_start3A_39] : memref<10240x128xf32, #tpu.memory_space<vmem_shared>> -> memref<40x128xf32, #tpu.memory_space<vmem_shared>>
    %dma_start3A_41 = arith.constant 0 : i32
    %dma_start3A_42 = tpu.memref_slice %arg6[%add3A_38, %dma_start3A_41] : memref<10240x128xf32, #tpu.memory_space<vmem_shared>> -> memref<40x128xf32, #tpu.memory_space<vmem_shared>>
    tpu.enqueue_dma source(%arg9 : memref<40x128xf32, #tpu.memory_space<vmem>>) target(%dma_start3A_42 : memref<40x128xf32, #tpu.memory_space<vmem_shared>>) target_semaphore(%arg19 : memref<!tpu.dma_semaphore, #tpu.memory_space<semaphore_mem>>)
    %mul3A_43 = arith.constant 640 : i32
    %mul3A_44 = arith.muli %arg1, %mul3A_43 : i32
    %add3A_45 = arith.constant 200 : i32
    %add3A_46 = arith.addi %mul3A_44, %add3A_45 : i32
    %dma_start3A_47 = arith.constant 0 : i32
    %dma_start3A_48 = tpu.memref_slice %arg6[%add3A_46, %dma_start3A_47] : memref<10240x128xf32, #tpu.memory_space<vmem_shared>> -> memref<40x128xf32, #tpu.memory_space<vmem_shared>>
    %dma_start3A_49 = arith.constant 0 : i32
    %dma_start3A_50 = tpu.memref_slice %arg6[%add3A_46, %dma_start3A_49] : memref<10240x128xf32, #tpu.memory_space<vmem_shared>> -> memref<40x128xf32, #tpu.memory_space<vmem_shared>>
    tpu.enqueue_dma source(%arg9 : memref<40x128xf32, #tpu.memory_space<vmem>>) target(%dma_start3A_50 : memref<40x128xf32, #tpu.memory_space<vmem_shared>>) target_semaphore(%arg20 : memref<!tpu.dma_semaphore, #tpu.memory_space<semaphore_mem>>)
    %mul3A_51 = arith.constant 640 : i32
    %mul3A_52 = arith.muli %arg1, %mul3A_51 : i32
    %add3A_53 = arith.constant 240 : i32
    %add3A_54 = arith.addi %mul3A_52, %add3A_53 : i32
    %dma_start3A_55 = arith.constant 0 : i32
    %dma_start3A_56 = tpu.memref_slice %arg6[%add3A_54, %dma_start3A_55] : memref<10240x128xf32, #tpu.memory_space<vmem_shared>> -> memref<40x128xf32, #tpu.memory_space<vmem_shared>>
    %dma_start3A_57 = arith.constant 0 : i32
    %dma_start3A_58 = tpu.memref_slice %arg6[%add3A_54, %dma_start3A_57] : memref<10240x128xf32, #tpu.memory_space<vmem_shared>> -> memref<40x128xf32, #tpu.memory_space<vmem_shared>>
    tpu.enqueue_dma source(%arg9 : memref<40x128xf32, #tpu.memory_space<vmem>>) target(%dma_start3A_58 : memref<40x128xf32, #tpu.memory_space<vmem_shared>>) target_semaphore(%arg19 : memref<!tpu.dma_semaphore, #tpu.memory_space<semaphore_mem>>)
    %mul3A_59 = arith.constant 640 : i32
    %mul3A_60 = arith.muli %arg1, %mul3A_59 : i32
    %add3A_61 = arith.constant 280 : i32
    %add3A_62 = arith.addi %mul3A_60, %add3A_61 : i32
    %dma_start3A_63 = arith.constant 0 : i32
    %dma_start3A_64 = tpu.memref_slice %arg6[%add3A_62, %dma_start3A_63] : memref<10240x128xf32, #tpu.memory_space<vmem_shared>> -> memref<40x128xf32, #tpu.memory_space<vmem_shared>>
    %dma_start3A_65 = arith.constant 0 : i32
    %dma_start3A_66 = tpu.memref_slice %arg6[%add3A_62, %dma_start3A_65] : memref<10240x128xf32, #tpu.memory_space<vmem_shared>> -> memref<40x128xf32, #tpu.memory_space<vmem_shared>>
    tpu.enqueue_dma source(%arg9 : memref<40x128xf32, #tpu.memory_space<vmem>>) target(%dma_start3A_66 : memref<40x128xf32, #tpu.memory_space<vmem_shared>>) target_semaphore(%arg20 : memref<!tpu.dma_semaphore, #tpu.memory_space<semaphore_mem>>)
    %mul3A_67 = arith.constant 640 : i32
    %mul3A_68 = arith.muli %arg1, %mul3A_67 : i32
    %add3A_69 = arith.constant 320 : i32
    %add3A_70 = arith.addi %mul3A_68, %add3A_69 : i32
    %dma_start3A_71 = arith.constant 0 : i32
    %dma_start3A_72 = tpu.memref_slice %arg6[%add3A_70, %dma_start3A_71] : memref<10240x128xf32, #tpu.memory_space<vmem_shared>> -> memref<40x128xf32, #tpu.memory_space<vmem_shared>>
    %dma_start3A_73 = arith.constant 0 : i32
    %dma_start3A_74 = tpu.memref_slice %arg6[%add3A_70, %dma_start3A_73] : memref<10240x128xf32, #tpu.memory_space<vmem_shared>> -> memref<40x128xf32, #tpu.memory_space<vmem_shared>>
    tpu.enqueue_dma source(%arg9 : memref<40x128xf32, #tpu.memory_space<vmem>>) target(%dma_start3A_74 : memref<40x128xf32, #tpu.memory_space<vmem_shared>>) target_semaphore(%arg19 : memref<!tpu.dma_semaphore, #tpu.memory_space<semaphore_mem>>)
    %mul3A_75 = arith.constant 640 : i32
    %mul3A_76 = arith.muli %arg1, %mul3A_75 : i32
    %add3A_77 = arith.constant 360 : i32
    %add3A_78 = arith.addi %mul3A_76, %add3A_77 : i32
    %dma_start3A_79 = arith.constant 0 : i32
    %dma_start3A_80 = tpu.memref_slice %arg6[%add3A_78, %dma_start3A_79] : memref<10240x128xf32, #tpu.memory_space<vmem_shared>> -> memref<40x128xf32, #tpu.memory_space<vmem_shared>>
    %dma_start3A_81 = arith.constant 0 : i32
    %dma_start3A_82 = tpu.memref_slice %arg6[%add3A_78, %dma_start3A_81] : memref<10240x128xf32, #tpu.memory_space<vmem_shared>> -> memref<40x128xf32, #tpu.memory_space<vmem_shared>>
    tpu.enqueue_dma source(%arg9 : memref<40x128xf32, #tpu.memory_space<vmem>>) target(%dma_start3A_82 : memref<40x128xf32, #tpu.memory_space<vmem_shared>>) target_semaphore(%arg20 : memref<!tpu.dma_semaphore, #tpu.memory_space<semaphore_mem>>)
    %mul3A_83 = arith.constant 640 : i32
    %mul3A_84 = arith.muli %arg1, %mul3A_83 : i32
    %add3A_85 = arith.constant 400 : i32
    %add3A_86 = arith.addi %mul3A_84, %add3A_85 : i32
    %dma_start3A_87 = arith.constant 0 : i32
    %dma_start3A_88 = tpu.memref_slice %arg6[%add3A_86, %dma_start3A_87] : memref<10240x128xf32, #tpu.memory_space<vmem_shared>> -> memref<40x128xf32, #tpu.memory_space<vmem_shared>>
    %dma_start3A_89 = arith.constant 0 : i32
    %dma_start3A_90 = tpu.memref_slice %arg6[%add3A_86, %dma_start3A_89] : memref<10240x128xf32, #tpu.memory_space<vmem_shared>> -> memref<40x128xf32, #tpu.memory_space<vmem_shared>>
    tpu.enqueue_dma source(%arg9 : memref<40x128xf32, #tpu.memory_space<vmem>>) target(%dma_start3A_90 : memref<40x128xf32, #tpu.memory_space<vmem_shared>>) target_semaphore(%arg19 : memref<!tpu.dma_semaphore, #tpu.memory_space<semaphore_mem>>)
    %mul3A_91 = arith.constant 640 : i32
    %mul3A_92 = arith.muli %arg1, %mul3A_91 : i32
    %add3A_93 = arith.constant 440 : i32
    %add3A_94 = arith.addi %mul3A_92, %add3A_93 : i32
    %dma_start3A_95 = arith.constant 0 : i32
    %dma_start3A_96 = tpu.memref_slice %arg6[%add3A_94, %dma_start3A_95] : memref<10240x128xf32, #tpu.memory_space<vmem_shared>> -> memref<40x128xf32, #tpu.memory_space<vmem_shared>>
    %dma_start3A_97 = arith.constant 0 : i32
    %dma_start3A_98 = tpu.memref_slice %arg6[%add3A_94, %dma_start3A_97] : memref<10240x128xf32, #tpu.memory_space<vmem_shared>> -> memref<40x128xf32, #tpu.memory_space<vmem_shared>>
    tpu.enqueue_dma source(%arg9 : memref<40x128xf32, #tpu.memory_space<vmem>>) target(%dma_start3A_98 : memref<40x128xf32, #tpu.memory_space<vmem_shared>>) target_semaphore(%arg20 : memref<!tpu.dma_semaphore, #tpu.memory_space<semaphore_mem>>)
    %mul3A_99 = arith.constant 640 : i32
    %mul3A_100 = arith.muli %arg1, %mul3A_99 : i32
    %add3A_101 = arith.constant 480 : i32
    %add3A_102 = arith.addi %mul3A_100, %add3A_101 : i32
    %dma_start3A_103 = arith.constant 0 : i32
    %dma_start3A_104 = tpu.memref_slice %arg6[%add3A_102, %dma_start3A_103] : memref<10240x128xf32, #tpu.memory_space<vmem_shared>> -> memref<40x128xf32, #tpu.memory_space<vmem_shared>>
    %dma_start3A_105 = arith.constant 0 : i32
    %dma_start3A_106 = tpu.memref_slice %arg6[%add3A_102, %dma_start3A_105] : memref<10240x128xf32, #tpu.memory_space<vmem_shared>> -> memref<40x128xf32, #tpu.memory_space<vmem_shared>>
    tpu.enqueue_dma source(%arg9 : memref<40x128xf32, #tpu.memory_space<vmem>>) target(%dma_start3A_106 : memref<40x128xf32, #tpu.memory_space<vmem_shared>>) target_semaphore(%arg19 : memref<!tpu.dma_semaphore, #tpu.memory_space<semaphore_mem>>)
    %mul3A_107 = arith.constant 640 : i32
    %mul3A_108 = arith.muli %arg1, %mul3A_107 : i32
    %add3A_109 = arith.constant 520 : i32
    %add3A_110 = arith.addi %mul3A_108, %add3A_109 : i32
    %dma_start3A_111 = arith.constant 0 : i32
    %dma_start3A_112 = tpu.memref_slice %arg6[%add3A_110, %dma_start3A_111] : memref<10240x128xf32, #tpu.memory_space<vmem_shared>> -> memref<40x128xf32, #tpu.memory_space<vmem_shared>>
    %dma_start3A_113 = arith.constant 0 : i32
    %dma_start3A_114 = tpu.memref_slice %arg6[%add3A_110, %dma_start3A_113] : memref<10240x128xf32, #tpu.memory_space<vmem_shared>> -> memref<40x128xf32, #tpu.memory_space<vmem_shared>>
    tpu.enqueue_dma source(%arg9 : memref<40x128xf32, #tpu.memory_space<vmem>>) target(%dma_start3A_114 : memref<40x128xf32, #tpu.memory_space<vmem_shared>>) target_semaphore(%arg20 : memref<!tpu.dma_semaphore, #tpu.memory_space<semaphore_mem>>)
    %mul3A_115 = arith.constant 640 : i32
    %mul3A_116 = arith.muli %arg1, %mul3A_115 : i32
    %add3A_117 = arith.constant 560 : i32
    %add3A_118 = arith.addi %mul3A_116, %add3A_117 : i32
    %dma_start3A_119 = arith.constant 0 : i32
    %dma_start3A_120 = tpu.memref_slice %arg6[%add3A_118, %dma_start3A_119] : memref<10240x128xf32, #tpu.memory_space<vmem_shared>> -> memref<40x128xf32, #tpu.memory_space<vmem_shared>>
    %dma_start3A_121 = arith.constant 0 : i32
    %dma_start3A_122 = tpu.memref_slice %arg6[%add3A_118, %dma_start3A_121] : memref<10240x128xf32, #tpu.memory_space<vmem_shared>> -> memref<40x128xf32, #tpu.memory_space<vmem_shared>>
    tpu.enqueue_dma source(%arg9 : memref<40x128xf32, #tpu.memory_space<vmem>>) target(%dma_start3A_122 : memref<40x128xf32, #tpu.memory_space<vmem_shared>>) target_semaphore(%arg19 : memref<!tpu.dma_semaphore, #tpu.memory_space<semaphore_mem>>)
    %mul3A_123 = arith.constant 640 : i32
    %mul3A_124 = arith.muli %arg1, %mul3A_123 : i32
    %add3A_125 = arith.constant 600 : i32
    %add3A_126 = arith.addi %mul3A_124, %add3A_125 : i32
    %dma_start3A_127 = arith.constant 0 : i32
    %dma_start3A_128 = tpu.memref_slice %arg6[%add3A_126, %dma_start3A_127] : memref<10240x128xf32, #tpu.memory_space<vmem_shared>> -> memref<40x128xf32, #tpu.memory_space<vmem_shared>>
    %dma_start3A_129 = arith.constant 0 : i32
    %dma_start3A_130 = tpu.memref_slice %arg6[%add3A_126, %dma_start3A_129] : memref<10240x128xf32, #tpu.memory_space<vmem_shared>> -> memref<40x128xf32, #tpu.memory_space<vmem_shared>>
    tpu.enqueue_dma source(%arg9 : memref<40x128xf32, #tpu.memory_space<vmem>>) target(%dma_start3A_130 : memref<40x128xf32, #tpu.memory_space<vmem_shared>>) target_semaphore(%arg20 : memref<!tpu.dma_semaphore, #tpu.memory_space<semaphore_mem>>)
    %dma_wait3A = arith.constant 0 : i32
    %dma_wait3A_131 = tpu.memref_slice %arg6[%add3A_7, %dma_wait3A] : memref<10240x128xf32, #tpu.memory_space<vmem_shared>> -> memref<40x128xf32, #tpu.memory_space<vmem_shared>>
    %dma_wait3A_132 = arith.constant 0 : i32
    %dma_wait3A_133 = tpu.memref_slice %arg6[%add3A_7, %dma_wait3A_132] : memref<10240x128xf32, #tpu.memory_space<vmem_shared>> -> memref<40x128xf32, #tpu.memory_space<vmem_shared>>
    tpu.wait_dma2 semaphore(%arg19 : memref<!tpu.dma_semaphore, #tpu.memory_space<semaphore_mem>>) src(%arg9 : memref<40x128xf32, #tpu.memory_space<vmem>>) dst(%dma_wait3A_133 : memref<40x128xf32, #tpu.memory_space<vmem_shared>>)
    %dma_wait3A_134 = arith.constant 0 : i32
    %dma_wait3A_135 = tpu.memref_slice %arg6[%add3A_14, %dma_wait3A_134] : memref<10240x128xf32, #tpu.memory_space<vmem_shared>> -> memref<40x128xf32, #tpu.memory_space<vmem_shared>>
    %dma_wait3A_136 = arith.constant 0 : i32
    %dma_wait3A_137 = tpu.memref_slice %arg6[%add3A_14, %dma_wait3A_136] : memref<10240x128xf32, #tpu.memory_space<vmem_shared>> -> memref<40x128xf32, #tpu.memory_space<vmem_shared>>
    tpu.wait_dma2 semaphore(%arg20 : memref<!tpu.dma_semaphore, #tpu.memory_space<semaphore_mem>>) src(%arg9 : memref<40x128xf32, #tpu.memory_space<vmem>>) dst(%dma_wait3A_137 : memref<40x128xf32, #tpu.memory_space<vmem_shared>>)
    %dma_wait3A_138 = arith.constant 0 : i32
    %dma_wait3A_139 = tpu.memref_slice %arg6[%add3A_22, %dma_wait3A_138] : memref<10240x128xf32, #tpu.memory_space<vmem_shared>> -> memref<40x128xf32, #tpu.memory_space<vmem_shared>>
    %dma_wait3A_140 = arith.constant 0 : i32
    %dma_wait3A_141 = tpu.memref_slice %arg6[%add3A_22, %dma_wait3A_140] : memref<10240x128xf32, #tpu.memory_space<vmem_shared>> -> memref<40x128xf32, #tpu.memory_space<vmem_shared>>
    tpu.wait_dma2 semaphore(%arg19 : memref<!tpu.dma_semaphore, #tpu.memory_space<semaphore_mem>>) src(%arg9 : memref<40x128xf32, #tpu.memory_space<vmem>>) dst(%dma_wait3A_141 : memref<40x128xf32, #tpu.memory_space<vmem_shared>>)
    %dma_wait3A_142 = arith.constant 0 : i32
    %dma_wait3A_143 = tpu.memref_slice %arg6[%add3A_30, %dma_wait3A_142] : memref<10240x128xf32, #tpu.memory_space<vmem_shared>> -> memref<40x128xf32, #tpu.memory_space<vmem_shared>>
    %dma_wait3A_144 = arith.constant 0 : i32
    %dma_wait3A_145 = tpu.memref_slice %arg6[%add3A_30, %dma_wait3A_144] : memref<10240x128xf32, #tpu.memory_space<vmem_shared>> -> memref<40x128xf32, #tpu.memory_space<vmem_shared>>
    tpu.wait_dma2 semaphore(%arg20 : memref<!tpu.dma_semaphore, #tpu.memory_space<semaphore_mem>>) src(%arg9 : memref<40x128xf32, #tpu.memory_space<vmem>>) dst(%dma_wait3A_145 : memref<40x128xf32, #tpu.memory_space<vmem_shared>>)
    %dma_wait3A_146 = arith.constant 0 : i32
    %dma_wait3A_147 = tpu.memref_slice %arg6[%add3A_38, %dma_wait3A_146] : memref<10240x128xf32, #tpu.memory_space<vmem_shared>> -> memref<40x128xf32, #tpu.memory_space<vmem_shared>>
    %dma_wait3A_148 = arith.constant 0 : i32
    %dma_wait3A_149 = tpu.memref_slice %arg6[%add3A_38, %dma_wait3A_148] : memref<10240x128xf32, #tpu.memory_space<vmem_shared>> -> memref<40x128xf32, #tpu.memory_space<vmem_shared>>
    tpu.wait_dma2 semaphore(%arg19 : memref<!tpu.dma_semaphore, #tpu.memory_space<semaphore_mem>>) src(%arg9 : memref<40x128xf32, #tpu.memory_space<vmem>>) dst(%dma_wait3A_149 : memref<40x128xf32, #tpu.memory_space<vmem_shared>>)
    %dma_wait3A_150 = arith.constant 0 : i32
    %dma_wait3A_151 = tpu.memref_slice %arg6[%add3A_46, %dma_wait3A_150] : memref<10240x128xf32, #tpu.memory_space<vmem_shared>> -> memref<40x128xf32, #tpu.memory_space<vmem_shared>>
    %dma_wait3A_152 = arith.constant 0 : i32
    %dma_wait3A_153 = tpu.memref_slice %arg6[%add3A_46, %dma_wait3A_152] : memref<10240x128xf32, #tpu.memory_space<vmem_shared>> -> memref<40x128xf32, #tpu.memory_space<vmem_shared>>
    tpu.wait_dma2 semaphore(%arg20 : memref<!tpu.dma_semaphore, #tpu.memory_space<semaphore_mem>>) src(%arg9 : memref<40x128xf32, #tpu.memory_space<vmem>>) dst(%dma_wait3A_153 : memref<40x128xf32, #tpu.memory_space<vmem_shared>>)
    %dma_wait3A_154 = arith.constant 0 : i32
    %dma_wait3A_155 = tpu.memref_slice %arg6[%add3A_54, %dma_wait3A_154] : memref<10240x128xf32, #tpu.memory_space<vmem_shared>> -> memref<40x128xf32, #tpu.memory_space<vmem_shared>>
    %dma_wait3A_156 = arith.constant 0 : i32
    %dma_wait3A_157 = tpu.memref_slice %arg6[%add3A_54, %dma_wait3A_156] : memref<10240x128xf32, #tpu.memory_space<vmem_shared>> -> memref<40x128xf32, #tpu.memory_space<vmem_shared>>
    tpu.wait_dma2 semaphore(%arg19 : memref<!tpu.dma_semaphore, #tpu.memory_space<semaphore_mem>>) src(%arg9 : memref<40x128xf32, #tpu.memory_space<vmem>>) dst(%dma_wait3A_157 : memref<40x128xf32, #tpu.memory_space<vmem_shared>>)
    %dma_wait3A_158 = arith.constant 0 : i32
    %dma_wait3A_159 = tpu.memref_slice %arg6[%add3A_62, %dma_wait3A_158] : memref<10240x128xf32, #tpu.memory_space<vmem_shared>> -> memref<40x128xf32, #tpu.memory_space<vmem_shared>>
    %dma_wait3A_160 = arith.constant 0 : i32
    %dma_wait3A_161 = tpu.memref_slice %arg6[%add3A_62, %dma_wait3A_160] : memref<10240x128xf32, #tpu.memory_space<vmem_shared>> -> memref<40x128xf32, #tpu.memory_space<vmem_shared>>
    tpu.wait_dma2 semaphore(%arg20 : memref<!tpu.dma_semaphore, #tpu.memory_space<semaphore_mem>>) src(%arg9 : memref<40x128xf32, #tpu.memory_space<vmem>>) dst(%dma_wait3A_161 : memref<40x128xf32, #tpu.memory_space<vmem_shared>>)
    %dma_wait3A_162 = arith.constant 0 : i32
    %dma_wait3A_163 = tpu.memref_slice %arg6[%add3A_70, %dma_wait3A_162] : memref<10240x128xf32, #tpu.memory_space<vmem_shared>> -> memref<40x128xf32, #tpu.memory_space<vmem_shared>>
    %dma_wait3A_164 = arith.constant 0 : i32
    %dma_wait3A_165 = tpu.memref_slice %arg6[%add3A_70, %dma_wait3A_164] : memref<10240x128xf32, #tpu.memory_space<vmem_shared>> -> memref<40x128xf32, #tpu.memory_space<vmem_shared>>
    tpu.wait_dma2 semaphore(%arg19 : memref<!tpu.dma_semaphore, #tpu.memory_space<semaphore_mem>>) src(%arg9 : memref<40x128xf32, #tpu.memory_space<vmem>>) dst(%dma_wait3A_165 : memref<40x128xf32, #tpu.memory_space<vmem_shared>>)
    %dma_wait3A_166 = arith.constant 0 : i32
    %dma_wait3A_167 = tpu.memref_slice %arg6[%add3A_78, %dma_wait3A_166] : memref<10240x128xf32, #tpu.memory_space<vmem_shared>> -> memref<40x128xf32, #tpu.memory_space<vmem_shared>>
    %dma_wait3A_168 = arith.constant 0 : i32
    %dma_wait3A_169 = tpu.memref_slice %arg6[%add3A_78, %dma_wait3A_168] : memref<10240x128xf32, #tpu.memory_space<vmem_shared>> -> memref<40x128xf32, #tpu.memory_space<vmem_shared>>
    tpu.wait_dma2 semaphore(%arg20 : memref<!tpu.dma_semaphore, #tpu.memory_space<semaphore_mem>>) src(%arg9 : memref<40x128xf32, #tpu.memory_space<vmem>>) dst(%dma_wait3A_169 : memref<40x128xf32, #tpu.memory_space<vmem_shared>>)
    %dma_wait3A_170 = arith.constant 0 : i32
    %dma_wait3A_171 = tpu.memref_slice %arg6[%add3A_86, %dma_wait3A_170] : memref<10240x128xf32, #tpu.memory_space<vmem_shared>> -> memref<40x128xf32, #tpu.memory_space<vmem_shared>>
    %dma_wait3A_172 = arith.constant 0 : i32
    %dma_wait3A_173 = tpu.memref_slice %arg6[%add3A_86, %dma_wait3A_172] : memref<10240x128xf32, #tpu.memory_space<vmem_shared>> -> memref<40x128xf32, #tpu.memory_space<vmem_shared>>
    tpu.wait_dma2 semaphore(%arg19 : memref<!tpu.dma_semaphore, #tpu.memory_space<semaphore_mem>>) src(%arg9 : memref<40x128xf32, #tpu.memory_space<vmem>>) dst(%dma_wait3A_173 : memref<40x128xf32, #tpu.memory_space<vmem_shared>>)
    %dma_wait3A_174 = arith.constant 0 : i32
    %dma_wait3A_175 = tpu.memref_slice %arg6[%add3A_94, %dma_wait3A_174] : memref<10240x128xf32, #tpu.memory_space<vmem_shared>> -> memref<40x128xf32, #tpu.memory_space<vmem_shared>>
    %dma_wait3A_176 = arith.constant 0 : i32
    %dma_wait3A_177 = tpu.memref_slice %arg6[%add3A_94, %dma_wait3A_176] : memref<10240x128xf32, #tpu.memory_space<vmem_shared>> -> memref<40x128xf32, #tpu.memory_space<vmem_shared>>
    tpu.wait_dma2 semaphore(%arg20 : memref<!tpu.dma_semaphore, #tpu.memory_space<semaphore_mem>>) src(%arg9 : memref<40x128xf32, #tpu.memory_space<vmem>>) dst(%dma_wait3A_177 : memref<40x128xf32, #tpu.memory_space<vmem_shared>>)
    %dma_wait3A_178 = arith.constant 0 : i32
    %dma_wait3A_179 = tpu.memref_slice %arg6[%add3A_102, %dma_wait3A_178] : memref<10240x128xf32, #tpu.memory_space<vmem_shared>> -> memref<40x128xf32, #tpu.memory_space<vmem_shared>>
    %dma_wait3A_180 = arith.constant 0 : i32
    %dma_wait3A_181 = tpu.memref_slice %arg6[%add3A_102, %dma_wait3A_180] : memref<10240x128xf32, #tpu.memory_space<vmem_shared>> -> memref<40x128xf32, #tpu.memory_space<vmem_shared>>
    tpu.wait_dma2 semaphore(%arg19 : memref<!tpu.dma_semaphore, #tpu.memory_space<semaphore_mem>>) src(%arg9 : memref<40x128xf32, #tpu.memory_space<vmem>>) dst(%dma_wait3A_181 : memref<40x128xf32, #tpu.memory_space<vmem_shared>>)
    %dma_wait3A_182 = arith.constant 0 : i32
    %dma_wait3A_183 = tpu.memref_slice %arg6[%add3A_110, %dma_wait3A_182] : memref<10240x128xf32, #tpu.memory_space<vmem_shared>> -> memref<40x128xf32, #tpu.memory_space<vmem_shared>>
    %dma_wait3A_184 = arith.constant 0 : i32
    %dma_wait3A_185 = tpu.memref_slice %arg6[%add3A_110, %dma_wait3A_184] : memref<10240x128xf32, #tpu.memory_space<vmem_shared>> -> memref<40x128xf32, #tpu.memory_space<vmem_shared>>
    tpu.wait_dma2 semaphore(%arg20 : memref<!tpu.dma_semaphore, #tpu.memory_space<semaphore_mem>>) src(%arg9 : memref<40x128xf32, #tpu.memory_space<vmem>>) dst(%dma_wait3A_185 : memref<40x128xf32, #tpu.memory_space<vmem_shared>>)
    %dma_wait3A_186 = arith.constant 0 : i32
    %dma_wait3A_187 = tpu.memref_slice %arg6[%add3A_118, %dma_wait3A_186] : memref<10240x128xf32, #tpu.memory_space<vmem_shared>> -> memref<40x128xf32, #tpu.memory_space<vmem_shared>>
    %dma_wait3A_188 = arith.constant 0 : i32
    %dma_wait3A_189 = tpu.memref_slice %arg6[%add3A_118, %dma_wait3A_188] : memref<10240x128xf32, #tpu.memory_space<vmem_shared>> -> memref<40x128xf32, #tpu.memory_space<vmem_shared>>
    tpu.wait_dma2 semaphore(%arg19 : memref<!tpu.dma_semaphore, #tpu.memory_space<semaphore_mem>>) src(%arg9 : memref<40x128xf32, #tpu.memory_space<vmem>>) dst(%dma_wait3A_189 : memref<40x128xf32, #tpu.memory_space<vmem_shared>>)
    %dma_wait3A_190 = arith.constant 0 : i32
    %dma_wait3A_191 = tpu.memref_slice %arg6[%add3A_126, %dma_wait3A_190] : memref<10240x128xf32, #tpu.memory_space<vmem_shared>> -> memref<40x128xf32, #tpu.memory_space<vmem_shared>>
    %dma_wait3A_192 = arith.constant 0 : i32
    %dma_wait3A_193 = tpu.memref_slice %arg6[%add3A_126, %dma_wait3A_192] : memref<10240x128xf32, #tpu.memory_space<vmem_shared>> -> memref<40x128xf32, #tpu.memory_space<vmem_shared>>
    tpu.wait_dma2 semaphore(%arg20 : memref<!tpu.dma_semaphore, #tpu.memory_space<semaphore_mem>>) src(%arg9 : memref<40x128xf32, #tpu.memory_space<vmem>>) dst(%dma_wait3A_193 : memref<40x128xf32, #tpu.memory_space<vmem_shared>>)
    %barrier3A = arith.constant 0 : index
    tpu.barrier barrier_id(%barrier3A)
    %dma_start3A_194 = arith.constant 0 : i32
    %dma_start3A_195 = tpu.memref_slice %arg7[%dma_start3A_194] : memref<10000xi32, #tpu.memory_space<vmem>> -> memref<40xi32, #tpu.memory_space<vmem>>
    %dma_start3A_196 = arith.constant 0 : i32
    %dma_start3A_197 = arith.constant 0 : i32
    %dma_start3A_198 = tpu.memref_slice %arg2[%dma_start3A_196, %dma_start3A_197] : memref<10000x128xf32, #tpu.memory_space<hbm>> -> memref<10000x128xf32, #tpu.memory_space<hbm>>
    tpu.enqueue_indirect_dma source(%dma_start3A_198 : memref<10000x128xf32, #tpu.memory_space<hbm>>) target(%arg9 : memref<40x128xf32, #tpu.memory_space<vmem>>) offsets(%dma_start3A_195 : memref<40xi32, #tpu.memory_space<vmem>>) semaphore(%arg14 : memref<!tpu.dma_semaphore, #tpu.memory_space<semaphore_mem>>)
    %dma_start3A_199 = arith.constant 40 : i32
    %dma_start3A_200 = tpu.memref_slice %arg7[%dma_start3A_199] : memref<10000xi32, #tpu.memory_space<vmem>> -> memref<40xi32, #tpu.memory_space<vmem>>
    %dma_start3A_201 = arith.constant 0 : i32
    %dma_start3A_202 = arith.constant 0 : i32
    %dma_start3A_203 = tpu.memref_slice %arg2[%dma_start3A_201, %dma_start3A_202] : memref<10000x128xf32, #tpu.memory_space<hbm>> -> memref<10000x128xf32, #tpu.memory_space<hbm>>
    tpu.enqueue_indirect_dma source(%dma_start3A_203 : memref<10000x128xf32, #tpu.memory_space<hbm>>) target(%arg10 : memref<40x128xf32, #tpu.memory_space<vmem>>) offsets(%dma_start3A_200 : memref<40xi32, #tpu.memory_space<vmem>>) semaphore(%arg15 : memref<!tpu.dma_semaphore, #tpu.memory_space<semaphore_mem>>)
    %dma_start3A_204 = arith.constant 80 : i32
    %dma_start3A_205 = tpu.memref_slice %arg7[%dma_start3A_204] : memref<10000xi32, #tpu.memory_space<vmem>> -> memref<40xi32, #tpu.memory_space<vmem>>
    %dma_start3A_206 = arith.constant 0 : i32
    %dma_start3A_207 = arith.constant 0 : i32
    %dma_start3A_208 = tpu.memref_slice %arg2[%dma_start3A_206, %dma_start3A_207] : memref<10000x128xf32, #tpu.memory_space<hbm>> -> memref<10000x128xf32, #tpu.memory_space<hbm>>
    tpu.enqueue_indirect_dma source(%dma_start3A_208 : memref<10000x128xf32, #tpu.memory_space<hbm>>) target(%arg11 : memref<40x128xf32, #tpu.memory_space<vmem>>) offsets(%dma_start3A_205 : memref<40xi32, #tpu.memory_space<vmem>>) semaphore(%arg16 : memref<!tpu.dma_semaphore, #tpu.memory_space<semaphore_mem>>)
    %dma_start3A_209 = arith.constant 120 : i32
    %dma_start3A_210 = tpu.memref_slice %arg7[%dma_start3A_209] : memref<10000xi32, #tpu.memory_space<vmem>> -> memref<40xi32, #tpu.memory_space<vmem>>
    %dma_start3A_211 = arith.constant 0 : i32
    %dma_start3A_212 = arith.constant 0 : i32
    %dma_start3A_213 = tpu.memref_slice %arg2[%dma_start3A_211, %dma_start3A_212] : memref<10000x128xf32, #tpu.memory_space<hbm>> -> memref<10000x128xf32, #tpu.memory_space<hbm>>
    tpu.enqueue_indirect_dma source(%dma_start3A_213 : memref<10000x128xf32, #tpu.memory_space<hbm>>) target(%arg12 : memref<40x128xf32, #tpu.memory_space<vmem>>) offsets(%dma_start3A_210 : memref<40xi32, #tpu.memory_space<vmem>>) semaphore(%arg17 : memref<!tpu.dma_semaphore, #tpu.memory_space<semaphore_mem>>)
    %dma_start3A_214 = arith.constant 160 : i32
    %dma_start3A_215 = tpu.memref_slice %arg7[%dma_start3A_214] : memref<10000xi32, #tpu.memory_space<vmem>> -> memref<40xi32, #tpu.memory_space<vmem>>
    %dma_start3A_216 = arith.constant 0 : i32
    %dma_start3A_217 = arith.constant 0 : i32
    %dma_start3A_218 = tpu.memref_slice %arg2[%dma_start3A_216, %dma_start3A_217] : memref<10000x128xf32, #tpu.memory_space<hbm>> -> memref<10000x128xf32, #tpu.memory_space<hbm>>
    tpu.enqueue_indirect_dma source(%dma_start3A_218 : memref<10000x128xf32, #tpu.memory_space<hbm>>) target(%arg13 : memref<40x128xf32, #tpu.memory_space<vmem>>) offsets(%dma_start3A_215 : memref<40xi32, #tpu.memory_space<vmem>>) semaphore(%arg18 : memref<!tpu.dma_semaphore, #tpu.memory_space<semaphore_mem>>)
    %scan3A = arith.constant 0 : i32
    %scan3A_219 = arith.constant 0 : i32
    %scan3A_220 = arith.constant 50 : i32
    %scan3A_221 = arith.addi %scan3A_219, %scan3A_220 : i32
    %scan3A_222 = arith.constant 1 : i32
    scf.for %scan3A_673 = %scan3A_219 to %scan3A_221 step %scan3A_222  : i32 {
      %mul3A_674 = arith.constant 5 : i32
      %mul3A_675 = arith.muli %scan3A_673, %mul3A_674 : i32
      %mul3A_676 = arith.constant 40 : i32
      %mul3A_677 = arith.muli %mul3A_675, %mul3A_676 : i32
      %add3A_678 = arith.constant 0 : i32
      %add3A_679 = arith.addi %mul3A_677, %add3A_678 : i32
      %dma_wait3A_680 = tpu.memref_slice %arg7[%add3A_679] : memref<10000xi32, #tpu.memory_space<vmem>> -> memref<40xi32, #tpu.memory_space<vmem>>
      %dma_wait3A_681 = arith.constant 0 : i32
      %dma_wait3A_682 = arith.constant 0 : i32
      %dma_wait3A_683 = tpu.memref_slice %arg2[%dma_wait3A_681, %dma_wait3A_682] : memref<10000x128xf32, #tpu.memory_space<hbm>> -> memref<10000x128xf32, #tpu.memory_space<hbm>>
      tpu.wait_indirect_dma semaphore(%arg14 : memref<!tpu.dma_semaphore, #tpu.memory_space<semaphore_mem>>) src(%dma_wait3A_683 : memref<10000x128xf32, #tpu.memory_space<hbm>>) dst(%arg9 : memref<40x128xf32, #tpu.memory_space<vmem>>)
      %dma_start3A_684 = tpu.memref_slice %arg8[%add3A_679] : memref<10000xi32, #tpu.memory_space<vmem>> -> memref<40xi32, #tpu.memory_space<vmem>>
      %dma_start3A_685 = arith.constant 0 : i32
      %dma_start3A_686 = arith.constant 0 : i32
      %dma_start3A_687 = tpu.memref_slice %arg6[%dma_start3A_685, %dma_start3A_686] : memref<10240x128xf32, #tpu.memory_space<vmem_shared>> -> memref<10240x128xf32, #tpu.memory_space<vmem_shared>>
      tpu.enqueue_indirect_dma source(%arg9 : memref<40x128xf32, #tpu.memory_space<vmem>>) target(%dma_start3A_687 : memref<10240x128xf32, #tpu.memory_space<vmem_shared>>) offsets(%dma_start3A_684 : memref<40xi32, #tpu.memory_space<vmem>>) semaphore(%arg19 : memref<!tpu.dma_semaphore, #tpu.memory_space<semaphore_mem>>) {add = true}
      %add3A_688 = arith.constant 40 : i32
      %add3A_689 = arith.addi %mul3A_677, %add3A_688 : i32
      %dma_wait3A_690 = tpu.memref_slice %arg7[%add3A_689] : memref<10000xi32, #tpu.memory_space<vmem>> -> memref<40xi32, #tpu.memory_space<vmem>>
      %dma_wait3A_691 = arith.constant 0 : i32
      %dma_wait3A_692 = arith.constant 0 : i32
      %dma_wait3A_693 = tpu.memref_slice %arg2[%dma_wait3A_691, %dma_wait3A_692] : memref<10000x128xf32, #tpu.memory_space<hbm>> -> memref<10000x128xf32, #tpu.memory_space<hbm>>
      tpu.wait_indirect_dma semaphore(%arg15 : memref<!tpu.dma_semaphore, #tpu.memory_space<semaphore_mem>>) src(%dma_wait3A_693 : memref<10000x128xf32, #tpu.memory_space<hbm>>) dst(%arg10 : memref<40x128xf32, #tpu.memory_space<vmem>>)
      %dma_start3A_694 = tpu.memref_slice %arg8[%add3A_689] : memref<10000xi32, #tpu.memory_space<vmem>> -> memref<40xi32, #tpu.memory_space<vmem>>
      %dma_start3A_695 = arith.constant 0 : i32
      %dma_start3A_696 = arith.constant 0 : i32
      %dma_start3A_697 = tpu.memref_slice %arg6[%dma_start3A_695, %dma_start3A_696] : memref<10240x128xf32, #tpu.memory_space<vmem_shared>> -> memref<10240x128xf32, #tpu.memory_space<vmem_shared>>
      tpu.enqueue_indirect_dma source(%arg10 : memref<40x128xf32, #tpu.memory_space<vmem>>) target(%dma_start3A_697 : memref<10240x128xf32, #tpu.memory_space<vmem_shared>>) offsets(%dma_start3A_694 : memref<40xi32, #tpu.memory_space<vmem>>) semaphore(%arg20 : memref<!tpu.dma_semaphore, #tpu.memory_space<semaphore_mem>>) {add = true}
      %add3A_698 = arith.constant 80 : i32
      %add3A_699 = arith.addi %mul3A_677, %add3A_698 : i32
      %dma_wait3A_700 = tpu.memref_slice %arg7[%add3A_699] : memref<10000xi32, #tpu.memory_space<vmem>> -> memref<40xi32, #tpu.memory_space<vmem>>
      %dma_wait3A_701 = arith.constant 0 : i32
      %dma_wait3A_702 = arith.constant 0 : i32
      %dma_wait3A_703 = tpu.memref_slice %arg2[%dma_wait3A_701, %dma_wait3A_702] : memref<10000x128xf32, #tpu.memory_space<hbm>> -> memref<10000x128xf32, #tpu.memory_space<hbm>>
      tpu.wait_indirect_dma semaphore(%arg16 : memref<!tpu.dma_semaphore, #tpu.memory_space<semaphore_mem>>) src(%dma_wait3A_703 : memref<10000x128xf32, #tpu.memory_space<hbm>>) dst(%arg11 : memref<40x128xf32, #tpu.memory_space<vmem>>)
      %dma_start3A_704 = tpu.memref_slice %arg8[%add3A_699] : memref<10000xi32, #tpu.memory_space<vmem>> -> memref<40xi32, #tpu.memory_space<vmem>>
      %dma_start3A_705 = arith.constant 0 : i32
      %dma_start3A_706 = arith.constant 0 : i32
      %dma_start3A_707 = tpu.memref_slice %arg6[%dma_start3A_705, %dma_start3A_706] : memref<10240x128xf32, #tpu.memory_space<vmem_shared>> -> memref<10240x128xf32, #tpu.memory_space<vmem_shared>>
      tpu.enqueue_indirect_dma source(%arg11 : memref<40x128xf32, #tpu.memory_space<vmem>>) target(%dma_start3A_707 : memref<10240x128xf32, #tpu.memory_space<vmem_shared>>) offsets(%dma_start3A_704 : memref<40xi32, #tpu.memory_space<vmem>>) semaphore(%arg21 : memref<!tpu.dma_semaphore, #tpu.memory_space<semaphore_mem>>) {add = true}
      %add3A_708 = arith.constant 120 : i32
      %add3A_709 = arith.addi %mul3A_677, %add3A_708 : i32
      %dma_wait3A_710 = tpu.memref_slice %arg7[%add3A_709] : memref<10000xi32, #tpu.memory_space<vmem>> -> memref<40xi32, #tpu.memory_space<vmem>>
      %dma_wait3A_711 = arith.constant 0 : i32
      %dma_wait3A_712 = arith.constant 0 : i32
      %dma_wait3A_713 = tpu.memref_slice %arg2[%dma_wait3A_711, %dma_wait3A_712] : memref<10000x128xf32, #tpu.memory_space<hbm>> -> memref<10000x128xf32, #tpu.memory_space<hbm>>
      tpu.wait_indirect_dma semaphore(%arg17 : memref<!tpu.dma_semaphore, #tpu.memory_space<semaphore_mem>>) src(%dma_wait3A_713 : memref<10000x128xf32, #tpu.memory_space<hbm>>) dst(%arg12 : memref<40x128xf32, #tpu.memory_space<vmem>>)
      %dma_start3A_714 = tpu.memref_slice %arg8[%add3A_709] : memref<10000xi32, #tpu.memory_space<vmem>> -> memref<40xi32, #tpu.memory_space<vmem>>
      %dma_start3A_715 = arith.constant 0 : i32
      %dma_start3A_716 = arith.constant 0 : i32
      %dma_start3A_717 = tpu.memref_slice %arg6[%dma_start3A_715, %dma_start3A_716] : memref<10240x128xf32, #tpu.memory_space<vmem_shared>> -> memref<10240x128xf32, #tpu.memory_space<vmem_shared>>
      tpu.enqueue_indirect_dma source(%arg12 : memref<40x128xf32, #tpu.memory_space<vmem>>) target(%dma_start3A_717 : memref<10240x128xf32, #tpu.memory_space<vmem_shared>>) offsets(%dma_start3A_714 : memref<40xi32, #tpu.memory_space<vmem>>) semaphore(%arg22 : memref<!tpu.dma_semaphore, #tpu.memory_space<semaphore_mem>>) {add = true}
      %add3A_718 = arith.constant 160 : i32
      %add3A_719 = arith.addi %mul3A_677, %add3A_718 : i32
      %dma_wait3A_720 = tpu.memref_slice %arg7[%add3A_719] : memref<10000xi32, #tpu.memory_space<vmem>> -> memref<40xi32, #tpu.memory_space<vmem>>
      %dma_wait3A_721 = arith.constant 0 : i32
      %dma_wait3A_722 = arith.constant 0 : i32
      %dma_wait3A_723 = tpu.memref_slice %arg2[%dma_wait3A_721, %dma_wait3A_722] : memref<10000x128xf32, #tpu.memory_space<hbm>> -> memref<10000x128xf32, #tpu.memory_space<hbm>>
      tpu.wait_indirect_dma semaphore(%arg18 : memref<!tpu.dma_semaphore, #tpu.memory_space<semaphore_mem>>) src(%dma_wait3A_723 : memref<10000x128xf32, #tpu.memory_space<hbm>>) dst(%arg13 : memref<40x128xf32, #tpu.memory_space<vmem>>)
      %dma_start3A_724 = tpu.memref_slice %arg8[%add3A_719] : memref<10000xi32, #tpu.memory_space<vmem>> -> memref<40xi32, #tpu.memory_space<vmem>>
      %dma_start3A_725 = arith.constant 0 : i32
      %dma_start3A_726 = arith.constant 0 : i32
      %dma_start3A_727 = tpu.memref_slice %arg6[%dma_start3A_725, %dma_start3A_726] : memref<10240x128xf32, #tpu.memory_space<vmem_shared>> -> memref<10240x128xf32, #tpu.memory_space<vmem_shared>>
      tpu.enqueue_indirect_dma source(%arg13 : memref<40x128xf32, #tpu.memory_space<vmem>>) target(%dma_start3A_727 : memref<10240x128xf32, #tpu.memory_space<vmem_shared>>) offsets(%dma_start3A_724 : memref<40xi32, #tpu.memory_space<vmem>>) semaphore(%arg23 : memref<!tpu.dma_semaphore, #tpu.memory_space<semaphore_mem>>) {add = true}
      %add3A_728 = arith.constant 0 : i32
      %add3A_729 = arith.addi %mul3A_677, %add3A_728 : i32
      %dma_wait3A_730 = tpu.memref_slice %arg8[%add3A_729] : memref<10000xi32, #tpu.memory_space<vmem>> -> memref<40xi32, #tpu.memory_space<vmem>>
      %dma_wait3A_731 = arith.constant 0 : i32
      %dma_wait3A_732 = arith.constant 0 : i32
      %dma_wait3A_733 = tpu.memref_slice %arg6[%dma_wait3A_731, %dma_wait3A_732] : memref<10240x128xf32, #tpu.memory_space<vmem_shared>> -> memref<10240x128xf32, #tpu.memory_space<vmem_shared>>
      tpu.wait_indirect_dma semaphore(%arg19 : memref<!tpu.dma_semaphore, #tpu.memory_space<semaphore_mem>>) src(%arg9 : memref<40x128xf32, #tpu.memory_space<vmem>>) dst(%dma_wait3A_733 : memref<10240x128xf32, #tpu.memory_space<vmem_shared>>)
      %add3A_734 = arith.constant 200 : i32
      %add3A_735 = arith.addi %add3A_729, %add3A_734 : i32
      %lt3A = arith.constant 10000 : i32
      %lt3A_736 = arith.cmpi slt, %add3A_735, %lt3A : i32
      %convert_element_type3A = arith.extui %lt3A_736 : i1 to i32
      %cond3A = arith.constant 0 : i32
      %cond3A_737 = arith.cmpi ne, %convert_element_type3A, %cond3A : i32
      scf.if %cond3A_737 {
        %dma_start3A_790 = tpu.memref_slice %arg7[%add3A_735] : memref<10000xi32, #tpu.memory_space<vmem>> -> memref<40xi32, #tpu.memory_space<vmem>>
        %dma_start3A_791 = arith.constant 0 : i32
        %dma_start3A_792 = arith.constant 0 : i32
        %dma_start3A_793 = tpu.memref_slice %arg2[%dma_start3A_791, %dma_start3A_792] : memref<10000x128xf32, #tpu.memory_space<hbm>> -> memref<10000x128xf32, #tpu.memory_space<hbm>>
        tpu.enqueue_indirect_dma source(%dma_start3A_793 : memref<10000x128xf32, #tpu.memory_space<hbm>>) target(%arg9 : memref<40x128xf32, #tpu.memory_space<vmem>>) offsets(%dma_start3A_790 : memref<40xi32, #tpu.memory_space<vmem>>) semaphore(%arg14 : memref<!tpu.dma_semaphore, #tpu.memory_space<semaphore_mem>>)
      } else {
      }
      %add3A_738 = arith.constant 40 : i32
      %add3A_739 = arith.addi %mul3A_677, %add3A_738 : i32
      %dma_wait3A_740 = tpu.memref_slice %arg8[%add3A_739] : memref<10000xi32, #tpu.memory_space<vmem>> -> memref<40xi32, #tpu.memory_space<vmem>>
      %dma_wait3A_741 = arith.constant 0 : i32
      %dma_wait3A_742 = arith.constant 0 : i32
      %dma_wait3A_743 = tpu.memref_slice %arg6[%dma_wait3A_741, %dma_wait3A_742] : memref<10240x128xf32, #tpu.memory_space<vmem_shared>> -> memref<10240x128xf32, #tpu.memory_space<vmem_shared>>
      tpu.wait_indirect_dma semaphore(%arg20 : memref<!tpu.dma_semaphore, #tpu.memory_space<semaphore_mem>>) src(%arg10 : memref<40x128xf32, #tpu.memory_space<vmem>>) dst(%dma_wait3A_743 : memref<10240x128xf32, #tpu.memory_space<vmem_shared>>)
      %add3A_744 = arith.constant 200 : i32
      %add3A_745 = arith.addi %add3A_739, %add3A_744 : i32
      %lt3A_746 = arith.constant 10000 : i32
      %lt3A_747 = arith.cmpi slt, %add3A_745, %lt3A_746 : i32
      %convert_element_type3A_748 = arith.extui %lt3A_747 : i1 to i32
      %cond3A_749 = arith.constant 0 : i32
      %cond3A_750 = arith.cmpi ne, %convert_element_type3A_748, %cond3A_749 : i32
      scf.if %cond3A_750 {
        %dma_start3A_790 = tpu.memref_slice %arg7[%add3A_745] : memref<10000xi32, #tpu.memory_space<vmem>> -> memref<40xi32, #tpu.memory_space<vmem>>
        %dma_start3A_791 = arith.constant 0 : i32
        %dma_start3A_792 = arith.constant 0 : i32
        %dma_start3A_793 = tpu.memref_slice %arg2[%dma_start3A_791, %dma_start3A_792] : memref<10000x128xf32, #tpu.memory_space<hbm>> -> memref<10000x128xf32, #tpu.memory_space<hbm>>
        tpu.enqueue_indirect_dma source(%dma_start3A_793 : memref<10000x128xf32, #tpu.memory_space<hbm>>) target(%arg10 : memref<40x128xf32, #tpu.memory_space<vmem>>) offsets(%dma_start3A_790 : memref<40xi32, #tpu.memory_space<vmem>>) semaphore(%arg15 : memref<!tpu.dma_semaphore, #tpu.memory_space<semaphore_mem>>)
      } else {
      }
      %add3A_751 = arith.constant 80 : i32
      %add3A_752 = arith.addi %mul3A_677, %add3A_751 : i32
      %dma_wait3A_753 = tpu.memref_slice %arg8[%add3A_752] : memref<10000xi32, #tpu.memory_space<vmem>> -> memref<40xi32, #tpu.memory_space<vmem>>
      %dma_wait3A_754 = arith.constant 0 : i32
      %dma_wait3A_755 = arith.constant 0 : i32
      %dma_wait3A_756 = tpu.memref_slice %arg6[%dma_wait3A_754, %dma_wait3A_755] : memref<10240x128xf32, #tpu.memory_space<vmem_shared>> -> memref<10240x128xf32, #tpu.memory_space<vmem_shared>>
      tpu.wait_indirect_dma semaphore(%arg21 : memref<!tpu.dma_semaphore, #tpu.memory_space<semaphore_mem>>) src(%arg11 : memref<40x128xf32, #tpu.memory_space<vmem>>) dst(%dma_wait3A_756 : memref<10240x128xf32, #tpu.memory_space<vmem_shared>>)
      %add3A_757 = arith.constant 200 : i32
      %add3A_758 = arith.addi %add3A_752, %add3A_757 : i32
      %lt3A_759 = arith.constant 10000 : i32
      %lt3A_760 = arith.cmpi slt, %add3A_758, %lt3A_759 : i32
      %convert_element_type3A_761 = arith.extui %lt3A_760 : i1 to i32
      %cond3A_762 = arith.constant 0 : i32
      %cond3A_763 = arith.cmpi ne, %convert_element_type3A_761, %cond3A_762 : i32
      scf.if %cond3A_763 {
        %dma_start3A_790 = tpu.memref_slice %arg7[%add3A_758] : memref<10000xi32, #tpu.memory_space<vmem>> -> memref<40xi32, #tpu.memory_space<vmem>>
        %dma_start3A_791 = arith.constant 0 : i32
        %dma_start3A_792 = arith.constant 0 : i32
        %dma_start3A_793 = tpu.memref_slice %arg2[%dma_start3A_791, %dma_start3A_792] : memref<10000x128xf32, #tpu.memory_space<hbm>> -> memref<10000x128xf32, #tpu.memory_space<hbm>>
        tpu.enqueue_indirect_dma source(%dma_start3A_793 : memref<10000x128xf32, #tpu.memory_space<hbm>>) target(%arg11 : memref<40x128xf32, #tpu.memory_space<vmem>>) offsets(%dma_start3A_790 : memref<40xi32, #tpu.memory_space<vmem>>) semaphore(%arg16 : memref<!tpu.dma_semaphore, #tpu.memory_space<semaphore_mem>>)
      } else {
      }
      %add3A_764 = arith.constant 120 : i32
      %add3A_765 = arith.addi %mul3A_677, %add3A_764 : i32
      %dma_wait3A_766 = tpu.memref_slice %arg8[%add3A_765] : memref<10000xi32, #tpu.memory_space<vmem>> -> memref<40xi32, #tpu.memory_space<vmem>>
      %dma_wait3A_767 = arith.constant 0 : i32
      %dma_wait3A_768 = arith.constant 0 : i32
      %dma_wait3A_769 = tpu.memref_slice %arg6[%dma_wait3A_767, %dma_wait3A_768] : memref<10240x128xf32, #tpu.memory_space<vmem_shared>> -> memref<10240x128xf32, #tpu.memory_space<vmem_shared>>
      tpu.wait_indirect_dma semaphore(%arg22 : memref<!tpu.dma_semaphore, #tpu.memory_space<semaphore_mem>>) src(%arg12 : memref<40x128xf32, #tpu.memory_space<vmem>>) dst(%dma_wait3A_769 : memref<10240x128xf32, #tpu.memory_space<vmem_shared>>)
      %add3A_770 = arith.constant 200 : i32
      %add3A_771 = arith.addi %add3A_765, %add3A_770 : i32
      %lt3A_772 = arith.constant 10000 : i32
      %lt3A_773 = arith.cmpi slt, %add3A_771, %lt3A_772 : i32
      %convert_element_type3A_774 = arith.extui %lt3A_773 : i1 to i32
      %cond3A_775 = arith.constant 0 : i32
      %cond3A_776 = arith.cmpi ne, %convert_element_type3A_774, %cond3A_775 : i32
      scf.if %cond3A_776 {
        %dma_start3A_790 = tpu.memref_slice %arg7[%add3A_771] : memref<10000xi32, #tpu.memory_space<vmem>> -> memref<40xi32, #tpu.memory_space<vmem>>
        %dma_start3A_791 = arith.constant 0 : i32
        %dma_start3A_792 = arith.constant 0 : i32
        %dma_start3A_793 = tpu.memref_slice %arg2[%dma_start3A_791, %dma_start3A_792] : memref<10000x128xf32, #tpu.memory_space<hbm>> -> memref<10000x128xf32, #tpu.memory_space<hbm>>
        tpu.enqueue_indirect_dma source(%dma_start3A_793 : memref<10000x128xf32, #tpu.memory_space<hbm>>) target(%arg12 : memref<40x128xf32, #tpu.memory_space<vmem>>) offsets(%dma_start3A_790 : memref<40xi32, #tpu.memory_space<vmem>>) semaphore(%arg17 : memref<!tpu.dma_semaphore, #tpu.memory_space<semaphore_mem>>)
      } else {
      }
      %add3A_777 = arith.constant 160 : i32
      %add3A_778 = arith.addi %mul3A_677, %add3A_777 : i32
      %dma_wait3A_779 = tpu.memref_slice %arg8[%add3A_778] : memref<10000xi32, #tpu.memory_space<vmem>> -> memref<40xi32, #tpu.memory_space<vmem>>
      %dma_wait3A_780 = arith.constant 0 : i32
      %dma_wait3A_781 = arith.constant 0 : i32
      %dma_wait3A_782 = tpu.memref_slice %arg6[%dma_wait3A_780, %dma_wait3A_781] : memref<10240x128xf32, #tpu.memory_space<vmem_shared>> -> memref<10240x128xf32, #tpu.memory_space<vmem_shared>>
      tpu.wait_indirect_dma semaphore(%arg23 : memref<!tpu.dma_semaphore, #tpu.memory_space<semaphore_mem>>) src(%arg13 : memref<40x128xf32, #tpu.memory_space<vmem>>) dst(%dma_wait3A_782 : memref<10240x128xf32, #tpu.memory_space<vmem_shared>>)
      %add3A_783 = arith.constant 200 : i32
      %add3A_784 = arith.addi %add3A_778, %add3A_783 : i32
      %lt3A_785 = arith.constant 10000 : i32
      %lt3A_786 = arith.cmpi slt, %add3A_784, %lt3A_785 : i32
      %convert_element_type3A_787 = arith.extui %lt3A_786 : i1 to i32
      %cond3A_788 = arith.constant 0 : i32
      %cond3A_789 = arith.cmpi ne, %convert_element_type3A_787, %cond3A_788 : i32
      scf.if %cond3A_789 {
        %dma_start3A_790 = tpu.memref_slice %arg7[%add3A_784] : memref<10000xi32, #tpu.memory_space<vmem>> -> memref<40xi32, #tpu.memory_space<vmem>>
        %dma_start3A_791 = arith.constant 0 : i32
        %dma_start3A_792 = arith.constant 0 : i32
        %dma_start3A_793 = tpu.memref_slice %arg2[%dma_start3A_791, %dma_start3A_792] : memref<10000x128xf32, #tpu.memory_space<hbm>> -> memref<10000x128xf32, #tpu.memory_space<hbm>>
        tpu.enqueue_indirect_dma source(%dma_start3A_793 : memref<10000x128xf32, #tpu.memory_space<hbm>>) target(%arg13 : memref<40x128xf32, #tpu.memory_space<vmem>>) offsets(%dma_start3A_790 : memref<40xi32, #tpu.memory_space<vmem>>) semaphore(%arg18 : memref<!tpu.dma_semaphore, #tpu.memory_space<semaphore_mem>>)
      } else {
      }
    }
    %scan3A_223 = arith.constant 50 : i32
    %barrier3A_224 = arith.constant 0 : index
    tpu.barrier barrier_id(%barrier3A_224)
    %mul3A_225 = arith.constant 640 : i32
    %mul3A_226 = arith.muli %arg1, %mul3A_225 : i32
    %add3A_227 = arith.constant 0 : i32
    %add3A_228 = arith.addi %mul3A_226, %add3A_227 : i32
    %dma_start3A_229 = arith.constant 0 : i32
    %dma_start3A_230 = tpu.memref_slice %arg6[%add3A_228, %dma_start3A_229] : memref<10240x128xf32, #tpu.memory_space<vmem_shared>> -> memref<40x128xf32, #tpu.memory_space<vmem_shared>>
    %dma_start3A_231 = arith.constant 0 : i32
    %dma_start3A_232 = tpu.memref_slice %arg6[%add3A_228, %dma_start3A_231] : memref<10240x128xf32, #tpu.memory_space<vmem_shared>> -> memref<40x128xf32, #tpu.memory_space<vmem_shared>>
    tpu.enqueue_dma source(%dma_start3A_232 : memref<40x128xf32, #tpu.memory_space<vmem_shared>>) target(%arg9 : memref<40x128xf32, #tpu.memory_space<vmem>>) target_semaphore(%arg14 : memref<!tpu.dma_semaphore, #tpu.memory_space<semaphore_mem>>)
    %mul3A_233 = arith.constant 640 : i32
    %mul3A_234 = arith.muli %arg1, %mul3A_233 : i32
    %add3A_235 = arith.constant 40 : i32
    %add3A_236 = arith.addi %mul3A_234, %add3A_235 : i32
    %dma_start3A_237 = arith.constant 0 : i32
    %dma_start3A_238 = tpu.memref_slice %arg6[%add3A_236, %dma_start3A_237] : memref<10240x128xf32, #tpu.memory_space<vmem_shared>> -> memref<40x128xf32, #tpu.memory_space<vmem_shared>>
    %dma_start3A_239 = arith.constant 0 : i32
    %dma_start3A_240 = tpu.memref_slice %arg6[%add3A_236, %dma_start3A_239] : memref<10240x128xf32, #tpu.memory_space<vmem_shared>> -> memref<40x128xf32, #tpu.memory_space<vmem_shared>>
    tpu.enqueue_dma source(%dma_start3A_240 : memref<40x128xf32, #tpu.memory_space<vmem_shared>>) target(%arg10 : memref<40x128xf32, #tpu.memory_space<vmem>>) target_semaphore(%arg15 : memref<!tpu.dma_semaphore, #tpu.memory_space<semaphore_mem>>)
    %mul3A_241 = arith.constant 640 : i32
    %mul3A_242 = arith.muli %arg1, %mul3A_241 : i32
    %add3A_243 = arith.constant 80 : i32
    %add3A_244 = arith.addi %mul3A_242, %add3A_243 : i32
    %dma_start3A_245 = arith.constant 0 : i32
    %dma_start3A_246 = tpu.memref_slice %arg6[%add3A_244, %dma_start3A_245] : memref<10240x128xf32, #tpu.memory_space<vmem_shared>> -> memref<40x128xf32, #tpu.memory_space<vmem_shared>>
    %dma_start3A_247 = arith.constant 0 : i32
    %dma_start3A_248 = tpu.memref_slice %arg6[%add3A_244, %dma_start3A_247] : memref<10240x128xf32, #tpu.memory_space<vmem_shared>> -> memref<40x128xf32, #tpu.memory_space<vmem_shared>>
    tpu.enqueue_dma source(%dma_start3A_248 : memref<40x128xf32, #tpu.memory_space<vmem_shared>>) target(%arg11 : memref<40x128xf32, #tpu.memory_space<vmem>>) target_semaphore(%arg16 : memref<!tpu.dma_semaphore, #tpu.memory_space<semaphore_mem>>)
    %mul3A_249 = arith.constant 640 : i32
    %mul3A_250 = arith.muli %arg1, %mul3A_249 : i32
    %add3A_251 = arith.constant 120 : i32
    %add3A_252 = arith.addi %mul3A_250, %add3A_251 : i32
    %dma_start3A_253 = arith.constant 0 : i32
    %dma_start3A_254 = tpu.memref_slice %arg6[%add3A_252, %dma_start3A_253] : memref<10240x128xf32, #tpu.memory_space<vmem_shared>> -> memref<40x128xf32, #tpu.memory_space<vmem_shared>>
    %dma_start3A_255 = arith.constant 0 : i32
    %dma_start3A_256 = tpu.memref_slice %arg6[%add3A_252, %dma_start3A_255] : memref<10240x128xf32, #tpu.memory_space<vmem_shared>> -> memref<40x128xf32, #tpu.memory_space<vmem_shared>>
    tpu.enqueue_dma source(%dma_start3A_256 : memref<40x128xf32, #tpu.memory_space<vmem_shared>>) target(%arg12 : memref<40x128xf32, #tpu.memory_space<vmem>>) target_semaphore(%arg17 : memref<!tpu.dma_semaphore, #tpu.memory_space<semaphore_mem>>)
    %mul3A_257 = arith.constant 640 : i32
    %mul3A_258 = arith.muli %arg1, %mul3A_257 : i32
    %add3A_259 = arith.constant 160 : i32
    %add3A_260 = arith.addi %mul3A_258, %add3A_259 : i32
    %dma_start3A_261 = arith.constant 0 : i32
    %dma_start3A_262 = tpu.memref_slice %arg6[%add3A_260, %dma_start3A_261] : memref<10240x128xf32, #tpu.memory_space<vmem_shared>> -> memref<40x128xf32, #tpu.memory_space<vmem_shared>>
    %dma_start3A_263 = arith.constant 0 : i32
    %dma_start3A_264 = tpu.memref_slice %arg6[%add3A_260, %dma_start3A_263] : memref<10240x128xf32, #tpu.memory_space<vmem_shared>> -> memref<40x128xf32, #tpu.memory_space<vmem_shared>>
    tpu.enqueue_dma source(%dma_start3A_264 : memref<40x128xf32, #tpu.memory_space<vmem_shared>>) target(%arg13 : memref<40x128xf32, #tpu.memory_space<vmem>>) target_semaphore(%arg18 : memref<!tpu.dma_semaphore, #tpu.memory_space<semaphore_mem>>)
    %mul3A_265 = arith.constant 640 : i32
    %mul3A_266 = arith.muli %arg1, %mul3A_265 : i32
    %add3A_267 = arith.constant 0 : i32
    %add3A_268 = arith.addi %mul3A_266, %add3A_267 : i32
    %dma_wait3A_269 = arith.constant 0 : i32
    %dma_wait3A_270 = tpu.memref_slice %arg6[%add3A_228, %dma_wait3A_269] : memref<10240x128xf32, #tpu.memory_space<vmem_shared>> -> memref<40x128xf32, #tpu.memory_space<vmem_shared>>
    %dma_wait3A_271 = arith.constant 0 : i32
    %dma_wait3A_272 = tpu.memref_slice %arg6[%add3A_228, %dma_wait3A_271] : memref<10240x128xf32, #tpu.memory_space<vmem_shared>> -> memref<40x128xf32, #tpu.memory_space<vmem_shared>>
    tpu.wait_dma2 semaphore(%arg14 : memref<!tpu.dma_semaphore, #tpu.memory_space<semaphore_mem>>) src(%dma_wait3A_272 : memref<40x128xf32, #tpu.memory_space<vmem_shared>>) dst(%arg9 : memref<40x128xf32, #tpu.memory_space<vmem>>)
    %dma_start3A_273 = arith.constant 0 : i32
    %dma_start3A_274 = tpu.memref_slice %arg5[%arg0, %add3A_268, %dma_start3A_273] : memref<2x10240x128xf32, #tpu.memory_space<hbm>> -> memref<1x40x128xf32, #tpu.memory_space<hbm>>
    %dma_start3A_275 = tpu.memref_squeeze %dma_start3A_274 : memref<1x40x128xf32, #tpu.memory_space<hbm>> -> memref<40x128xf32, #tpu.memory_space<hbm>>
    %dma_start3A_276 = arith.constant 0 : i32
    %dma_start3A_277 = tpu.memref_slice %arg5[%arg0, %add3A_268, %dma_start3A_276] : memref<2x10240x128xf32, #tpu.memory_space<hbm>> -> memref<1x40x128xf32, #tpu.memory_space<hbm>>
    %dma_start3A_278 = tpu.memref_squeeze %dma_start3A_277 : memref<1x40x128xf32, #tpu.memory_space<hbm>> -> memref<40x128xf32, #tpu.memory_space<hbm>>
    tpu.enqueue_dma source(%arg9 : memref<40x128xf32, #tpu.memory_space<vmem>>) target(%dma_start3A_278 : memref<40x128xf32, #tpu.memory_space<hbm>>) target_semaphore(%arg19 : memref<!tpu.dma_semaphore, #tpu.memory_space<semaphore_mem>>)
    %dma_wait3A_279 = arith.constant 0 : i32
    %dma_wait3A_280 = tpu.memref_slice %arg5[%arg0, %add3A_268, %dma_wait3A_279] : memref<2x10240x128xf32, #tpu.memory_space<hbm>> -> memref<1x40x128xf32, #tpu.memory_space<hbm>>
    %dma_wait3A_281 = tpu.memref_squeeze %dma_wait3A_280 : memref<1x40x128xf32, #tpu.memory_space<hbm>> -> memref<40x128xf32, #tpu.memory_space<hbm>>
    %dma_wait3A_282 = arith.constant 0 : i32
    %dma_wait3A_283 = tpu.memref_slice %arg5[%arg0, %add3A_268, %dma_wait3A_282] : memref<2x10240x128xf32, #tpu.memory_space<hbm>> -> memref<1x40x128xf32, #tpu.memory_space<hbm>>
    %dma_wait3A_284 = tpu.memref_squeeze %dma_wait3A_283 : memref<1x40x128xf32, #tpu.memory_space<hbm>> -> memref<40x128xf32, #tpu.memory_space<hbm>>
    tpu.wait_dma2 semaphore(%arg19 : memref<!tpu.dma_semaphore, #tpu.memory_space<semaphore_mem>>) src(%arg9 : memref<40x128xf32, #tpu.memory_space<vmem>>) dst(%dma_wait3A_284 : memref<40x128xf32, #tpu.memory_space<hbm>>)
    %mul3A_285 = arith.constant 640 : i32
    %mul3A_286 = arith.muli %arg1, %mul3A_285 : i32
    %add3A_287 = arith.constant 200 : i32
    %add3A_288 = arith.addi %mul3A_286, %add3A_287 : i32
    %dma_start3A_289 = arith.constant 0 : i32
    %dma_start3A_290 = tpu.memref_slice %arg6[%add3A_288, %dma_start3A_289] : memref<10240x128xf32, #tpu.memory_space<vmem_shared>> -> memref<40x128xf32, #tpu.memory_space<vmem_shared>>
    %dma_start3A_291 = arith.constant 0 : i32
    %dma_start3A_292 = tpu.memref_slice %arg6[%add3A_288, %dma_start3A_291] : memref<10240x128xf32, #tpu.memory_space<vmem_shared>> -> memref<40x128xf32, #tpu.memory_space<vmem_shared>>
    tpu.enqueue_dma source(%dma_start3A_292 : memref<40x128xf32, #tpu.memory_space<vmem_shared>>) target(%arg9 : memref<40x128xf32, #tpu.memory_space<vmem>>) target_semaphore(%arg14 : memref<!tpu.dma_semaphore, #tpu.memory_space<semaphore_mem>>)
    %mul3A_293 = arith.constant 640 : i32
    %mul3A_294 = arith.muli %arg1, %mul3A_293 : i32
    %add3A_295 = arith.constant 40 : i32
    %add3A_296 = arith.addi %mul3A_294, %add3A_295 : i32
    %dma_wait3A_297 = arith.constant 0 : i32
    %dma_wait3A_298 = tpu.memref_slice %arg6[%add3A_236, %dma_wait3A_297] : memref<10240x128xf32, #tpu.memory_space<vmem_shared>> -> memref<40x128xf32, #tpu.memory_space<vmem_shared>>
    %dma_wait3A_299 = arith.constant 0 : i32
    %dma_wait3A_300 = tpu.memref_slice %arg6[%add3A_236, %dma_wait3A_299] : memref<10240x128xf32, #tpu.memory_space<vmem_shared>> -> memref<40x128xf32, #tpu.memory_space<vmem_shared>>
    tpu.wait_dma2 semaphore(%arg15 : memref<!tpu.dma_semaphore, #tpu.memory_space<semaphore_mem>>) src(%dma_wait3A_300 : memref<40x128xf32, #tpu.memory_space<vmem_shared>>) dst(%arg10 : memref<40x128xf32, #tpu.memory_space<vmem>>)
    %dma_start3A_301 = arith.constant 0 : i32
    %dma_start3A_302 = tpu.memref_slice %arg5[%arg0, %add3A_296, %dma_start3A_301] : memref<2x10240x128xf32, #tpu.memory_space<hbm>> -> memref<1x40x128xf32, #tpu.memory_space<hbm>>
    %dma_start3A_303 = tpu.memref_squeeze %dma_start3A_302 : memref<1x40x128xf32, #tpu.memory_space<hbm>> -> memref<40x128xf32, #tpu.memory_space<hbm>>
    %dma_start3A_304 = arith.constant 0 : i32
    %dma_start3A_305 = tpu.memref_slice %arg5[%arg0, %add3A_296, %dma_start3A_304] : memref<2x10240x128xf32, #tpu.memory_space<hbm>> -> memref<1x40x128xf32, #tpu.memory_space<hbm>>
    %dma_start3A_306 = tpu.memref_squeeze %dma_start3A_305 : memref<1x40x128xf32, #tpu.memory_space<hbm>> -> memref<40x128xf32, #tpu.memory_space<hbm>>
    tpu.enqueue_dma source(%arg10 : memref<40x128xf32, #tpu.memory_space<vmem>>) target(%dma_start3A_306 : memref<40x128xf32, #tpu.memory_space<hbm>>) target_semaphore(%arg20 : memref<!tpu.dma_semaphore, #tpu.memory_space<semaphore_mem>>)
    %dma_wait3A_307 = arith.constant 0 : i32
    %dma_wait3A_308 = tpu.memref_slice %arg5[%arg0, %add3A_296, %dma_wait3A_307] : memref<2x10240x128xf32, #tpu.memory_space<hbm>> -> memref<1x40x128xf32, #tpu.memory_space<hbm>>
    %dma_wait3A_309 = tpu.memref_squeeze %dma_wait3A_308 : memref<1x40x128xf32, #tpu.memory_space<hbm>> -> memref<40x128xf32, #tpu.memory_space<hbm>>
    %dma_wait3A_310 = arith.constant 0 : i32
    %dma_wait3A_311 = tpu.memref_slice %arg5[%arg0, %add3A_296, %dma_wait3A_310] : memref<2x10240x128xf32, #tpu.memory_space<hbm>> -> memref<1x40x128xf32, #tpu.memory_space<hbm>>
    %dma_wait3A_312 = tpu.memref_squeeze %dma_wait3A_311 : memref<1x40x128xf32, #tpu.memory_space<hbm>> -> memref<40x128xf32, #tpu.memory_space<hbm>>
    tpu.wait_dma2 semaphore(%arg20 : memref<!tpu.dma_semaphore, #tpu.memory_space<semaphore_mem>>) src(%arg10 : memref<40x128xf32, #tpu.memory_space<vmem>>) dst(%dma_wait3A_312 : memref<40x128xf32, #tpu.memory_space<hbm>>)
    %mul3A_313 = arith.constant 640 : i32
    %mul3A_314 = arith.muli %arg1, %mul3A_313 : i32
    %add3A_315 = arith.constant 240 : i32
    %add3A_316 = arith.addi %mul3A_314, %add3A_315 : i32
    %dma_start3A_317 = arith.constant 0 : i32
    %dma_start3A_318 = tpu.memref_slice %arg6[%add3A_316, %dma_start3A_317] : memref<10240x128xf32, #tpu.memory_space<vmem_shared>> -> memref<40x128xf32, #tpu.memory_space<vmem_shared>>
    %dma_start3A_319 = arith.constant 0 : i32
    %dma_start3A_320 = tpu.memref_slice %arg6[%add3A_316, %dma_start3A_319] : memref<10240x128xf32, #tpu.memory_space<vmem_shared>> -> memref<40x128xf32, #tpu.memory_space<vmem_shared>>
    tpu.enqueue_dma source(%dma_start3A_320 : memref<40x128xf32, #tpu.memory_space<vmem_shared>>) target(%arg10 : memref<40x128xf32, #tpu.memory_space<vmem>>) target_semaphore(%arg15 : memref<!tpu.dma_semaphore, #tpu.memory_space<semaphore_mem>>)
    %mul3A_321 = arith.constant 640 : i32
    %mul3A_322 = arith.muli %arg1, %mul3A_321 : i32
    %add3A_323 = arith.constant 80 : i32
    %add3A_324 = arith.addi %mul3A_322, %add3A_323 : i32
    %dma_wait3A_325 = arith.constant 0 : i32
    %dma_wait3A_326 = tpu.memref_slice %arg6[%add3A_244, %dma_wait3A_325] : memref<10240x128xf32, #tpu.memory_space<vmem_shared>> -> memref<40x128xf32, #tpu.memory_space<vmem_shared>>
    %dma_wait3A_327 = arith.constant 0 : i32
    %dma_wait3A_328 = tpu.memref_slice %arg6[%add3A_244, %dma_wait3A_327] : memref<10240x128xf32, #tpu.memory_space<vmem_shared>> -> memref<40x128xf32, #tpu.memory_space<vmem_shared>>
    tpu.wait_dma2 semaphore(%arg16 : memref<!tpu.dma_semaphore, #tpu.memory_space<semaphore_mem>>) src(%dma_wait3A_328 : memref<40x128xf32, #tpu.memory_space<vmem_shared>>) dst(%arg11 : memref<40x128xf32, #tpu.memory_space<vmem>>)
    %dma_start3A_329 = arith.constant 0 : i32
    %dma_start3A_330 = tpu.memref_slice %arg5[%arg0, %add3A_324, %dma_start3A_329] : memref<2x10240x128xf32, #tpu.memory_space<hbm>> -> memref<1x40x128xf32, #tpu.memory_space<hbm>>
    %dma_start3A_331 = tpu.memref_squeeze %dma_start3A_330 : memref<1x40x128xf32, #tpu.memory_space<hbm>> -> memref<40x128xf32, #tpu.memory_space<hbm>>
    %dma_start3A_332 = arith.constant 0 : i32
    %dma_start3A_333 = tpu.memref_slice %arg5[%arg0, %add3A_324, %dma_start3A_332] : memref<2x10240x128xf32, #tpu.memory_space<hbm>> -> memref<1x40x128xf32, #tpu.memory_space<hbm>>
    %dma_start3A_334 = tpu.memref_squeeze %dma_start3A_333 : memref<1x40x128xf32, #tpu.memory_space<hbm>> -> memref<40x128xf32, #tpu.memory_space<hbm>>
    tpu.enqueue_dma source(%arg11 : memref<40x128xf32, #tpu.memory_space<vmem>>) target(%dma_start3A_334 : memref<40x128xf32, #tpu.memory_space<hbm>>) target_semaphore(%arg21 : memref<!tpu.dma_semaphore, #tpu.memory_space<semaphore_mem>>)
    %dma_wait3A_335 = arith.constant 0 : i32
    %dma_wait3A_336 = tpu.memref_slice %arg5[%arg0, %add3A_324, %dma_wait3A_335] : memref<2x10240x128xf32, #tpu.memory_space<hbm>> -> memref<1x40x128xf32, #tpu.memory_space<hbm>>
    %dma_wait3A_337 = tpu.memref_squeeze %dma_wait3A_336 : memref<1x40x128xf32, #tpu.memory_space<hbm>> -> memref<40x128xf32, #tpu.memory_space<hbm>>
    %dma_wait3A_338 = arith.constant 0 : i32
    %dma_wait3A_339 = tpu.memref_slice %arg5[%arg0, %add3A_324, %dma_wait3A_338] : memref<2x10240x128xf32, #tpu.memory_space<hbm>> -> memref<1x40x128xf32, #tpu.memory_space<hbm>>
    %dma_wait3A_340 = tpu.memref_squeeze %dma_wait3A_339 : memref<1x40x128xf32, #tpu.memory_space<hbm>> -> memref<40x128xf32, #tpu.memory_space<hbm>>
    tpu.wait_dma2 semaphore(%arg21 : memref<!tpu.dma_semaphore, #tpu.memory_space<semaphore_mem>>) src(%arg11 : memref<40x128xf32, #tpu.memory_space<vmem>>) dst(%dma_wait3A_340 : memref<40x128xf32, #tpu.memory_space<hbm>>)
    %mul3A_341 = arith.constant 640 : i32
    %mul3A_342 = arith.muli %arg1, %mul3A_341 : i32
    %add3A_343 = arith.constant 280 : i32
    %add3A_344 = arith.addi %mul3A_342, %add3A_343 : i32
    %dma_start3A_345 = arith.constant 0 : i32
    %dma_start3A_346 = tpu.memref_slice %arg6[%add3A_344, %dma_start3A_345] : memref<10240x128xf32, #tpu.memory_space<vmem_shared>> -> memref<40x128xf32, #tpu.memory_space<vmem_shared>>
    %dma_start3A_347 = arith.constant 0 : i32
    %dma_start3A_348 = tpu.memref_slice %arg6[%add3A_344, %dma_start3A_347] : memref<10240x128xf32, #tpu.memory_space<vmem_shared>> -> memref<40x128xf32, #tpu.memory_space<vmem_shared>>
    tpu.enqueue_dma source(%dma_start3A_348 : memref<40x128xf32, #tpu.memory_space<vmem_shared>>) target(%arg11 : memref<40x128xf32, #tpu.memory_space<vmem>>) target_semaphore(%arg16 : memref<!tpu.dma_semaphore, #tpu.memory_space<semaphore_mem>>)
    %mul3A_349 = arith.constant 640 : i32
    %mul3A_350 = arith.muli %arg1, %mul3A_349 : i32
    %add3A_351 = arith.constant 120 : i32
    %add3A_352 = arith.addi %mul3A_350, %add3A_351 : i32
    %dma_wait3A_353 = arith.constant 0 : i32
    %dma_wait3A_354 = tpu.memref_slice %arg6[%add3A_252, %dma_wait3A_353] : memref<10240x128xf32, #tpu.memory_space<vmem_shared>> -> memref<40x128xf32, #tpu.memory_space<vmem_shared>>
    %dma_wait3A_355 = arith.constant 0 : i32
    %dma_wait3A_356 = tpu.memref_slice %arg6[%add3A_252, %dma_wait3A_355] : memref<10240x128xf32, #tpu.memory_space<vmem_shared>> -> memref<40x128xf32, #tpu.memory_space<vmem_shared>>
    tpu.wait_dma2 semaphore(%arg17 : memref<!tpu.dma_semaphore, #tpu.memory_space<semaphore_mem>>) src(%dma_wait3A_356 : memref<40x128xf32, #tpu.memory_space<vmem_shared>>) dst(%arg12 : memref<40x128xf32, #tpu.memory_space<vmem>>)
    %dma_start3A_357 = arith.constant 0 : i32
    %dma_start3A_358 = tpu.memref_slice %arg5[%arg0, %add3A_352, %dma_start3A_357] : memref<2x10240x128xf32, #tpu.memory_space<hbm>> -> memref<1x40x128xf32, #tpu.memory_space<hbm>>
    %dma_start3A_359 = tpu.memref_squeeze %dma_start3A_358 : memref<1x40x128xf32, #tpu.memory_space<hbm>> -> memref<40x128xf32, #tpu.memory_space<hbm>>
    %dma_start3A_360 = arith.constant 0 : i32
    %dma_start3A_361 = tpu.memref_slice %arg5[%arg0, %add3A_352, %dma_start3A_360] : memref<2x10240x128xf32, #tpu.memory_space<hbm>> -> memref<1x40x128xf32, #tpu.memory_space<hbm>>
    %dma_start3A_362 = tpu.memref_squeeze %dma_start3A_361 : memref<1x40x128xf32, #tpu.memory_space<hbm>> -> memref<40x128xf32, #tpu.memory_space<hbm>>
    tpu.enqueue_dma source(%arg12 : memref<40x128xf32, #tpu.memory_space<vmem>>) target(%dma_start3A_362 : memref<40x128xf32, #tpu.memory_space<hbm>>) target_semaphore(%arg22 : memref<!tpu.dma_semaphore, #tpu.memory_space<semaphore_mem>>)
    %dma_wait3A_363 = arith.constant 0 : i32
    %dma_wait3A_364 = tpu.memref_slice %arg5[%arg0, %add3A_352, %dma_wait3A_363] : memref<2x10240x128xf32, #tpu.memory_space<hbm>> -> memref<1x40x128xf32, #tpu.memory_space<hbm>>
    %dma_wait3A_365 = tpu.memref_squeeze %dma_wait3A_364 : memref<1x40x128xf32, #tpu.memory_space<hbm>> -> memref<40x128xf32, #tpu.memory_space<hbm>>
    %dma_wait3A_366 = arith.constant 0 : i32
    %dma_wait3A_367 = tpu.memref_slice %arg5[%arg0, %add3A_352, %dma_wait3A_366] : memref<2x10240x128xf32, #tpu.memory_space<hbm>> -> memref<1x40x128xf32, #tpu.memory_space<hbm>>
    %dma_wait3A_368 = tpu.memref_squeeze %dma_wait3A_367 : memref<1x40x128xf32, #tpu.memory_space<hbm>> -> memref<40x128xf32, #tpu.memory_space<hbm>>
    tpu.wait_dma2 semaphore(%arg22 : memref<!tpu.dma_semaphore, #tpu.memory_space<semaphore_mem>>) src(%arg12 : memref<40x128xf32, #tpu.memory_space<vmem>>) dst(%dma_wait3A_368 : memref<40x128xf32, #tpu.memory_space<hbm>>)
    %mul3A_369 = arith.constant 640 : i32
    %mul3A_370 = arith.muli %arg1, %mul3A_369 : i32
    %add3A_371 = arith.constant 320 : i32
    %add3A_372 = arith.addi %mul3A_370, %add3A_371 : i32
    %dma_start3A_373 = arith.constant 0 : i32
    %dma_start3A_374 = tpu.memref_slice %arg6[%add3A_372, %dma_start3A_373] : memref<10240x128xf32, #tpu.memory_space<vmem_shared>> -> memref<40x128xf32, #tpu.memory_space<vmem_shared>>
    %dma_start3A_375 = arith.constant 0 : i32
    %dma_start3A_376 = tpu.memref_slice %arg6[%add3A_372, %dma_start3A_375] : memref<10240x128xf32, #tpu.memory_space<vmem_shared>> -> memref<40x128xf32, #tpu.memory_space<vmem_shared>>
    tpu.enqueue_dma source(%dma_start3A_376 : memref<40x128xf32, #tpu.memory_space<vmem_shared>>) target(%arg12 : memref<40x128xf32, #tpu.memory_space<vmem>>) target_semaphore(%arg17 : memref<!tpu.dma_semaphore, #tpu.memory_space<semaphore_mem>>)
    %mul3A_377 = arith.constant 640 : i32
    %mul3A_378 = arith.muli %arg1, %mul3A_377 : i32
    %add3A_379 = arith.constant 160 : i32
    %add3A_380 = arith.addi %mul3A_378, %add3A_379 : i32
    %dma_wait3A_381 = arith.constant 0 : i32
    %dma_wait3A_382 = tpu.memref_slice %arg6[%add3A_260, %dma_wait3A_381] : memref<10240x128xf32, #tpu.memory_space<vmem_shared>> -> memref<40x128xf32, #tpu.memory_space<vmem_shared>>
    %dma_wait3A_383 = arith.constant 0 : i32
    %dma_wait3A_384 = tpu.memref_slice %arg6[%add3A_260, %dma_wait3A_383] : memref<10240x128xf32, #tpu.memory_space<vmem_shared>> -> memref<40x128xf32, #tpu.memory_space<vmem_shared>>
    tpu.wait_dma2 semaphore(%arg18 : memref<!tpu.dma_semaphore, #tpu.memory_space<semaphore_mem>>) src(%dma_wait3A_384 : memref<40x128xf32, #tpu.memory_space<vmem_shared>>) dst(%arg13 : memref<40x128xf32, #tpu.memory_space<vmem>>)
    %dma_start3A_385 = arith.constant 0 : i32
    %dma_start3A_386 = tpu.memref_slice %arg5[%arg0, %add3A_380, %dma_start3A_385] : memref<2x10240x128xf32, #tpu.memory_space<hbm>> -> memref<1x40x128xf32, #tpu.memory_space<hbm>>
    %dma_start3A_387 = tpu.memref_squeeze %dma_start3A_386 : memref<1x40x128xf32, #tpu.memory_space<hbm>> -> memref<40x128xf32, #tpu.memory_space<hbm>>
    %dma_start3A_388 = arith.constant 0 : i32
    %dma_start3A_389 = tpu.memref_slice %arg5[%arg0, %add3A_380, %dma_start3A_388] : memref<2x10240x128xf32, #tpu.memory_space<hbm>> -> memref<1x40x128xf32, #tpu.memory_space<hbm>>
    %dma_start3A_390 = tpu.memref_squeeze %dma_start3A_389 : memref<1x40x128xf32, #tpu.memory_space<hbm>> -> memref<40x128xf32, #tpu.memory_space<hbm>>
    tpu.enqueue_dma source(%arg13 : memref<40x128xf32, #tpu.memory_space<vmem>>) target(%dma_start3A_390 : memref<40x128xf32, #tpu.memory_space<hbm>>) target_semaphore(%arg23 : memref<!tpu.dma_semaphore, #tpu.memory_space<semaphore_mem>>)
    %dma_wait3A_391 = arith.constant 0 : i32
    %dma_wait3A_392 = tpu.memref_slice %arg5[%arg0, %add3A_380, %dma_wait3A_391] : memref<2x10240x128xf32, #tpu.memory_space<hbm>> -> memref<1x40x128xf32, #tpu.memory_space<hbm>>
    %dma_wait3A_393 = tpu.memref_squeeze %dma_wait3A_392 : memref<1x40x128xf32, #tpu.memory_space<hbm>> -> memref<40x128xf32, #tpu.memory_space<hbm>>
    %dma_wait3A_394 = arith.constant 0 : i32
    %dma_wait3A_395 = tpu.memref_slice %arg5[%arg0, %add3A_380, %dma_wait3A_394] : memref<2x10240x128xf32, #tpu.memory_space<hbm>> -> memref<1x40x128xf32, #tpu.memory_space<hbm>>
    %dma_wait3A_396 = tpu.memref_squeeze %dma_wait3A_395 : memref<1x40x128xf32, #tpu.memory_space<hbm>> -> memref<40x128xf32, #tpu.memory_space<hbm>>
    tpu.wait_dma2 semaphore(%arg23 : memref<!tpu.dma_semaphore, #tpu.memory_space<semaphore_mem>>) src(%arg13 : memref<40x128xf32, #tpu.memory_space<vmem>>) dst(%dma_wait3A_396 : memref<40x128xf32, #tpu.memory_space<hbm>>)
    %mul3A_397 = arith.constant 640 : i32
    %mul3A_398 = arith.muli %arg1, %mul3A_397 : i32
    %add3A_399 = arith.constant 360 : i32
    %add3A_400 = arith.addi %mul3A_398, %add3A_399 : i32
    %dma_start3A_401 = arith.constant 0 : i32
    %dma_start3A_402 = tpu.memref_slice %arg6[%add3A_400, %dma_start3A_401] : memref<10240x128xf32, #tpu.memory_space<vmem_shared>> -> memref<40x128xf32, #tpu.memory_space<vmem_shared>>
    %dma_start3A_403 = arith.constant 0 : i32
    %dma_start3A_404 = tpu.memref_slice %arg6[%add3A_400, %dma_start3A_403] : memref<10240x128xf32, #tpu.memory_space<vmem_shared>> -> memref<40x128xf32, #tpu.memory_space<vmem_shared>>
    tpu.enqueue_dma source(%dma_start3A_404 : memref<40x128xf32, #tpu.memory_space<vmem_shared>>) target(%arg13 : memref<40x128xf32, #tpu.memory_space<vmem>>) target_semaphore(%arg18 : memref<!tpu.dma_semaphore, #tpu.memory_space<semaphore_mem>>)
    %mul3A_405 = arith.constant 640 : i32
    %mul3A_406 = arith.muli %arg1, %mul3A_405 : i32
    %add3A_407 = arith.constant 200 : i32
    %add3A_408 = arith.addi %mul3A_406, %add3A_407 : i32
    %dma_wait3A_409 = arith.constant 0 : i32
    %dma_wait3A_410 = tpu.memref_slice %arg6[%add3A_288, %dma_wait3A_409] : memref<10240x128xf32, #tpu.memory_space<vmem_shared>> -> memref<40x128xf32, #tpu.memory_space<vmem_shared>>
    %dma_wait3A_411 = arith.constant 0 : i32
    %dma_wait3A_412 = tpu.memref_slice %arg6[%add3A_288, %dma_wait3A_411] : memref<10240x128xf32, #tpu.memory_space<vmem_shared>> -> memref<40x128xf32, #tpu.memory_space<vmem_shared>>
    tpu.wait_dma2 semaphore(%arg14 : memref<!tpu.dma_semaphore, #tpu.memory_space<semaphore_mem>>) src(%dma_wait3A_412 : memref<40x128xf32, #tpu.memory_space<vmem_shared>>) dst(%arg9 : memref<40x128xf32, #tpu.memory_space<vmem>>)
    %dma_start3A_413 = arith.constant 0 : i32
    %dma_start3A_414 = tpu.memref_slice %arg5[%arg0, %add3A_408, %dma_start3A_413] : memref<2x10240x128xf32, #tpu.memory_space<hbm>> -> memref<1x40x128xf32, #tpu.memory_space<hbm>>
    %dma_start3A_415 = tpu.memref_squeeze %dma_start3A_414 : memref<1x40x128xf32, #tpu.memory_space<hbm>> -> memref<40x128xf32, #tpu.memory_space<hbm>>
    %dma_start3A_416 = arith.constant 0 : i32
    %dma_start3A_417 = tpu.memref_slice %arg5[%arg0, %add3A_408, %dma_start3A_416] : memref<2x10240x128xf32, #tpu.memory_space<hbm>> -> memref<1x40x128xf32, #tpu.memory_space<hbm>>
    %dma_start3A_418 = tpu.memref_squeeze %dma_start3A_417 : memref<1x40x128xf32, #tpu.memory_space<hbm>> -> memref<40x128xf32, #tpu.memory_space<hbm>>
    tpu.enqueue_dma source(%arg9 : memref<40x128xf32, #tpu.memory_space<vmem>>) target(%dma_start3A_418 : memref<40x128xf32, #tpu.memory_space<hbm>>) target_semaphore(%arg19 : memref<!tpu.dma_semaphore, #tpu.memory_space<semaphore_mem>>)
    %dma_wait3A_419 = arith.constant 0 : i32
    %dma_wait3A_420 = tpu.memref_slice %arg5[%arg0, %add3A_408, %dma_wait3A_419] : memref<2x10240x128xf32, #tpu.memory_space<hbm>> -> memref<1x40x128xf32, #tpu.memory_space<hbm>>
    %dma_wait3A_421 = tpu.memref_squeeze %dma_wait3A_420 : memref<1x40x128xf32, #tpu.memory_space<hbm>> -> memref<40x128xf32, #tpu.memory_space<hbm>>
    %dma_wait3A_422 = arith.constant 0 : i32
    %dma_wait3A_423 = tpu.memref_slice %arg5[%arg0, %add3A_408, %dma_wait3A_422] : memref<2x10240x128xf32, #tpu.memory_space<hbm>> -> memref<1x40x128xf32, #tpu.memory_space<hbm>>
    %dma_wait3A_424 = tpu.memref_squeeze %dma_wait3A_423 : memref<1x40x128xf32, #tpu.memory_space<hbm>> -> memref<40x128xf32, #tpu.memory_space<hbm>>
    tpu.wait_dma2 semaphore(%arg19 : memref<!tpu.dma_semaphore, #tpu.memory_space<semaphore_mem>>) src(%arg9 : memref<40x128xf32, #tpu.memory_space<vmem>>) dst(%dma_wait3A_424 : memref<40x128xf32, #tpu.memory_space<hbm>>)
    %mul3A_425 = arith.constant 640 : i32
    %mul3A_426 = arith.muli %arg1, %mul3A_425 : i32
    %add3A_427 = arith.constant 400 : i32
    %add3A_428 = arith.addi %mul3A_426, %add3A_427 : i32
    %dma_start3A_429 = arith.constant 0 : i32
    %dma_start3A_430 = tpu.memref_slice %arg6[%add3A_428, %dma_start3A_429] : memref<10240x128xf32, #tpu.memory_space<vmem_shared>> -> memref<40x128xf32, #tpu.memory_space<vmem_shared>>
    %dma_start3A_431 = arith.constant 0 : i32
    %dma_start3A_432 = tpu.memref_slice %arg6[%add3A_428, %dma_start3A_431] : memref<10240x128xf32, #tpu.memory_space<vmem_shared>> -> memref<40x128xf32, #tpu.memory_space<vmem_shared>>
    tpu.enqueue_dma source(%dma_start3A_432 : memref<40x128xf32, #tpu.memory_space<vmem_shared>>) target(%arg9 : memref<40x128xf32, #tpu.memory_space<vmem>>) target_semaphore(%arg14 : memref<!tpu.dma_semaphore, #tpu.memory_space<semaphore_mem>>)
    %mul3A_433 = arith.constant 640 : i32
    %mul3A_434 = arith.muli %arg1, %mul3A_433 : i32
    %add3A_435 = arith.constant 240 : i32
    %add3A_436 = arith.addi %mul3A_434, %add3A_435 : i32
    %dma_wait3A_437 = arith.constant 0 : i32
    %dma_wait3A_438 = tpu.memref_slice %arg6[%add3A_316, %dma_wait3A_437] : memref<10240x128xf32, #tpu.memory_space<vmem_shared>> -> memref<40x128xf32, #tpu.memory_space<vmem_shared>>
    %dma_wait3A_439 = arith.constant 0 : i32
    %dma_wait3A_440 = tpu.memref_slice %arg6[%add3A_316, %dma_wait3A_439] : memref<10240x128xf32, #tpu.memory_space<vmem_shared>> -> memref<40x128xf32, #tpu.memory_space<vmem_shared>>
    tpu.wait_dma2 semaphore(%arg15 : memref<!tpu.dma_semaphore, #tpu.memory_space<semaphore_mem>>) src(%dma_wait3A_440 : memref<40x128xf32, #tpu.memory_space<vmem_shared>>) dst(%arg10 : memref<40x128xf32, #tpu.memory_space<vmem>>)
    %dma_start3A_441 = arith.constant 0 : i32
    %dma_start3A_442 = tpu.memref_slice %arg5[%arg0, %add3A_436, %dma_start3A_441] : memref<2x10240x128xf32, #tpu.memory_space<hbm>> -> memref<1x40x128xf32, #tpu.memory_space<hbm>>
    %dma_start3A_443 = tpu.memref_squeeze %dma_start3A_442 : memref<1x40x128xf32, #tpu.memory_space<hbm>> -> memref<40x128xf32, #tpu.memory_space<hbm>>
    %dma_start3A_444 = arith.constant 0 : i32
    %dma_start3A_445 = tpu.memref_slice %arg5[%arg0, %add3A_436, %dma_start3A_444] : memref<2x10240x128xf32, #tpu.memory_space<hbm>> -> memref<1x40x128xf32, #tpu.memory_space<hbm>>
    %dma_start3A_446 = tpu.memref_squeeze %dma_start3A_445 : memref<1x40x128xf32, #tpu.memory_space<hbm>> -> memref<40x128xf32, #tpu.memory_space<hbm>>
    tpu.enqueue_dma source(%arg10 : memref<40x128xf32, #tpu.memory_space<vmem>>) target(%dma_start3A_446 : memref<40x128xf32, #tpu.memory_space<hbm>>) target_semaphore(%arg20 : memref<!tpu.dma_semaphore, #tpu.memory_space<semaphore_mem>>)
    %dma_wait3A_447 = arith.constant 0 : i32
    %dma_wait3A_448 = tpu.memref_slice %arg5[%arg0, %add3A_436, %dma_wait3A_447] : memref<2x10240x128xf32, #tpu.memory_space<hbm>> -> memref<1x40x128xf32, #tpu.memory_space<hbm>>
    %dma_wait3A_449 = tpu.memref_squeeze %dma_wait3A_448 : memref<1x40x128xf32, #tpu.memory_space<hbm>> -> memref<40x128xf32, #tpu.memory_space<hbm>>
    %dma_wait3A_450 = arith.constant 0 : i32
    %dma_wait3A_451 = tpu.memref_slice %arg5[%arg0, %add3A_436, %dma_wait3A_450] : memref<2x10240x128xf32, #tpu.memory_space<hbm>> -> memref<1x40x128xf32, #tpu.memory_space<hbm>>
    %dma_wait3A_452 = tpu.memref_squeeze %dma_wait3A_451 : memref<1x40x128xf32, #tpu.memory_space<hbm>> -> memref<40x128xf32, #tpu.memory_space<hbm>>
    tpu.wait_dma2 semaphore(%arg20 : memref<!tpu.dma_semaphore, #tpu.memory_space<semaphore_mem>>) src(%arg10 : memref<40x128xf32, #tpu.memory_space<vmem>>) dst(%dma_wait3A_452 : memref<40x128xf32, #tpu.memory_space<hbm>>)
    %mul3A_453 = arith.constant 640 : i32
    %mul3A_454 = arith.muli %arg1, %mul3A_453 : i32
    %add3A_455 = arith.constant 440 : i32
    %add3A_456 = arith.addi %mul3A_454, %add3A_455 : i32
    %dma_start3A_457 = arith.constant 0 : i32
    %dma_start3A_458 = tpu.memref_slice %arg6[%add3A_456, %dma_start3A_457] : memref<10240x128xf32, #tpu.memory_space<vmem_shared>> -> memref<40x128xf32, #tpu.memory_space<vmem_shared>>
    %dma_start3A_459 = arith.constant 0 : i32
    %dma_start3A_460 = tpu.memref_slice %arg6[%add3A_456, %dma_start3A_459] : memref<10240x128xf32, #tpu.memory_space<vmem_shared>> -> memref<40x128xf32, #tpu.memory_space<vmem_shared>>
    tpu.enqueue_dma source(%dma_start3A_460 : memref<40x128xf32, #tpu.memory_space<vmem_shared>>) target(%arg10 : memref<40x128xf32, #tpu.memory_space<vmem>>) target_semaphore(%arg15 : memref<!tpu.dma_semaphore, #tpu.memory_space<semaphore_mem>>)
    %mul3A_461 = arith.constant 640 : i32
    %mul3A_462 = arith.muli %arg1, %mul3A_461 : i32
    %add3A_463 = arith.constant 280 : i32
    %add3A_464 = arith.addi %mul3A_462, %add3A_463 : i32
    %dma_wait3A_465 = arith.constant 0 : i32
    %dma_wait3A_466 = tpu.memref_slice %arg6[%add3A_344, %dma_wait3A_465] : memref<10240x128xf32, #tpu.memory_space<vmem_shared>> -> memref<40x128xf32, #tpu.memory_space<vmem_shared>>
    %dma_wait3A_467 = arith.constant 0 : i32
    %dma_wait3A_468 = tpu.memref_slice %arg6[%add3A_344, %dma_wait3A_467] : memref<10240x128xf32, #tpu.memory_space<vmem_shared>> -> memref<40x128xf32, #tpu.memory_space<vmem_shared>>
    tpu.wait_dma2 semaphore(%arg16 : memref<!tpu.dma_semaphore, #tpu.memory_space<semaphore_mem>>) src(%dma_wait3A_468 : memref<40x128xf32, #tpu.memory_space<vmem_shared>>) dst(%arg11 : memref<40x128xf32, #tpu.memory_space<vmem>>)
    %dma_start3A_469 = arith.constant 0 : i32
    %dma_start3A_470 = tpu.memref_slice %arg5[%arg0, %add3A_464, %dma_start3A_469] : memref<2x10240x128xf32, #tpu.memory_space<hbm>> -> memref<1x40x128xf32, #tpu.memory_space<hbm>>
    %dma_start3A_471 = tpu.memref_squeeze %dma_start3A_470 : memref<1x40x128xf32, #tpu.memory_space<hbm>> -> memref<40x128xf32, #tpu.memory_space<hbm>>
    %dma_start3A_472 = arith.constant 0 : i32
    %dma_start3A_473 = tpu.memref_slice %arg5[%arg0, %add3A_464, %dma_start3A_472] : memref<2x10240x128xf32, #tpu.memory_space<hbm>> -> memref<1x40x128xf32, #tpu.memory_space<hbm>>
    %dma_start3A_474 = tpu.memref_squeeze %dma_start3A_473 : memref<1x40x128xf32, #tpu.memory_space<hbm>> -> memref<40x128xf32, #tpu.memory_space<hbm>>
    tpu.enqueue_dma source(%arg11 : memref<40x128xf32, #tpu.memory_space<vmem>>) target(%dma_start3A_474 : memref<40x128xf32, #tpu.memory_space<hbm>>) target_semaphore(%arg21 : memref<!tpu.dma_semaphore, #tpu.memory_space<semaphore_mem>>)
    %dma_wait3A_475 = arith.constant 0 : i32
    %dma_wait3A_476 = tpu.memref_slice %arg5[%arg0, %add3A_464, %dma_wait3A_475] : memref<2x10240x128xf32, #tpu.memory_space<hbm>> -> memref<1x40x128xf32, #tpu.memory_space<hbm>>
    %dma_wait3A_477 = tpu.memref_squeeze %dma_wait3A_476 : memref<1x40x128xf32, #tpu.memory_space<hbm>> -> memref<40x128xf32, #tpu.memory_space<hbm>>
    %dma_wait3A_478 = arith.constant 0 : i32
    %dma_wait3A_479 = tpu.memref_slice %arg5[%arg0, %add3A_464, %dma_wait3A_478] : memref<2x10240x128xf32, #tpu.memory_space<hbm>> -> memref<1x40x128xf32, #tpu.memory_space<hbm>>
    %dma_wait3A_480 = tpu.memref_squeeze %dma_wait3A_479 : memref<1x40x128xf32, #tpu.memory_space<hbm>> -> memref<40x128xf32, #tpu.memory_space<hbm>>
    tpu.wait_dma2 semaphore(%arg21 : memref<!tpu.dma_semaphore, #tpu.memory_space<semaphore_mem>>) src(%arg11 : memref<40x128xf32, #tpu.memory_space<vmem>>) dst(%dma_wait3A_480 : memref<40x128xf32, #tpu.memory_space<hbm>>)
    %mul3A_481 = arith.constant 640 : i32
    %mul3A_482 = arith.muli %arg1, %mul3A_481 : i32
    %add3A_483 = arith.constant 480 : i32
    %add3A_484 = arith.addi %mul3A_482, %add3A_483 : i32
    %dma_start3A_485 = arith.constant 0 : i32
    %dma_start3A_486 = tpu.memref_slice %arg6[%add3A_484, %dma_start3A_485] : memref<10240x128xf32, #tpu.memory_space<vmem_shared>> -> memref<40x128xf32, #tpu.memory_space<vmem_shared>>
    %dma_start3A_487 = arith.constant 0 : i32
    %dma_start3A_488 = tpu.memref_slice %arg6[%add3A_484, %dma_start3A_487] : memref<10240x128xf32, #tpu.memory_space<vmem_shared>> -> memref<40x128xf32, #tpu.memory_space<vmem_shared>>
    tpu.enqueue_dma source(%dma_start3A_488 : memref<40x128xf32, #tpu.memory_space<vmem_shared>>) target(%arg11 : memref<40x128xf32, #tpu.memory_space<vmem>>) target_semaphore(%arg16 : memref<!tpu.dma_semaphore, #tpu.memory_space<semaphore_mem>>)
    %mul3A_489 = arith.constant 640 : i32
    %mul3A_490 = arith.muli %arg1, %mul3A_489 : i32
    %add3A_491 = arith.constant 320 : i32
    %add3A_492 = arith.addi %mul3A_490, %add3A_491 : i32
    %dma_wait3A_493 = arith.constant 0 : i32
    %dma_wait3A_494 = tpu.memref_slice %arg6[%add3A_372, %dma_wait3A_493] : memref<10240x128xf32, #tpu.memory_space<vmem_shared>> -> memref<40x128xf32, #tpu.memory_space<vmem_shared>>
    %dma_wait3A_495 = arith.constant 0 : i32
    %dma_wait3A_496 = tpu.memref_slice %arg6[%add3A_372, %dma_wait3A_495] : memref<10240x128xf32, #tpu.memory_space<vmem_shared>> -> memref<40x128xf32, #tpu.memory_space<vmem_shared>>
    tpu.wait_dma2 semaphore(%arg17 : memref<!tpu.dma_semaphore, #tpu.memory_space<semaphore_mem>>) src(%dma_wait3A_496 : memref<40x128xf32, #tpu.memory_space<vmem_shared>>) dst(%arg12 : memref<40x128xf32, #tpu.memory_space<vmem>>)
    %dma_start3A_497 = arith.constant 0 : i32
    %dma_start3A_498 = tpu.memref_slice %arg5[%arg0, %add3A_492, %dma_start3A_497] : memref<2x10240x128xf32, #tpu.memory_space<hbm>> -> memref<1x40x128xf32, #tpu.memory_space<hbm>>
    %dma_start3A_499 = tpu.memref_squeeze %dma_start3A_498 : memref<1x40x128xf32, #tpu.memory_space<hbm>> -> memref<40x128xf32, #tpu.memory_space<hbm>>
    %dma_start3A_500 = arith.constant 0 : i32
    %dma_start3A_501 = tpu.memref_slice %arg5[%arg0, %add3A_492, %dma_start3A_500] : memref<2x10240x128xf32, #tpu.memory_space<hbm>> -> memref<1x40x128xf32, #tpu.memory_space<hbm>>
    %dma_start3A_502 = tpu.memref_squeeze %dma_start3A_501 : memref<1x40x128xf32, #tpu.memory_space<hbm>> -> memref<40x128xf32, #tpu.memory_space<hbm>>
    tpu.enqueue_dma source(%arg12 : memref<40x128xf32, #tpu.memory_space<vmem>>) target(%dma_start3A_502 : memref<40x128xf32, #tpu.memory_space<hbm>>) target_semaphore(%arg22 : memref<!tpu.dma_semaphore, #tpu.memory_space<semaphore_mem>>)
    %dma_wait3A_503 = arith.constant 0 : i32
    %dma_wait3A_504 = tpu.memref_slice %arg5[%arg0, %add3A_492, %dma_wait3A_503] : memref<2x10240x128xf32, #tpu.memory_space<hbm>> -> memref<1x40x128xf32, #tpu.memory_space<hbm>>
    %dma_wait3A_505 = tpu.memref_squeeze %dma_wait3A_504 : memref<1x40x128xf32, #tpu.memory_space<hbm>> -> memref<40x128xf32, #tpu.memory_space<hbm>>
    %dma_wait3A_506 = arith.constant 0 : i32
    %dma_wait3A_507 = tpu.memref_slice %arg5[%arg0, %add3A_492, %dma_wait3A_506] : memref<2x10240x128xf32, #tpu.memory_space<hbm>> -> memref<1x40x128xf32, #tpu.memory_space<hbm>>
    %dma_wait3A_508 = tpu.memref_squeeze %dma_wait3A_507 : memref<1x40x128xf32, #tpu.memory_space<hbm>> -> memref<40x128xf32, #tpu.memory_space<hbm>>
    tpu.wait_dma2 semaphore(%arg22 : memref<!tpu.dma_semaphore, #tpu.memory_space<semaphore_mem>>) src(%arg12 : memref<40x128xf32, #tpu.memory_space<vmem>>) dst(%dma_wait3A_508 : memref<40x128xf32, #tpu.memory_space<hbm>>)
    %mul3A_509 = arith.constant 640 : i32
    %mul3A_510 = arith.muli %arg1, %mul3A_509 : i32
    %add3A_511 = arith.constant 520 : i32
    %add3A_512 = arith.addi %mul3A_510, %add3A_511 : i32
    %dma_start3A_513 = arith.constant 0 : i32
    %dma_start3A_514 = tpu.memref_slice %arg6[%add3A_512, %dma_start3A_513] : memref<10240x128xf32, #tpu.memory_space<vmem_shared>> -> memref<40x128xf32, #tpu.memory_space<vmem_shared>>
    %dma_start3A_515 = arith.constant 0 : i32
    %dma_start3A_516 = tpu.memref_slice %arg6[%add3A_512, %dma_start3A_515] : memref<10240x128xf32, #tpu.memory_space<vmem_shared>> -> memref<40x128xf32, #tpu.memory_space<vmem_shared>>
    tpu.enqueue_dma source(%dma_start3A_516 : memref<40x128xf32, #tpu.memory_space<vmem_shared>>) target(%arg12 : memref<40x128xf32, #tpu.memory_space<vmem>>) target_semaphore(%arg17 : memref<!tpu.dma_semaphore, #tpu.memory_space<semaphore_mem>>)
    %mul3A_517 = arith.constant 640 : i32
    %mul3A_518 = arith.muli %arg1, %mul3A_517 : i32
    %add3A_519 = arith.constant 360 : i32
    %add3A_520 = arith.addi %mul3A_518, %add3A_519 : i32
    %dma_wait3A_521 = arith.constant 0 : i32
    %dma_wait3A_522 = tpu.memref_slice %arg6[%add3A_400, %dma_wait3A_521] : memref<10240x128xf32, #tpu.memory_space<vmem_shared>> -> memref<40x128xf32, #tpu.memory_space<vmem_shared>>
    %dma_wait3A_523 = arith.constant 0 : i32
    %dma_wait3A_524 = tpu.memref_slice %arg6[%add3A_400, %dma_wait3A_523] : memref<10240x128xf32, #tpu.memory_space<vmem_shared>> -> memref<40x128xf32, #tpu.memory_space<vmem_shared>>
    tpu.wait_dma2 semaphore(%arg18 : memref<!tpu.dma_semaphore, #tpu.memory_space<semaphore_mem>>) src(%dma_wait3A_524 : memref<40x128xf32, #tpu.memory_space<vmem_shared>>) dst(%arg13 : memref<40x128xf32, #tpu.memory_space<vmem>>)
    %dma_start3A_525 = arith.constant 0 : i32
    %dma_start3A_526 = tpu.memref_slice %arg5[%arg0, %add3A_520, %dma_start3A_525] : memref<2x10240x128xf32, #tpu.memory_space<hbm>> -> memref<1x40x128xf32, #tpu.memory_space<hbm>>
    %dma_start3A_527 = tpu.memref_squeeze %dma_start3A_526 : memref<1x40x128xf32, #tpu.memory_space<hbm>> -> memref<40x128xf32, #tpu.memory_space<hbm>>
    %dma_start3A_528 = arith.constant 0 : i32
    %dma_start3A_529 = tpu.memref_slice %arg5[%arg0, %add3A_520, %dma_start3A_528] : memref<2x10240x128xf32, #tpu.memory_space<hbm>> -> memref<1x40x128xf32, #tpu.memory_space<hbm>>
    %dma_start3A_530 = tpu.memref_squeeze %dma_start3A_529 : memref<1x40x128xf32, #tpu.memory_space<hbm>> -> memref<40x128xf32, #tpu.memory_space<hbm>>
    tpu.enqueue_dma source(%arg13 : memref<40x128xf32, #tpu.memory_space<vmem>>) target(%dma_start3A_530 : memref<40x128xf32, #tpu.memory_space<hbm>>) target_semaphore(%arg23 : memref<!tpu.dma_semaphore, #tpu.memory_space<semaphore_mem>>)
    %dma_wait3A_531 = arith.constant 0 : i32
    %dma_wait3A_532 = tpu.memref_slice %arg5[%arg0, %add3A_520, %dma_wait3A_531] : memref<2x10240x128xf32, #tpu.memory_space<hbm>> -> memref<1x40x128xf32, #tpu.memory_space<hbm>>
    %dma_wait3A_533 = tpu.memref_squeeze %dma_wait3A_532 : memref<1x40x128xf32, #tpu.memory_space<hbm>> -> memref<40x128xf32, #tpu.memory_space<hbm>>
    %dma_wait3A_534 = arith.constant 0 : i32
    %dma_wait3A_535 = tpu.memref_slice %arg5[%arg0, %add3A_520, %dma_wait3A_534] : memref<2x10240x128xf32, #tpu.memory_space<hbm>> -> memref<1x40x128xf32, #tpu.memory_space<hbm>>
    %dma_wait3A_536 = tpu.memref_squeeze %dma_wait3A_535 : memref<1x40x128xf32, #tpu.memory_space<hbm>> -> memref<40x128xf32, #tpu.memory_space<hbm>>
    tpu.wait_dma2 semaphore(%arg23 : memref<!tpu.dma_semaphore, #tpu.memory_space<semaphore_mem>>) src(%arg13 : memref<40x128xf32, #tpu.memory_space<vmem>>) dst(%dma_wait3A_536 : memref<40x128xf32, #tpu.memory_space<hbm>>)
    %mul3A_537 = arith.constant 640 : i32
    %mul3A_538 = arith.muli %arg1, %mul3A_537 : i32
    %add3A_539 = arith.constant 560 : i32
    %add3A_540 = arith.addi %mul3A_538, %add3A_539 : i32
    %dma_start3A_541 = arith.constant 0 : i32
    %dma_start3A_542 = tpu.memref_slice %arg6[%add3A_540, %dma_start3A_541] : memref<10240x128xf32, #tpu.memory_space<vmem_shared>> -> memref<40x128xf32, #tpu.memory_space<vmem_shared>>
    %dma_start3A_543 = arith.constant 0 : i32
    %dma_start3A_544 = tpu.memref_slice %arg6[%add3A_540, %dma_start3A_543] : memref<10240x128xf32, #tpu.memory_space<vmem_shared>> -> memref<40x128xf32, #tpu.memory_space<vmem_shared>>
    tpu.enqueue_dma source(%dma_start3A_544 : memref<40x128xf32, #tpu.memory_space<vmem_shared>>) target(%arg13 : memref<40x128xf32, #tpu.memory_space<vmem>>) target_semaphore(%arg18 : memref<!tpu.dma_semaphore, #tpu.memory_space<semaphore_mem>>)
    %mul3A_545 = arith.constant 640 : i32
    %mul3A_546 = arith.muli %arg1, %mul3A_545 : i32
    %add3A_547 = arith.constant 400 : i32
    %add3A_548 = arith.addi %mul3A_546, %add3A_547 : i32
    %dma_wait3A_549 = arith.constant 0 : i32
    %dma_wait3A_550 = tpu.memref_slice %arg6[%add3A_428, %dma_wait3A_549] : memref<10240x128xf32, #tpu.memory_space<vmem_shared>> -> memref<40x128xf32, #tpu.memory_space<vmem_shared>>
    %dma_wait3A_551 = arith.constant 0 : i32
    %dma_wait3A_552 = tpu.memref_slice %arg6[%add3A_428, %dma_wait3A_551] : memref<10240x128xf32, #tpu.memory_space<vmem_shared>> -> memref<40x128xf32, #tpu.memory_space<vmem_shared>>
    tpu.wait_dma2 semaphore(%arg14 : memref<!tpu.dma_semaphore, #tpu.memory_space<semaphore_mem>>) src(%dma_wait3A_552 : memref<40x128xf32, #tpu.memory_space<vmem_shared>>) dst(%arg9 : memref<40x128xf32, #tpu.memory_space<vmem>>)
    %dma_start3A_553 = arith.constant 0 : i32
    %dma_start3A_554 = tpu.memref_slice %arg5[%arg0, %add3A_548, %dma_start3A_553] : memref<2x10240x128xf32, #tpu.memory_space<hbm>> -> memref<1x40x128xf32, #tpu.memory_space<hbm>>
    %dma_start3A_555 = tpu.memref_squeeze %dma_start3A_554 : memref<1x40x128xf32, #tpu.memory_space<hbm>> -> memref<40x128xf32, #tpu.memory_space<hbm>>
    %dma_start3A_556 = arith.constant 0 : i32
    %dma_start3A_557 = tpu.memref_slice %arg5[%arg0, %add3A_548, %dma_start3A_556] : memref<2x10240x128xf32, #tpu.memory_space<hbm>> -> memref<1x40x128xf32, #tpu.memory_space<hbm>>
    %dma_start3A_558 = tpu.memref_squeeze %dma_start3A_557 : memref<1x40x128xf32, #tpu.memory_space<hbm>> -> memref<40x128xf32, #tpu.memory_space<hbm>>
    tpu.enqueue_dma source(%arg9 : memref<40x128xf32, #tpu.memory_space<vmem>>) target(%dma_start3A_558 : memref<40x128xf32, #tpu.memory_space<hbm>>) target_semaphore(%arg19 : memref<!tpu.dma_semaphore, #tpu.memory_space<semaphore_mem>>)
    %dma_wait3A_559 = arith.constant 0 : i32
    %dma_wait3A_560 = tpu.memref_slice %arg5[%arg0, %add3A_548, %dma_wait3A_559] : memref<2x10240x128xf32, #tpu.memory_space<hbm>> -> memref<1x40x128xf32, #tpu.memory_space<hbm>>
    %dma_wait3A_561 = tpu.memref_squeeze %dma_wait3A_560 : memref<1x40x128xf32, #tpu.memory_space<hbm>> -> memref<40x128xf32, #tpu.memory_space<hbm>>
    %dma_wait3A_562 = arith.constant 0 : i32
    %dma_wait3A_563 = tpu.memref_slice %arg5[%arg0, %add3A_548, %dma_wait3A_562] : memref<2x10240x128xf32, #tpu.memory_space<hbm>> -> memref<1x40x128xf32, #tpu.memory_space<hbm>>
    %dma_wait3A_564 = tpu.memref_squeeze %dma_wait3A_563 : memref<1x40x128xf32, #tpu.memory_space<hbm>> -> memref<40x128xf32, #tpu.memory_space<hbm>>
    tpu.wait_dma2 semaphore(%arg19 : memref<!tpu.dma_semaphore, #tpu.memory_space<semaphore_mem>>) src(%arg9 : memref<40x128xf32, #tpu.memory_space<vmem>>) dst(%dma_wait3A_564 : memref<40x128xf32, #tpu.memory_space<hbm>>)
    %mul3A_565 = arith.constant 640 : i32
    %mul3A_566 = arith.muli %arg1, %mul3A_565 : i32
    %add3A_567 = arith.constant 600 : i32
    %add3A_568 = arith.addi %mul3A_566, %add3A_567 : i32
    %dma_start3A_569 = arith.constant 0 : i32
    %dma_start3A_570 = tpu.memref_slice %arg6[%add3A_568, %dma_start3A_569] : memref<10240x128xf32, #tpu.memory_space<vmem_shared>> -> memref<40x128xf32, #tpu.memory_space<vmem_shared>>
    %dma_start3A_571 = arith.constant 0 : i32
    %dma_start3A_572 = tpu.memref_slice %arg6[%add3A_568, %dma_start3A_571] : memref<10240x128xf32, #tpu.memory_space<vmem_shared>> -> memref<40x128xf32, #tpu.memory_space<vmem_shared>>
    tpu.enqueue_dma source(%dma_start3A_572 : memref<40x128xf32, #tpu.memory_space<vmem_shared>>) target(%arg9 : memref<40x128xf32, #tpu.memory_space<vmem>>) target_semaphore(%arg14 : memref<!tpu.dma_semaphore, #tpu.memory_space<semaphore_mem>>)
    %mul3A_573 = arith.constant 640 : i32
    %mul3A_574 = arith.muli %arg1, %mul3A_573 : i32
    %add3A_575 = arith.constant 440 : i32
    %add3A_576 = arith.addi %mul3A_574, %add3A_575 : i32
    %dma_wait3A_577 = arith.constant 0 : i32
    %dma_wait3A_578 = tpu.memref_slice %arg6[%add3A_456, %dma_wait3A_577] : memref<10240x128xf32, #tpu.memory_space<vmem_shared>> -> memref<40x128xf32, #tpu.memory_space<vmem_shared>>
    %dma_wait3A_579 = arith.constant 0 : i32
    %dma_wait3A_580 = tpu.memref_slice %arg6[%add3A_456, %dma_wait3A_579] : memref<10240x128xf32, #tpu.memory_space<vmem_shared>> -> memref<40x128xf32, #tpu.memory_space<vmem_shared>>
    tpu.wait_dma2 semaphore(%arg15 : memref<!tpu.dma_semaphore, #tpu.memory_space<semaphore_mem>>) src(%dma_wait3A_580 : memref<40x128xf32, #tpu.memory_space<vmem_shared>>) dst(%arg10 : memref<40x128xf32, #tpu.memory_space<vmem>>)
    %dma_start3A_581 = arith.constant 0 : i32
    %dma_start3A_582 = tpu.memref_slice %arg5[%arg0, %add3A_576, %dma_start3A_581] : memref<2x10240x128xf32, #tpu.memory_space<hbm>> -> memref<1x40x128xf32, #tpu.memory_space<hbm>>
    %dma_start3A_583 = tpu.memref_squeeze %dma_start3A_582 : memref<1x40x128xf32, #tpu.memory_space<hbm>> -> memref<40x128xf32, #tpu.memory_space<hbm>>
    %dma_start3A_584 = arith.constant 0 : i32
    %dma_start3A_585 = tpu.memref_slice %arg5[%arg0, %add3A_576, %dma_start3A_584] : memref<2x10240x128xf32, #tpu.memory_space<hbm>> -> memref<1x40x128xf32, #tpu.memory_space<hbm>>
    %dma_start3A_586 = tpu.memref_squeeze %dma_start3A_585 : memref<1x40x128xf32, #tpu.memory_space<hbm>> -> memref<40x128xf32, #tpu.memory_space<hbm>>
    tpu.enqueue_dma source(%arg10 : memref<40x128xf32, #tpu.memory_space<vmem>>) target(%dma_start3A_586 : memref<40x128xf32, #tpu.memory_space<hbm>>) target_semaphore(%arg20 : memref<!tpu.dma_semaphore, #tpu.memory_space<semaphore_mem>>)
    %mul3A_587 = arith.constant 640 : i32
    %mul3A_588 = arith.muli %arg1, %mul3A_587 : i32
    %add3A_589 = arith.constant 480 : i32
    %add3A_590 = arith.addi %mul3A_588, %add3A_589 : i32
    %dma_wait3A_591 = arith.constant 0 : i32
    %dma_wait3A_592 = tpu.memref_slice %arg6[%add3A_484, %dma_wait3A_591] : memref<10240x128xf32, #tpu.memory_space<vmem_shared>> -> memref<40x128xf32, #tpu.memory_space<vmem_shared>>
    %dma_wait3A_593 = arith.constant 0 : i32
    %dma_wait3A_594 = tpu.memref_slice %arg6[%add3A_484, %dma_wait3A_593] : memref<10240x128xf32, #tpu.memory_space<vmem_shared>> -> memref<40x128xf32, #tpu.memory_space<vmem_shared>>
    tpu.wait_dma2 semaphore(%arg16 : memref<!tpu.dma_semaphore, #tpu.memory_space<semaphore_mem>>) src(%dma_wait3A_594 : memref<40x128xf32, #tpu.memory_space<vmem_shared>>) dst(%arg11 : memref<40x128xf32, #tpu.memory_space<vmem>>)
    %dma_start3A_595 = arith.constant 0 : i32
    %dma_start3A_596 = tpu.memref_slice %arg5[%arg0, %add3A_590, %dma_start3A_595] : memref<2x10240x128xf32, #tpu.memory_space<hbm>> -> memref<1x40x128xf32, #tpu.memory_space<hbm>>
    %dma_start3A_597 = tpu.memref_squeeze %dma_start3A_596 : memref<1x40x128xf32, #tpu.memory_space<hbm>> -> memref<40x128xf32, #tpu.memory_space<hbm>>
    %dma_start3A_598 = arith.constant 0 : i32
    %dma_start3A_599 = tpu.memref_slice %arg5[%arg0, %add3A_590, %dma_start3A_598] : memref<2x10240x128xf32, #tpu.memory_space<hbm>> -> memref<1x40x128xf32, #tpu.memory_space<hbm>>
    %dma_start3A_600 = tpu.memref_squeeze %dma_start3A_599 : memref<1x40x128xf32, #tpu.memory_space<hbm>> -> memref<40x128xf32, #tpu.memory_space<hbm>>
    tpu.enqueue_dma source(%arg11 : memref<40x128xf32, #tpu.memory_space<vmem>>) target(%dma_start3A_600 : memref<40x128xf32, #tpu.memory_space<hbm>>) target_semaphore(%arg21 : memref<!tpu.dma_semaphore, #tpu.memory_space<semaphore_mem>>)
    %mul3A_601 = arith.constant 640 : i32
    %mul3A_602 = arith.muli %arg1, %mul3A_601 : i32
    %add3A_603 = arith.constant 520 : i32
    %add3A_604 = arith.addi %mul3A_602, %add3A_603 : i32
    %dma_wait3A_605 = arith.constant 0 : i32
    %dma_wait3A_606 = tpu.memref_slice %arg6[%add3A_512, %dma_wait3A_605] : memref<10240x128xf32, #tpu.memory_space<vmem_shared>> -> memref<40x128xf32, #tpu.memory_space<vmem_shared>>
    %dma_wait3A_607 = arith.constant 0 : i32
    %dma_wait3A_608 = tpu.memref_slice %arg6[%add3A_512, %dma_wait3A_607] : memref<10240x128xf32, #tpu.memory_space<vmem_shared>> -> memref<40x128xf32, #tpu.memory_space<vmem_shared>>
    tpu.wait_dma2 semaphore(%arg17 : memref<!tpu.dma_semaphore, #tpu.memory_space<semaphore_mem>>) src(%dma_wait3A_608 : memref<40x128xf32, #tpu.memory_space<vmem_shared>>) dst(%arg12 : memref<40x128xf32, #tpu.memory_space<vmem>>)
    %dma_start3A_609 = arith.constant 0 : i32
    %dma_start3A_610 = tpu.memref_slice %arg5[%arg0, %add3A_604, %dma_start3A_609] : memref<2x10240x128xf32, #tpu.memory_space<hbm>> -> memref<1x40x128xf32, #tpu.memory_space<hbm>>
    %dma_start3A_611 = tpu.memref_squeeze %dma_start3A_610 : memref<1x40x128xf32, #tpu.memory_space<hbm>> -> memref<40x128xf32, #tpu.memory_space<hbm>>
    %dma_start3A_612 = arith.constant 0 : i32
    %dma_start3A_613 = tpu.memref_slice %arg5[%arg0, %add3A_604, %dma_start3A_612] : memref<2x10240x128xf32, #tpu.memory_space<hbm>> -> memref<1x40x128xf32, #tpu.memory_space<hbm>>
    %dma_start3A_614 = tpu.memref_squeeze %dma_start3A_613 : memref<1x40x128xf32, #tpu.memory_space<hbm>> -> memref<40x128xf32, #tpu.memory_space<hbm>>
    tpu.enqueue_dma source(%arg12 : memref<40x128xf32, #tpu.memory_space<vmem>>) target(%dma_start3A_614 : memref<40x128xf32, #tpu.memory_space<hbm>>) target_semaphore(%arg22 : memref<!tpu.dma_semaphore, #tpu.memory_space<semaphore_mem>>)
    %mul3A_615 = arith.constant 640 : i32
    %mul3A_616 = arith.muli %arg1, %mul3A_615 : i32
    %add3A_617 = arith.constant 560 : i32
    %add3A_618 = arith.addi %mul3A_616, %add3A_617 : i32
    %dma_wait3A_619 = arith.constant 0 : i32
    %dma_wait3A_620 = tpu.memref_slice %arg6[%add3A_540, %dma_wait3A_619] : memref<10240x128xf32, #tpu.memory_space<vmem_shared>> -> memref<40x128xf32, #tpu.memory_space<vmem_shared>>
    %dma_wait3A_621 = arith.constant 0 : i32
    %dma_wait3A_622 = tpu.memref_slice %arg6[%add3A_540, %dma_wait3A_621] : memref<10240x128xf32, #tpu.memory_space<vmem_shared>> -> memref<40x128xf32, #tpu.memory_space<vmem_shared>>
    tpu.wait_dma2 semaphore(%arg18 : memref<!tpu.dma_semaphore, #tpu.memory_space<semaphore_mem>>) src(%dma_wait3A_622 : memref<40x128xf32, #tpu.memory_space<vmem_shared>>) dst(%arg13 : memref<40x128xf32, #tpu.memory_space<vmem>>)
    %dma_start3A_623 = arith.constant 0 : i32
    %dma_start3A_624 = tpu.memref_slice %arg5[%arg0, %add3A_618, %dma_start3A_623] : memref<2x10240x128xf32, #tpu.memory_space<hbm>> -> memref<1x40x128xf32, #tpu.memory_space<hbm>>
    %dma_start3A_625 = tpu.memref_squeeze %dma_start3A_624 : memref<1x40x128xf32, #tpu.memory_space<hbm>> -> memref<40x128xf32, #tpu.memory_space<hbm>>
    %dma_start3A_626 = arith.constant 0 : i32
    %dma_start3A_627 = tpu.memref_slice %arg5[%arg0, %add3A_618, %dma_start3A_626] : memref<2x10240x128xf32, #tpu.memory_space<hbm>> -> memref<1x40x128xf32, #tpu.memory_space<hbm>>
    %dma_start3A_628 = tpu.memref_squeeze %dma_start3A_627 : memref<1x40x128xf32, #tpu.memory_space<hbm>> -> memref<40x128xf32, #tpu.memory_space<hbm>>
    tpu.enqueue_dma source(%arg13 : memref<40x128xf32, #tpu.memory_space<vmem>>) target(%dma_start3A_628 : memref<40x128xf32, #tpu.memory_space<hbm>>) target_semaphore(%arg23 : memref<!tpu.dma_semaphore, #tpu.memory_space<semaphore_mem>>)
    %mul3A_629 = arith.constant 640 : i32
    %mul3A_630 = arith.muli %arg1, %mul3A_629 : i32
    %add3A_631 = arith.constant 600 : i32
    %add3A_632 = arith.addi %mul3A_630, %add3A_631 : i32
    %dma_wait3A_633 = arith.constant 0 : i32
    %dma_wait3A_634 = tpu.memref_slice %arg6[%add3A_568, %dma_wait3A_633] : memref<10240x128xf32, #tpu.memory_space<vmem_shared>> -> memref<40x128xf32, #tpu.memory_space<vmem_shared>>
    %dma_wait3A_635 = arith.constant 0 : i32
    %dma_wait3A_636 = tpu.memref_slice %arg6[%add3A_568, %dma_wait3A_635] : memref<10240x128xf32, #tpu.memory_space<vmem_shared>> -> memref<40x128xf32, #tpu.memory_space<vmem_shared>>
    tpu.wait_dma2 semaphore(%arg14 : memref<!tpu.dma_semaphore, #tpu.memory_space<semaphore_mem>>) src(%dma_wait3A_636 : memref<40x128xf32, #tpu.memory_space<vmem_shared>>) dst(%arg9 : memref<40x128xf32, #tpu.memory_space<vmem>>)
    %dma_start3A_637 = arith.constant 0 : i32
    %dma_start3A_638 = tpu.memref_slice %arg5[%arg0, %add3A_632, %dma_start3A_637] : memref<2x10240x128xf32, #tpu.memory_space<hbm>> -> memref<1x40x128xf32, #tpu.memory_space<hbm>>
    %dma_start3A_639 = tpu.memref_squeeze %dma_start3A_638 : memref<1x40x128xf32, #tpu.memory_space<hbm>> -> memref<40x128xf32, #tpu.memory_space<hbm>>
    %dma_start3A_640 = arith.constant 0 : i32
    %dma_start3A_641 = tpu.memref_slice %arg5[%arg0, %add3A_632, %dma_start3A_640] : memref<2x10240x128xf32, #tpu.memory_space<hbm>> -> memref<1x40x128xf32, #tpu.memory_space<hbm>>
    %dma_start3A_642 = tpu.memref_squeeze %dma_start3A_641 : memref<1x40x128xf32, #tpu.memory_space<hbm>> -> memref<40x128xf32, #tpu.memory_space<hbm>>
    tpu.enqueue_dma source(%arg9 : memref<40x128xf32, #tpu.memory_space<vmem>>) target(%dma_start3A_642 : memref<40x128xf32, #tpu.memory_space<hbm>>) target_semaphore(%arg19 : memref<!tpu.dma_semaphore, #tpu.memory_space<semaphore_mem>>)
    %dma_wait3A_643 = arith.constant 0 : i32
    %dma_wait3A_644 = tpu.memref_slice %arg5[%arg0, %add3A_576, %dma_wait3A_643] : memref<2x10240x128xf32, #tpu.memory_space<hbm>> -> memref<1x40x128xf32, #tpu.memory_space<hbm>>
    %dma_wait3A_645 = tpu.memref_squeeze %dma_wait3A_644 : memref<1x40x128xf32, #tpu.memory_space<hbm>> -> memref<40x128xf32, #tpu.memory_space<hbm>>
    %dma_wait3A_646 = arith.constant 0 : i32
    %dma_wait3A_647 = tpu.memref_slice %arg5[%arg0, %add3A_576, %dma_wait3A_646] : memref<2x10240x128xf32, #tpu.memory_space<hbm>> -> memref<1x40x128xf32, #tpu.memory_space<hbm>>
    %dma_wait3A_648 = tpu.memref_squeeze %dma_wait3A_647 : memref<1x40x128xf32, #tpu.memory_space<hbm>> -> memref<40x128xf32, #tpu.memory_space<hbm>>
    tpu.wait_dma2 semaphore(%arg20 : memref<!tpu.dma_semaphore, #tpu.memory_space<semaphore_mem>>) src(%arg10 : memref<40x128xf32, #tpu.memory_space<vmem>>) dst(%dma_wait3A_648 : memref<40x128xf32, #tpu.memory_space<hbm>>)
    %dma_wait3A_649 = arith.constant 0 : i32
    %dma_wait3A_650 = tpu.memref_slice %arg5[%arg0, %add3A_590, %dma_wait3A_649] : memref<2x10240x128xf32, #tpu.memory_space<hbm>> -> memref<1x40x128xf32, #tpu.memory_space<hbm>>
    %dma_wait3A_651 = tpu.memref_squeeze %dma_wait3A_650 : memref<1x40x128xf32, #tpu.memory_space<hbm>> -> memref<40x128xf32, #tpu.memory_space<hbm>>
    %dma_wait3A_652 = arith.constant 0 : i32
    %dma_wait3A_653 = tpu.memref_slice %arg5[%arg0, %add3A_590, %dma_wait3A_652] : memref<2x10240x128xf32, #tpu.memory_space<hbm>> -> memref<1x40x128xf32, #tpu.memory_space<hbm>>
    %dma_wait3A_654 = tpu.memref_squeeze %dma_wait3A_653 : memref<1x40x128xf32, #tpu.memory_space<hbm>> -> memref<40x128xf32, #tpu.memory_space<hbm>>
    tpu.wait_dma2 semaphore(%arg21 : memref<!tpu.dma_semaphore, #tpu.memory_space<semaphore_mem>>) src(%arg11 : memref<40x128xf32, #tpu.memory_space<vmem>>) dst(%dma_wait3A_654 : memref<40x128xf32, #tpu.memory_space<hbm>>)
    %dma_wait3A_655 = arith.constant 0 : i32
    %dma_wait3A_656 = tpu.memref_slice %arg5[%arg0, %add3A_604, %dma_wait3A_655] : memref<2x10240x128xf32, #tpu.memory_space<hbm>> -> memref<1x40x128xf32, #tpu.memory_space<hbm>>
    %dma_wait3A_657 = tpu.memref_squeeze %dma_wait3A_656 : memref<1x40x128xf32, #tpu.memory_space<hbm>> -> memref<40x128xf32, #tpu.memory_space<hbm>>
    %dma_wait3A_658 = arith.constant 0 : i32
    %dma_wait3A_659 = tpu.memref_slice %arg5[%arg0, %add3A_604, %dma_wait3A_658] : memref<2x10240x128xf32, #tpu.memory_space<hbm>> -> memref<1x40x128xf32, #tpu.memory_space<hbm>>
    %dma_wait3A_660 = tpu.memref_squeeze %dma_wait3A_659 : memref<1x40x128xf32, #tpu.memory_space<hbm>> -> memref<40x128xf32, #tpu.memory_space<hbm>>
    tpu.wait_dma2 semaphore(%arg22 : memref<!tpu.dma_semaphore, #tpu.memory_space<semaphore_mem>>) src(%arg12 : memref<40x128xf32, #tpu.memory_space<vmem>>) dst(%dma_wait3A_660 : memref<40x128xf32, #tpu.memory_space<hbm>>)
    %dma_wait3A_661 = arith.constant 0 : i32
    %dma_wait3A_662 = tpu.memref_slice %arg5[%arg0, %add3A_618, %dma_wait3A_661] : memref<2x10240x128xf32, #tpu.memory_space<hbm>> -> memref<1x40x128xf32, #tpu.memory_space<hbm>>
    %dma_wait3A_663 = tpu.memref_squeeze %dma_wait3A_662 : memref<1x40x128xf32, #tpu.memory_space<hbm>> -> memref<40x128xf32, #tpu.memory_space<hbm>>
    %dma_wait3A_664 = arith.constant 0 : i32
    %dma_wait3A_665 = tpu.memref_slice %arg5[%arg0, %add3A_618, %dma_wait3A_664] : memref<2x10240x128xf32, #tpu.memory_space<hbm>> -> memref<1x40x128xf32, #tpu.memory_space<hbm>>
    %dma_wait3A_666 = tpu.memref_squeeze %dma_wait3A_665 : memref<1x40x128xf32, #tpu.memory_space<hbm>> -> memref<40x128xf32, #tpu.memory_space<hbm>>
    tpu.wait_dma2 semaphore(%arg23 : memref<!tpu.dma_semaphore, #tpu.memory_space<semaphore_mem>>) src(%arg13 : memref<40x128xf32, #tpu.memory_space<vmem>>) dst(%dma_wait3A_666 : memref<40x128xf32, #tpu.memory_space<hbm>>)
    %dma_wait3A_667 = arith.constant 0 : i32
    %dma_wait3A_668 = tpu.memref_slice %arg5[%arg0, %add3A_632, %dma_wait3A_667] : memref<2x10240x128xf32, #tpu.memory_space<hbm>> -> memref<1x40x128xf32, #tpu.memory_space<hbm>>
    %dma_wait3A_669 = tpu.memref_squeeze %dma_wait3A_668 : memref<1x40x128xf32, #tpu.memory_space<hbm>> -> memref<40x128xf32, #tpu.memory_space<hbm>>
    %dma_wait3A_670 = arith.constant 0 : i32
    %dma_wait3A_671 = tpu.memref_slice %arg5[%arg0, %add3A_632, %dma_wait3A_670] : memref<2x10240x128xf32, #tpu.memory_space<hbm>> -> memref<1x40x128xf32, #tpu.memory_space<hbm>>
    %dma_wait3A_672 = tpu.memref_squeeze %dma_wait3A_671 : memref<1x40x128xf32, #tpu.memory_space<hbm>> -> memref<40x128xf32, #tpu.memory_space<hbm>>
    tpu.wait_dma2 semaphore(%arg19 : memref<!tpu.dma_semaphore, #tpu.memory_space<semaphore_mem>>) src(%arg9 : memref<40x128xf32, #tpu.memory_space<vmem>>) dst(%dma_wait3A_672 : memref<40x128xf32, #tpu.memory_space<hbm>>)
    return
  }
}

#map = affine_map<(d0, d1) -> (0, 0)>
#map1 = affine_map<(d0, d1) -> (0, 0, 0)>
module attributes {stable_mosaic.version = 14 : i64} {
  func.func @_sc_degrees(%arg0: i32, %arg1: i32, %arg2: memref<2x320000xi32, #tpu.memory_space<hbm>>, %arg3: memref<200x16xf32, #tpu.memory_space<hbm>>, %arg4: memref<640x16xf32, #tpu.memory_space<hbm>>, %arg5: memref<2x10240x16xf32, #tpu.memory_space<hbm>>, %arg6: memref<2x10240x16xf32, #tpu.memory_space<hbm>>, %arg7: memref<10240x16xf32, #tpu.memory_space<vmem_shared>>, %arg8: memref<10240x16xf32, #tpu.memory_space<vmem_shared>>, %arg9: memref<10000xi32, #tpu.memory_space<vmem>>, %arg10: memref<10000xi32, #tpu.memory_space<vmem>>, %arg11: memref<200x16xf32, #tpu.memory_space<vmem>>, %arg12: memref<640x16xf32, #tpu.memory_space<vmem>>, %arg13: memref<!tpu.dma_semaphore, #tpu.memory_space<semaphore_mem>>, %arg14: memref<!tpu.dma_semaphore, #tpu.memory_space<semaphore_mem>>, %arg15: memref<!tpu.dma_semaphore, #tpu.memory_space<semaphore_mem>>, %arg16: memref<!tpu.dma_semaphore, #tpu.memory_space<semaphore_mem>>, %arg17: memref<!tpu.dma_semaphore, #tpu.memory_space<semaphore_mem>>, %arg18: memref<!tpu.dma_semaphore, #tpu.memory_space<semaphore_mem>>, %arg19: memref<!tpu.dma_semaphore, #tpu.memory_space<semaphore_mem>>, %arg20: memref<!tpu.dma_semaphore, #tpu.memory_space<semaphore_mem>>) attributes {dimension_semantics = [#tpu.dimension_semantics<core_parallel>, #tpu.dimension_semantics<subcore_parallel>], iteration_bounds = array<i64: 2, 16>, scalar_prefetch = 0 : i64, scratch_operands = 14 : i64, tpu.core_type = #tpu.core_type<sc_vector_subcore>, window_params = [{transform_indices = #map}, {transform_indices = #map}, {transform_indices = #map}, {transform_indices = #map1}, {transform_indices = #map1}]} {
    %mul3A = arith.constant 16 : i32
    %mul3A_0 = arith.muli %arg0, %mul3A : i32
    %add3A = arith.addi %mul3A_0, %arg1 : i32
    "tpu.region"() ({
      %run_scoped3A_50 = tpu.sem_alloc : memref<!tpu.dma_semaphore, #tpu.memory_space<semaphore_mem>>
      tpu.enqueue_dma source(%arg4 : memref<640x16xf32, #tpu.memory_space<hbm>>) target(%arg12 : memref<640x16xf32, #tpu.memory_space<vmem>>) target_semaphore(%run_scoped3A_50 : memref<!tpu.dma_semaphore, #tpu.memory_space<semaphore_mem>>)
      tpu.wait_dma2 semaphore(%run_scoped3A_50 : memref<!tpu.dma_semaphore, #tpu.memory_space<semaphore_mem>>) src(%arg4 : memref<640x16xf32, #tpu.memory_space<hbm>>) dst(%arg12 : memref<640x16xf32, #tpu.memory_space<vmem>>)
      tpu.yield
    }) : () -> ()
    %mul3A_1 = arith.constant 640 : i32
    %mul3A_2 = arith.muli %arg1, %mul3A_1 : i32
    "tpu.region"() ({
      %run_scoped3A_50 = tpu.sem_alloc : memref<!tpu.dma_semaphore, #tpu.memory_space<semaphore_mem>>
      %dma_start3A_51 = arith.constant 0 : i32
      %dma_start3A_52 = tpu.memref_slice %arg7[%mul3A_2, %dma_start3A_51] : memref<10240x16xf32, #tpu.memory_space<vmem_shared>> -> memref<640x16xf32, #tpu.memory_space<vmem_shared>>
      %dma_start3A_53 = arith.constant 0 : i32
      %dma_start3A_54 = tpu.memref_slice %arg7[%mul3A_2, %dma_start3A_53] : memref<10240x16xf32, #tpu.memory_space<vmem_shared>> -> memref<640x16xf32, #tpu.memory_space<vmem_shared>>
      tpu.enqueue_dma source(%arg12 : memref<640x16xf32, #tpu.memory_space<vmem>>) target(%dma_start3A_54 : memref<640x16xf32, #tpu.memory_space<vmem_shared>>) target_semaphore(%run_scoped3A_50 : memref<!tpu.dma_semaphore, #tpu.memory_space<semaphore_mem>>)
      %dma_wait3A_55 = arith.constant 0 : i32
      %dma_wait3A_56 = tpu.memref_slice %arg7[%mul3A_2, %dma_wait3A_55] : memref<10240x16xf32, #tpu.memory_space<vmem_shared>> -> memref<640x16xf32, #tpu.memory_space<vmem_shared>>
      %dma_wait3A_57 = arith.constant 0 : i32
      %dma_wait3A_58 = tpu.memref_slice %arg7[%mul3A_2, %dma_wait3A_57] : memref<10240x16xf32, #tpu.memory_space<vmem_shared>> -> memref<640x16xf32, #tpu.memory_space<vmem_shared>>
      tpu.wait_dma2 semaphore(%run_scoped3A_50 : memref<!tpu.dma_semaphore, #tpu.memory_space<semaphore_mem>>) src(%arg12 : memref<640x16xf32, #tpu.memory_space<vmem>>) dst(%dma_wait3A_58 : memref<640x16xf32, #tpu.memory_space<vmem_shared>>)
      tpu.yield
    }) : () -> ()
    "tpu.region"() ({
      %run_scoped3A_50 = tpu.sem_alloc : memref<!tpu.dma_semaphore, #tpu.memory_space<semaphore_mem>>
      %dma_start3A_51 = arith.constant 0 : i32
      %dma_start3A_52 = tpu.memref_slice %arg8[%mul3A_2, %dma_start3A_51] : memref<10240x16xf32, #tpu.memory_space<vmem_shared>> -> memref<640x16xf32, #tpu.memory_space<vmem_shared>>
      %dma_start3A_53 = arith.constant 0 : i32
      %dma_start3A_54 = tpu.memref_slice %arg8[%mul3A_2, %dma_start3A_53] : memref<10240x16xf32, #tpu.memory_space<vmem_shared>> -> memref<640x16xf32, #tpu.memory_space<vmem_shared>>
      tpu.enqueue_dma source(%arg12 : memref<640x16xf32, #tpu.memory_space<vmem>>) target(%dma_start3A_54 : memref<640x16xf32, #tpu.memory_space<vmem_shared>>) target_semaphore(%run_scoped3A_50 : memref<!tpu.dma_semaphore, #tpu.memory_space<semaphore_mem>>)
      %dma_wait3A_55 = arith.constant 0 : i32
      %dma_wait3A_56 = tpu.memref_slice %arg8[%mul3A_2, %dma_wait3A_55] : memref<10240x16xf32, #tpu.memory_space<vmem_shared>> -> memref<640x16xf32, #tpu.memory_space<vmem_shared>>
      %dma_wait3A_57 = arith.constant 0 : i32
      %dma_wait3A_58 = tpu.memref_slice %arg8[%mul3A_2, %dma_wait3A_57] : memref<10240x16xf32, #tpu.memory_space<vmem_shared>> -> memref<640x16xf32, #tpu.memory_space<vmem_shared>>
      tpu.wait_dma2 semaphore(%run_scoped3A_50 : memref<!tpu.dma_semaphore, #tpu.memory_space<semaphore_mem>>) src(%arg12 : memref<640x16xf32, #tpu.memory_space<vmem>>) dst(%dma_wait3A_58 : memref<640x16xf32, #tpu.memory_space<vmem_shared>>)
      tpu.yield
    }) : () -> ()
    "tpu.region"() ({
      %run_scoped3A_50 = tpu.sem_alloc : memref<!tpu.dma_semaphore, #tpu.memory_space<semaphore_mem>>
      tpu.enqueue_dma source(%arg3 : memref<200x16xf32, #tpu.memory_space<hbm>>) target(%arg11 : memref<200x16xf32, #tpu.memory_space<vmem>>) target_semaphore(%run_scoped3A_50 : memref<!tpu.dma_semaphore, #tpu.memory_space<semaphore_mem>>)
      tpu.wait_dma2 semaphore(%run_scoped3A_50 : memref<!tpu.dma_semaphore, #tpu.memory_space<semaphore_mem>>) src(%arg3 : memref<200x16xf32, #tpu.memory_space<hbm>>) dst(%arg11 : memref<200x16xf32, #tpu.memory_space<vmem>>)
      tpu.yield
    }) : () -> ()
    %mul3A_3 = arith.constant 10000 : i32
    %mul3A_4 = arith.muli %add3A, %mul3A_3 : i32
    %run_scoped3A = arith.constant 0 : i32
    "tpu.region"() ({
      %run_scoped3A_50 = tpu.sem_alloc : memref<!tpu.dma_semaphore, #tpu.memory_space<semaphore_mem>>
      %dma_start3A_51 = tpu.memref_slice %arg2[%run_scoped3A, %mul3A_4] : memref<2x320000xi32, #tpu.memory_space<hbm>> -> memref<1x10000xi32, #tpu.memory_space<hbm>>
      %dma_start3A_52 = tpu.memref_squeeze %dma_start3A_51 : memref<1x10000xi32, #tpu.memory_space<hbm>> -> memref<10000xi32, #tpu.memory_space<hbm>>
      %dma_start3A_53 = tpu.memref_slice %arg2[%run_scoped3A, %mul3A_4] : memref<2x320000xi32, #tpu.memory_space<hbm>> -> memref<1x10000xi32, #tpu.memory_space<hbm>>
      %dma_start3A_54 = tpu.memref_squeeze %dma_start3A_53 : memref<1x10000xi32, #tpu.memory_space<hbm>> -> memref<10000xi32, #tpu.memory_space<hbm>>
      tpu.enqueue_dma source(%dma_start3A_54 : memref<10000xi32, #tpu.memory_space<hbm>>) target(%arg9 : memref<10000xi32, #tpu.memory_space<vmem>>) target_semaphore(%run_scoped3A_50 : memref<!tpu.dma_semaphore, #tpu.memory_space<semaphore_mem>>)
      %dma_wait3A_55 = tpu.memref_slice %arg2[%run_scoped3A, %mul3A_4] : memref<2x320000xi32, #tpu.memory_space<hbm>> -> memref<1x10000xi32, #tpu.memory_space<hbm>>
      %dma_wait3A_56 = tpu.memref_squeeze %dma_wait3A_55 : memref<1x10000xi32, #tpu.memory_space<hbm>> -> memref<10000xi32, #tpu.memory_space<hbm>>
      %dma_wait3A_57 = tpu.memref_slice %arg2[%run_scoped3A, %mul3A_4] : memref<2x320000xi32, #tpu.memory_space<hbm>> -> memref<1x10000xi32, #tpu.memory_space<hbm>>
      %dma_wait3A_58 = tpu.memref_squeeze %dma_wait3A_57 : memref<1x10000xi32, #tpu.memory_space<hbm>> -> memref<10000xi32, #tpu.memory_space<hbm>>
      tpu.wait_dma2 semaphore(%run_scoped3A_50 : memref<!tpu.dma_semaphore, #tpu.memory_space<semaphore_mem>>) src(%dma_wait3A_58 : memref<10000xi32, #tpu.memory_space<hbm>>) dst(%arg9 : memref<10000xi32, #tpu.memory_space<vmem>>)
      tpu.yield
    }) : () -> ()
    %run_scoped3A_5 = arith.constant 1 : i32
    "tpu.region"() ({
      %run_scoped3A_50 = tpu.sem_alloc : memref<!tpu.dma_semaphore, #tpu.memory_space<semaphore_mem>>
      %dma_start3A_51 = tpu.memref_slice %arg2[%run_scoped3A_5, %mul3A_4] : memref<2x320000xi32, #tpu.memory_space<hbm>> -> memref<1x10000xi32, #tpu.memory_space<hbm>>
      %dma_start3A_52 = tpu.memref_squeeze %dma_start3A_51 : memref<1x10000xi32, #tpu.memory_space<hbm>> -> memref<10000xi32, #tpu.memory_space<hbm>>
      %dma_start3A_53 = tpu.memref_slice %arg2[%run_scoped3A_5, %mul3A_4] : memref<2x320000xi32, #tpu.memory_space<hbm>> -> memref<1x10000xi32, #tpu.memory_space<hbm>>
      %dma_start3A_54 = tpu.memref_squeeze %dma_start3A_53 : memref<1x10000xi32, #tpu.memory_space<hbm>> -> memref<10000xi32, #tpu.memory_space<hbm>>
      tpu.enqueue_dma source(%dma_start3A_54 : memref<10000xi32, #tpu.memory_space<hbm>>) target(%arg10 : memref<10000xi32, #tpu.memory_space<vmem>>) target_semaphore(%run_scoped3A_50 : memref<!tpu.dma_semaphore, #tpu.memory_space<semaphore_mem>>)
      %dma_wait3A_55 = tpu.memref_slice %arg2[%run_scoped3A_5, %mul3A_4] : memref<2x320000xi32, #tpu.memory_space<hbm>> -> memref<1x10000xi32, #tpu.memory_space<hbm>>
      %dma_wait3A_56 = tpu.memref_squeeze %dma_wait3A_55 : memref<1x10000xi32, #tpu.memory_space<hbm>> -> memref<10000xi32, #tpu.memory_space<hbm>>
      %dma_wait3A_57 = tpu.memref_slice %arg2[%run_scoped3A_5, %mul3A_4] : memref<2x320000xi32, #tpu.memory_space<hbm>> -> memref<1x10000xi32, #tpu.memory_space<hbm>>
      %dma_wait3A_58 = tpu.memref_squeeze %dma_wait3A_57 : memref<1x10000xi32, #tpu.memory_space<hbm>> -> memref<10000xi32, #tpu.memory_space<hbm>>
      tpu.wait_dma2 semaphore(%run_scoped3A_50 : memref<!tpu.dma_semaphore, #tpu.memory_space<semaphore_mem>>) src(%dma_wait3A_58 : memref<10000xi32, #tpu.memory_space<hbm>>) dst(%arg10 : memref<10000xi32, #tpu.memory_space<vmem>>)
      tpu.yield
    }) : () -> ()
    %barrier3A = arith.constant 0 : index
    tpu.barrier barrier_id(%barrier3A)
    %scan3A = arith.constant 0 : i32
    %scan3A_6 = arith.constant 0 : i32
    %scan3A_7 = arith.constant 12 : i32
    %scan3A_8 = arith.addi %scan3A_6, %scan3A_7 : i32
    %scan3A_9 = arith.constant 1 : i32
    scf.for %scan3A_50 = %scan3A_6 to %scan3A_8 step %scan3A_9  : i32 {
      %mul3A_51 = arith.constant 4 : i32
      %mul3A_52 = arith.muli %scan3A_50, %mul3A_51 : i32
      %add3A_53 = arith.constant 0 : i32
      %add3A_54 = arith.addi %mul3A_52, %add3A_53 : i32
      %mul3A_55 = arith.constant 200 : i32
      %mul3A_56 = arith.muli %add3A_54, %mul3A_55 : i32
      %dma_start3A_57 = tpu.memref_slice %arg9[%mul3A_56] : memref<10000xi32, #tpu.memory_space<vmem>> -> memref<200xi32, #tpu.memory_space<vmem>>
      %dma_start3A_58 = arith.constant 0 : i32
      %dma_start3A_59 = arith.constant 0 : i32
      %dma_start3A_60 = tpu.memref_slice %arg7[%dma_start3A_58, %dma_start3A_59] : memref<10240x16xf32, #tpu.memory_space<vmem_shared>> -> memref<10240x16xf32, #tpu.memory_space<vmem_shared>>
      tpu.enqueue_indirect_dma source(%arg11 : memref<200x16xf32, #tpu.memory_space<vmem>>) target(%dma_start3A_60 : memref<10240x16xf32, #tpu.memory_space<vmem_shared>>) offsets(%dma_start3A_57 : memref<200xi32, #tpu.memory_space<vmem>>) semaphore(%arg13 : memref<!tpu.dma_semaphore, #tpu.memory_space<semaphore_mem>>) {add = true}
      %dma_start3A_61 = tpu.memref_slice %arg10[%mul3A_56] : memref<10000xi32, #tpu.memory_space<vmem>> -> memref<200xi32, #tpu.memory_space<vmem>>
      %dma_start3A_62 = arith.constant 0 : i32
      %dma_start3A_63 = arith.constant 0 : i32
      %dma_start3A_64 = tpu.memref_slice %arg8[%dma_start3A_62, %dma_start3A_63] : memref<10240x16xf32, #tpu.memory_space<vmem_shared>> -> memref<10240x16xf32, #tpu.memory_space<vmem_shared>>
      tpu.enqueue_indirect_dma source(%arg11 : memref<200x16xf32, #tpu.memory_space<vmem>>) target(%dma_start3A_64 : memref<10240x16xf32, #tpu.memory_space<vmem_shared>>) offsets(%dma_start3A_61 : memref<200xi32, #tpu.memory_space<vmem>>) semaphore(%arg14 : memref<!tpu.dma_semaphore, #tpu.memory_space<semaphore_mem>>) {add = true}
      %mul3A_65 = arith.constant 4 : i32
      %mul3A_66 = arith.muli %scan3A_50, %mul3A_65 : i32
      %add3A_67 = arith.constant 1 : i32
      %add3A_68 = arith.addi %mul3A_66, %add3A_67 : i32
      %mul3A_69 = arith.constant 200 : i32
      %mul3A_70 = arith.muli %add3A_68, %mul3A_69 : i32
      %dma_start3A_71 = tpu.memref_slice %arg9[%mul3A_70] : memref<10000xi32, #tpu.memory_space<vmem>> -> memref<200xi32, #tpu.memory_space<vmem>>
      %dma_start3A_72 = arith.constant 0 : i32
      %dma_start3A_73 = arith.constant 0 : i32
      %dma_start3A_74 = tpu.memref_slice %arg7[%dma_start3A_72, %dma_start3A_73] : memref<10240x16xf32, #tpu.memory_space<vmem_shared>> -> memref<10240x16xf32, #tpu.memory_space<vmem_shared>>
      tpu.enqueue_indirect_dma source(%arg11 : memref<200x16xf32, #tpu.memory_space<vmem>>) target(%dma_start3A_74 : memref<10240x16xf32, #tpu.memory_space<vmem_shared>>) offsets(%dma_start3A_71 : memref<200xi32, #tpu.memory_space<vmem>>) semaphore(%arg15 : memref<!tpu.dma_semaphore, #tpu.memory_space<semaphore_mem>>) {add = true}
      %dma_start3A_75 = tpu.memref_slice %arg10[%mul3A_70] : memref<10000xi32, #tpu.memory_space<vmem>> -> memref<200xi32, #tpu.memory_space<vmem>>
      %dma_start3A_76 = arith.constant 0 : i32
      %dma_start3A_77 = arith.constant 0 : i32
      %dma_start3A_78 = tpu.memref_slice %arg8[%dma_start3A_76, %dma_start3A_77] : memref<10240x16xf32, #tpu.memory_space<vmem_shared>> -> memref<10240x16xf32, #tpu.memory_space<vmem_shared>>
      tpu.enqueue_indirect_dma source(%arg11 : memref<200x16xf32, #tpu.memory_space<vmem>>) target(%dma_start3A_78 : memref<10240x16xf32, #tpu.memory_space<vmem_shared>>) offsets(%dma_start3A_75 : memref<200xi32, #tpu.memory_space<vmem>>) semaphore(%arg16 : memref<!tpu.dma_semaphore, #tpu.memory_space<semaphore_mem>>) {add = true}
      %mul3A_79 = arith.constant 4 : i32
      %mul3A_80 = arith.muli %scan3A_50, %mul3A_79 : i32
      %add3A_81 = arith.constant 2 : i32
      %add3A_82 = arith.addi %mul3A_80, %add3A_81 : i32
      %mul3A_83 = arith.constant 200 : i32
      %mul3A_84 = arith.muli %add3A_82, %mul3A_83 : i32
      %dma_start3A_85 = tpu.memref_slice %arg9[%mul3A_84] : memref<10000xi32, #tpu.memory_space<vmem>> -> memref<200xi32, #tpu.memory_space<vmem>>
      %dma_start3A_86 = arith.constant 0 : i32
      %dma_start3A_87 = arith.constant 0 : i32
      %dma_start3A_88 = tpu.memref_slice %arg7[%dma_start3A_86, %dma_start3A_87] : memref<10240x16xf32, #tpu.memory_space<vmem_shared>> -> memref<10240x16xf32, #tpu.memory_space<vmem_shared>>
      tpu.enqueue_indirect_dma source(%arg11 : memref<200x16xf32, #tpu.memory_space<vmem>>) target(%dma_start3A_88 : memref<10240x16xf32, #tpu.memory_space<vmem_shared>>) offsets(%dma_start3A_85 : memref<200xi32, #tpu.memory_space<vmem>>) semaphore(%arg17 : memref<!tpu.dma_semaphore, #tpu.memory_space<semaphore_mem>>) {add = true}
      %dma_start3A_89 = tpu.memref_slice %arg10[%mul3A_84] : memref<10000xi32, #tpu.memory_space<vmem>> -> memref<200xi32, #tpu.memory_space<vmem>>
      %dma_start3A_90 = arith.constant 0 : i32
      %dma_start3A_91 = arith.constant 0 : i32
      %dma_start3A_92 = tpu.memref_slice %arg8[%dma_start3A_90, %dma_start3A_91] : memref<10240x16xf32, #tpu.memory_space<vmem_shared>> -> memref<10240x16xf32, #tpu.memory_space<vmem_shared>>
      tpu.enqueue_indirect_dma source(%arg11 : memref<200x16xf32, #tpu.memory_space<vmem>>) target(%dma_start3A_92 : memref<10240x16xf32, #tpu.memory_space<vmem_shared>>) offsets(%dma_start3A_89 : memref<200xi32, #tpu.memory_space<vmem>>) semaphore(%arg18 : memref<!tpu.dma_semaphore, #tpu.memory_space<semaphore_mem>>) {add = true}
      %mul3A_93 = arith.constant 4 : i32
      %mul3A_94 = arith.muli %scan3A_50, %mul3A_93 : i32
      %add3A_95 = arith.constant 3 : i32
      %add3A_96 = arith.addi %mul3A_94, %add3A_95 : i32
      %mul3A_97 = arith.constant 200 : i32
      %mul3A_98 = arith.muli %add3A_96, %mul3A_97 : i32
      %dma_start3A_99 = tpu.memref_slice %arg9[%mul3A_98] : memref<10000xi32, #tpu.memory_space<vmem>> -> memref<200xi32, #tpu.memory_space<vmem>>
      %dma_start3A_100 = arith.constant 0 : i32
      %dma_start3A_101 = arith.constant 0 : i32
      %dma_start3A_102 = tpu.memref_slice %arg7[%dma_start3A_100, %dma_start3A_101] : memref<10240x16xf32, #tpu.memory_space<vmem_shared>> -> memref<10240x16xf32, #tpu.memory_space<vmem_shared>>
      tpu.enqueue_indirect_dma source(%arg11 : memref<200x16xf32, #tpu.memory_space<vmem>>) target(%dma_start3A_102 : memref<10240x16xf32, #tpu.memory_space<vmem_shared>>) offsets(%dma_start3A_99 : memref<200xi32, #tpu.memory_space<vmem>>) semaphore(%arg19 : memref<!tpu.dma_semaphore, #tpu.memory_space<semaphore_mem>>) {add = true}
      %dma_start3A_103 = tpu.memref_slice %arg10[%mul3A_98] : memref<10000xi32, #tpu.memory_space<vmem>> -> memref<200xi32, #tpu.memory_space<vmem>>
      %dma_start3A_104 = arith.constant 0 : i32
      %dma_start3A_105 = arith.constant 0 : i32
      %dma_start3A_106 = tpu.memref_slice %arg8[%dma_start3A_104, %dma_start3A_105] : memref<10240x16xf32, #tpu.memory_space<vmem_shared>> -> memref<10240x16xf32, #tpu.memory_space<vmem_shared>>
      tpu.enqueue_indirect_dma source(%arg11 : memref<200x16xf32, #tpu.memory_space<vmem>>) target(%dma_start3A_106 : memref<10240x16xf32, #tpu.memory_space<vmem_shared>>) offsets(%dma_start3A_103 : memref<200xi32, #tpu.memory_space<vmem>>) semaphore(%arg20 : memref<!tpu.dma_semaphore, #tpu.memory_space<semaphore_mem>>) {add = true}
      %dma_wait3A_107 = tpu.memref_slice %arg9[%mul3A_56] : memref<10000xi32, #tpu.memory_space<vmem>> -> memref<200xi32, #tpu.memory_space<vmem>>
      %dma_wait3A_108 = arith.constant 0 : i32
      %dma_wait3A_109 = arith.constant 0 : i32
      %dma_wait3A_110 = tpu.memref_slice %arg7[%dma_wait3A_108, %dma_wait3A_109] : memref<10240x16xf32, #tpu.memory_space<vmem_shared>> -> memref<10240x16xf32, #tpu.memory_space<vmem_shared>>
      tpu.wait_indirect_dma semaphore(%arg13 : memref<!tpu.dma_semaphore, #tpu.memory_space<semaphore_mem>>) src(%arg11 : memref<200x16xf32, #tpu.memory_space<vmem>>) dst(%dma_wait3A_110 : memref<10240x16xf32, #tpu.memory_space<vmem_shared>>)
      %dma_wait3A_111 = tpu.memref_slice %arg10[%mul3A_56] : memref<10000xi32, #tpu.memory_space<vmem>> -> memref<200xi32, #tpu.memory_space<vmem>>
      %dma_wait3A_112 = arith.constant 0 : i32
      %dma_wait3A_113 = arith.constant 0 : i32
      %dma_wait3A_114 = tpu.memref_slice %arg8[%dma_wait3A_112, %dma_wait3A_113] : memref<10240x16xf32, #tpu.memory_space<vmem_shared>> -> memref<10240x16xf32, #tpu.memory_space<vmem_shared>>
      tpu.wait_indirect_dma semaphore(%arg14 : memref<!tpu.dma_semaphore, #tpu.memory_space<semaphore_mem>>) src(%arg11 : memref<200x16xf32, #tpu.memory_space<vmem>>) dst(%dma_wait3A_114 : memref<10240x16xf32, #tpu.memory_space<vmem_shared>>)
      %dma_wait3A_115 = tpu.memref_slice %arg9[%mul3A_70] : memref<10000xi32, #tpu.memory_space<vmem>> -> memref<200xi32, #tpu.memory_space<vmem>>
      %dma_wait3A_116 = arith.constant 0 : i32
      %dma_wait3A_117 = arith.constant 0 : i32
      %dma_wait3A_118 = tpu.memref_slice %arg7[%dma_wait3A_116, %dma_wait3A_117] : memref<10240x16xf32, #tpu.memory_space<vmem_shared>> -> memref<10240x16xf32, #tpu.memory_space<vmem_shared>>
      tpu.wait_indirect_dma semaphore(%arg15 : memref<!tpu.dma_semaphore, #tpu.memory_space<semaphore_mem>>) src(%arg11 : memref<200x16xf32, #tpu.memory_space<vmem>>) dst(%dma_wait3A_118 : memref<10240x16xf32, #tpu.memory_space<vmem_shared>>)
      %dma_wait3A_119 = tpu.memref_slice %arg10[%mul3A_70] : memref<10000xi32, #tpu.memory_space<vmem>> -> memref<200xi32, #tpu.memory_space<vmem>>
      %dma_wait3A_120 = arith.constant 0 : i32
      %dma_wait3A_121 = arith.constant 0 : i32
      %dma_wait3A_122 = tpu.memref_slice %arg8[%dma_wait3A_120, %dma_wait3A_121] : memref<10240x16xf32, #tpu.memory_space<vmem_shared>> -> memref<10240x16xf32, #tpu.memory_space<vmem_shared>>
      tpu.wait_indirect_dma semaphore(%arg16 : memref<!tpu.dma_semaphore, #tpu.memory_space<semaphore_mem>>) src(%arg11 : memref<200x16xf32, #tpu.memory_space<vmem>>) dst(%dma_wait3A_122 : memref<10240x16xf32, #tpu.memory_space<vmem_shared>>)
      %dma_wait3A_123 = tpu.memref_slice %arg9[%mul3A_84] : memref<10000xi32, #tpu.memory_space<vmem>> -> memref<200xi32, #tpu.memory_space<vmem>>
      %dma_wait3A_124 = arith.constant 0 : i32
      %dma_wait3A_125 = arith.constant 0 : i32
      %dma_wait3A_126 = tpu.memref_slice %arg7[%dma_wait3A_124, %dma_wait3A_125] : memref<10240x16xf32, #tpu.memory_space<vmem_shared>> -> memref<10240x16xf32, #tpu.memory_space<vmem_shared>>
      tpu.wait_indirect_dma semaphore(%arg17 : memref<!tpu.dma_semaphore, #tpu.memory_space<semaphore_mem>>) src(%arg11 : memref<200x16xf32, #tpu.memory_space<vmem>>) dst(%dma_wait3A_126 : memref<10240x16xf32, #tpu.memory_space<vmem_shared>>)
      %dma_wait3A_127 = tpu.memref_slice %arg10[%mul3A_84] : memref<10000xi32, #tpu.memory_space<vmem>> -> memref<200xi32, #tpu.memory_space<vmem>>
      %dma_wait3A_128 = arith.constant 0 : i32
      %dma_wait3A_129 = arith.constant 0 : i32
      %dma_wait3A_130 = tpu.memref_slice %arg8[%dma_wait3A_128, %dma_wait3A_129] : memref<10240x16xf32, #tpu.memory_space<vmem_shared>> -> memref<10240x16xf32, #tpu.memory_space<vmem_shared>>
      tpu.wait_indirect_dma semaphore(%arg18 : memref<!tpu.dma_semaphore, #tpu.memory_space<semaphore_mem>>) src(%arg11 : memref<200x16xf32, #tpu.memory_space<vmem>>) dst(%dma_wait3A_130 : memref<10240x16xf32, #tpu.memory_space<vmem_shared>>)
      %dma_wait3A_131 = tpu.memref_slice %arg9[%mul3A_98] : memref<10000xi32, #tpu.memory_space<vmem>> -> memref<200xi32, #tpu.memory_space<vmem>>
      %dma_wait3A_132 = arith.constant 0 : i32
      %dma_wait3A_133 = arith.constant 0 : i32
      %dma_wait3A_134 = tpu.memref_slice %arg7[%dma_wait3A_132, %dma_wait3A_133] : memref<10240x16xf32, #tpu.memory_space<vmem_shared>> -> memref<10240x16xf32, #tpu.memory_space<vmem_shared>>
      tpu.wait_indirect_dma semaphore(%arg19 : memref<!tpu.dma_semaphore, #tpu.memory_space<semaphore_mem>>) src(%arg11 : memref<200x16xf32, #tpu.memory_space<vmem>>) dst(%dma_wait3A_134 : memref<10240x16xf32, #tpu.memory_space<vmem_shared>>)
      %dma_wait3A_135 = tpu.memref_slice %arg10[%mul3A_98] : memref<10000xi32, #tpu.memory_space<vmem>> -> memref<200xi32, #tpu.memory_space<vmem>>
      %dma_wait3A_136 = arith.constant 0 : i32
      %dma_wait3A_137 = arith.constant 0 : i32
      %dma_wait3A_138 = tpu.memref_slice %arg8[%dma_wait3A_136, %dma_wait3A_137] : memref<10240x16xf32, #tpu.memory_space<vmem_shared>> -> memref<10240x16xf32, #tpu.memory_space<vmem_shared>>
      tpu.wait_indirect_dma semaphore(%arg20 : memref<!tpu.dma_semaphore, #tpu.memory_space<semaphore_mem>>) src(%arg11 : memref<200x16xf32, #tpu.memory_space<vmem>>) dst(%dma_wait3A_138 : memref<10240x16xf32, #tpu.memory_space<vmem_shared>>)
    }
    %scan3A_10 = arith.constant 12 : i32
    %dma_start3A = arith.constant 9600 : i32
    %dma_start3A_11 = tpu.memref_slice %arg9[%dma_start3A] : memref<10000xi32, #tpu.memory_space<vmem>> -> memref<200xi32, #tpu.memory_space<vmem>>
    %dma_start3A_12 = arith.constant 0 : i32
    %dma_start3A_13 = arith.constant 0 : i32
    %dma_start3A_14 = tpu.memref_slice %arg7[%dma_start3A_12, %dma_start3A_13] : memref<10240x16xf32, #tpu.memory_space<vmem_shared>> -> memref<10240x16xf32, #tpu.memory_space<vmem_shared>>
    tpu.enqueue_indirect_dma source(%arg11 : memref<200x16xf32, #tpu.memory_space<vmem>>) target(%dma_start3A_14 : memref<10240x16xf32, #tpu.memory_space<vmem_shared>>) offsets(%dma_start3A_11 : memref<200xi32, #tpu.memory_space<vmem>>) semaphore(%arg13 : memref<!tpu.dma_semaphore, #tpu.memory_space<semaphore_mem>>) {add = true}
    %dma_wait3A = arith.constant 9600 : i32
    %dma_wait3A_15 = tpu.memref_slice %arg9[%dma_wait3A] : memref<10000xi32, #tpu.memory_space<vmem>> -> memref<200xi32, #tpu.memory_space<vmem>>
    %dma_wait3A_16 = arith.constant 0 : i32
    %dma_wait3A_17 = arith.constant 0 : i32
    %dma_wait3A_18 = tpu.memref_slice %arg7[%dma_wait3A_16, %dma_wait3A_17] : memref<10240x16xf32, #tpu.memory_space<vmem_shared>> -> memref<10240x16xf32, #tpu.memory_space<vmem_shared>>
    tpu.wait_indirect_dma semaphore(%arg13 : memref<!tpu.dma_semaphore, #tpu.memory_space<semaphore_mem>>) src(%arg11 : memref<200x16xf32, #tpu.memory_space<vmem>>) dst(%dma_wait3A_18 : memref<10240x16xf32, #tpu.memory_space<vmem_shared>>)
    %dma_start3A_19 = arith.constant 9600 : i32
    %dma_start3A_20 = tpu.memref_slice %arg10[%dma_start3A_19] : memref<10000xi32, #tpu.memory_space<vmem>> -> memref<200xi32, #tpu.memory_space<vmem>>
    %dma_start3A_21 = arith.constant 0 : i32
    %dma_start3A_22 = arith.constant 0 : i32
    %dma_start3A_23 = tpu.memref_slice %arg8[%dma_start3A_21, %dma_start3A_22] : memref<10240x16xf32, #tpu.memory_space<vmem_shared>> -> memref<10240x16xf32, #tpu.memory_space<vmem_shared>>
    tpu.enqueue_indirect_dma source(%arg11 : memref<200x16xf32, #tpu.memory_space<vmem>>) target(%dma_start3A_23 : memref<10240x16xf32, #tpu.memory_space<vmem_shared>>) offsets(%dma_start3A_20 : memref<200xi32, #tpu.memory_space<vmem>>) semaphore(%arg14 : memref<!tpu.dma_semaphore, #tpu.memory_space<semaphore_mem>>) {add = true}
    %dma_wait3A_24 = arith.constant 9600 : i32
    %dma_wait3A_25 = tpu.memref_slice %arg10[%dma_wait3A_24] : memref<10000xi32, #tpu.memory_space<vmem>> -> memref<200xi32, #tpu.memory_space<vmem>>
    %dma_wait3A_26 = arith.constant 0 : i32
    %dma_wait3A_27 = arith.constant 0 : i32
    %dma_wait3A_28 = tpu.memref_slice %arg8[%dma_wait3A_26, %dma_wait3A_27] : memref<10240x16xf32, #tpu.memory_space<vmem_shared>> -> memref<10240x16xf32, #tpu.memory_space<vmem_shared>>
    tpu.wait_indirect_dma semaphore(%arg14 : memref<!tpu.dma_semaphore, #tpu.memory_space<semaphore_mem>>) src(%arg11 : memref<200x16xf32, #tpu.memory_space<vmem>>) dst(%dma_wait3A_28 : memref<10240x16xf32, #tpu.memory_space<vmem_shared>>)
    %dma_start3A_29 = arith.constant 9800 : i32
    %dma_start3A_30 = tpu.memref_slice %arg9[%dma_start3A_29] : memref<10000xi32, #tpu.memory_space<vmem>> -> memref<200xi32, #tpu.memory_space<vmem>>
    %dma_start3A_31 = arith.constant 0 : i32
    %dma_start3A_32 = arith.constant 0 : i32
    %dma_start3A_33 = tpu.memref_slice %arg7[%dma_start3A_31, %dma_start3A_32] : memref<10240x16xf32, #tpu.memory_space<vmem_shared>> -> memref<10240x16xf32, #tpu.memory_space<vmem_shared>>
    tpu.enqueue_indirect_dma source(%arg11 : memref<200x16xf32, #tpu.memory_space<vmem>>) target(%dma_start3A_33 : memref<10240x16xf32, #tpu.memory_space<vmem_shared>>) offsets(%dma_start3A_30 : memref<200xi32, #tpu.memory_space<vmem>>) semaphore(%arg13 : memref<!tpu.dma_semaphore, #tpu.memory_space<semaphore_mem>>) {add = true}
    %dma_wait3A_34 = arith.constant 9800 : i32
    %dma_wait3A_35 = tpu.memref_slice %arg9[%dma_wait3A_34] : memref<10000xi32, #tpu.memory_space<vmem>> -> memref<200xi32, #tpu.memory_space<vmem>>
    %dma_wait3A_36 = arith.constant 0 : i32
    %dma_wait3A_37 = arith.constant 0 : i32
    %dma_wait3A_38 = tpu.memref_slice %arg7[%dma_wait3A_36, %dma_wait3A_37] : memref<10240x16xf32, #tpu.memory_space<vmem_shared>> -> memref<10240x16xf32, #tpu.memory_space<vmem_shared>>
    tpu.wait_indirect_dma semaphore(%arg13 : memref<!tpu.dma_semaphore, #tpu.memory_space<semaphore_mem>>) src(%arg11 : memref<200x16xf32, #tpu.memory_space<vmem>>) dst(%dma_wait3A_38 : memref<10240x16xf32, #tpu.memory_space<vmem_shared>>)
    %dma_start3A_39 = arith.constant 9800 : i32
    %dma_start3A_40 = tpu.memref_slice %arg10[%dma_start3A_39] : memref<10000xi32, #tpu.memory_space<vmem>> -> memref<200xi32, #tpu.memory_space<vmem>>
    %dma_start3A_41 = arith.constant 0 : i32
    %dma_start3A_42 = arith.constant 0 : i32
    %dma_start3A_43 = tpu.memref_slice %arg8[%dma_start3A_41, %dma_start3A_42] : memref<10240x16xf32, #tpu.memory_space<vmem_shared>> -> memref<10240x16xf32, #tpu.memory_space<vmem_shared>>
    tpu.enqueue_indirect_dma source(%arg11 : memref<200x16xf32, #tpu.memory_space<vmem>>) target(%dma_start3A_43 : memref<10240x16xf32, #tpu.memory_space<vmem_shared>>) offsets(%dma_start3A_40 : memref<200xi32, #tpu.memory_space<vmem>>) semaphore(%arg14 : memref<!tpu.dma_semaphore, #tpu.memory_space<semaphore_mem>>) {add = true}
    %dma_wait3A_44 = arith.constant 9800 : i32
    %dma_wait3A_45 = tpu.memref_slice %arg10[%dma_wait3A_44] : memref<10000xi32, #tpu.memory_space<vmem>> -> memref<200xi32, #tpu.memory_space<vmem>>
    %dma_wait3A_46 = arith.constant 0 : i32
    %dma_wait3A_47 = arith.constant 0 : i32
    %dma_wait3A_48 = tpu.memref_slice %arg8[%dma_wait3A_46, %dma_wait3A_47] : memref<10240x16xf32, #tpu.memory_space<vmem_shared>> -> memref<10240x16xf32, #tpu.memory_space<vmem_shared>>
    tpu.wait_indirect_dma semaphore(%arg14 : memref<!tpu.dma_semaphore, #tpu.memory_space<semaphore_mem>>) src(%arg11 : memref<200x16xf32, #tpu.memory_space<vmem>>) dst(%dma_wait3A_48 : memref<10240x16xf32, #tpu.memory_space<vmem_shared>>)
    %barrier3A_49 = arith.constant 0 : index
    tpu.barrier barrier_id(%barrier3A_49)
    "tpu.region"() ({
      %run_scoped3A_50 = tpu.sem_alloc : memref<!tpu.dma_semaphore, #tpu.memory_space<semaphore_mem>>
      %dma_start3A_51 = arith.constant 0 : i32
      %dma_start3A_52 = tpu.memref_slice %arg7[%mul3A_2, %dma_start3A_51] : memref<10240x16xf32, #tpu.memory_space<vmem_shared>> -> memref<640x16xf32, #tpu.memory_space<vmem_shared>>
      %dma_start3A_53 = arith.constant 0 : i32
      %dma_start3A_54 = tpu.memref_slice %arg7[%mul3A_2, %dma_start3A_53] : memref<10240x16xf32, #tpu.memory_space<vmem_shared>> -> memref<640x16xf32, #tpu.memory_space<vmem_shared>>
      tpu.enqueue_dma source(%dma_start3A_54 : memref<640x16xf32, #tpu.memory_space<vmem_shared>>) target(%arg12 : memref<640x16xf32, #tpu.memory_space<vmem>>) target_semaphore(%run_scoped3A_50 : memref<!tpu.dma_semaphore, #tpu.memory_space<semaphore_mem>>)
      %dma_wait3A_55 = arith.constant 0 : i32
      %dma_wait3A_56 = tpu.memref_slice %arg7[%mul3A_2, %dma_wait3A_55] : memref<10240x16xf32, #tpu.memory_space<vmem_shared>> -> memref<640x16xf32, #tpu.memory_space<vmem_shared>>
      %dma_wait3A_57 = arith.constant 0 : i32
      %dma_wait3A_58 = tpu.memref_slice %arg7[%mul3A_2, %dma_wait3A_57] : memref<10240x16xf32, #tpu.memory_space<vmem_shared>> -> memref<640x16xf32, #tpu.memory_space<vmem_shared>>
      tpu.wait_dma2 semaphore(%run_scoped3A_50 : memref<!tpu.dma_semaphore, #tpu.memory_space<semaphore_mem>>) src(%dma_wait3A_58 : memref<640x16xf32, #tpu.memory_space<vmem_shared>>) dst(%arg12 : memref<640x16xf32, #tpu.memory_space<vmem>>)
      tpu.yield
    }) : () -> ()
    "tpu.region"() ({
      %run_scoped3A_50 = tpu.sem_alloc : memref<!tpu.dma_semaphore, #tpu.memory_space<semaphore_mem>>
      %dma_start3A_51 = arith.constant 0 : i32
      %dma_start3A_52 = tpu.memref_slice %arg5[%arg0, %mul3A_2, %dma_start3A_51] : memref<2x10240x16xf32, #tpu.memory_space<hbm>> -> memref<1x640x16xf32, #tpu.memory_space<hbm>>
      %dma_start3A_53 = tpu.memref_squeeze %dma_start3A_52 : memref<1x640x16xf32, #tpu.memory_space<hbm>> -> memref<640x16xf32, #tpu.memory_space<hbm>>
      %dma_start3A_54 = arith.constant 0 : i32
      %dma_start3A_55 = tpu.memref_slice %arg5[%arg0, %mul3A_2, %dma_start3A_54] : memref<2x10240x16xf32, #tpu.memory_space<hbm>> -> memref<1x640x16xf32, #tpu.memory_space<hbm>>
      %dma_start3A_56 = tpu.memref_squeeze %dma_start3A_55 : memref<1x640x16xf32, #tpu.memory_space<hbm>> -> memref<640x16xf32, #tpu.memory_space<hbm>>
      tpu.enqueue_dma source(%arg12 : memref<640x16xf32, #tpu.memory_space<vmem>>) target(%dma_start3A_56 : memref<640x16xf32, #tpu.memory_space<hbm>>) target_semaphore(%run_scoped3A_50 : memref<!tpu.dma_semaphore, #tpu.memory_space<semaphore_mem>>)
      %dma_wait3A_57 = arith.constant 0 : i32
      %dma_wait3A_58 = tpu.memref_slice %arg5[%arg0, %mul3A_2, %dma_wait3A_57] : memref<2x10240x16xf32, #tpu.memory_space<hbm>> -> memref<1x640x16xf32, #tpu.memory_space<hbm>>
      %dma_wait3A_59 = tpu.memref_squeeze %dma_wait3A_58 : memref<1x640x16xf32, #tpu.memory_space<hbm>> -> memref<640x16xf32, #tpu.memory_space<hbm>>
      %dma_wait3A_60 = arith.constant 0 : i32
      %dma_wait3A_61 = tpu.memref_slice %arg5[%arg0, %mul3A_2, %dma_wait3A_60] : memref<2x10240x16xf32, #tpu.memory_space<hbm>> -> memref<1x640x16xf32, #tpu.memory_space<hbm>>
      %dma_wait3A_62 = tpu.memref_squeeze %dma_wait3A_61 : memref<1x640x16xf32, #tpu.memory_space<hbm>> -> memref<640x16xf32, #tpu.memory_space<hbm>>
      tpu.wait_dma2 semaphore(%run_scoped3A_50 : memref<!tpu.dma_semaphore, #tpu.memory_space<semaphore_mem>>) src(%arg12 : memref<640x16xf32, #tpu.memory_space<vmem>>) dst(%dma_wait3A_62 : memref<640x16xf32, #tpu.memory_space<hbm>>)
      tpu.yield
    }) : () -> ()
    "tpu.region"() ({
      %run_scoped3A_50 = tpu.sem_alloc : memref<!tpu.dma_semaphore, #tpu.memory_space<semaphore_mem>>
      %dma_start3A_51 = arith.constant 0 : i32
      %dma_start3A_52 = tpu.memref_slice %arg8[%mul3A_2, %dma_start3A_51] : memref<10240x16xf32, #tpu.memory_space<vmem_shared>> -> memref<640x16xf32, #tpu.memory_space<vmem_shared>>
      %dma_start3A_53 = arith.constant 0 : i32
      %dma_start3A_54 = tpu.memref_slice %arg8[%mul3A_2, %dma_start3A_53] : memref<10240x16xf32, #tpu.memory_space<vmem_shared>> -> memref<640x16xf32, #tpu.memory_space<vmem_shared>>
      tpu.enqueue_dma source(%dma_start3A_54 : memref<640x16xf32, #tpu.memory_space<vmem_shared>>) target(%arg12 : memref<640x16xf32, #tpu.memory_space<vmem>>) target_semaphore(%run_scoped3A_50 : memref<!tpu.dma_semaphore, #tpu.memory_space<semaphore_mem>>)
      %dma_wait3A_55 = arith.constant 0 : i32
      %dma_wait3A_56 = tpu.memref_slice %arg8[%mul3A_2, %dma_wait3A_55] : memref<10240x16xf32, #tpu.memory_space<vmem_shared>> -> memref<640x16xf32, #tpu.memory_space<vmem_shared>>
      %dma_wait3A_57 = arith.constant 0 : i32
      %dma_wait3A_58 = tpu.memref_slice %arg8[%mul3A_2, %dma_wait3A_57] : memref<10240x16xf32, #tpu.memory_space<vmem_shared>> -> memref<640x16xf32, #tpu.memory_space<vmem_shared>>
      tpu.wait_dma2 semaphore(%run_scoped3A_50 : memref<!tpu.dma_semaphore, #tpu.memory_space<semaphore_mem>>) src(%dma_wait3A_58 : memref<640x16xf32, #tpu.memory_space<vmem_shared>>) dst(%arg12 : memref<640x16xf32, #tpu.memory_space<vmem>>)
      tpu.yield
    }) : () -> ()
    "tpu.region"() ({
      %run_scoped3A_50 = tpu.sem_alloc : memref<!tpu.dma_semaphore, #tpu.memory_space<semaphore_mem>>
      %dma_start3A_51 = arith.constant 0 : i32
      %dma_start3A_52 = tpu.memref_slice %arg6[%arg0, %mul3A_2, %dma_start3A_51] : memref<2x10240x16xf32, #tpu.memory_space<hbm>> -> memref<1x640x16xf32, #tpu.memory_space<hbm>>
      %dma_start3A_53 = tpu.memref_squeeze %dma_start3A_52 : memref<1x640x16xf32, #tpu.memory_space<hbm>> -> memref<640x16xf32, #tpu.memory_space<hbm>>
      %dma_start3A_54 = arith.constant 0 : i32
      %dma_start3A_55 = tpu.memref_slice %arg6[%arg0, %mul3A_2, %dma_start3A_54] : memref<2x10240x16xf32, #tpu.memory_space<hbm>> -> memref<1x640x16xf32, #tpu.memory_space<hbm>>
      %dma_start3A_56 = tpu.memref_squeeze %dma_start3A_55 : memref<1x640x16xf32, #tpu.memory_space<hbm>> -> memref<640x16xf32, #tpu.memory_space<hbm>>
      tpu.enqueue_dma source(%arg12 : memref<640x16xf32, #tpu.memory_space<vmem>>) target(%dma_start3A_56 : memref<640x16xf32, #tpu.memory_space<hbm>>) target_semaphore(%run_scoped3A_50 : memref<!tpu.dma_semaphore, #tpu.memory_space<semaphore_mem>>)
      %dma_wait3A_57 = arith.constant 0 : i32
      %dma_wait3A_58 = tpu.memref_slice %arg6[%arg0, %mul3A_2, %dma_wait3A_57] : memref<2x10240x16xf32, #tpu.memory_space<hbm>> -> memref<1x640x16xf32, #tpu.memory_space<hbm>>
      %dma_wait3A_59 = tpu.memref_squeeze %dma_wait3A_58 : memref<1x640x16xf32, #tpu.memory_space<hbm>> -> memref<640x16xf32, #tpu.memory_space<hbm>>
      %dma_wait3A_60 = arith.constant 0 : i32
      %dma_wait3A_61 = tpu.memref_slice %arg6[%arg0, %mul3A_2, %dma_wait3A_60] : memref<2x10240x16xf32, #tpu.memory_space<hbm>> -> memref<1x640x16xf32, #tpu.memory_space<hbm>>
      %dma_wait3A_62 = tpu.memref_squeeze %dma_wait3A_61 : memref<1x640x16xf32, #tpu.memory_space<hbm>> -> memref<640x16xf32, #tpu.memory_space<hbm>>
      tpu.wait_dma2 semaphore(%run_scoped3A_50 : memref<!tpu.dma_semaphore, #tpu.memory_space<semaphore_mem>>) src(%arg12 : memref<640x16xf32, #tpu.memory_space<vmem>>) dst(%dma_wait3A_62 : memref<640x16xf32, #tpu.memory_space<hbm>>)
      tpu.yield
    }) : () -> ()
    return
  }
}

#map = affine_map<(d0, d1) -> (0, 0)>
#map1 = affine_map<(d0, d1) -> (0, 0, 0)>
module attributes {stable_mosaic.version = 14 : i64} {
  func.func @_sc_aggregate(%arg0: i32, %arg1: i32, %arg2: memref<10000x128xf32, #tpu.memory_space<hbm>>, %arg3: memref<2x320000xi32, #tpu.memory_space<hbm>>, %arg4: memref<40x128xf32, #tpu.memory_space<hbm>>, %arg5: memref<2x10240x128xf32, #tpu.memory_space<hbm>>, %arg6: memref<10240x128xf32, #tpu.memory_space<vmem_shared>>, %arg7: memref<10000xi32, #tpu.memory_space<vmem>>, %arg8: memref<10000xi32, #tpu.memory_space<vmem>>, %arg9: memref<40x128xf32, #tpu.memory_space<vmem>>, %arg10: memref<40x128xf32, #tpu.memory_space<vmem>>, %arg11: memref<40x128xf32, #tpu.memory_space<vmem>>, %arg12: memref<40x128xf32, #tpu.memory_space<vmem>>, %arg13: memref<40x128xf32, #tpu.memory_space<vmem>>, %arg14: memref<!tpu.dma_semaphore, #tpu.memory_space<semaphore_mem>>, %arg15: memref<!tpu.dma_semaphore, #tpu.memory_space<semaphore_mem>>, %arg16: memref<!tpu.dma_semaphore, #tpu.memory_space<semaphore_mem>>, %arg17: memref<!tpu.dma_semaphore, #tpu.memory_space<semaphore_mem>>, %arg18: memref<!tpu.dma_semaphore, #tpu.memory_space<semaphore_mem>>, %arg19: memref<!tpu.dma_semaphore, #tpu.memory_space<semaphore_mem>>, %arg20: memref<!tpu.dma_semaphore, #tpu.memory_space<semaphore_mem>>, %arg21: memref<!tpu.dma_semaphore, #tpu.memory_space<semaphore_mem>>, %arg22: memref<!tpu.dma_semaphore, #tpu.memory_space<semaphore_mem>>, %arg23: memref<!tpu.dma_semaphore, #tpu.memory_space<semaphore_mem>>) attributes {dimension_semantics = [#tpu.dimension_semantics<core_parallel>, #tpu.dimension_semantics<subcore_parallel>], iteration_bounds = array<i64: 2, 16>, scalar_prefetch = 0 : i64, scratch_operands = 18 : i64, tpu.core_type = #tpu.core_type<sc_vector_subcore>, window_params = [{transform_indices = #map}, {transform_indices = #map}, {transform_indices = #map}, {transform_indices = #map1}]} {
    %mul3A = arith.constant 16 : i32
    %mul3A_0 = arith.muli %arg0, %mul3A : i32
    %add3A = arith.addi %mul3A_0, %arg1 : i32
    %mul3A_1 = arith.constant 10000 : i32
    %mul3A_2 = arith.muli %add3A, %mul3A_1 : i32
    %run_scoped3A = arith.constant 0 : i32
    "tpu.region"() ({
      %run_scoped3A_673 = tpu.sem_alloc : memref<!tpu.dma_semaphore, #tpu.memory_space<semaphore_mem>>
      %dma_start3A_674 = tpu.memref_slice %arg3[%run_scoped3A, %mul3A_2] : memref<2x320000xi32, #tpu.memory_space<hbm>> -> memref<1x10000xi32, #tpu.memory_space<hbm>>
      %dma_start3A_675 = tpu.memref_squeeze %dma_start3A_674 : memref<1x10000xi32, #tpu.memory_space<hbm>> -> memref<10000xi32, #tpu.memory_space<hbm>>
      %dma_start3A_676 = tpu.memref_slice %arg3[%run_scoped3A, %mul3A_2] : memref<2x320000xi32, #tpu.memory_space<hbm>> -> memref<1x10000xi32, #tpu.memory_space<hbm>>
      %dma_start3A_677 = tpu.memref_squeeze %dma_start3A_676 : memref<1x10000xi32, #tpu.memory_space<hbm>> -> memref<10000xi32, #tpu.memory_space<hbm>>
      tpu.enqueue_dma source(%dma_start3A_677 : memref<10000xi32, #tpu.memory_space<hbm>>) target(%arg7 : memref<10000xi32, #tpu.memory_space<vmem>>) target_semaphore(%run_scoped3A_673 : memref<!tpu.dma_semaphore, #tpu.memory_space<semaphore_mem>>)
      %dma_wait3A_678 = tpu.memref_slice %arg3[%run_scoped3A, %mul3A_2] : memref<2x320000xi32, #tpu.memory_space<hbm>> -> memref<1x10000xi32, #tpu.memory_space<hbm>>
      %dma_wait3A_679 = tpu.memref_squeeze %dma_wait3A_678 : memref<1x10000xi32, #tpu.memory_space<hbm>> -> memref<10000xi32, #tpu.memory_space<hbm>>
      %dma_wait3A_680 = tpu.memref_slice %arg3[%run_scoped3A, %mul3A_2] : memref<2x320000xi32, #tpu.memory_space<hbm>> -> memref<1x10000xi32, #tpu.memory_space<hbm>>
      %dma_wait3A_681 = tpu.memref_squeeze %dma_wait3A_680 : memref<1x10000xi32, #tpu.memory_space<hbm>> -> memref<10000xi32, #tpu.memory_space<hbm>>
      tpu.wait_dma2 semaphore(%run_scoped3A_673 : memref<!tpu.dma_semaphore, #tpu.memory_space<semaphore_mem>>) src(%dma_wait3A_681 : memref<10000xi32, #tpu.memory_space<hbm>>) dst(%arg7 : memref<10000xi32, #tpu.memory_space<vmem>>)
      tpu.yield
    }) : () -> ()
    %run_scoped3A_3 = arith.constant 1 : i32
    "tpu.region"() ({
      %run_scoped3A_673 = tpu.sem_alloc : memref<!tpu.dma_semaphore, #tpu.memory_space<semaphore_mem>>
      %dma_start3A_674 = tpu.memref_slice %arg3[%run_scoped3A_3, %mul3A_2] : memref<2x320000xi32, #tpu.memory_space<hbm>> -> memref<1x10000xi32, #tpu.memory_space<hbm>>
      %dma_start3A_675 = tpu.memref_squeeze %dma_start3A_674 : memref<1x10000xi32, #tpu.memory_space<hbm>> -> memref<10000xi32, #tpu.memory_space<hbm>>
      %dma_start3A_676 = tpu.memref_slice %arg3[%run_scoped3A_3, %mul3A_2] : memref<2x320000xi32, #tpu.memory_space<hbm>> -> memref<1x10000xi32, #tpu.memory_space<hbm>>
      %dma_start3A_677 = tpu.memref_squeeze %dma_start3A_676 : memref<1x10000xi32, #tpu.memory_space<hbm>> -> memref<10000xi32, #tpu.memory_space<hbm>>
      tpu.enqueue_dma source(%dma_start3A_677 : memref<10000xi32, #tpu.memory_space<hbm>>) target(%arg8 : memref<10000xi32, #tpu.memory_space<vmem>>) target_semaphore(%run_scoped3A_673 : memref<!tpu.dma_semaphore, #tpu.memory_space<semaphore_mem>>)
      %dma_wait3A_678 = tpu.memref_slice %arg3[%run_scoped3A_3, %mul3A_2] : memref<2x320000xi32, #tpu.memory_space<hbm>> -> memref<1x10000xi32, #tpu.memory_space<hbm>>
      %dma_wait3A_679 = tpu.memref_squeeze %dma_wait3A_678 : memref<1x10000xi32, #tpu.memory_space<hbm>> -> memref<10000xi32, #tpu.memory_space<hbm>>
      %dma_wait3A_680 = tpu.memref_slice %arg3[%run_scoped3A_3, %mul3A_2] : memref<2x320000xi32, #tpu.memory_space<hbm>> -> memref<1x10000xi32, #tpu.memory_space<hbm>>
      %dma_wait3A_681 = tpu.memref_squeeze %dma_wait3A_680 : memref<1x10000xi32, #tpu.memory_space<hbm>> -> memref<10000xi32, #tpu.memory_space<hbm>>
      tpu.wait_dma2 semaphore(%run_scoped3A_673 : memref<!tpu.dma_semaphore, #tpu.memory_space<semaphore_mem>>) src(%dma_wait3A_681 : memref<10000xi32, #tpu.memory_space<hbm>>) dst(%arg8 : memref<10000xi32, #tpu.memory_space<vmem>>)
      tpu.yield
    }) : () -> ()
    "tpu.region"() ({
      %run_scoped3A_673 = tpu.sem_alloc : memref<!tpu.dma_semaphore, #tpu.memory_space<semaphore_mem>>
      tpu.enqueue_dma source(%arg4 : memref<40x128xf32, #tpu.memory_space<hbm>>) target(%arg9 : memref<40x128xf32, #tpu.memory_space<vmem>>) target_semaphore(%run_scoped3A_673 : memref<!tpu.dma_semaphore, #tpu.memory_space<semaphore_mem>>)
      tpu.wait_dma2 semaphore(%run_scoped3A_673 : memref<!tpu.dma_semaphore, #tpu.memory_space<semaphore_mem>>) src(%arg4 : memref<40x128xf32, #tpu.memory_space<hbm>>) dst(%arg9 : memref<40x128xf32, #tpu.memory_space<vmem>>)
      tpu.yield
    }) : () -> ()
    %mul3A_4 = arith.constant 640 : i32
    %mul3A_5 = arith.muli %arg1, %mul3A_4 : i32
    %add3A_6 = arith.constant 0 : i32
    %add3A_7 = arith.addi %mul3A_5, %add3A_6 : i32
    %dma_start3A = arith.constant 0 : i32
    %dma_start3A_8 = tpu.memref_slice %arg6[%add3A_7, %dma_start3A] : memref<10240x128xf32, #tpu.memory_space<vmem_shared>> -> memref<40x128xf32, #tpu.memory_space<vmem_shared>>
    %dma_start3A_9 = arith.constant 0 : i32
    %dma_start3A_10 = tpu.memref_slice %arg6[%add3A_7, %dma_start3A_9] : memref<10240x128xf32, #tpu.memory_space<vmem_shared>> -> memref<40x128xf32, #tpu.memory_space<vmem_shared>>
    tpu.enqueue_dma source(%arg9 : memref<40x128xf32, #tpu.memory_space<vmem>>) target(%dma_start3A_10 : memref<40x128xf32, #tpu.memory_space<vmem_shared>>) target_semaphore(%arg19 : memref<!tpu.dma_semaphore, #tpu.memory_space<semaphore_mem>>)
    %mul3A_11 = arith.constant 640 : i32
    %mul3A_12 = arith.muli %arg1, %mul3A_11 : i32
    %add3A_13 = arith.constant 40 : i32
    %add3A_14 = arith.addi %mul3A_12, %add3A_13 : i32
    %dma_start3A_15 = arith.constant 0 : i32
    %dma_start3A_16 = tpu.memref_slice %arg6[%add3A_14, %dma_start3A_15] : memref<10240x128xf32, #tpu.memory_space<vmem_shared>> -> memref<40x128xf32, #tpu.memory_space<vmem_shared>>
    %dma_start3A_17 = arith.constant 0 : i32
    %dma_start3A_18 = tpu.memref_slice %arg6[%add3A_14, %dma_start3A_17] : memref<10240x128xf32, #tpu.memory_space<vmem_shared>> -> memref<40x128xf32, #tpu.memory_space<vmem_shared>>
    tpu.enqueue_dma source(%arg9 : memref<40x128xf32, #tpu.memory_space<vmem>>) target(%dma_start3A_18 : memref<40x128xf32, #tpu.memory_space<vmem_shared>>) target_semaphore(%arg20 : memref<!tpu.dma_semaphore, #tpu.memory_space<semaphore_mem>>)
    %mul3A_19 = arith.constant 640 : i32
    %mul3A_20 = arith.muli %arg1, %mul3A_19 : i32
    %add3A_21 = arith.constant 80 : i32
    %add3A_22 = arith.addi %mul3A_20, %add3A_21 : i32
    %dma_start3A_23 = arith.constant 0 : i32
    %dma_start3A_24 = tpu.memref_slice %arg6[%add3A_22, %dma_start3A_23] : memref<10240x128xf32, #tpu.memory_space<vmem_shared>> -> memref<40x128xf32, #tpu.memory_space<vmem_shared>>
    %dma_start3A_25 = arith.constant 0 : i32
    %dma_start3A_26 = tpu.memref_slice %arg6[%add3A_22, %dma_start3A_25] : memref<10240x128xf32, #tpu.memory_space<vmem_shared>> -> memref<40x128xf32, #tpu.memory_space<vmem_shared>>
    tpu.enqueue_dma source(%arg9 : memref<40x128xf32, #tpu.memory_space<vmem>>) target(%dma_start3A_26 : memref<40x128xf32, #tpu.memory_space<vmem_shared>>) target_semaphore(%arg19 : memref<!tpu.dma_semaphore, #tpu.memory_space<semaphore_mem>>)
    %mul3A_27 = arith.constant 640 : i32
    %mul3A_28 = arith.muli %arg1, %mul3A_27 : i32
    %add3A_29 = arith.constant 120 : i32
    %add3A_30 = arith.addi %mul3A_28, %add3A_29 : i32
    %dma_start3A_31 = arith.constant 0 : i32
    %dma_start3A_32 = tpu.memref_slice %arg6[%add3A_30, %dma_start3A_31] : memref<10240x128xf32, #tpu.memory_space<vmem_shared>> -> memref<40x128xf32, #tpu.memory_space<vmem_shared>>
    %dma_start3A_33 = arith.constant 0 : i32
    %dma_start3A_34 = tpu.memref_slice %arg6[%add3A_30, %dma_start3A_33] : memref<10240x128xf32, #tpu.memory_space<vmem_shared>> -> memref<40x128xf32, #tpu.memory_space<vmem_shared>>
    tpu.enqueue_dma source(%arg9 : memref<40x128xf32, #tpu.memory_space<vmem>>) target(%dma_start3A_34 : memref<40x128xf32, #tpu.memory_space<vmem_shared>>) target_semaphore(%arg20 : memref<!tpu.dma_semaphore, #tpu.memory_space<semaphore_mem>>)
    %mul3A_35 = arith.constant 640 : i32
    %mul3A_36 = arith.muli %arg1, %mul3A_35 : i32
    %add3A_37 = arith.constant 160 : i32
    %add3A_38 = arith.addi %mul3A_36, %add3A_37 : i32
    %dma_start3A_39 = arith.constant 0 : i32
    %dma_start3A_40 = tpu.memref_slice %arg6[%add3A_38, %dma_start3A_39] : memref<10240x128xf32, #tpu.memory_space<vmem_shared>> -> memref<40x128xf32, #tpu.memory_space<vmem_shared>>
    %dma_start3A_41 = arith.constant 0 : i32
    %dma_start3A_42 = tpu.memref_slice %arg6[%add3A_38, %dma_start3A_41] : memref<10240x128xf32, #tpu.memory_space<vmem_shared>> -> memref<40x128xf32, #tpu.memory_space<vmem_shared>>
    tpu.enqueue_dma source(%arg9 : memref<40x128xf32, #tpu.memory_space<vmem>>) target(%dma_start3A_42 : memref<40x128xf32, #tpu.memory_space<vmem_shared>>) target_semaphore(%arg19 : memref<!tpu.dma_semaphore, #tpu.memory_space<semaphore_mem>>)
    %mul3A_43 = arith.constant 640 : i32
    %mul3A_44 = arith.muli %arg1, %mul3A_43 : i32
    %add3A_45 = arith.constant 200 : i32
    %add3A_46 = arith.addi %mul3A_44, %add3A_45 : i32
    %dma_start3A_47 = arith.constant 0 : i32
    %dma_start3A_48 = tpu.memref_slice %arg6[%add3A_46, %dma_start3A_47] : memref<10240x128xf32, #tpu.memory_space<vmem_shared>> -> memref<40x128xf32, #tpu.memory_space<vmem_shared>>
    %dma_start3A_49 = arith.constant 0 : i32
    %dma_start3A_50 = tpu.memref_slice %arg6[%add3A_46, %dma_start3A_49] : memref<10240x128xf32, #tpu.memory_space<vmem_shared>> -> memref<40x128xf32, #tpu.memory_space<vmem_shared>>
    tpu.enqueue_dma source(%arg9 : memref<40x128xf32, #tpu.memory_space<vmem>>) target(%dma_start3A_50 : memref<40x128xf32, #tpu.memory_space<vmem_shared>>) target_semaphore(%arg20 : memref<!tpu.dma_semaphore, #tpu.memory_space<semaphore_mem>>)
    %mul3A_51 = arith.constant 640 : i32
    %mul3A_52 = arith.muli %arg1, %mul3A_51 : i32
    %add3A_53 = arith.constant 240 : i32
    %add3A_54 = arith.addi %mul3A_52, %add3A_53 : i32
    %dma_start3A_55 = arith.constant 0 : i32
    %dma_start3A_56 = tpu.memref_slice %arg6[%add3A_54, %dma_start3A_55] : memref<10240x128xf32, #tpu.memory_space<vmem_shared>> -> memref<40x128xf32, #tpu.memory_space<vmem_shared>>
    %dma_start3A_57 = arith.constant 0 : i32
    %dma_start3A_58 = tpu.memref_slice %arg6[%add3A_54, %dma_start3A_57] : memref<10240x128xf32, #tpu.memory_space<vmem_shared>> -> memref<40x128xf32, #tpu.memory_space<vmem_shared>>
    tpu.enqueue_dma source(%arg9 : memref<40x128xf32, #tpu.memory_space<vmem>>) target(%dma_start3A_58 : memref<40x128xf32, #tpu.memory_space<vmem_shared>>) target_semaphore(%arg19 : memref<!tpu.dma_semaphore, #tpu.memory_space<semaphore_mem>>)
    %mul3A_59 = arith.constant 640 : i32
    %mul3A_60 = arith.muli %arg1, %mul3A_59 : i32
    %add3A_61 = arith.constant 280 : i32
    %add3A_62 = arith.addi %mul3A_60, %add3A_61 : i32
    %dma_start3A_63 = arith.constant 0 : i32
    %dma_start3A_64 = tpu.memref_slice %arg6[%add3A_62, %dma_start3A_63] : memref<10240x128xf32, #tpu.memory_space<vmem_shared>> -> memref<40x128xf32, #tpu.memory_space<vmem_shared>>
    %dma_start3A_65 = arith.constant 0 : i32
    %dma_start3A_66 = tpu.memref_slice %arg6[%add3A_62, %dma_start3A_65] : memref<10240x128xf32, #tpu.memory_space<vmem_shared>> -> memref<40x128xf32, #tpu.memory_space<vmem_shared>>
    tpu.enqueue_dma source(%arg9 : memref<40x128xf32, #tpu.memory_space<vmem>>) target(%dma_start3A_66 : memref<40x128xf32, #tpu.memory_space<vmem_shared>>) target_semaphore(%arg20 : memref<!tpu.dma_semaphore, #tpu.memory_space<semaphore_mem>>)
    %mul3A_67 = arith.constant 640 : i32
    %mul3A_68 = arith.muli %arg1, %mul3A_67 : i32
    %add3A_69 = arith.constant 320 : i32
    %add3A_70 = arith.addi %mul3A_68, %add3A_69 : i32
    %dma_start3A_71 = arith.constant 0 : i32
    %dma_start3A_72 = tpu.memref_slice %arg6[%add3A_70, %dma_start3A_71] : memref<10240x128xf32, #tpu.memory_space<vmem_shared>> -> memref<40x128xf32, #tpu.memory_space<vmem_shared>>
    %dma_start3A_73 = arith.constant 0 : i32
    %dma_start3A_74 = tpu.memref_slice %arg6[%add3A_70, %dma_start3A_73] : memref<10240x128xf32, #tpu.memory_space<vmem_shared>> -> memref<40x128xf32, #tpu.memory_space<vmem_shared>>
    tpu.enqueue_dma source(%arg9 : memref<40x128xf32, #tpu.memory_space<vmem>>) target(%dma_start3A_74 : memref<40x128xf32, #tpu.memory_space<vmem_shared>>) target_semaphore(%arg19 : memref<!tpu.dma_semaphore, #tpu.memory_space<semaphore_mem>>)
    %mul3A_75 = arith.constant 640 : i32
    %mul3A_76 = arith.muli %arg1, %mul3A_75 : i32
    %add3A_77 = arith.constant 360 : i32
    %add3A_78 = arith.addi %mul3A_76, %add3A_77 : i32
    %dma_start3A_79 = arith.constant 0 : i32
    %dma_start3A_80 = tpu.memref_slice %arg6[%add3A_78, %dma_start3A_79] : memref<10240x128xf32, #tpu.memory_space<vmem_shared>> -> memref<40x128xf32, #tpu.memory_space<vmem_shared>>
    %dma_start3A_81 = arith.constant 0 : i32
    %dma_start3A_82 = tpu.memref_slice %arg6[%add3A_78, %dma_start3A_81] : memref<10240x128xf32, #tpu.memory_space<vmem_shared>> -> memref<40x128xf32, #tpu.memory_space<vmem_shared>>
    tpu.enqueue_dma source(%arg9 : memref<40x128xf32, #tpu.memory_space<vmem>>) target(%dma_start3A_82 : memref<40x128xf32, #tpu.memory_space<vmem_shared>>) target_semaphore(%arg20 : memref<!tpu.dma_semaphore, #tpu.memory_space<semaphore_mem>>)
    %mul3A_83 = arith.constant 640 : i32
    %mul3A_84 = arith.muli %arg1, %mul3A_83 : i32
    %add3A_85 = arith.constant 400 : i32
    %add3A_86 = arith.addi %mul3A_84, %add3A_85 : i32
    %dma_start3A_87 = arith.constant 0 : i32
    %dma_start3A_88 = tpu.memref_slice %arg6[%add3A_86, %dma_start3A_87] : memref<10240x128xf32, #tpu.memory_space<vmem_shared>> -> memref<40x128xf32, #tpu.memory_space<vmem_shared>>
    %dma_start3A_89 = arith.constant 0 : i32
    %dma_start3A_90 = tpu.memref_slice %arg6[%add3A_86, %dma_start3A_89] : memref<10240x128xf32, #tpu.memory_space<vmem_shared>> -> memref<40x128xf32, #tpu.memory_space<vmem_shared>>
    tpu.enqueue_dma source(%arg9 : memref<40x128xf32, #tpu.memory_space<vmem>>) target(%dma_start3A_90 : memref<40x128xf32, #tpu.memory_space<vmem_shared>>) target_semaphore(%arg19 : memref<!tpu.dma_semaphore, #tpu.memory_space<semaphore_mem>>)
    %mul3A_91 = arith.constant 640 : i32
    %mul3A_92 = arith.muli %arg1, %mul3A_91 : i32
    %add3A_93 = arith.constant 440 : i32
    %add3A_94 = arith.addi %mul3A_92, %add3A_93 : i32
    %dma_start3A_95 = arith.constant 0 : i32
    %dma_start3A_96 = tpu.memref_slice %arg6[%add3A_94, %dma_start3A_95] : memref<10240x128xf32, #tpu.memory_space<vmem_shared>> -> memref<40x128xf32, #tpu.memory_space<vmem_shared>>
    %dma_start3A_97 = arith.constant 0 : i32
    %dma_start3A_98 = tpu.memref_slice %arg6[%add3A_94, %dma_start3A_97] : memref<10240x128xf32, #tpu.memory_space<vmem_shared>> -> memref<40x128xf32, #tpu.memory_space<vmem_shared>>
    tpu.enqueue_dma source(%arg9 : memref<40x128xf32, #tpu.memory_space<vmem>>) target(%dma_start3A_98 : memref<40x128xf32, #tpu.memory_space<vmem_shared>>) target_semaphore(%arg20 : memref<!tpu.dma_semaphore, #tpu.memory_space<semaphore_mem>>)
    %mul3A_99 = arith.constant 640 : i32
    %mul3A_100 = arith.muli %arg1, %mul3A_99 : i32
    %add3A_101 = arith.constant 480 : i32
    %add3A_102 = arith.addi %mul3A_100, %add3A_101 : i32
    %dma_start3A_103 = arith.constant 0 : i32
    %dma_start3A_104 = tpu.memref_slice %arg6[%add3A_102, %dma_start3A_103] : memref<10240x128xf32, #tpu.memory_space<vmem_shared>> -> memref<40x128xf32, #tpu.memory_space<vmem_shared>>
    %dma_start3A_105 = arith.constant 0 : i32
    %dma_start3A_106 = tpu.memref_slice %arg6[%add3A_102, %dma_start3A_105] : memref<10240x128xf32, #tpu.memory_space<vmem_shared>> -> memref<40x128xf32, #tpu.memory_space<vmem_shared>>
    tpu.enqueue_dma source(%arg9 : memref<40x128xf32, #tpu.memory_space<vmem>>) target(%dma_start3A_106 : memref<40x128xf32, #tpu.memory_space<vmem_shared>>) target_semaphore(%arg19 : memref<!tpu.dma_semaphore, #tpu.memory_space<semaphore_mem>>)
    %mul3A_107 = arith.constant 640 : i32
    %mul3A_108 = arith.muli %arg1, %mul3A_107 : i32
    %add3A_109 = arith.constant 520 : i32
    %add3A_110 = arith.addi %mul3A_108, %add3A_109 : i32
    %dma_start3A_111 = arith.constant 0 : i32
    %dma_start3A_112 = tpu.memref_slice %arg6[%add3A_110, %dma_start3A_111] : memref<10240x128xf32, #tpu.memory_space<vmem_shared>> -> memref<40x128xf32, #tpu.memory_space<vmem_shared>>
    %dma_start3A_113 = arith.constant 0 : i32
    %dma_start3A_114 = tpu.memref_slice %arg6[%add3A_110, %dma_start3A_113] : memref<10240x128xf32, #tpu.memory_space<vmem_shared>> -> memref<40x128xf32, #tpu.memory_space<vmem_shared>>
    tpu.enqueue_dma source(%arg9 : memref<40x128xf32, #tpu.memory_space<vmem>>) target(%dma_start3A_114 : memref<40x128xf32, #tpu.memory_space<vmem_shared>>) target_semaphore(%arg20 : memref<!tpu.dma_semaphore, #tpu.memory_space<semaphore_mem>>)
    %mul3A_115 = arith.constant 640 : i32
    %mul3A_116 = arith.muli %arg1, %mul3A_115 : i32
    %add3A_117 = arith.constant 560 : i32
    %add3A_118 = arith.addi %mul3A_116, %add3A_117 : i32
    %dma_start3A_119 = arith.constant 0 : i32
    %dma_start3A_120 = tpu.memref_slice %arg6[%add3A_118, %dma_start3A_119] : memref<10240x128xf32, #tpu.memory_space<vmem_shared>> -> memref<40x128xf32, #tpu.memory_space<vmem_shared>>
    %dma_start3A_121 = arith.constant 0 : i32
    %dma_start3A_122 = tpu.memref_slice %arg6[%add3A_118, %dma_start3A_121] : memref<10240x128xf32, #tpu.memory_space<vmem_shared>> -> memref<40x128xf32, #tpu.memory_space<vmem_shared>>
    tpu.enqueue_dma source(%arg9 : memref<40x128xf32, #tpu.memory_space<vmem>>) target(%dma_start3A_122 : memref<40x128xf32, #tpu.memory_space<vmem_shared>>) target_semaphore(%arg19 : memref<!tpu.dma_semaphore, #tpu.memory_space<semaphore_mem>>)
    %mul3A_123 = arith.constant 640 : i32
    %mul3A_124 = arith.muli %arg1, %mul3A_123 : i32
    %add3A_125 = arith.constant 600 : i32
    %add3A_126 = arith.addi %mul3A_124, %add3A_125 : i32
    %dma_start3A_127 = arith.constant 0 : i32
    %dma_start3A_128 = tpu.memref_slice %arg6[%add3A_126, %dma_start3A_127] : memref<10240x128xf32, #tpu.memory_space<vmem_shared>> -> memref<40x128xf32, #tpu.memory_space<vmem_shared>>
    %dma_start3A_129 = arith.constant 0 : i32
    %dma_start3A_130 = tpu.memref_slice %arg6[%add3A_126, %dma_start3A_129] : memref<10240x128xf32, #tpu.memory_space<vmem_shared>> -> memref<40x128xf32, #tpu.memory_space<vmem_shared>>
    tpu.enqueue_dma source(%arg9 : memref<40x128xf32, #tpu.memory_space<vmem>>) target(%dma_start3A_130 : memref<40x128xf32, #tpu.memory_space<vmem_shared>>) target_semaphore(%arg20 : memref<!tpu.dma_semaphore, #tpu.memory_space<semaphore_mem>>)
    %dma_wait3A = arith.constant 0 : i32
    %dma_wait3A_131 = tpu.memref_slice %arg6[%add3A_7, %dma_wait3A] : memref<10240x128xf32, #tpu.memory_space<vmem_shared>> -> memref<40x128xf32, #tpu.memory_space<vmem_shared>>
    %dma_wait3A_132 = arith.constant 0 : i32
    %dma_wait3A_133 = tpu.memref_slice %arg6[%add3A_7, %dma_wait3A_132] : memref<10240x128xf32, #tpu.memory_space<vmem_shared>> -> memref<40x128xf32, #tpu.memory_space<vmem_shared>>
    tpu.wait_dma2 semaphore(%arg19 : memref<!tpu.dma_semaphore, #tpu.memory_space<semaphore_mem>>) src(%arg9 : memref<40x128xf32, #tpu.memory_space<vmem>>) dst(%dma_wait3A_133 : memref<40x128xf32, #tpu.memory_space<vmem_shared>>)
    %dma_wait3A_134 = arith.constant 0 : i32
    %dma_wait3A_135 = tpu.memref_slice %arg6[%add3A_14, %dma_wait3A_134] : memref<10240x128xf32, #tpu.memory_space<vmem_shared>> -> memref<40x128xf32, #tpu.memory_space<vmem_shared>>
    %dma_wait3A_136 = arith.constant 0 : i32
    %dma_wait3A_137 = tpu.memref_slice %arg6[%add3A_14, %dma_wait3A_136] : memref<10240x128xf32, #tpu.memory_space<vmem_shared>> -> memref<40x128xf32, #tpu.memory_space<vmem_shared>>
    tpu.wait_dma2 semaphore(%arg20 : memref<!tpu.dma_semaphore, #tpu.memory_space<semaphore_mem>>) src(%arg9 : memref<40x128xf32, #tpu.memory_space<vmem>>) dst(%dma_wait3A_137 : memref<40x128xf32, #tpu.memory_space<vmem_shared>>)
    %dma_wait3A_138 = arith.constant 0 : i32
    %dma_wait3A_139 = tpu.memref_slice %arg6[%add3A_22, %dma_wait3A_138] : memref<10240x128xf32, #tpu.memory_space<vmem_shared>> -> memref<40x128xf32, #tpu.memory_space<vmem_shared>>
    %dma_wait3A_140 = arith.constant 0 : i32
    %dma_wait3A_141 = tpu.memref_slice %arg6[%add3A_22, %dma_wait3A_140] : memref<10240x128xf32, #tpu.memory_space<vmem_shared>> -> memref<40x128xf32, #tpu.memory_space<vmem_shared>>
    tpu.wait_dma2 semaphore(%arg19 : memref<!tpu.dma_semaphore, #tpu.memory_space<semaphore_mem>>) src(%arg9 : memref<40x128xf32, #tpu.memory_space<vmem>>) dst(%dma_wait3A_141 : memref<40x128xf32, #tpu.memory_space<vmem_shared>>)
    %dma_wait3A_142 = arith.constant 0 : i32
    %dma_wait3A_143 = tpu.memref_slice %arg6[%add3A_30, %dma_wait3A_142] : memref<10240x128xf32, #tpu.memory_space<vmem_shared>> -> memref<40x128xf32, #tpu.memory_space<vmem_shared>>
    %dma_wait3A_144 = arith.constant 0 : i32
    %dma_wait3A_145 = tpu.memref_slice %arg6[%add3A_30, %dma_wait3A_144] : memref<10240x128xf32, #tpu.memory_space<vmem_shared>> -> memref<40x128xf32, #tpu.memory_space<vmem_shared>>
    tpu.wait_dma2 semaphore(%arg20 : memref<!tpu.dma_semaphore, #tpu.memory_space<semaphore_mem>>) src(%arg9 : memref<40x128xf32, #tpu.memory_space<vmem>>) dst(%dma_wait3A_145 : memref<40x128xf32, #tpu.memory_space<vmem_shared>>)
    %dma_wait3A_146 = arith.constant 0 : i32
    %dma_wait3A_147 = tpu.memref_slice %arg6[%add3A_38, %dma_wait3A_146] : memref<10240x128xf32, #tpu.memory_space<vmem_shared>> -> memref<40x128xf32, #tpu.memory_space<vmem_shared>>
    %dma_wait3A_148 = arith.constant 0 : i32
    %dma_wait3A_149 = tpu.memref_slice %arg6[%add3A_38, %dma_wait3A_148] : memref<10240x128xf32, #tpu.memory_space<vmem_shared>> -> memref<40x128xf32, #tpu.memory_space<vmem_shared>>
    tpu.wait_dma2 semaphore(%arg19 : memref<!tpu.dma_semaphore, #tpu.memory_space<semaphore_mem>>) src(%arg9 : memref<40x128xf32, #tpu.memory_space<vmem>>) dst(%dma_wait3A_149 : memref<40x128xf32, #tpu.memory_space<vmem_shared>>)
    %dma_wait3A_150 = arith.constant 0 : i32
    %dma_wait3A_151 = tpu.memref_slice %arg6[%add3A_46, %dma_wait3A_150] : memref<10240x128xf32, #tpu.memory_space<vmem_shared>> -> memref<40x128xf32, #tpu.memory_space<vmem_shared>>
    %dma_wait3A_152 = arith.constant 0 : i32
    %dma_wait3A_153 = tpu.memref_slice %arg6[%add3A_46, %dma_wait3A_152] : memref<10240x128xf32, #tpu.memory_space<vmem_shared>> -> memref<40x128xf32, #tpu.memory_space<vmem_shared>>
    tpu.wait_dma2 semaphore(%arg20 : memref<!tpu.dma_semaphore, #tpu.memory_space<semaphore_mem>>) src(%arg9 : memref<40x128xf32, #tpu.memory_space<vmem>>) dst(%dma_wait3A_153 : memref<40x128xf32, #tpu.memory_space<vmem_shared>>)
    %dma_wait3A_154 = arith.constant 0 : i32
    %dma_wait3A_155 = tpu.memref_slice %arg6[%add3A_54, %dma_wait3A_154] : memref<10240x128xf32, #tpu.memory_space<vmem_shared>> -> memref<40x128xf32, #tpu.memory_space<vmem_shared>>
    %dma_wait3A_156 = arith.constant 0 : i32
    %dma_wait3A_157 = tpu.memref_slice %arg6[%add3A_54, %dma_wait3A_156] : memref<10240x128xf32, #tpu.memory_space<vmem_shared>> -> memref<40x128xf32, #tpu.memory_space<vmem_shared>>
    tpu.wait_dma2 semaphore(%arg19 : memref<!tpu.dma_semaphore, #tpu.memory_space<semaphore_mem>>) src(%arg9 : memref<40x128xf32, #tpu.memory_space<vmem>>) dst(%dma_wait3A_157 : memref<40x128xf32, #tpu.memory_space<vmem_shared>>)
    %dma_wait3A_158 = arith.constant 0 : i32
    %dma_wait3A_159 = tpu.memref_slice %arg6[%add3A_62, %dma_wait3A_158] : memref<10240x128xf32, #tpu.memory_space<vmem_shared>> -> memref<40x128xf32, #tpu.memory_space<vmem_shared>>
    %dma_wait3A_160 = arith.constant 0 : i32
    %dma_wait3A_161 = tpu.memref_slice %arg6[%add3A_62, %dma_wait3A_160] : memref<10240x128xf32, #tpu.memory_space<vmem_shared>> -> memref<40x128xf32, #tpu.memory_space<vmem_shared>>
    tpu.wait_dma2 semaphore(%arg20 : memref<!tpu.dma_semaphore, #tpu.memory_space<semaphore_mem>>) src(%arg9 : memref<40x128xf32, #tpu.memory_space<vmem>>) dst(%dma_wait3A_161 : memref<40x128xf32, #tpu.memory_space<vmem_shared>>)
    %dma_wait3A_162 = arith.constant 0 : i32
    %dma_wait3A_163 = tpu.memref_slice %arg6[%add3A_70, %dma_wait3A_162] : memref<10240x128xf32, #tpu.memory_space<vmem_shared>> -> memref<40x128xf32, #tpu.memory_space<vmem_shared>>
    %dma_wait3A_164 = arith.constant 0 : i32
    %dma_wait3A_165 = tpu.memref_slice %arg6[%add3A_70, %dma_wait3A_164] : memref<10240x128xf32, #tpu.memory_space<vmem_shared>> -> memref<40x128xf32, #tpu.memory_space<vmem_shared>>
    tpu.wait_dma2 semaphore(%arg19 : memref<!tpu.dma_semaphore, #tpu.memory_space<semaphore_mem>>) src(%arg9 : memref<40x128xf32, #tpu.memory_space<vmem>>) dst(%dma_wait3A_165 : memref<40x128xf32, #tpu.memory_space<vmem_shared>>)
    %dma_wait3A_166 = arith.constant 0 : i32
    %dma_wait3A_167 = tpu.memref_slice %arg6[%add3A_78, %dma_wait3A_166] : memref<10240x128xf32, #tpu.memory_space<vmem_shared>> -> memref<40x128xf32, #tpu.memory_space<vmem_shared>>
    %dma_wait3A_168 = arith.constant 0 : i32
    %dma_wait3A_169 = tpu.memref_slice %arg6[%add3A_78, %dma_wait3A_168] : memref<10240x128xf32, #tpu.memory_space<vmem_shared>> -> memref<40x128xf32, #tpu.memory_space<vmem_shared>>
    tpu.wait_dma2 semaphore(%arg20 : memref<!tpu.dma_semaphore, #tpu.memory_space<semaphore_mem>>) src(%arg9 : memref<40x128xf32, #tpu.memory_space<vmem>>) dst(%dma_wait3A_169 : memref<40x128xf32, #tpu.memory_space<vmem_shared>>)
    %dma_wait3A_170 = arith.constant 0 : i32
    %dma_wait3A_171 = tpu.memref_slice %arg6[%add3A_86, %dma_wait3A_170] : memref<10240x128xf32, #tpu.memory_space<vmem_shared>> -> memref<40x128xf32, #tpu.memory_space<vmem_shared>>
    %dma_wait3A_172 = arith.constant 0 : i32
    %dma_wait3A_173 = tpu.memref_slice %arg6[%add3A_86, %dma_wait3A_172] : memref<10240x128xf32, #tpu.memory_space<vmem_shared>> -> memref<40x128xf32, #tpu.memory_space<vmem_shared>>
    tpu.wait_dma2 semaphore(%arg19 : memref<!tpu.dma_semaphore, #tpu.memory_space<semaphore_mem>>) src(%arg9 : memref<40x128xf32, #tpu.memory_space<vmem>>) dst(%dma_wait3A_173 : memref<40x128xf32, #tpu.memory_space<vmem_shared>>)
    %dma_wait3A_174 = arith.constant 0 : i32
    %dma_wait3A_175 = tpu.memref_slice %arg6[%add3A_94, %dma_wait3A_174] : memref<10240x128xf32, #tpu.memory_space<vmem_shared>> -> memref<40x128xf32, #tpu.memory_space<vmem_shared>>
    %dma_wait3A_176 = arith.constant 0 : i32
    %dma_wait3A_177 = tpu.memref_slice %arg6[%add3A_94, %dma_wait3A_176] : memref<10240x128xf32, #tpu.memory_space<vmem_shared>> -> memref<40x128xf32, #tpu.memory_space<vmem_shared>>
    tpu.wait_dma2 semaphore(%arg20 : memref<!tpu.dma_semaphore, #tpu.memory_space<semaphore_mem>>) src(%arg9 : memref<40x128xf32, #tpu.memory_space<vmem>>) dst(%dma_wait3A_177 : memref<40x128xf32, #tpu.memory_space<vmem_shared>>)
    %dma_wait3A_178 = arith.constant 0 : i32
    %dma_wait3A_179 = tpu.memref_slice %arg6[%add3A_102, %dma_wait3A_178] : memref<10240x128xf32, #tpu.memory_space<vmem_shared>> -> memref<40x128xf32, #tpu.memory_space<vmem_shared>>
    %dma_wait3A_180 = arith.constant 0 : i32
    %dma_wait3A_181 = tpu.memref_slice %arg6[%add3A_102, %dma_wait3A_180] : memref<10240x128xf32, #tpu.memory_space<vmem_shared>> -> memref<40x128xf32, #tpu.memory_space<vmem_shared>>
    tpu.wait_dma2 semaphore(%arg19 : memref<!tpu.dma_semaphore, #tpu.memory_space<semaphore_mem>>) src(%arg9 : memref<40x128xf32, #tpu.memory_space<vmem>>) dst(%dma_wait3A_181 : memref<40x128xf32, #tpu.memory_space<vmem_shared>>)
    %dma_wait3A_182 = arith.constant 0 : i32
    %dma_wait3A_183 = tpu.memref_slice %arg6[%add3A_110, %dma_wait3A_182] : memref<10240x128xf32, #tpu.memory_space<vmem_shared>> -> memref<40x128xf32, #tpu.memory_space<vmem_shared>>
    %dma_wait3A_184 = arith.constant 0 : i32
    %dma_wait3A_185 = tpu.memref_slice %arg6[%add3A_110, %dma_wait3A_184] : memref<10240x128xf32, #tpu.memory_space<vmem_shared>> -> memref<40x128xf32, #tpu.memory_space<vmem_shared>>
    tpu.wait_dma2 semaphore(%arg20 : memref<!tpu.dma_semaphore, #tpu.memory_space<semaphore_mem>>) src(%arg9 : memref<40x128xf32, #tpu.memory_space<vmem>>) dst(%dma_wait3A_185 : memref<40x128xf32, #tpu.memory_space<vmem_shared>>)
    %dma_wait3A_186 = arith.constant 0 : i32
    %dma_wait3A_187 = tpu.memref_slice %arg6[%add3A_118, %dma_wait3A_186] : memref<10240x128xf32, #tpu.memory_space<vmem_shared>> -> memref<40x128xf32, #tpu.memory_space<vmem_shared>>
    %dma_wait3A_188 = arith.constant 0 : i32
    %dma_wait3A_189 = tpu.memref_slice %arg6[%add3A_118, %dma_wait3A_188] : memref<10240x128xf32, #tpu.memory_space<vmem_shared>> -> memref<40x128xf32, #tpu.memory_space<vmem_shared>>
    tpu.wait_dma2 semaphore(%arg19 : memref<!tpu.dma_semaphore, #tpu.memory_space<semaphore_mem>>) src(%arg9 : memref<40x128xf32, #tpu.memory_space<vmem>>) dst(%dma_wait3A_189 : memref<40x128xf32, #tpu.memory_space<vmem_shared>>)
    %dma_wait3A_190 = arith.constant 0 : i32
    %dma_wait3A_191 = tpu.memref_slice %arg6[%add3A_126, %dma_wait3A_190] : memref<10240x128xf32, #tpu.memory_space<vmem_shared>> -> memref<40x128xf32, #tpu.memory_space<vmem_shared>>
    %dma_wait3A_192 = arith.constant 0 : i32
    %dma_wait3A_193 = tpu.memref_slice %arg6[%add3A_126, %dma_wait3A_192] : memref<10240x128xf32, #tpu.memory_space<vmem_shared>> -> memref<40x128xf32, #tpu.memory_space<vmem_shared>>
    tpu.wait_dma2 semaphore(%arg20 : memref<!tpu.dma_semaphore, #tpu.memory_space<semaphore_mem>>) src(%arg9 : memref<40x128xf32, #tpu.memory_space<vmem>>) dst(%dma_wait3A_193 : memref<40x128xf32, #tpu.memory_space<vmem_shared>>)
    %barrier3A = arith.constant 0 : index
    tpu.barrier barrier_id(%barrier3A)
    %dma_start3A_194 = arith.constant 0 : i32
    %dma_start3A_195 = tpu.memref_slice %arg7[%dma_start3A_194] : memref<10000xi32, #tpu.memory_space<vmem>> -> memref<40xi32, #tpu.memory_space<vmem>>
    %dma_start3A_196 = arith.constant 0 : i32
    %dma_start3A_197 = arith.constant 0 : i32
    %dma_start3A_198 = tpu.memref_slice %arg2[%dma_start3A_196, %dma_start3A_197] : memref<10000x128xf32, #tpu.memory_space<hbm>> -> memref<10000x128xf32, #tpu.memory_space<hbm>>
    tpu.enqueue_indirect_dma source(%dma_start3A_198 : memref<10000x128xf32, #tpu.memory_space<hbm>>) target(%arg9 : memref<40x128xf32, #tpu.memory_space<vmem>>) offsets(%dma_start3A_195 : memref<40xi32, #tpu.memory_space<vmem>>) semaphore(%arg14 : memref<!tpu.dma_semaphore, #tpu.memory_space<semaphore_mem>>)
    %dma_start3A_199 = arith.constant 40 : i32
    %dma_start3A_200 = tpu.memref_slice %arg7[%dma_start3A_199] : memref<10000xi32, #tpu.memory_space<vmem>> -> memref<40xi32, #tpu.memory_space<vmem>>
    %dma_start3A_201 = arith.constant 0 : i32
    %dma_start3A_202 = arith.constant 0 : i32
    %dma_start3A_203 = tpu.memref_slice %arg2[%dma_start3A_201, %dma_start3A_202] : memref<10000x128xf32, #tpu.memory_space<hbm>> -> memref<10000x128xf32, #tpu.memory_space<hbm>>
    tpu.enqueue_indirect_dma source(%dma_start3A_203 : memref<10000x128xf32, #tpu.memory_space<hbm>>) target(%arg10 : memref<40x128xf32, #tpu.memory_space<vmem>>) offsets(%dma_start3A_200 : memref<40xi32, #tpu.memory_space<vmem>>) semaphore(%arg15 : memref<!tpu.dma_semaphore, #tpu.memory_space<semaphore_mem>>)
    %dma_start3A_204 = arith.constant 80 : i32
    %dma_start3A_205 = tpu.memref_slice %arg7[%dma_start3A_204] : memref<10000xi32, #tpu.memory_space<vmem>> -> memref<40xi32, #tpu.memory_space<vmem>>
    %dma_start3A_206 = arith.constant 0 : i32
    %dma_start3A_207 = arith.constant 0 : i32
    %dma_start3A_208 = tpu.memref_slice %arg2[%dma_start3A_206, %dma_start3A_207] : memref<10000x128xf32, #tpu.memory_space<hbm>> -> memref<10000x128xf32, #tpu.memory_space<hbm>>
    tpu.enqueue_indirect_dma source(%dma_start3A_208 : memref<10000x128xf32, #tpu.memory_space<hbm>>) target(%arg11 : memref<40x128xf32, #tpu.memory_space<vmem>>) offsets(%dma_start3A_205 : memref<40xi32, #tpu.memory_space<vmem>>) semaphore(%arg16 : memref<!tpu.dma_semaphore, #tpu.memory_space<semaphore_mem>>)
    %dma_start3A_209 = arith.constant 120 : i32
    %dma_start3A_210 = tpu.memref_slice %arg7[%dma_start3A_209] : memref<10000xi32, #tpu.memory_space<vmem>> -> memref<40xi32, #tpu.memory_space<vmem>>
    %dma_start3A_211 = arith.constant 0 : i32
    %dma_start3A_212 = arith.constant 0 : i32
    %dma_start3A_213 = tpu.memref_slice %arg2[%dma_start3A_211, %dma_start3A_212] : memref<10000x128xf32, #tpu.memory_space<hbm>> -> memref<10000x128xf32, #tpu.memory_space<hbm>>
    tpu.enqueue_indirect_dma source(%dma_start3A_213 : memref<10000x128xf32, #tpu.memory_space<hbm>>) target(%arg12 : memref<40x128xf32, #tpu.memory_space<vmem>>) offsets(%dma_start3A_210 : memref<40xi32, #tpu.memory_space<vmem>>) semaphore(%arg17 : memref<!tpu.dma_semaphore, #tpu.memory_space<semaphore_mem>>)
    %dma_start3A_214 = arith.constant 160 : i32
    %dma_start3A_215 = tpu.memref_slice %arg7[%dma_start3A_214] : memref<10000xi32, #tpu.memory_space<vmem>> -> memref<40xi32, #tpu.memory_space<vmem>>
    %dma_start3A_216 = arith.constant 0 : i32
    %dma_start3A_217 = arith.constant 0 : i32
    %dma_start3A_218 = tpu.memref_slice %arg2[%dma_start3A_216, %dma_start3A_217] : memref<10000x128xf32, #tpu.memory_space<hbm>> -> memref<10000x128xf32, #tpu.memory_space<hbm>>
    tpu.enqueue_indirect_dma source(%dma_start3A_218 : memref<10000x128xf32, #tpu.memory_space<hbm>>) target(%arg13 : memref<40x128xf32, #tpu.memory_space<vmem>>) offsets(%dma_start3A_215 : memref<40xi32, #tpu.memory_space<vmem>>) semaphore(%arg18 : memref<!tpu.dma_semaphore, #tpu.memory_space<semaphore_mem>>)
    %scan3A = arith.constant 0 : i32
    %scan3A_219 = arith.constant 0 : i32
    %scan3A_220 = arith.constant 50 : i32
    %scan3A_221 = arith.addi %scan3A_219, %scan3A_220 : i32
    %scan3A_222 = arith.constant 1 : i32
    scf.for %scan3A_673 = %scan3A_219 to %scan3A_221 step %scan3A_222  : i32 {
      %mul3A_674 = arith.constant 5 : i32
      %mul3A_675 = arith.muli %scan3A_673, %mul3A_674 : i32
      %mul3A_676 = arith.constant 40 : i32
      %mul3A_677 = arith.muli %mul3A_675, %mul3A_676 : i32
      %add3A_678 = arith.constant 0 : i32
      %add3A_679 = arith.addi %mul3A_677, %add3A_678 : i32
      %dma_wait3A_680 = tpu.memref_slice %arg7[%add3A_679] : memref<10000xi32, #tpu.memory_space<vmem>> -> memref<40xi32, #tpu.memory_space<vmem>>
      %dma_wait3A_681 = arith.constant 0 : i32
      %dma_wait3A_682 = arith.constant 0 : i32
      %dma_wait3A_683 = tpu.memref_slice %arg2[%dma_wait3A_681, %dma_wait3A_682] : memref<10000x128xf32, #tpu.memory_space<hbm>> -> memref<10000x128xf32, #tpu.memory_space<hbm>>
      tpu.wait_indirect_dma semaphore(%arg14 : memref<!tpu.dma_semaphore, #tpu.memory_space<semaphore_mem>>) src(%dma_wait3A_683 : memref<10000x128xf32, #tpu.memory_space<hbm>>) dst(%arg9 : memref<40x128xf32, #tpu.memory_space<vmem>>)
      %dma_start3A_684 = tpu.memref_slice %arg8[%add3A_679] : memref<10000xi32, #tpu.memory_space<vmem>> -> memref<40xi32, #tpu.memory_space<vmem>>
      %dma_start3A_685 = arith.constant 0 : i32
      %dma_start3A_686 = arith.constant 0 : i32
      %dma_start3A_687 = tpu.memref_slice %arg6[%dma_start3A_685, %dma_start3A_686] : memref<10240x128xf32, #tpu.memory_space<vmem_shared>> -> memref<10240x128xf32, #tpu.memory_space<vmem_shared>>
      tpu.enqueue_indirect_dma source(%arg9 : memref<40x128xf32, #tpu.memory_space<vmem>>) target(%dma_start3A_687 : memref<10240x128xf32, #tpu.memory_space<vmem_shared>>) offsets(%dma_start3A_684 : memref<40xi32, #tpu.memory_space<vmem>>) semaphore(%arg19 : memref<!tpu.dma_semaphore, #tpu.memory_space<semaphore_mem>>) {add = true}
      %add3A_688 = arith.constant 40 : i32
      %add3A_689 = arith.addi %mul3A_677, %add3A_688 : i32
      %dma_wait3A_690 = tpu.memref_slice %arg7[%add3A_689] : memref<10000xi32, #tpu.memory_space<vmem>> -> memref<40xi32, #tpu.memory_space<vmem>>
      %dma_wait3A_691 = arith.constant 0 : i32
      %dma_wait3A_692 = arith.constant 0 : i32
      %dma_wait3A_693 = tpu.memref_slice %arg2[%dma_wait3A_691, %dma_wait3A_692] : memref<10000x128xf32, #tpu.memory_space<hbm>> -> memref<10000x128xf32, #tpu.memory_space<hbm>>
      tpu.wait_indirect_dma semaphore(%arg15 : memref<!tpu.dma_semaphore, #tpu.memory_space<semaphore_mem>>) src(%dma_wait3A_693 : memref<10000x128xf32, #tpu.memory_space<hbm>>) dst(%arg10 : memref<40x128xf32, #tpu.memory_space<vmem>>)
      %dma_start3A_694 = tpu.memref_slice %arg8[%add3A_689] : memref<10000xi32, #tpu.memory_space<vmem>> -> memref<40xi32, #tpu.memory_space<vmem>>
      %dma_start3A_695 = arith.constant 0 : i32
      %dma_start3A_696 = arith.constant 0 : i32
      %dma_start3A_697 = tpu.memref_slice %arg6[%dma_start3A_695, %dma_start3A_696] : memref<10240x128xf32, #tpu.memory_space<vmem_shared>> -> memref<10240x128xf32, #tpu.memory_space<vmem_shared>>
      tpu.enqueue_indirect_dma source(%arg10 : memref<40x128xf32, #tpu.memory_space<vmem>>) target(%dma_start3A_697 : memref<10240x128xf32, #tpu.memory_space<vmem_shared>>) offsets(%dma_start3A_694 : memref<40xi32, #tpu.memory_space<vmem>>) semaphore(%arg20 : memref<!tpu.dma_semaphore, #tpu.memory_space<semaphore_mem>>) {add = true}
      %add3A_698 = arith.constant 80 : i32
      %add3A_699 = arith.addi %mul3A_677, %add3A_698 : i32
      %dma_wait3A_700 = tpu.memref_slice %arg7[%add3A_699] : memref<10000xi32, #tpu.memory_space<vmem>> -> memref<40xi32, #tpu.memory_space<vmem>>
      %dma_wait3A_701 = arith.constant 0 : i32
      %dma_wait3A_702 = arith.constant 0 : i32
      %dma_wait3A_703 = tpu.memref_slice %arg2[%dma_wait3A_701, %dma_wait3A_702] : memref<10000x128xf32, #tpu.memory_space<hbm>> -> memref<10000x128xf32, #tpu.memory_space<hbm>>
      tpu.wait_indirect_dma semaphore(%arg16 : memref<!tpu.dma_semaphore, #tpu.memory_space<semaphore_mem>>) src(%dma_wait3A_703 : memref<10000x128xf32, #tpu.memory_space<hbm>>) dst(%arg11 : memref<40x128xf32, #tpu.memory_space<vmem>>)
      %dma_start3A_704 = tpu.memref_slice %arg8[%add3A_699] : memref<10000xi32, #tpu.memory_space<vmem>> -> memref<40xi32, #tpu.memory_space<vmem>>
      %dma_start3A_705 = arith.constant 0 : i32
      %dma_start3A_706 = arith.constant 0 : i32
      %dma_start3A_707 = tpu.memref_slice %arg6[%dma_start3A_705, %dma_start3A_706] : memref<10240x128xf32, #tpu.memory_space<vmem_shared>> -> memref<10240x128xf32, #tpu.memory_space<vmem_shared>>
      tpu.enqueue_indirect_dma source(%arg11 : memref<40x128xf32, #tpu.memory_space<vmem>>) target(%dma_start3A_707 : memref<10240x128xf32, #tpu.memory_space<vmem_shared>>) offsets(%dma_start3A_704 : memref<40xi32, #tpu.memory_space<vmem>>) semaphore(%arg21 : memref<!tpu.dma_semaphore, #tpu.memory_space<semaphore_mem>>) {add = true}
      %add3A_708 = arith.constant 120 : i32
      %add3A_709 = arith.addi %mul3A_677, %add3A_708 : i32
      %dma_wait3A_710 = tpu.memref_slice %arg7[%add3A_709] : memref<10000xi32, #tpu.memory_space<vmem>> -> memref<40xi32, #tpu.memory_space<vmem>>
      %dma_wait3A_711 = arith.constant 0 : i32
      %dma_wait3A_712 = arith.constant 0 : i32
      %dma_wait3A_713 = tpu.memref_slice %arg2[%dma_wait3A_711, %dma_wait3A_712] : memref<10000x128xf32, #tpu.memory_space<hbm>> -> memref<10000x128xf32, #tpu.memory_space<hbm>>
      tpu.wait_indirect_dma semaphore(%arg17 : memref<!tpu.dma_semaphore, #tpu.memory_space<semaphore_mem>>) src(%dma_wait3A_713 : memref<10000x128xf32, #tpu.memory_space<hbm>>) dst(%arg12 : memref<40x128xf32, #tpu.memory_space<vmem>>)
      %dma_start3A_714 = tpu.memref_slice %arg8[%add3A_709] : memref<10000xi32, #tpu.memory_space<vmem>> -> memref<40xi32, #tpu.memory_space<vmem>>
      %dma_start3A_715 = arith.constant 0 : i32
      %dma_start3A_716 = arith.constant 0 : i32
      %dma_start3A_717 = tpu.memref_slice %arg6[%dma_start3A_715, %dma_start3A_716] : memref<10240x128xf32, #tpu.memory_space<vmem_shared>> -> memref<10240x128xf32, #tpu.memory_space<vmem_shared>>
      tpu.enqueue_indirect_dma source(%arg12 : memref<40x128xf32, #tpu.memory_space<vmem>>) target(%dma_start3A_717 : memref<10240x128xf32, #tpu.memory_space<vmem_shared>>) offsets(%dma_start3A_714 : memref<40xi32, #tpu.memory_space<vmem>>) semaphore(%arg22 : memref<!tpu.dma_semaphore, #tpu.memory_space<semaphore_mem>>) {add = true}
      %add3A_718 = arith.constant 160 : i32
      %add3A_719 = arith.addi %mul3A_677, %add3A_718 : i32
      %dma_wait3A_720 = tpu.memref_slice %arg7[%add3A_719] : memref<10000xi32, #tpu.memory_space<vmem>> -> memref<40xi32, #tpu.memory_space<vmem>>
      %dma_wait3A_721 = arith.constant 0 : i32
      %dma_wait3A_722 = arith.constant 0 : i32
      %dma_wait3A_723 = tpu.memref_slice %arg2[%dma_wait3A_721, %dma_wait3A_722] : memref<10000x128xf32, #tpu.memory_space<hbm>> -> memref<10000x128xf32, #tpu.memory_space<hbm>>
      tpu.wait_indirect_dma semaphore(%arg18 : memref<!tpu.dma_semaphore, #tpu.memory_space<semaphore_mem>>) src(%dma_wait3A_723 : memref<10000x128xf32, #tpu.memory_space<hbm>>) dst(%arg13 : memref<40x128xf32, #tpu.memory_space<vmem>>)
      %dma_start3A_724 = tpu.memref_slice %arg8[%add3A_719] : memref<10000xi32, #tpu.memory_space<vmem>> -> memref<40xi32, #tpu.memory_space<vmem>>
      %dma_start3A_725 = arith.constant 0 : i32
      %dma_start3A_726 = arith.constant 0 : i32
      %dma_start3A_727 = tpu.memref_slice %arg6[%dma_start3A_725, %dma_start3A_726] : memref<10240x128xf32, #tpu.memory_space<vmem_shared>> -> memref<10240x128xf32, #tpu.memory_space<vmem_shared>>
      tpu.enqueue_indirect_dma source(%arg13 : memref<40x128xf32, #tpu.memory_space<vmem>>) target(%dma_start3A_727 : memref<10240x128xf32, #tpu.memory_space<vmem_shared>>) offsets(%dma_start3A_724 : memref<40xi32, #tpu.memory_space<vmem>>) semaphore(%arg23 : memref<!tpu.dma_semaphore, #tpu.memory_space<semaphore_mem>>) {add = true}
      %add3A_728 = arith.constant 0 : i32
      %add3A_729 = arith.addi %mul3A_677, %add3A_728 : i32
      %dma_wait3A_730 = tpu.memref_slice %arg8[%add3A_729] : memref<10000xi32, #tpu.memory_space<vmem>> -> memref<40xi32, #tpu.memory_space<vmem>>
      %dma_wait3A_731 = arith.constant 0 : i32
      %dma_wait3A_732 = arith.constant 0 : i32
      %dma_wait3A_733 = tpu.memref_slice %arg6[%dma_wait3A_731, %dma_wait3A_732] : memref<10240x128xf32, #tpu.memory_space<vmem_shared>> -> memref<10240x128xf32, #tpu.memory_space<vmem_shared>>
      tpu.wait_indirect_dma semaphore(%arg19 : memref<!tpu.dma_semaphore, #tpu.memory_space<semaphore_mem>>) src(%arg9 : memref<40x128xf32, #tpu.memory_space<vmem>>) dst(%dma_wait3A_733 : memref<10240x128xf32, #tpu.memory_space<vmem_shared>>)
      %add3A_734 = arith.constant 200 : i32
      %add3A_735 = arith.addi %add3A_729, %add3A_734 : i32
      %lt3A = arith.constant 10000 : i32
      %lt3A_736 = arith.cmpi slt, %add3A_735, %lt3A : i32
      %convert_element_type3A = arith.extui %lt3A_736 : i1 to i32
      %cond3A = arith.constant 0 : i32
      %cond3A_737 = arith.cmpi ne, %convert_element_type3A, %cond3A : i32
      scf.if %cond3A_737 {
        %dma_start3A_790 = tpu.memref_slice %arg7[%add3A_735] : memref<10000xi32, #tpu.memory_space<vmem>> -> memref<40xi32, #tpu.memory_space<vmem>>
        %dma_start3A_791 = arith.constant 0 : i32
        %dma_start3A_792 = arith.constant 0 : i32
        %dma_start3A_793 = tpu.memref_slice %arg2[%dma_start3A_791, %dma_start3A_792] : memref<10000x128xf32, #tpu.memory_space<hbm>> -> memref<10000x128xf32, #tpu.memory_space<hbm>>
        tpu.enqueue_indirect_dma source(%dma_start3A_793 : memref<10000x128xf32, #tpu.memory_space<hbm>>) target(%arg9 : memref<40x128xf32, #tpu.memory_space<vmem>>) offsets(%dma_start3A_790 : memref<40xi32, #tpu.memory_space<vmem>>) semaphore(%arg14 : memref<!tpu.dma_semaphore, #tpu.memory_space<semaphore_mem>>)
      } else {
      }
      %add3A_738 = arith.constant 40 : i32
      %add3A_739 = arith.addi %mul3A_677, %add3A_738 : i32
      %dma_wait3A_740 = tpu.memref_slice %arg8[%add3A_739] : memref<10000xi32, #tpu.memory_space<vmem>> -> memref<40xi32, #tpu.memory_space<vmem>>
      %dma_wait3A_741 = arith.constant 0 : i32
      %dma_wait3A_742 = arith.constant 0 : i32
      %dma_wait3A_743 = tpu.memref_slice %arg6[%dma_wait3A_741, %dma_wait3A_742] : memref<10240x128xf32, #tpu.memory_space<vmem_shared>> -> memref<10240x128xf32, #tpu.memory_space<vmem_shared>>
      tpu.wait_indirect_dma semaphore(%arg20 : memref<!tpu.dma_semaphore, #tpu.memory_space<semaphore_mem>>) src(%arg10 : memref<40x128xf32, #tpu.memory_space<vmem>>) dst(%dma_wait3A_743 : memref<10240x128xf32, #tpu.memory_space<vmem_shared>>)
      %add3A_744 = arith.constant 200 : i32
      %add3A_745 = arith.addi %add3A_739, %add3A_744 : i32
      %lt3A_746 = arith.constant 10000 : i32
      %lt3A_747 = arith.cmpi slt, %add3A_745, %lt3A_746 : i32
      %convert_element_type3A_748 = arith.extui %lt3A_747 : i1 to i32
      %cond3A_749 = arith.constant 0 : i32
      %cond3A_750 = arith.cmpi ne, %convert_element_type3A_748, %cond3A_749 : i32
      scf.if %cond3A_750 {
        %dma_start3A_790 = tpu.memref_slice %arg7[%add3A_745] : memref<10000xi32, #tpu.memory_space<vmem>> -> memref<40xi32, #tpu.memory_space<vmem>>
        %dma_start3A_791 = arith.constant 0 : i32
        %dma_start3A_792 = arith.constant 0 : i32
        %dma_start3A_793 = tpu.memref_slice %arg2[%dma_start3A_791, %dma_start3A_792] : memref<10000x128xf32, #tpu.memory_space<hbm>> -> memref<10000x128xf32, #tpu.memory_space<hbm>>
        tpu.enqueue_indirect_dma source(%dma_start3A_793 : memref<10000x128xf32, #tpu.memory_space<hbm>>) target(%arg10 : memref<40x128xf32, #tpu.memory_space<vmem>>) offsets(%dma_start3A_790 : memref<40xi32, #tpu.memory_space<vmem>>) semaphore(%arg15 : memref<!tpu.dma_semaphore, #tpu.memory_space<semaphore_mem>>)
      } else {
      }
      %add3A_751 = arith.constant 80 : i32
      %add3A_752 = arith.addi %mul3A_677, %add3A_751 : i32
      %dma_wait3A_753 = tpu.memref_slice %arg8[%add3A_752] : memref<10000xi32, #tpu.memory_space<vmem>> -> memref<40xi32, #tpu.memory_space<vmem>>
      %dma_wait3A_754 = arith.constant 0 : i32
      %dma_wait3A_755 = arith.constant 0 : i32
      %dma_wait3A_756 = tpu.memref_slice %arg6[%dma_wait3A_754, %dma_wait3A_755] : memref<10240x128xf32, #tpu.memory_space<vmem_shared>> -> memref<10240x128xf32, #tpu.memory_space<vmem_shared>>
      tpu.wait_indirect_dma semaphore(%arg21 : memref<!tpu.dma_semaphore, #tpu.memory_space<semaphore_mem>>) src(%arg11 : memref<40x128xf32, #tpu.memory_space<vmem>>) dst(%dma_wait3A_756 : memref<10240x128xf32, #tpu.memory_space<vmem_shared>>)
      %add3A_757 = arith.constant 200 : i32
      %add3A_758 = arith.addi %add3A_752, %add3A_757 : i32
      %lt3A_759 = arith.constant 10000 : i32
      %lt3A_760 = arith.cmpi slt, %add3A_758, %lt3A_759 : i32
      %convert_element_type3A_761 = arith.extui %lt3A_760 : i1 to i32
      %cond3A_762 = arith.constant 0 : i32
      %cond3A_763 = arith.cmpi ne, %convert_element_type3A_761, %cond3A_762 : i32
      scf.if %cond3A_763 {
        %dma_start3A_790 = tpu.memref_slice %arg7[%add3A_758] : memref<10000xi32, #tpu.memory_space<vmem>> -> memref<40xi32, #tpu.memory_space<vmem>>
        %dma_start3A_791 = arith.constant 0 : i32
        %dma_start3A_792 = arith.constant 0 : i32
        %dma_start3A_793 = tpu.memref_slice %arg2[%dma_start3A_791, %dma_start3A_792] : memref<10000x128xf32, #tpu.memory_space<hbm>> -> memref<10000x128xf32, #tpu.memory_space<hbm>>
        tpu.enqueue_indirect_dma source(%dma_start3A_793 : memref<10000x128xf32, #tpu.memory_space<hbm>>) target(%arg11 : memref<40x128xf32, #tpu.memory_space<vmem>>) offsets(%dma_start3A_790 : memref<40xi32, #tpu.memory_space<vmem>>) semaphore(%arg16 : memref<!tpu.dma_semaphore, #tpu.memory_space<semaphore_mem>>)
      } else {
      }
      %add3A_764 = arith.constant 120 : i32
      %add3A_765 = arith.addi %mul3A_677, %add3A_764 : i32
      %dma_wait3A_766 = tpu.memref_slice %arg8[%add3A_765] : memref<10000xi32, #tpu.memory_space<vmem>> -> memref<40xi32, #tpu.memory_space<vmem>>
      %dma_wait3A_767 = arith.constant 0 : i32
      %dma_wait3A_768 = arith.constant 0 : i32
      %dma_wait3A_769 = tpu.memref_slice %arg6[%dma_wait3A_767, %dma_wait3A_768] : memref<10240x128xf32, #tpu.memory_space<vmem_shared>> -> memref<10240x128xf32, #tpu.memory_space<vmem_shared>>
      tpu.wait_indirect_dma semaphore(%arg22 : memref<!tpu.dma_semaphore, #tpu.memory_space<semaphore_mem>>) src(%arg12 : memref<40x128xf32, #tpu.memory_space<vmem>>) dst(%dma_wait3A_769 : memref<10240x128xf32, #tpu.memory_space<vmem_shared>>)
      %add3A_770 = arith.constant 200 : i32
      %add3A_771 = arith.addi %add3A_765, %add3A_770 : i32
      %lt3A_772 = arith.constant 10000 : i32
      %lt3A_773 = arith.cmpi slt, %add3A_771, %lt3A_772 : i32
      %convert_element_type3A_774 = arith.extui %lt3A_773 : i1 to i32
      %cond3A_775 = arith.constant 0 : i32
      %cond3A_776 = arith.cmpi ne, %convert_element_type3A_774, %cond3A_775 : i32
      scf.if %cond3A_776 {
        %dma_start3A_790 = tpu.memref_slice %arg7[%add3A_771] : memref<10000xi32, #tpu.memory_space<vmem>> -> memref<40xi32, #tpu.memory_space<vmem>>
        %dma_start3A_791 = arith.constant 0 : i32
        %dma_start3A_792 = arith.constant 0 : i32
        %dma_start3A_793 = tpu.memref_slice %arg2[%dma_start3A_791, %dma_start3A_792] : memref<10000x128xf32, #tpu.memory_space<hbm>> -> memref<10000x128xf32, #tpu.memory_space<hbm>>
        tpu.enqueue_indirect_dma source(%dma_start3A_793 : memref<10000x128xf32, #tpu.memory_space<hbm>>) target(%arg12 : memref<40x128xf32, #tpu.memory_space<vmem>>) offsets(%dma_start3A_790 : memref<40xi32, #tpu.memory_space<vmem>>) semaphore(%arg17 : memref<!tpu.dma_semaphore, #tpu.memory_space<semaphore_mem>>)
      } else {
      }
      %add3A_777 = arith.constant 160 : i32
      %add3A_778 = arith.addi %mul3A_677, %add3A_777 : i32
      %dma_wait3A_779 = tpu.memref_slice %arg8[%add3A_778] : memref<10000xi32, #tpu.memory_space<vmem>> -> memref<40xi32, #tpu.memory_space<vmem>>
      %dma_wait3A_780 = arith.constant 0 : i32
      %dma_wait3A_781 = arith.constant 0 : i32
      %dma_wait3A_782 = tpu.memref_slice %arg6[%dma_wait3A_780, %dma_wait3A_781] : memref<10240x128xf32, #tpu.memory_space<vmem_shared>> -> memref<10240x128xf32, #tpu.memory_space<vmem_shared>>
      tpu.wait_indirect_dma semaphore(%arg23 : memref<!tpu.dma_semaphore, #tpu.memory_space<semaphore_mem>>) src(%arg13 : memref<40x128xf32, #tpu.memory_space<vmem>>) dst(%dma_wait3A_782 : memref<10240x128xf32, #tpu.memory_space<vmem_shared>>)
      %add3A_783 = arith.constant 200 : i32
      %add3A_784 = arith.addi %add3A_778, %add3A_783 : i32
      %lt3A_785 = arith.constant 10000 : i32
      %lt3A_786 = arith.cmpi slt, %add3A_784, %lt3A_785 : i32
      %convert_element_type3A_787 = arith.extui %lt3A_786 : i1 to i32
      %cond3A_788 = arith.constant 0 : i32
      %cond3A_789 = arith.cmpi ne, %convert_element_type3A_787, %cond3A_788 : i32
      scf.if %cond3A_789 {
        %dma_start3A_790 = tpu.memref_slice %arg7[%add3A_784] : memref<10000xi32, #tpu.memory_space<vmem>> -> memref<40xi32, #tpu.memory_space<vmem>>
        %dma_start3A_791 = arith.constant 0 : i32
        %dma_start3A_792 = arith.constant 0 : i32
        %dma_start3A_793 = tpu.memref_slice %arg2[%dma_start3A_791, %dma_start3A_792] : memref<10000x128xf32, #tpu.memory_space<hbm>> -> memref<10000x128xf32, #tpu.memory_space<hbm>>
        tpu.enqueue_indirect_dma source(%dma_start3A_793 : memref<10000x128xf32, #tpu.memory_space<hbm>>) target(%arg13 : memref<40x128xf32, #tpu.memory_space<vmem>>) offsets(%dma_start3A_790 : memref<40xi32, #tpu.memory_space<vmem>>) semaphore(%arg18 : memref<!tpu.dma_semaphore, #tpu.memory_space<semaphore_mem>>)
      } else {
      }
    }
    %scan3A_223 = arith.constant 50 : i32
    %barrier3A_224 = arith.constant 0 : index
    tpu.barrier barrier_id(%barrier3A_224)
    %mul3A_225 = arith.constant 640 : i32
    %mul3A_226 = arith.muli %arg1, %mul3A_225 : i32
    %add3A_227 = arith.constant 0 : i32
    %add3A_228 = arith.addi %mul3A_226, %add3A_227 : i32
    %dma_start3A_229 = arith.constant 0 : i32
    %dma_start3A_230 = tpu.memref_slice %arg6[%add3A_228, %dma_start3A_229] : memref<10240x128xf32, #tpu.memory_space<vmem_shared>> -> memref<40x128xf32, #tpu.memory_space<vmem_shared>>
    %dma_start3A_231 = arith.constant 0 : i32
    %dma_start3A_232 = tpu.memref_slice %arg6[%add3A_228, %dma_start3A_231] : memref<10240x128xf32, #tpu.memory_space<vmem_shared>> -> memref<40x128xf32, #tpu.memory_space<vmem_shared>>
    tpu.enqueue_dma source(%dma_start3A_232 : memref<40x128xf32, #tpu.memory_space<vmem_shared>>) target(%arg9 : memref<40x128xf32, #tpu.memory_space<vmem>>) target_semaphore(%arg14 : memref<!tpu.dma_semaphore, #tpu.memory_space<semaphore_mem>>)
    %mul3A_233 = arith.constant 640 : i32
    %mul3A_234 = arith.muli %arg1, %mul3A_233 : i32
    %add3A_235 = arith.constant 40 : i32
    %add3A_236 = arith.addi %mul3A_234, %add3A_235 : i32
    %dma_start3A_237 = arith.constant 0 : i32
    %dma_start3A_238 = tpu.memref_slice %arg6[%add3A_236, %dma_start3A_237] : memref<10240x128xf32, #tpu.memory_space<vmem_shared>> -> memref<40x128xf32, #tpu.memory_space<vmem_shared>>
    %dma_start3A_239 = arith.constant 0 : i32
    %dma_start3A_240 = tpu.memref_slice %arg6[%add3A_236, %dma_start3A_239] : memref<10240x128xf32, #tpu.memory_space<vmem_shared>> -> memref<40x128xf32, #tpu.memory_space<vmem_shared>>
    tpu.enqueue_dma source(%dma_start3A_240 : memref<40x128xf32, #tpu.memory_space<vmem_shared>>) target(%arg10 : memref<40x128xf32, #tpu.memory_space<vmem>>) target_semaphore(%arg15 : memref<!tpu.dma_semaphore, #tpu.memory_space<semaphore_mem>>)
    %mul3A_241 = arith.constant 640 : i32
    %mul3A_242 = arith.muli %arg1, %mul3A_241 : i32
    %add3A_243 = arith.constant 80 : i32
    %add3A_244 = arith.addi %mul3A_242, %add3A_243 : i32
    %dma_start3A_245 = arith.constant 0 : i32
    %dma_start3A_246 = tpu.memref_slice %arg6[%add3A_244, %dma_start3A_245] : memref<10240x128xf32, #tpu.memory_space<vmem_shared>> -> memref<40x128xf32, #tpu.memory_space<vmem_shared>>
    %dma_start3A_247 = arith.constant 0 : i32
    %dma_start3A_248 = tpu.memref_slice %arg6[%add3A_244, %dma_start3A_247] : memref<10240x128xf32, #tpu.memory_space<vmem_shared>> -> memref<40x128xf32, #tpu.memory_space<vmem_shared>>
    tpu.enqueue_dma source(%dma_start3A_248 : memref<40x128xf32, #tpu.memory_space<vmem_shared>>) target(%arg11 : memref<40x128xf32, #tpu.memory_space<vmem>>) target_semaphore(%arg16 : memref<!tpu.dma_semaphore, #tpu.memory_space<semaphore_mem>>)
    %mul3A_249 = arith.constant 640 : i32
    %mul3A_250 = arith.muli %arg1, %mul3A_249 : i32
    %add3A_251 = arith.constant 120 : i32
    %add3A_252 = arith.addi %mul3A_250, %add3A_251 : i32
    %dma_start3A_253 = arith.constant 0 : i32
    %dma_start3A_254 = tpu.memref_slice %arg6[%add3A_252, %dma_start3A_253] : memref<10240x128xf32, #tpu.memory_space<vmem_shared>> -> memref<40x128xf32, #tpu.memory_space<vmem_shared>>
    %dma_start3A_255 = arith.constant 0 : i32
    %dma_start3A_256 = tpu.memref_slice %arg6[%add3A_252, %dma_start3A_255] : memref<10240x128xf32, #tpu.memory_space<vmem_shared>> -> memref<40x128xf32, #tpu.memory_space<vmem_shared>>
    tpu.enqueue_dma source(%dma_start3A_256 : memref<40x128xf32, #tpu.memory_space<vmem_shared>>) target(%arg12 : memref<40x128xf32, #tpu.memory_space<vmem>>) target_semaphore(%arg17 : memref<!tpu.dma_semaphore, #tpu.memory_space<semaphore_mem>>)
    %mul3A_257 = arith.constant 640 : i32
    %mul3A_258 = arith.muli %arg1, %mul3A_257 : i32
    %add3A_259 = arith.constant 160 : i32
    %add3A_260 = arith.addi %mul3A_258, %add3A_259 : i32
    %dma_start3A_261 = arith.constant 0 : i32
    %dma_start3A_262 = tpu.memref_slice %arg6[%add3A_260, %dma_start3A_261] : memref<10240x128xf32, #tpu.memory_space<vmem_shared>> -> memref<40x128xf32, #tpu.memory_space<vmem_shared>>
    %dma_start3A_263 = arith.constant 0 : i32
    %dma_start3A_264 = tpu.memref_slice %arg6[%add3A_260, %dma_start3A_263] : memref<10240x128xf32, #tpu.memory_space<vmem_shared>> -> memref<40x128xf32, #tpu.memory_space<vmem_shared>>
    tpu.enqueue_dma source(%dma_start3A_264 : memref<40x128xf32, #tpu.memory_space<vmem_shared>>) target(%arg13 : memref<40x128xf32, #tpu.memory_space<vmem>>) target_semaphore(%arg18 : memref<!tpu.dma_semaphore, #tpu.memory_space<semaphore_mem>>)
    %mul3A_265 = arith.constant 640 : i32
    %mul3A_266 = arith.muli %arg1, %mul3A_265 : i32
    %add3A_267 = arith.constant 0 : i32
    %add3A_268 = arith.addi %mul3A_266, %add3A_267 : i32
    %dma_wait3A_269 = arith.constant 0 : i32
    %dma_wait3A_270 = tpu.memref_slice %arg6[%add3A_228, %dma_wait3A_269] : memref<10240x128xf32, #tpu.memory_space<vmem_shared>> -> memref<40x128xf32, #tpu.memory_space<vmem_shared>>
    %dma_wait3A_271 = arith.constant 0 : i32
    %dma_wait3A_272 = tpu.memref_slice %arg6[%add3A_228, %dma_wait3A_271] : memref<10240x128xf32, #tpu.memory_space<vmem_shared>> -> memref<40x128xf32, #tpu.memory_space<vmem_shared>>
    tpu.wait_dma2 semaphore(%arg14 : memref<!tpu.dma_semaphore, #tpu.memory_space<semaphore_mem>>) src(%dma_wait3A_272 : memref<40x128xf32, #tpu.memory_space<vmem_shared>>) dst(%arg9 : memref<40x128xf32, #tpu.memory_space<vmem>>)
    %dma_start3A_273 = arith.constant 0 : i32
    %dma_start3A_274 = tpu.memref_slice %arg5[%arg0, %add3A_268, %dma_start3A_273] : memref<2x10240x128xf32, #tpu.memory_space<hbm>> -> memref<1x40x128xf32, #tpu.memory_space<hbm>>
    %dma_start3A_275 = tpu.memref_squeeze %dma_start3A_274 : memref<1x40x128xf32, #tpu.memory_space<hbm>> -> memref<40x128xf32, #tpu.memory_space<hbm>>
    %dma_start3A_276 = arith.constant 0 : i32
    %dma_start3A_277 = tpu.memref_slice %arg5[%arg0, %add3A_268, %dma_start3A_276] : memref<2x10240x128xf32, #tpu.memory_space<hbm>> -> memref<1x40x128xf32, #tpu.memory_space<hbm>>
    %dma_start3A_278 = tpu.memref_squeeze %dma_start3A_277 : memref<1x40x128xf32, #tpu.memory_space<hbm>> -> memref<40x128xf32, #tpu.memory_space<hbm>>
    tpu.enqueue_dma source(%arg9 : memref<40x128xf32, #tpu.memory_space<vmem>>) target(%dma_start3A_278 : memref<40x128xf32, #tpu.memory_space<hbm>>) target_semaphore(%arg19 : memref<!tpu.dma_semaphore, #tpu.memory_space<semaphore_mem>>)
    %dma_wait3A_279 = arith.constant 0 : i32
    %dma_wait3A_280 = tpu.memref_slice %arg5[%arg0, %add3A_268, %dma_wait3A_279] : memref<2x10240x128xf32, #tpu.memory_space<hbm>> -> memref<1x40x128xf32, #tpu.memory_space<hbm>>
    %dma_wait3A_281 = tpu.memref_squeeze %dma_wait3A_280 : memref<1x40x128xf32, #tpu.memory_space<hbm>> -> memref<40x128xf32, #tpu.memory_space<hbm>>
    %dma_wait3A_282 = arith.constant 0 : i32
    %dma_wait3A_283 = tpu.memref_slice %arg5[%arg0, %add3A_268, %dma_wait3A_282] : memref<2x10240x128xf32, #tpu.memory_space<hbm>> -> memref<1x40x128xf32, #tpu.memory_space<hbm>>
    %dma_wait3A_284 = tpu.memref_squeeze %dma_wait3A_283 : memref<1x40x128xf32, #tpu.memory_space<hbm>> -> memref<40x128xf32, #tpu.memory_space<hbm>>
    tpu.wait_dma2 semaphore(%arg19 : memref<!tpu.dma_semaphore, #tpu.memory_space<semaphore_mem>>) src(%arg9 : memref<40x128xf32, #tpu.memory_space<vmem>>) dst(%dma_wait3A_284 : memref<40x128xf32, #tpu.memory_space<hbm>>)
    %mul3A_285 = arith.constant 640 : i32
    %mul3A_286 = arith.muli %arg1, %mul3A_285 : i32
    %add3A_287 = arith.constant 200 : i32
    %add3A_288 = arith.addi %mul3A_286, %add3A_287 : i32
    %dma_start3A_289 = arith.constant 0 : i32
    %dma_start3A_290 = tpu.memref_slice %arg6[%add3A_288, %dma_start3A_289] : memref<10240x128xf32, #tpu.memory_space<vmem_shared>> -> memref<40x128xf32, #tpu.memory_space<vmem_shared>>
    %dma_start3A_291 = arith.constant 0 : i32
    %dma_start3A_292 = tpu.memref_slice %arg6[%add3A_288, %dma_start3A_291] : memref<10240x128xf32, #tpu.memory_space<vmem_shared>> -> memref<40x128xf32, #tpu.memory_space<vmem_shared>>
    tpu.enqueue_dma source(%dma_start3A_292 : memref<40x128xf32, #tpu.memory_space<vmem_shared>>) target(%arg9 : memref<40x128xf32, #tpu.memory_space<vmem>>) target_semaphore(%arg14 : memref<!tpu.dma_semaphore, #tpu.memory_space<semaphore_mem>>)
    %mul3A_293 = arith.constant 640 : i32
    %mul3A_294 = arith.muli %arg1, %mul3A_293 : i32
    %add3A_295 = arith.constant 40 : i32
    %add3A_296 = arith.addi %mul3A_294, %add3A_295 : i32
    %dma_wait3A_297 = arith.constant 0 : i32
    %dma_wait3A_298 = tpu.memref_slice %arg6[%add3A_236, %dma_wait3A_297] : memref<10240x128xf32, #tpu.memory_space<vmem_shared>> -> memref<40x128xf32, #tpu.memory_space<vmem_shared>>
    %dma_wait3A_299 = arith.constant 0 : i32
    %dma_wait3A_300 = tpu.memref_slice %arg6[%add3A_236, %dma_wait3A_299] : memref<10240x128xf32, #tpu.memory_space<vmem_shared>> -> memref<40x128xf32, #tpu.memory_space<vmem_shared>>
    tpu.wait_dma2 semaphore(%arg15 : memref<!tpu.dma_semaphore, #tpu.memory_space<semaphore_mem>>) src(%dma_wait3A_300 : memref<40x128xf32, #tpu.memory_space<vmem_shared>>) dst(%arg10 : memref<40x128xf32, #tpu.memory_space<vmem>>)
    %dma_start3A_301 = arith.constant 0 : i32
    %dma_start3A_302 = tpu.memref_slice %arg5[%arg0, %add3A_296, %dma_start3A_301] : memref<2x10240x128xf32, #tpu.memory_space<hbm>> -> memref<1x40x128xf32, #tpu.memory_space<hbm>>
    %dma_start3A_303 = tpu.memref_squeeze %dma_start3A_302 : memref<1x40x128xf32, #tpu.memory_space<hbm>> -> memref<40x128xf32, #tpu.memory_space<hbm>>
    %dma_start3A_304 = arith.constant 0 : i32
    %dma_start3A_305 = tpu.memref_slice %arg5[%arg0, %add3A_296, %dma_start3A_304] : memref<2x10240x128xf32, #tpu.memory_space<hbm>> -> memref<1x40x128xf32, #tpu.memory_space<hbm>>
    %dma_start3A_306 = tpu.memref_squeeze %dma_start3A_305 : memref<1x40x128xf32, #tpu.memory_space<hbm>> -> memref<40x128xf32, #tpu.memory_space<hbm>>
    tpu.enqueue_dma source(%arg10 : memref<40x128xf32, #tpu.memory_space<vmem>>) target(%dma_start3A_306 : memref<40x128xf32, #tpu.memory_space<hbm>>) target_semaphore(%arg20 : memref<!tpu.dma_semaphore, #tpu.memory_space<semaphore_mem>>)
    %dma_wait3A_307 = arith.constant 0 : i32
    %dma_wait3A_308 = tpu.memref_slice %arg5[%arg0, %add3A_296, %dma_wait3A_307] : memref<2x10240x128xf32, #tpu.memory_space<hbm>> -> memref<1x40x128xf32, #tpu.memory_space<hbm>>
    %dma_wait3A_309 = tpu.memref_squeeze %dma_wait3A_308 : memref<1x40x128xf32, #tpu.memory_space<hbm>> -> memref<40x128xf32, #tpu.memory_space<hbm>>
    %dma_wait3A_310 = arith.constant 0 : i32
    %dma_wait3A_311 = tpu.memref_slice %arg5[%arg0, %add3A_296, %dma_wait3A_310] : memref<2x10240x128xf32, #tpu.memory_space<hbm>> -> memref<1x40x128xf32, #tpu.memory_space<hbm>>
    %dma_wait3A_312 = tpu.memref_squeeze %dma_wait3A_311 : memref<1x40x128xf32, #tpu.memory_space<hbm>> -> memref<40x128xf32, #tpu.memory_space<hbm>>
    tpu.wait_dma2 semaphore(%arg20 : memref<!tpu.dma_semaphore, #tpu.memory_space<semaphore_mem>>) src(%arg10 : memref<40x128xf32, #tpu.memory_space<vmem>>) dst(%dma_wait3A_312 : memref<40x128xf32, #tpu.memory_space<hbm>>)
    %mul3A_313 = arith.constant 640 : i32
    %mul3A_314 = arith.muli %arg1, %mul3A_313 : i32
    %add3A_315 = arith.constant 240 : i32
    %add3A_316 = arith.addi %mul3A_314, %add3A_315 : i32
    %dma_start3A_317 = arith.constant 0 : i32
    %dma_start3A_318 = tpu.memref_slice %arg6[%add3A_316, %dma_start3A_317] : memref<10240x128xf32, #tpu.memory_space<vmem_shared>> -> memref<40x128xf32, #tpu.memory_space<vmem_shared>>
    %dma_start3A_319 = arith.constant 0 : i32
    %dma_start3A_320 = tpu.memref_slice %arg6[%add3A_316, %dma_start3A_319] : memref<10240x128xf32, #tpu.memory_space<vmem_shared>> -> memref<40x128xf32, #tpu.memory_space<vmem_shared>>
    tpu.enqueue_dma source(%dma_start3A_320 : memref<40x128xf32, #tpu.memory_space<vmem_shared>>) target(%arg10 : memref<40x128xf32, #tpu.memory_space<vmem>>) target_semaphore(%arg15 : memref<!tpu.dma_semaphore, #tpu.memory_space<semaphore_mem>>)
    %mul3A_321 = arith.constant 640 : i32
    %mul3A_322 = arith.muli %arg1, %mul3A_321 : i32
    %add3A_323 = arith.constant 80 : i32
    %add3A_324 = arith.addi %mul3A_322, %add3A_323 : i32
    %dma_wait3A_325 = arith.constant 0 : i32
    %dma_wait3A_326 = tpu.memref_slice %arg6[%add3A_244, %dma_wait3A_325] : memref<10240x128xf32, #tpu.memory_space<vmem_shared>> -> memref<40x128xf32, #tpu.memory_space<vmem_shared>>
    %dma_wait3A_327 = arith.constant 0 : i32
    %dma_wait3A_328 = tpu.memref_slice %arg6[%add3A_244, %dma_wait3A_327] : memref<10240x128xf32, #tpu.memory_space<vmem_shared>> -> memref<40x128xf32, #tpu.memory_space<vmem_shared>>
    tpu.wait_dma2 semaphore(%arg16 : memref<!tpu.dma_semaphore, #tpu.memory_space<semaphore_mem>>) src(%dma_wait3A_328 : memref<40x128xf32, #tpu.memory_space<vmem_shared>>) dst(%arg11 : memref<40x128xf32, #tpu.memory_space<vmem>>)
    %dma_start3A_329 = arith.constant 0 : i32
    %dma_start3A_330 = tpu.memref_slice %arg5[%arg0, %add3A_324, %dma_start3A_329] : memref<2x10240x128xf32, #tpu.memory_space<hbm>> -> memref<1x40x128xf32, #tpu.memory_space<hbm>>
    %dma_start3A_331 = tpu.memref_squeeze %dma_start3A_330 : memref<1x40x128xf32, #tpu.memory_space<hbm>> -> memref<40x128xf32, #tpu.memory_space<hbm>>
    %dma_start3A_332 = arith.constant 0 : i32
    %dma_start3A_333 = tpu.memref_slice %arg5[%arg0, %add3A_324, %dma_start3A_332] : memref<2x10240x128xf32, #tpu.memory_space<hbm>> -> memref<1x40x128xf32, #tpu.memory_space<hbm>>
    %dma_start3A_334 = tpu.memref_squeeze %dma_start3A_333 : memref<1x40x128xf32, #tpu.memory_space<hbm>> -> memref<40x128xf32, #tpu.memory_space<hbm>>
    tpu.enqueue_dma source(%arg11 : memref<40x128xf32, #tpu.memory_space<vmem>>) target(%dma_start3A_334 : memref<40x128xf32, #tpu.memory_space<hbm>>) target_semaphore(%arg21 : memref<!tpu.dma_semaphore, #tpu.memory_space<semaphore_mem>>)
    %dma_wait3A_335 = arith.constant 0 : i32
    %dma_wait3A_336 = tpu.memref_slice %arg5[%arg0, %add3A_324, %dma_wait3A_335] : memref<2x10240x128xf32, #tpu.memory_space<hbm>> -> memref<1x40x128xf32, #tpu.memory_space<hbm>>
    %dma_wait3A_337 = tpu.memref_squeeze %dma_wait3A_336 : memref<1x40x128xf32, #tpu.memory_space<hbm>> -> memref<40x128xf32, #tpu.memory_space<hbm>>
    %dma_wait3A_338 = arith.constant 0 : i32
    %dma_wait3A_339 = tpu.memref_slice %arg5[%arg0, %add3A_324, %dma_wait3A_338] : memref<2x10240x128xf32, #tpu.memory_space<hbm>> -> memref<1x40x128xf32, #tpu.memory_space<hbm>>
    %dma_wait3A_340 = tpu.memref_squeeze %dma_wait3A_339 : memref<1x40x128xf32, #tpu.memory_space<hbm>> -> memref<40x128xf32, #tpu.memory_space<hbm>>
    tpu.wait_dma2 semaphore(%arg21 : memref<!tpu.dma_semaphore, #tpu.memory_space<semaphore_mem>>) src(%arg11 : memref<40x128xf32, #tpu.memory_space<vmem>>) dst(%dma_wait3A_340 : memref<40x128xf32, #tpu.memory_space<hbm>>)
    %mul3A_341 = arith.constant 640 : i32
    %mul3A_342 = arith.muli %arg1, %mul3A_341 : i32
    %add3A_343 = arith.constant 280 : i32
    %add3A_344 = arith.addi %mul3A_342, %add3A_343 : i32
    %dma_start3A_345 = arith.constant 0 : i32
    %dma_start3A_346 = tpu.memref_slice %arg6[%add3A_344, %dma_start3A_345] : memref<10240x128xf32, #tpu.memory_space<vmem_shared>> -> memref<40x128xf32, #tpu.memory_space<vmem_shared>>
    %dma_start3A_347 = arith.constant 0 : i32
    %dma_start3A_348 = tpu.memref_slice %arg6[%add3A_344, %dma_start3A_347] : memref<10240x128xf32, #tpu.memory_space<vmem_shared>> -> memref<40x128xf32, #tpu.memory_space<vmem_shared>>
    tpu.enqueue_dma source(%dma_start3A_348 : memref<40x128xf32, #tpu.memory_space<vmem_shared>>) target(%arg11 : memref<40x128xf32, #tpu.memory_space<vmem>>) target_semaphore(%arg16 : memref<!tpu.dma_semaphore, #tpu.memory_space<semaphore_mem>>)
    %mul3A_349 = arith.constant 640 : i32
    %mul3A_350 = arith.muli %arg1, %mul3A_349 : i32
    %add3A_351 = arith.constant 120 : i32
    %add3A_352 = arith.addi %mul3A_350, %add3A_351 : i32
    %dma_wait3A_353 = arith.constant 0 : i32
    %dma_wait3A_354 = tpu.memref_slice %arg6[%add3A_252, %dma_wait3A_353] : memref<10240x128xf32, #tpu.memory_space<vmem_shared>> -> memref<40x128xf32, #tpu.memory_space<vmem_shared>>
    %dma_wait3A_355 = arith.constant 0 : i32
    %dma_wait3A_356 = tpu.memref_slice %arg6[%add3A_252, %dma_wait3A_355] : memref<10240x128xf32, #tpu.memory_space<vmem_shared>> -> memref<40x128xf32, #tpu.memory_space<vmem_shared>>
    tpu.wait_dma2 semaphore(%arg17 : memref<!tpu.dma_semaphore, #tpu.memory_space<semaphore_mem>>) src(%dma_wait3A_356 : memref<40x128xf32, #tpu.memory_space<vmem_shared>>) dst(%arg12 : memref<40x128xf32, #tpu.memory_space<vmem>>)
    %dma_start3A_357 = arith.constant 0 : i32
    %dma_start3A_358 = tpu.memref_slice %arg5[%arg0, %add3A_352, %dma_start3A_357] : memref<2x10240x128xf32, #tpu.memory_space<hbm>> -> memref<1x40x128xf32, #tpu.memory_space<hbm>>
    %dma_start3A_359 = tpu.memref_squeeze %dma_start3A_358 : memref<1x40x128xf32, #tpu.memory_space<hbm>> -> memref<40x128xf32, #tpu.memory_space<hbm>>
    %dma_start3A_360 = arith.constant 0 : i32
    %dma_start3A_361 = tpu.memref_slice %arg5[%arg0, %add3A_352, %dma_start3A_360] : memref<2x10240x128xf32, #tpu.memory_space<hbm>> -> memref<1x40x128xf32, #tpu.memory_space<hbm>>
    %dma_start3A_362 = tpu.memref_squeeze %dma_start3A_361 : memref<1x40x128xf32, #tpu.memory_space<hbm>> -> memref<40x128xf32, #tpu.memory_space<hbm>>
    tpu.enqueue_dma source(%arg12 : memref<40x128xf32, #tpu.memory_space<vmem>>) target(%dma_start3A_362 : memref<40x128xf32, #tpu.memory_space<hbm>>) target_semaphore(%arg22 : memref<!tpu.dma_semaphore, #tpu.memory_space<semaphore_mem>>)
    %dma_wait3A_363 = arith.constant 0 : i32
    %dma_wait3A_364 = tpu.memref_slice %arg5[%arg0, %add3A_352, %dma_wait3A_363] : memref<2x10240x128xf32, #tpu.memory_space<hbm>> -> memref<1x40x128xf32, #tpu.memory_space<hbm>>
    %dma_wait3A_365 = tpu.memref_squeeze %dma_wait3A_364 : memref<1x40x128xf32, #tpu.memory_space<hbm>> -> memref<40x128xf32, #tpu.memory_space<hbm>>
    %dma_wait3A_366 = arith.constant 0 : i32
    %dma_wait3A_367 = tpu.memref_slice %arg5[%arg0, %add3A_352, %dma_wait3A_366] : memref<2x10240x128xf32, #tpu.memory_space<hbm>> -> memref<1x40x128xf32, #tpu.memory_space<hbm>>
    %dma_wait3A_368 = tpu.memref_squeeze %dma_wait3A_367 : memref<1x40x128xf32, #tpu.memory_space<hbm>> -> memref<40x128xf32, #tpu.memory_space<hbm>>
    tpu.wait_dma2 semaphore(%arg22 : memref<!tpu.dma_semaphore, #tpu.memory_space<semaphore_mem>>) src(%arg12 : memref<40x128xf32, #tpu.memory_space<vmem>>) dst(%dma_wait3A_368 : memref<40x128xf32, #tpu.memory_space<hbm>>)
    %mul3A_369 = arith.constant 640 : i32
    %mul3A_370 = arith.muli %arg1, %mul3A_369 : i32
    %add3A_371 = arith.constant 320 : i32
    %add3A_372 = arith.addi %mul3A_370, %add3A_371 : i32
    %dma_start3A_373 = arith.constant 0 : i32
    %dma_start3A_374 = tpu.memref_slice %arg6[%add3A_372, %dma_start3A_373] : memref<10240x128xf32, #tpu.memory_space<vmem_shared>> -> memref<40x128xf32, #tpu.memory_space<vmem_shared>>
    %dma_start3A_375 = arith.constant 0 : i32
    %dma_start3A_376 = tpu.memref_slice %arg6[%add3A_372, %dma_start3A_375] : memref<10240x128xf32, #tpu.memory_space<vmem_shared>> -> memref<40x128xf32, #tpu.memory_space<vmem_shared>>
    tpu.enqueue_dma source(%dma_start3A_376 : memref<40x128xf32, #tpu.memory_space<vmem_shared>>) target(%arg12 : memref<40x128xf32, #tpu.memory_space<vmem>>) target_semaphore(%arg17 : memref<!tpu.dma_semaphore, #tpu.memory_space<semaphore_mem>>)
    %mul3A_377 = arith.constant 640 : i32
    %mul3A_378 = arith.muli %arg1, %mul3A_377 : i32
    %add3A_379 = arith.constant 160 : i32
    %add3A_380 = arith.addi %mul3A_378, %add3A_379 : i32
    %dma_wait3A_381 = arith.constant 0 : i32
    %dma_wait3A_382 = tpu.memref_slice %arg6[%add3A_260, %dma_wait3A_381] : memref<10240x128xf32, #tpu.memory_space<vmem_shared>> -> memref<40x128xf32, #tpu.memory_space<vmem_shared>>
    %dma_wait3A_383 = arith.constant 0 : i32
    %dma_wait3A_384 = tpu.memref_slice %arg6[%add3A_260, %dma_wait3A_383] : memref<10240x128xf32, #tpu.memory_space<vmem_shared>> -> memref<40x128xf32, #tpu.memory_space<vmem_shared>>
    tpu.wait_dma2 semaphore(%arg18 : memref<!tpu.dma_semaphore, #tpu.memory_space<semaphore_mem>>) src(%dma_wait3A_384 : memref<40x128xf32, #tpu.memory_space<vmem_shared>>) dst(%arg13 : memref<40x128xf32, #tpu.memory_space<vmem>>)
    %dma_start3A_385 = arith.constant 0 : i32
    %dma_start3A_386 = tpu.memref_slice %arg5[%arg0, %add3A_380, %dma_start3A_385] : memref<2x10240x128xf32, #tpu.memory_space<hbm>> -> memref<1x40x128xf32, #tpu.memory_space<hbm>>
    %dma_start3A_387 = tpu.memref_squeeze %dma_start3A_386 : memref<1x40x128xf32, #tpu.memory_space<hbm>> -> memref<40x128xf32, #tpu.memory_space<hbm>>
    %dma_start3A_388 = arith.constant 0 : i32
    %dma_start3A_389 = tpu.memref_slice %arg5[%arg0, %add3A_380, %dma_start3A_388] : memref<2x10240x128xf32, #tpu.memory_space<hbm>> -> memref<1x40x128xf32, #tpu.memory_space<hbm>>
    %dma_start3A_390 = tpu.memref_squeeze %dma_start3A_389 : memref<1x40x128xf32, #tpu.memory_space<hbm>> -> memref<40x128xf32, #tpu.memory_space<hbm>>
    tpu.enqueue_dma source(%arg13 : memref<40x128xf32, #tpu.memory_space<vmem>>) target(%dma_start3A_390 : memref<40x128xf32, #tpu.memory_space<hbm>>) target_semaphore(%arg23 : memref<!tpu.dma_semaphore, #tpu.memory_space<semaphore_mem>>)
    %dma_wait3A_391 = arith.constant 0 : i32
    %dma_wait3A_392 = tpu.memref_slice %arg5[%arg0, %add3A_380, %dma_wait3A_391] : memref<2x10240x128xf32, #tpu.memory_space<hbm>> -> memref<1x40x128xf32, #tpu.memory_space<hbm>>
    %dma_wait3A_393 = tpu.memref_squeeze %dma_wait3A_392 : memref<1x40x128xf32, #tpu.memory_space<hbm>> -> memref<40x128xf32, #tpu.memory_space<hbm>>
    %dma_wait3A_394 = arith.constant 0 : i32
    %dma_wait3A_395 = tpu.memref_slice %arg5[%arg0, %add3A_380, %dma_wait3A_394] : memref<2x10240x128xf32, #tpu.memory_space<hbm>> -> memref<1x40x128xf32, #tpu.memory_space<hbm>>
    %dma_wait3A_396 = tpu.memref_squeeze %dma_wait3A_395 : memref<1x40x128xf32, #tpu.memory_space<hbm>> -> memref<40x128xf32, #tpu.memory_space<hbm>>
    tpu.wait_dma2 semaphore(%arg23 : memref<!tpu.dma_semaphore, #tpu.memory_space<semaphore_mem>>) src(%arg13 : memref<40x128xf32, #tpu.memory_space<vmem>>) dst(%dma_wait3A_396 : memref<40x128xf32, #tpu.memory_space<hbm>>)
    %mul3A_397 = arith.constant 640 : i32
    %mul3A_398 = arith.muli %arg1, %mul3A_397 : i32
    %add3A_399 = arith.constant 360 : i32
    %add3A_400 = arith.addi %mul3A_398, %add3A_399 : i32
    %dma_start3A_401 = arith.constant 0 : i32
    %dma_start3A_402 = tpu.memref_slice %arg6[%add3A_400, %dma_start3A_401] : memref<10240x128xf32, #tpu.memory_space<vmem_shared>> -> memref<40x128xf32, #tpu.memory_space<vmem_shared>>
    %dma_start3A_403 = arith.constant 0 : i32
    %dma_start3A_404 = tpu.memref_slice %arg6[%add3A_400, %dma_start3A_403] : memref<10240x128xf32, #tpu.memory_space<vmem_shared>> -> memref<40x128xf32, #tpu.memory_space<vmem_shared>>
    tpu.enqueue_dma source(%dma_start3A_404 : memref<40x128xf32, #tpu.memory_space<vmem_shared>>) target(%arg13 : memref<40x128xf32, #tpu.memory_space<vmem>>) target_semaphore(%arg18 : memref<!tpu.dma_semaphore, #tpu.memory_space<semaphore_mem>>)
    %mul3A_405 = arith.constant 640 : i32
    %mul3A_406 = arith.muli %arg1, %mul3A_405 : i32
    %add3A_407 = arith.constant 200 : i32
    %add3A_408 = arith.addi %mul3A_406, %add3A_407 : i32
    %dma_wait3A_409 = arith.constant 0 : i32
    %dma_wait3A_410 = tpu.memref_slice %arg6[%add3A_288, %dma_wait3A_409] : memref<10240x128xf32, #tpu.memory_space<vmem_shared>> -> memref<40x128xf32, #tpu.memory_space<vmem_shared>>
    %dma_wait3A_411 = arith.constant 0 : i32
    %dma_wait3A_412 = tpu.memref_slice %arg6[%add3A_288, %dma_wait3A_411] : memref<10240x128xf32, #tpu.memory_space<vmem_shared>> -> memref<40x128xf32, #tpu.memory_space<vmem_shared>>
    tpu.wait_dma2 semaphore(%arg14 : memref<!tpu.dma_semaphore, #tpu.memory_space<semaphore_mem>>) src(%dma_wait3A_412 : memref<40x128xf32, #tpu.memory_space<vmem_shared>>) dst(%arg9 : memref<40x128xf32, #tpu.memory_space<vmem>>)
    %dma_start3A_413 = arith.constant 0 : i32
    %dma_start3A_414 = tpu.memref_slice %arg5[%arg0, %add3A_408, %dma_start3A_413] : memref<2x10240x128xf32, #tpu.memory_space<hbm>> -> memref<1x40x128xf32, #tpu.memory_space<hbm>>
    %dma_start3A_415 = tpu.memref_squeeze %dma_start3A_414 : memref<1x40x128xf32, #tpu.memory_space<hbm>> -> memref<40x128xf32, #tpu.memory_space<hbm>>
    %dma_start3A_416 = arith.constant 0 : i32
    %dma_start3A_417 = tpu.memref_slice %arg5[%arg0, %add3A_408, %dma_start3A_416] : memref<2x10240x128xf32, #tpu.memory_space<hbm>> -> memref<1x40x128xf32, #tpu.memory_space<hbm>>
    %dma_start3A_418 = tpu.memref_squeeze %dma_start3A_417 : memref<1x40x128xf32, #tpu.memory_space<hbm>> -> memref<40x128xf32, #tpu.memory_space<hbm>>
    tpu.enqueue_dma source(%arg9 : memref<40x128xf32, #tpu.memory_space<vmem>>) target(%dma_start3A_418 : memref<40x128xf32, #tpu.memory_space<hbm>>) target_semaphore(%arg19 : memref<!tpu.dma_semaphore, #tpu.memory_space<semaphore_mem>>)
    %dma_wait3A_419 = arith.constant 0 : i32
    %dma_wait3A_420 = tpu.memref_slice %arg5[%arg0, %add3A_408, %dma_wait3A_419] : memref<2x10240x128xf32, #tpu.memory_space<hbm>> -> memref<1x40x128xf32, #tpu.memory_space<hbm>>
    %dma_wait3A_421 = tpu.memref_squeeze %dma_wait3A_420 : memref<1x40x128xf32, #tpu.memory_space<hbm>> -> memref<40x128xf32, #tpu.memory_space<hbm>>
    %dma_wait3A_422 = arith.constant 0 : i32
    %dma_wait3A_423 = tpu.memref_slice %arg5[%arg0, %add3A_408, %dma_wait3A_422] : memref<2x10240x128xf32, #tpu.memory_space<hbm>> -> memref<1x40x128xf32, #tpu.memory_space<hbm>>
    %dma_wait3A_424 = tpu.memref_squeeze %dma_wait3A_423 : memref<1x40x128xf32, #tpu.memory_space<hbm>> -> memref<40x128xf32, #tpu.memory_space<hbm>>
    tpu.wait_dma2 semaphore(%arg19 : memref<!tpu.dma_semaphore, #tpu.memory_space<semaphore_mem>>) src(%arg9 : memref<40x128xf32, #tpu.memory_space<vmem>>) dst(%dma_wait3A_424 : memref<40x128xf32, #tpu.memory_space<hbm>>)
    %mul3A_425 = arith.constant 640 : i32
    %mul3A_426 = arith.muli %arg1, %mul3A_425 : i32
    %add3A_427 = arith.constant 400 : i32
    %add3A_428 = arith.addi %mul3A_426, %add3A_427 : i32
    %dma_start3A_429 = arith.constant 0 : i32
    %dma_start3A_430 = tpu.memref_slice %arg6[%add3A_428, %dma_start3A_429] : memref<10240x128xf32, #tpu.memory_space<vmem_shared>> -> memref<40x128xf32, #tpu.memory_space<vmem_shared>>
    %dma_start3A_431 = arith.constant 0 : i32
    %dma_start3A_432 = tpu.memref_slice %arg6[%add3A_428, %dma_start3A_431] : memref<10240x128xf32, #tpu.memory_space<vmem_shared>> -> memref<40x128xf32, #tpu.memory_space<vmem_shared>>
    tpu.enqueue_dma source(%dma_start3A_432 : memref<40x128xf32, #tpu.memory_space<vmem_shared>>) target(%arg9 : memref<40x128xf32, #tpu.memory_space<vmem>>) target_semaphore(%arg14 : memref<!tpu.dma_semaphore, #tpu.memory_space<semaphore_mem>>)
    %mul3A_433 = arith.constant 640 : i32
    %mul3A_434 = arith.muli %arg1, %mul3A_433 : i32
    %add3A_435 = arith.constant 240 : i32
    %add3A_436 = arith.addi %mul3A_434, %add3A_435 : i32
    %dma_wait3A_437 = arith.constant 0 : i32
    %dma_wait3A_438 = tpu.memref_slice %arg6[%add3A_316, %dma_wait3A_437] : memref<10240x128xf32, #tpu.memory_space<vmem_shared>> -> memref<40x128xf32, #tpu.memory_space<vmem_shared>>
    %dma_wait3A_439 = arith.constant 0 : i32
    %dma_wait3A_440 = tpu.memref_slice %arg6[%add3A_316, %dma_wait3A_439] : memref<10240x128xf32, #tpu.memory_space<vmem_shared>> -> memref<40x128xf32, #tpu.memory_space<vmem_shared>>
    tpu.wait_dma2 semaphore(%arg15 : memref<!tpu.dma_semaphore, #tpu.memory_space<semaphore_mem>>) src(%dma_wait3A_440 : memref<40x128xf32, #tpu.memory_space<vmem_shared>>) dst(%arg10 : memref<40x128xf32, #tpu.memory_space<vmem>>)
    %dma_start3A_441 = arith.constant 0 : i32
    %dma_start3A_442 = tpu.memref_slice %arg5[%arg0, %add3A_436, %dma_start3A_441] : memref<2x10240x128xf32, #tpu.memory_space<hbm>> -> memref<1x40x128xf32, #tpu.memory_space<hbm>>
    %dma_start3A_443 = tpu.memref_squeeze %dma_start3A_442 : memref<1x40x128xf32, #tpu.memory_space<hbm>> -> memref<40x128xf32, #tpu.memory_space<hbm>>
    %dma_start3A_444 = arith.constant 0 : i32
    %dma_start3A_445 = tpu.memref_slice %arg5[%arg0, %add3A_436, %dma_start3A_444] : memref<2x10240x128xf32, #tpu.memory_space<hbm>> -> memref<1x40x128xf32, #tpu.memory_space<hbm>>
    %dma_start3A_446 = tpu.memref_squeeze %dma_start3A_445 : memref<1x40x128xf32, #tpu.memory_space<hbm>> -> memref<40x128xf32, #tpu.memory_space<hbm>>
    tpu.enqueue_dma source(%arg10 : memref<40x128xf32, #tpu.memory_space<vmem>>) target(%dma_start3A_446 : memref<40x128xf32, #tpu.memory_space<hbm>>) target_semaphore(%arg20 : memref<!tpu.dma_semaphore, #tpu.memory_space<semaphore_mem>>)
    %dma_wait3A_447 = arith.constant 0 : i32
    %dma_wait3A_448 = tpu.memref_slice %arg5[%arg0, %add3A_436, %dma_wait3A_447] : memref<2x10240x128xf32, #tpu.memory_space<hbm>> -> memref<1x40x128xf32, #tpu.memory_space<hbm>>
    %dma_wait3A_449 = tpu.memref_squeeze %dma_wait3A_448 : memref<1x40x128xf32, #tpu.memory_space<hbm>> -> memref<40x128xf32, #tpu.memory_space<hbm>>
    %dma_wait3A_450 = arith.constant 0 : i32
    %dma_wait3A_451 = tpu.memref_slice %arg5[%arg0, %add3A_436, %dma_wait3A_450] : memref<2x10240x128xf32, #tpu.memory_space<hbm>> -> memref<1x40x128xf32, #tpu.memory_space<hbm>>
    %dma_wait3A_452 = tpu.memref_squeeze %dma_wait3A_451 : memref<1x40x128xf32, #tpu.memory_space<hbm>> -> memref<40x128xf32, #tpu.memory_space<hbm>>
    tpu.wait_dma2 semaphore(%arg20 : memref<!tpu.dma_semaphore, #tpu.memory_space<semaphore_mem>>) src(%arg10 : memref<40x128xf32, #tpu.memory_space<vmem>>) dst(%dma_wait3A_452 : memref<40x128xf32, #tpu.memory_space<hbm>>)
    %mul3A_453 = arith.constant 640 : i32
    %mul3A_454 = arith.muli %arg1, %mul3A_453 : i32
    %add3A_455 = arith.constant 440 : i32
    %add3A_456 = arith.addi %mul3A_454, %add3A_455 : i32
    %dma_start3A_457 = arith.constant 0 : i32
    %dma_start3A_458 = tpu.memref_slice %arg6[%add3A_456, %dma_start3A_457] : memref<10240x128xf32, #tpu.memory_space<vmem_shared>> -> memref<40x128xf32, #tpu.memory_space<vmem_shared>>
    %dma_start3A_459 = arith.constant 0 : i32
    %dma_start3A_460 = tpu.memref_slice %arg6[%add3A_456, %dma_start3A_459] : memref<10240x128xf32, #tpu.memory_space<vmem_shared>> -> memref<40x128xf32, #tpu.memory_space<vmem_shared>>
    tpu.enqueue_dma source(%dma_start3A_460 : memref<40x128xf32, #tpu.memory_space<vmem_shared>>) target(%arg10 : memref<40x128xf32, #tpu.memory_space<vmem>>) target_semaphore(%arg15 : memref<!tpu.dma_semaphore, #tpu.memory_space<semaphore_mem>>)
    %mul3A_461 = arith.constant 640 : i32
    %mul3A_462 = arith.muli %arg1, %mul3A_461 : i32
    %add3A_463 = arith.constant 280 : i32
    %add3A_464 = arith.addi %mul3A_462, %add3A_463 : i32
    %dma_wait3A_465 = arith.constant 0 : i32
    %dma_wait3A_466 = tpu.memref_slice %arg6[%add3A_344, %dma_wait3A_465] : memref<10240x128xf32, #tpu.memory_space<vmem_shared>> -> memref<40x128xf32, #tpu.memory_space<vmem_shared>>
    %dma_wait3A_467 = arith.constant 0 : i32
    %dma_wait3A_468 = tpu.memref_slice %arg6[%add3A_344, %dma_wait3A_467] : memref<10240x128xf32, #tpu.memory_space<vmem_shared>> -> memref<40x128xf32, #tpu.memory_space<vmem_shared>>
    tpu.wait_dma2 semaphore(%arg16 : memref<!tpu.dma_semaphore, #tpu.memory_space<semaphore_mem>>) src(%dma_wait3A_468 : memref<40x128xf32, #tpu.memory_space<vmem_shared>>) dst(%arg11 : memref<40x128xf32, #tpu.memory_space<vmem>>)
    %dma_start3A_469 = arith.constant 0 : i32
    %dma_start3A_470 = tpu.memref_slice %arg5[%arg0, %add3A_464, %dma_start3A_469] : memref<2x10240x128xf32, #tpu.memory_space<hbm>> -> memref<1x40x128xf32, #tpu.memory_space<hbm>>
    %dma_start3A_471 = tpu.memref_squeeze %dma_start3A_470 : memref<1x40x128xf32, #tpu.memory_space<hbm>> -> memref<40x128xf32, #tpu.memory_space<hbm>>
    %dma_start3A_472 = arith.constant 0 : i32
    %dma_start3A_473 = tpu.memref_slice %arg5[%arg0, %add3A_464, %dma_start3A_472] : memref<2x10240x128xf32, #tpu.memory_space<hbm>> -> memref<1x40x128xf32, #tpu.memory_space<hbm>>
    %dma_start3A_474 = tpu.memref_squeeze %dma_start3A_473 : memref<1x40x128xf32, #tpu.memory_space<hbm>> -> memref<40x128xf32, #tpu.memory_space<hbm>>
    tpu.enqueue_dma source(%arg11 : memref<40x128xf32, #tpu.memory_space<vmem>>) target(%dma_start3A_474 : memref<40x128xf32, #tpu.memory_space<hbm>>) target_semaphore(%arg21 : memref<!tpu.dma_semaphore, #tpu.memory_space<semaphore_mem>>)
    %dma_wait3A_475 = arith.constant 0 : i32
    %dma_wait3A_476 = tpu.memref_slice %arg5[%arg0, %add3A_464, %dma_wait3A_475] : memref<2x10240x128xf32, #tpu.memory_space<hbm>> -> memref<1x40x128xf32, #tpu.memory_space<hbm>>
    %dma_wait3A_477 = tpu.memref_squeeze %dma_wait3A_476 : memref<1x40x128xf32, #tpu.memory_space<hbm>> -> memref<40x128xf32, #tpu.memory_space<hbm>>
    %dma_wait3A_478 = arith.constant 0 : i32
    %dma_wait3A_479 = tpu.memref_slice %arg5[%arg0, %add3A_464, %dma_wait3A_478] : memref<2x10240x128xf32, #tpu.memory_space<hbm>> -> memref<1x40x128xf32, #tpu.memory_space<hbm>>
    %dma_wait3A_480 = tpu.memref_squeeze %dma_wait3A_479 : memref<1x40x128xf32, #tpu.memory_space<hbm>> -> memref<40x128xf32, #tpu.memory_space<hbm>>
    tpu.wait_dma2 semaphore(%arg21 : memref<!tpu.dma_semaphore, #tpu.memory_space<semaphore_mem>>) src(%arg11 : memref<40x128xf32, #tpu.memory_space<vmem>>) dst(%dma_wait3A_480 : memref<40x128xf32, #tpu.memory_space<hbm>>)
    %mul3A_481 = arith.constant 640 : i32
    %mul3A_482 = arith.muli %arg1, %mul3A_481 : i32
    %add3A_483 = arith.constant 480 : i32
    %add3A_484 = arith.addi %mul3A_482, %add3A_483 : i32
    %dma_start3A_485 = arith.constant 0 : i32
    %dma_start3A_486 = tpu.memref_slice %arg6[%add3A_484, %dma_start3A_485] : memref<10240x128xf32, #tpu.memory_space<vmem_shared>> -> memref<40x128xf32, #tpu.memory_space<vmem_shared>>
    %dma_start3A_487 = arith.constant 0 : i32
    %dma_start3A_488 = tpu.memref_slice %arg6[%add3A_484, %dma_start3A_487] : memref<10240x128xf32, #tpu.memory_space<vmem_shared>> -> memref<40x128xf32, #tpu.memory_space<vmem_shared>>
    tpu.enqueue_dma source(%dma_start3A_488 : memref<40x128xf32, #tpu.memory_space<vmem_shared>>) target(%arg11 : memref<40x128xf32, #tpu.memory_space<vmem>>) target_semaphore(%arg16 : memref<!tpu.dma_semaphore, #tpu.memory_space<semaphore_mem>>)
    %mul3A_489 = arith.constant 640 : i32
    %mul3A_490 = arith.muli %arg1, %mul3A_489 : i32
    %add3A_491 = arith.constant 320 : i32
    %add3A_492 = arith.addi %mul3A_490, %add3A_491 : i32
    %dma_wait3A_493 = arith.constant 0 : i32
    %dma_wait3A_494 = tpu.memref_slice %arg6[%add3A_372, %dma_wait3A_493] : memref<10240x128xf32, #tpu.memory_space<vmem_shared>> -> memref<40x128xf32, #tpu.memory_space<vmem_shared>>
    %dma_wait3A_495 = arith.constant 0 : i32
    %dma_wait3A_496 = tpu.memref_slice %arg6[%add3A_372, %dma_wait3A_495] : memref<10240x128xf32, #tpu.memory_space<vmem_shared>> -> memref<40x128xf32, #tpu.memory_space<vmem_shared>>
    tpu.wait_dma2 semaphore(%arg17 : memref<!tpu.dma_semaphore, #tpu.memory_space<semaphore_mem>>) src(%dma_wait3A_496 : memref<40x128xf32, #tpu.memory_space<vmem_shared>>) dst(%arg12 : memref<40x128xf32, #tpu.memory_space<vmem>>)
    %dma_start3A_497 = arith.constant 0 : i32
    %dma_start3A_498 = tpu.memref_slice %arg5[%arg0, %add3A_492, %dma_start3A_497] : memref<2x10240x128xf32, #tpu.memory_space<hbm>> -> memref<1x40x128xf32, #tpu.memory_space<hbm>>
    %dma_start3A_499 = tpu.memref_squeeze %dma_start3A_498 : memref<1x40x128xf32, #tpu.memory_space<hbm>> -> memref<40x128xf32, #tpu.memory_space<hbm>>
    %dma_start3A_500 = arith.constant 0 : i32
    %dma_start3A_501 = tpu.memref_slice %arg5[%arg0, %add3A_492, %dma_start3A_500] : memref<2x10240x128xf32, #tpu.memory_space<hbm>> -> memref<1x40x128xf32, #tpu.memory_space<hbm>>
    %dma_start3A_502 = tpu.memref_squeeze %dma_start3A_501 : memref<1x40x128xf32, #tpu.memory_space<hbm>> -> memref<40x128xf32, #tpu.memory_space<hbm>>
    tpu.enqueue_dma source(%arg12 : memref<40x128xf32, #tpu.memory_space<vmem>>) target(%dma_start3A_502 : memref<40x128xf32, #tpu.memory_space<hbm>>) target_semaphore(%arg22 : memref<!tpu.dma_semaphore, #tpu.memory_space<semaphore_mem>>)
    %dma_wait3A_503 = arith.constant 0 : i32
    %dma_wait3A_504 = tpu.memref_slice %arg5[%arg0, %add3A_492, %dma_wait3A_503] : memref<2x10240x128xf32, #tpu.memory_space<hbm>> -> memref<1x40x128xf32, #tpu.memory_space<hbm>>
    %dma_wait3A_505 = tpu.memref_squeeze %dma_wait3A_504 : memref<1x40x128xf32, #tpu.memory_space<hbm>> -> memref<40x128xf32, #tpu.memory_space<hbm>>
    %dma_wait3A_506 = arith.constant 0 : i32
    %dma_wait3A_507 = tpu.memref_slice %arg5[%arg0, %add3A_492, %dma_wait3A_506] : memref<2x10240x128xf32, #tpu.memory_space<hbm>> -> memref<1x40x128xf32, #tpu.memory_space<hbm>>
    %dma_wait3A_508 = tpu.memref_squeeze %dma_wait3A_507 : memref<1x40x128xf32, #tpu.memory_space<hbm>> -> memref<40x128xf32, #tpu.memory_space<hbm>>
    tpu.wait_dma2 semaphore(%arg22 : memref<!tpu.dma_semaphore, #tpu.memory_space<semaphore_mem>>) src(%arg12 : memref<40x128xf32, #tpu.memory_space<vmem>>) dst(%dma_wait3A_508 : memref<40x128xf32, #tpu.memory_space<hbm>>)
    %mul3A_509 = arith.constant 640 : i32
    %mul3A_510 = arith.muli %arg1, %mul3A_509 : i32
    %add3A_511 = arith.constant 520 : i32
    %add3A_512 = arith.addi %mul3A_510, %add3A_511 : i32
    %dma_start3A_513 = arith.constant 0 : i32
    %dma_start3A_514 = tpu.memref_slice %arg6[%add3A_512, %dma_start3A_513] : memref<10240x128xf32, #tpu.memory_space<vmem_shared>> -> memref<40x128xf32, #tpu.memory_space<vmem_shared>>
    %dma_start3A_515 = arith.constant 0 : i32
    %dma_start3A_516 = tpu.memref_slice %arg6[%add3A_512, %dma_start3A_515] : memref<10240x128xf32, #tpu.memory_space<vmem_shared>> -> memref<40x128xf32, #tpu.memory_space<vmem_shared>>
    tpu.enqueue_dma source(%dma_start3A_516 : memref<40x128xf32, #tpu.memory_space<vmem_shared>>) target(%arg12 : memref<40x128xf32, #tpu.memory_space<vmem>>) target_semaphore(%arg17 : memref<!tpu.dma_semaphore, #tpu.memory_space<semaphore_mem>>)
    %mul3A_517 = arith.constant 640 : i32
    %mul3A_518 = arith.muli %arg1, %mul3A_517 : i32
    %add3A_519 = arith.constant 360 : i32
    %add3A_520 = arith.addi %mul3A_518, %add3A_519 : i32
    %dma_wait3A_521 = arith.constant 0 : i32
    %dma_wait3A_522 = tpu.memref_slice %arg6[%add3A_400, %dma_wait3A_521] : memref<10240x128xf32, #tpu.memory_space<vmem_shared>> -> memref<40x128xf32, #tpu.memory_space<vmem_shared>>
    %dma_wait3A_523 = arith.constant 0 : i32
    %dma_wait3A_524 = tpu.memref_slice %arg6[%add3A_400, %dma_wait3A_523] : memref<10240x128xf32, #tpu.memory_space<vmem_shared>> -> memref<40x128xf32, #tpu.memory_space<vmem_shared>>
    tpu.wait_dma2 semaphore(%arg18 : memref<!tpu.dma_semaphore, #tpu.memory_space<semaphore_mem>>) src(%dma_wait3A_524 : memref<40x128xf32, #tpu.memory_space<vmem_shared>>) dst(%arg13 : memref<40x128xf32, #tpu.memory_space<vmem>>)
    %dma_start3A_525 = arith.constant 0 : i32
    %dma_start3A_526 = tpu.memref_slice %arg5[%arg0, %add3A_520, %dma_start3A_525] : memref<2x10240x128xf32, #tpu.memory_space<hbm>> -> memref<1x40x128xf32, #tpu.memory_space<hbm>>
    %dma_start3A_527 = tpu.memref_squeeze %dma_start3A_526 : memref<1x40x128xf32, #tpu.memory_space<hbm>> -> memref<40x128xf32, #tpu.memory_space<hbm>>
    %dma_start3A_528 = arith.constant 0 : i32
    %dma_start3A_529 = tpu.memref_slice %arg5[%arg0, %add3A_520, %dma_start3A_528] : memref<2x10240x128xf32, #tpu.memory_space<hbm>> -> memref<1x40x128xf32, #tpu.memory_space<hbm>>
    %dma_start3A_530 = tpu.memref_squeeze %dma_start3A_529 : memref<1x40x128xf32, #tpu.memory_space<hbm>> -> memref<40x128xf32, #tpu.memory_space<hbm>>
    tpu.enqueue_dma source(%arg13 : memref<40x128xf32, #tpu.memory_space<vmem>>) target(%dma_start3A_530 : memref<40x128xf32, #tpu.memory_space<hbm>>) target_semaphore(%arg23 : memref<!tpu.dma_semaphore, #tpu.memory_space<semaphore_mem>>)
    %dma_wait3A_531 = arith.constant 0 : i32
    %dma_wait3A_532 = tpu.memref_slice %arg5[%arg0, %add3A_520, %dma_wait3A_531] : memref<2x10240x128xf32, #tpu.memory_space<hbm>> -> memref<1x40x128xf32, #tpu.memory_space<hbm>>
    %dma_wait3A_533 = tpu.memref_squeeze %dma_wait3A_532 : memref<1x40x128xf32, #tpu.memory_space<hbm>> -> memref<40x128xf32, #tpu.memory_space<hbm>>
    %dma_wait3A_534 = arith.constant 0 : i32
    %dma_wait3A_535 = tpu.memref_slice %arg5[%arg0, %add3A_520, %dma_wait3A_534] : memref<2x10240x128xf32, #tpu.memory_space<hbm>> -> memref<1x40x128xf32, #tpu.memory_space<hbm>>
    %dma_wait3A_536 = tpu.memref_squeeze %dma_wait3A_535 : memref<1x40x128xf32, #tpu.memory_space<hbm>> -> memref<40x128xf32, #tpu.memory_space<hbm>>
    tpu.wait_dma2 semaphore(%arg23 : memref<!tpu.dma_semaphore, #tpu.memory_space<semaphore_mem>>) src(%arg13 : memref<40x128xf32, #tpu.memory_space<vmem>>) dst(%dma_wait3A_536 : memref<40x128xf32, #tpu.memory_space<hbm>>)
    %mul3A_537 = arith.constant 640 : i32
    %mul3A_538 = arith.muli %arg1, %mul3A_537 : i32
    %add3A_539 = arith.constant 560 : i32
    %add3A_540 = arith.addi %mul3A_538, %add3A_539 : i32
    %dma_start3A_541 = arith.constant 0 : i32
    %dma_start3A_542 = tpu.memref_slice %arg6[%add3A_540, %dma_start3A_541] : memref<10240x128xf32, #tpu.memory_space<vmem_shared>> -> memref<40x128xf32, #tpu.memory_space<vmem_shared>>
    %dma_start3A_543 = arith.constant 0 : i32
    %dma_start3A_544 = tpu.memref_slice %arg6[%add3A_540, %dma_start3A_543] : memref<10240x128xf32, #tpu.memory_space<vmem_shared>> -> memref<40x128xf32, #tpu.memory_space<vmem_shared>>
    tpu.enqueue_dma source(%dma_start3A_544 : memref<40x128xf32, #tpu.memory_space<vmem_shared>>) target(%arg13 : memref<40x128xf32, #tpu.memory_space<vmem>>) target_semaphore(%arg18 : memref<!tpu.dma_semaphore, #tpu.memory_space<semaphore_mem>>)
    %mul3A_545 = arith.constant 640 : i32
    %mul3A_546 = arith.muli %arg1, %mul3A_545 : i32
    %add3A_547 = arith.constant 400 : i32
    %add3A_548 = arith.addi %mul3A_546, %add3A_547 : i32
    %dma_wait3A_549 = arith.constant 0 : i32
    %dma_wait3A_550 = tpu.memref_slice %arg6[%add3A_428, %dma_wait3A_549] : memref<10240x128xf32, #tpu.memory_space<vmem_shared>> -> memref<40x128xf32, #tpu.memory_space<vmem_shared>>
    %dma_wait3A_551 = arith.constant 0 : i32
    %dma_wait3A_552 = tpu.memref_slice %arg6[%add3A_428, %dma_wait3A_551] : memref<10240x128xf32, #tpu.memory_space<vmem_shared>> -> memref<40x128xf32, #tpu.memory_space<vmem_shared>>
    tpu.wait_dma2 semaphore(%arg14 : memref<!tpu.dma_semaphore, #tpu.memory_space<semaphore_mem>>) src(%dma_wait3A_552 : memref<40x128xf32, #tpu.memory_space<vmem_shared>>) dst(%arg9 : memref<40x128xf32, #tpu.memory_space<vmem>>)
    %dma_start3A_553 = arith.constant 0 : i32
    %dma_start3A_554 = tpu.memref_slice %arg5[%arg0, %add3A_548, %dma_start3A_553] : memref<2x10240x128xf32, #tpu.memory_space<hbm>> -> memref<1x40x128xf32, #tpu.memory_space<hbm>>
    %dma_start3A_555 = tpu.memref_squeeze %dma_start3A_554 : memref<1x40x128xf32, #tpu.memory_space<hbm>> -> memref<40x128xf32, #tpu.memory_space<hbm>>
    %dma_start3A_556 = arith.constant 0 : i32
    %dma_start3A_557 = tpu.memref_slice %arg5[%arg0, %add3A_548, %dma_start3A_556] : memref<2x10240x128xf32, #tpu.memory_space<hbm>> -> memref<1x40x128xf32, #tpu.memory_space<hbm>>
    %dma_start3A_558 = tpu.memref_squeeze %dma_start3A_557 : memref<1x40x128xf32, #tpu.memory_space<hbm>> -> memref<40x128xf32, #tpu.memory_space<hbm>>
    tpu.enqueue_dma source(%arg9 : memref<40x128xf32, #tpu.memory_space<vmem>>) target(%dma_start3A_558 : memref<40x128xf32, #tpu.memory_space<hbm>>) target_semaphore(%arg19 : memref<!tpu.dma_semaphore, #tpu.memory_space<semaphore_mem>>)
    %dma_wait3A_559 = arith.constant 0 : i32
    %dma_wait3A_560 = tpu.memref_slice %arg5[%arg0, %add3A_548, %dma_wait3A_559] : memref<2x10240x128xf32, #tpu.memory_space<hbm>> -> memref<1x40x128xf32, #tpu.memory_space<hbm>>
    %dma_wait3A_561 = tpu.memref_squeeze %dma_wait3A_560 : memref<1x40x128xf32, #tpu.memory_space<hbm>> -> memref<40x128xf32, #tpu.memory_space<hbm>>
    %dma_wait3A_562 = arith.constant 0 : i32
    %dma_wait3A_563 = tpu.memref_slice %arg5[%arg0, %add3A_548, %dma_wait3A_562] : memref<2x10240x128xf32, #tpu.memory_space<hbm>> -> memref<1x40x128xf32, #tpu.memory_space<hbm>>
    %dma_wait3A_564 = tpu.memref_squeeze %dma_wait3A_563 : memref<1x40x128xf32, #tpu.memory_space<hbm>> -> memref<40x128xf32, #tpu.memory_space<hbm>>
    tpu.wait_dma2 semaphore(%arg19 : memref<!tpu.dma_semaphore, #tpu.memory_space<semaphore_mem>>) src(%arg9 : memref<40x128xf32, #tpu.memory_space<vmem>>) dst(%dma_wait3A_564 : memref<40x128xf32, #tpu.memory_space<hbm>>)
    %mul3A_565 = arith.constant 640 : i32
    %mul3A_566 = arith.muli %arg1, %mul3A_565 : i32
    %add3A_567 = arith.constant 600 : i32
    %add3A_568 = arith.addi %mul3A_566, %add3A_567 : i32
    %dma_start3A_569 = arith.constant 0 : i32
    %dma_start3A_570 = tpu.memref_slice %arg6[%add3A_568, %dma_start3A_569] : memref<10240x128xf32, #tpu.memory_space<vmem_shared>> -> memref<40x128xf32, #tpu.memory_space<vmem_shared>>
    %dma_start3A_571 = arith.constant 0 : i32
    %dma_start3A_572 = tpu.memref_slice %arg6[%add3A_568, %dma_start3A_571] : memref<10240x128xf32, #tpu.memory_space<vmem_shared>> -> memref<40x128xf32, #tpu.memory_space<vmem_shared>>
    tpu.enqueue_dma source(%dma_start3A_572 : memref<40x128xf32, #tpu.memory_space<vmem_shared>>) target(%arg9 : memref<40x128xf32, #tpu.memory_space<vmem>>) target_semaphore(%arg14 : memref<!tpu.dma_semaphore, #tpu.memory_space<semaphore_mem>>)
    %mul3A_573 = arith.constant 640 : i32
    %mul3A_574 = arith.muli %arg1, %mul3A_573 : i32
    %add3A_575 = arith.constant 440 : i32
    %add3A_576 = arith.addi %mul3A_574, %add3A_575 : i32
    %dma_wait3A_577 = arith.constant 0 : i32
    %dma_wait3A_578 = tpu.memref_slice %arg6[%add3A_456, %dma_wait3A_577] : memref<10240x128xf32, #tpu.memory_space<vmem_shared>> -> memref<40x128xf32, #tpu.memory_space<vmem_shared>>
    %dma_wait3A_579 = arith.constant 0 : i32
    %dma_wait3A_580 = tpu.memref_slice %arg6[%add3A_456, %dma_wait3A_579] : memref<10240x128xf32, #tpu.memory_space<vmem_shared>> -> memref<40x128xf32, #tpu.memory_space<vmem_shared>>
    tpu.wait_dma2 semaphore(%arg15 : memref<!tpu.dma_semaphore, #tpu.memory_space<semaphore_mem>>) src(%dma_wait3A_580 : memref<40x128xf32, #tpu.memory_space<vmem_shared>>) dst(%arg10 : memref<40x128xf32, #tpu.memory_space<vmem>>)
    %dma_start3A_581 = arith.constant 0 : i32
    %dma_start3A_582 = tpu.memref_slice %arg5[%arg0, %add3A_576, %dma_start3A_581] : memref<2x10240x128xf32, #tpu.memory_space<hbm>> -> memref<1x40x128xf32, #tpu.memory_space<hbm>>
    %dma_start3A_583 = tpu.memref_squeeze %dma_start3A_582 : memref<1x40x128xf32, #tpu.memory_space<hbm>> -> memref<40x128xf32, #tpu.memory_space<hbm>>
    %dma_start3A_584 = arith.constant 0 : i32
    %dma_start3A_585 = tpu.memref_slice %arg5[%arg0, %add3A_576, %dma_start3A_584] : memref<2x10240x128xf32, #tpu.memory_space<hbm>> -> memref<1x40x128xf32, #tpu.memory_space<hbm>>
    %dma_start3A_586 = tpu.memref_squeeze %dma_start3A_585 : memref<1x40x128xf32, #tpu.memory_space<hbm>> -> memref<40x128xf32, #tpu.memory_space<hbm>>
    tpu.enqueue_dma source(%arg10 : memref<40x128xf32, #tpu.memory_space<vmem>>) target(%dma_start3A_586 : memref<40x128xf32, #tpu.memory_space<hbm>>) target_semaphore(%arg20 : memref<!tpu.dma_semaphore, #tpu.memory_space<semaphore_mem>>)
    %mul3A_587 = arith.constant 640 : i32
    %mul3A_588 = arith.muli %arg1, %mul3A_587 : i32
    %add3A_589 = arith.constant 480 : i32
    %add3A_590 = arith.addi %mul3A_588, %add3A_589 : i32
    %dma_wait3A_591 = arith.constant 0 : i32
    %dma_wait3A_592 = tpu.memref_slice %arg6[%add3A_484, %dma_wait3A_591] : memref<10240x128xf32, #tpu.memory_space<vmem_shared>> -> memref<40x128xf32, #tpu.memory_space<vmem_shared>>
    %dma_wait3A_593 = arith.constant 0 : i32
    %dma_wait3A_594 = tpu.memref_slice %arg6[%add3A_484, %dma_wait3A_593] : memref<10240x128xf32, #tpu.memory_space<vmem_shared>> -> memref<40x128xf32, #tpu.memory_space<vmem_shared>>
    tpu.wait_dma2 semaphore(%arg16 : memref<!tpu.dma_semaphore, #tpu.memory_space<semaphore_mem>>) src(%dma_wait3A_594 : memref<40x128xf32, #tpu.memory_space<vmem_shared>>) dst(%arg11 : memref<40x128xf32, #tpu.memory_space<vmem>>)
    %dma_start3A_595 = arith.constant 0 : i32
    %dma_start3A_596 = tpu.memref_slice %arg5[%arg0, %add3A_590, %dma_start3A_595] : memref<2x10240x128xf32, #tpu.memory_space<hbm>> -> memref<1x40x128xf32, #tpu.memory_space<hbm>>
    %dma_start3A_597 = tpu.memref_squeeze %dma_start3A_596 : memref<1x40x128xf32, #tpu.memory_space<hbm>> -> memref<40x128xf32, #tpu.memory_space<hbm>>
    %dma_start3A_598 = arith.constant 0 : i32
    %dma_start3A_599 = tpu.memref_slice %arg5[%arg0, %add3A_590, %dma_start3A_598] : memref<2x10240x128xf32, #tpu.memory_space<hbm>> -> memref<1x40x128xf32, #tpu.memory_space<hbm>>
    %dma_start3A_600 = tpu.memref_squeeze %dma_start3A_599 : memref<1x40x128xf32, #tpu.memory_space<hbm>> -> memref<40x128xf32, #tpu.memory_space<hbm>>
    tpu.enqueue_dma source(%arg11 : memref<40x128xf32, #tpu.memory_space<vmem>>) target(%dma_start3A_600 : memref<40x128xf32, #tpu.memory_space<hbm>>) target_semaphore(%arg21 : memref<!tpu.dma_semaphore, #tpu.memory_space<semaphore_mem>>)
    %mul3A_601 = arith.constant 640 : i32
    %mul3A_602 = arith.muli %arg1, %mul3A_601 : i32
    %add3A_603 = arith.constant 520 : i32
    %add3A_604 = arith.addi %mul3A_602, %add3A_603 : i32
    %dma_wait3A_605 = arith.constant 0 : i32
    %dma_wait3A_606 = tpu.memref_slice %arg6[%add3A_512, %dma_wait3A_605] : memref<10240x128xf32, #tpu.memory_space<vmem_shared>> -> memref<40x128xf32, #tpu.memory_space<vmem_shared>>
    %dma_wait3A_607 = arith.constant 0 : i32
    %dma_wait3A_608 = tpu.memref_slice %arg6[%add3A_512, %dma_wait3A_607] : memref<10240x128xf32, #tpu.memory_space<vmem_shared>> -> memref<40x128xf32, #tpu.memory_space<vmem_shared>>
    tpu.wait_dma2 semaphore(%arg17 : memref<!tpu.dma_semaphore, #tpu.memory_space<semaphore_mem>>) src(%dma_wait3A_608 : memref<40x128xf32, #tpu.memory_space<vmem_shared>>) dst(%arg12 : memref<40x128xf32, #tpu.memory_space<vmem>>)
    %dma_start3A_609 = arith.constant 0 : i32
    %dma_start3A_610 = tpu.memref_slice %arg5[%arg0, %add3A_604, %dma_start3A_609] : memref<2x10240x128xf32, #tpu.memory_space<hbm>> -> memref<1x40x128xf32, #tpu.memory_space<hbm>>
    %dma_start3A_611 = tpu.memref_squeeze %dma_start3A_610 : memref<1x40x128xf32, #tpu.memory_space<hbm>> -> memref<40x128xf32, #tpu.memory_space<hbm>>
    %dma_start3A_612 = arith.constant 0 : i32
    %dma_start3A_613 = tpu.memref_slice %arg5[%arg0, %add3A_604, %dma_start3A_612] : memref<2x10240x128xf32, #tpu.memory_space<hbm>> -> memref<1x40x128xf32, #tpu.memory_space<hbm>>
    %dma_start3A_614 = tpu.memref_squeeze %dma_start3A_613 : memref<1x40x128xf32, #tpu.memory_space<hbm>> -> memref<40x128xf32, #tpu.memory_space<hbm>>
    tpu.enqueue_dma source(%arg12 : memref<40x128xf32, #tpu.memory_space<vmem>>) target(%dma_start3A_614 : memref<40x128xf32, #tpu.memory_space<hbm>>) target_semaphore(%arg22 : memref<!tpu.dma_semaphore, #tpu.memory_space<semaphore_mem>>)
    %mul3A_615 = arith.constant 640 : i32
    %mul3A_616 = arith.muli %arg1, %mul3A_615 : i32
    %add3A_617 = arith.constant 560 : i32
    %add3A_618 = arith.addi %mul3A_616, %add3A_617 : i32
    %dma_wait3A_619 = arith.constant 0 : i32
    %dma_wait3A_620 = tpu.memref_slice %arg6[%add3A_540, %dma_wait3A_619] : memref<10240x128xf32, #tpu.memory_space<vmem_shared>> -> memref<40x128xf32, #tpu.memory_space<vmem_shared>>
    %dma_wait3A_621 = arith.constant 0 : i32
    %dma_wait3A_622 = tpu.memref_slice %arg6[%add3A_540, %dma_wait3A_621] : memref<10240x128xf32, #tpu.memory_space<vmem_shared>> -> memref<40x128xf32, #tpu.memory_space<vmem_shared>>
    tpu.wait_dma2 semaphore(%arg18 : memref<!tpu.dma_semaphore, #tpu.memory_space<semaphore_mem>>) src(%dma_wait3A_622 : memref<40x128xf32, #tpu.memory_space<vmem_shared>>) dst(%arg13 : memref<40x128xf32, #tpu.memory_space<vmem>>)
    %dma_start3A_623 = arith.constant 0 : i32
    %dma_start3A_624 = tpu.memref_slice %arg5[%arg0, %add3A_618, %dma_start3A_623] : memref<2x10240x128xf32, #tpu.memory_space<hbm>> -> memref<1x40x128xf32, #tpu.memory_space<hbm>>
    %dma_start3A_625 = tpu.memref_squeeze %dma_start3A_624 : memref<1x40x128xf32, #tpu.memory_space<hbm>> -> memref<40x128xf32, #tpu.memory_space<hbm>>
    %dma_start3A_626 = arith.constant 0 : i32
    %dma_start3A_627 = tpu.memref_slice %arg5[%arg0, %add3A_618, %dma_start3A_626] : memref<2x10240x128xf32, #tpu.memory_space<hbm>> -> memref<1x40x128xf32, #tpu.memory_space<hbm>>
    %dma_start3A_628 = tpu.memref_squeeze %dma_start3A_627 : memref<1x40x128xf32, #tpu.memory_space<hbm>> -> memref<40x128xf32, #tpu.memory_space<hbm>>
    tpu.enqueue_dma source(%arg13 : memref<40x128xf32, #tpu.memory_space<vmem>>) target(%dma_start3A_628 : memref<40x128xf32, #tpu.memory_space<hbm>>) target_semaphore(%arg23 : memref<!tpu.dma_semaphore, #tpu.memory_space<semaphore_mem>>)
    %mul3A_629 = arith.constant 640 : i32
    %mul3A_630 = arith.muli %arg1, %mul3A_629 : i32
    %add3A_631 = arith.constant 600 : i32
    %add3A_632 = arith.addi %mul3A_630, %add3A_631 : i32
    %dma_wait3A_633 = arith.constant 0 : i32
    %dma_wait3A_634 = tpu.memref_slice %arg6[%add3A_568, %dma_wait3A_633] : memref<10240x128xf32, #tpu.memory_space<vmem_shared>> -> memref<40x128xf32, #tpu.memory_space<vmem_shared>>
    %dma_wait3A_635 = arith.constant 0 : i32
    %dma_wait3A_636 = tpu.memref_slice %arg6[%add3A_568, %dma_wait3A_635] : memref<10240x128xf32, #tpu.memory_space<vmem_shared>> -> memref<40x128xf32, #tpu.memory_space<vmem_shared>>
    tpu.wait_dma2 semaphore(%arg14 : memref<!tpu.dma_semaphore, #tpu.memory_space<semaphore_mem>>) src(%dma_wait3A_636 : memref<40x128xf32, #tpu.memory_space<vmem_shared>>) dst(%arg9 : memref<40x128xf32, #tpu.memory_space<vmem>>)
    %dma_start3A_637 = arith.constant 0 : i32
    %dma_start3A_638 = tpu.memref_slice %arg5[%arg0, %add3A_632, %dma_start3A_637] : memref<2x10240x128xf32, #tpu.memory_space<hbm>> -> memref<1x40x128xf32, #tpu.memory_space<hbm>>
    %dma_start3A_639 = tpu.memref_squeeze %dma_start3A_638 : memref<1x40x128xf32, #tpu.memory_space<hbm>> -> memref<40x128xf32, #tpu.memory_space<hbm>>
    %dma_start3A_640 = arith.constant 0 : i32
    %dma_start3A_641 = tpu.memref_slice %arg5[%arg0, %add3A_632, %dma_start3A_640] : memref<2x10240x128xf32, #tpu.memory_space<hbm>> -> memref<1x40x128xf32, #tpu.memory_space<hbm>>
    %dma_start3A_642 = tpu.memref_squeeze %dma_start3A_641 : memref<1x40x128xf32, #tpu.memory_space<hbm>> -> memref<40x128xf32, #tpu.memory_space<hbm>>
    tpu.enqueue_dma source(%arg9 : memref<40x128xf32, #tpu.memory_space<vmem>>) target(%dma_start3A_642 : memref<40x128xf32, #tpu.memory_space<hbm>>) target_semaphore(%arg19 : memref<!tpu.dma_semaphore, #tpu.memory_space<semaphore_mem>>)
    %dma_wait3A_643 = arith.constant 0 : i32
    %dma_wait3A_644 = tpu.memref_slice %arg5[%arg0, %add3A_576, %dma_wait3A_643] : memref<2x10240x128xf32, #tpu.memory_space<hbm>> -> memref<1x40x128xf32, #tpu.memory_space<hbm>>
    %dma_wait3A_645 = tpu.memref_squeeze %dma_wait3A_644 : memref<1x40x128xf32, #tpu.memory_space<hbm>> -> memref<40x128xf32, #tpu.memory_space<hbm>>
    %dma_wait3A_646 = arith.constant 0 : i32
    %dma_wait3A_647 = tpu.memref_slice %arg5[%arg0, %add3A_576, %dma_wait3A_646] : memref<2x10240x128xf32, #tpu.memory_space<hbm>> -> memref<1x40x128xf32, #tpu.memory_space<hbm>>
    %dma_wait3A_648 = tpu.memref_squeeze %dma_wait3A_647 : memref<1x40x128xf32, #tpu.memory_space<hbm>> -> memref<40x128xf32, #tpu.memory_space<hbm>>
    tpu.wait_dma2 semaphore(%arg20 : memref<!tpu.dma_semaphore, #tpu.memory_space<semaphore_mem>>) src(%arg10 : memref<40x128xf32, #tpu.memory_space<vmem>>) dst(%dma_wait3A_648 : memref<40x128xf32, #tpu.memory_space<hbm>>)
    %dma_wait3A_649 = arith.constant 0 : i32
    %dma_wait3A_650 = tpu.memref_slice %arg5[%arg0, %add3A_590, %dma_wait3A_649] : memref<2x10240x128xf32, #tpu.memory_space<hbm>> -> memref<1x40x128xf32, #tpu.memory_space<hbm>>
    %dma_wait3A_651 = tpu.memref_squeeze %dma_wait3A_650 : memref<1x40x128xf32, #tpu.memory_space<hbm>> -> memref<40x128xf32, #tpu.memory_space<hbm>>
    %dma_wait3A_652 = arith.constant 0 : i32
    %dma_wait3A_653 = tpu.memref_slice %arg5[%arg0, %add3A_590, %dma_wait3A_652] : memref<2x10240x128xf32, #tpu.memory_space<hbm>> -> memref<1x40x128xf32, #tpu.memory_space<hbm>>
    %dma_wait3A_654 = tpu.memref_squeeze %dma_wait3A_653 : memref<1x40x128xf32, #tpu.memory_space<hbm>> -> memref<40x128xf32, #tpu.memory_space<hbm>>
    tpu.wait_dma2 semaphore(%arg21 : memref<!tpu.dma_semaphore, #tpu.memory_space<semaphore_mem>>) src(%arg11 : memref<40x128xf32, #tpu.memory_space<vmem>>) dst(%dma_wait3A_654 : memref<40x128xf32, #tpu.memory_space<hbm>>)
    %dma_wait3A_655 = arith.constant 0 : i32
    %dma_wait3A_656 = tpu.memref_slice %arg5[%arg0, %add3A_604, %dma_wait3A_655] : memref<2x10240x128xf32, #tpu.memory_space<hbm>> -> memref<1x40x128xf32, #tpu.memory_space<hbm>>
    %dma_wait3A_657 = tpu.memref_squeeze %dma_wait3A_656 : memref<1x40x128xf32, #tpu.memory_space<hbm>> -> memref<40x128xf32, #tpu.memory_space<hbm>>
    %dma_wait3A_658 = arith.constant 0 : i32
    %dma_wait3A_659 = tpu.memref_slice %arg5[%arg0, %add3A_604, %dma_wait3A_658] : memref<2x10240x128xf32, #tpu.memory_space<hbm>> -> memref<1x40x128xf32, #tpu.memory_space<hbm>>
    %dma_wait3A_660 = tpu.memref_squeeze %dma_wait3A_659 : memref<1x40x128xf32, #tpu.memory_space<hbm>> -> memref<40x128xf32, #tpu.memory_space<hbm>>
    tpu.wait_dma2 semaphore(%arg22 : memref<!tpu.dma_semaphore, #tpu.memory_space<semaphore_mem>>) src(%arg12 : memref<40x128xf32, #tpu.memory_space<vmem>>) dst(%dma_wait3A_660 : memref<40x128xf32, #tpu.memory_space<hbm>>)
    %dma_wait3A_661 = arith.constant 0 : i32
    %dma_wait3A_662 = tpu.memref_slice %arg5[%arg0, %add3A_618, %dma_wait3A_661] : memref<2x10240x128xf32, #tpu.memory_space<hbm>> -> memref<1x40x128xf32, #tpu.memory_space<hbm>>
    %dma_wait3A_663 = tpu.memref_squeeze %dma_wait3A_662 : memref<1x40x128xf32, #tpu.memory_space<hbm>> -> memref<40x128xf32, #tpu.memory_space<hbm>>
    %dma_wait3A_664 = arith.constant 0 : i32
    %dma_wait3A_665 = tpu.memref_slice %arg5[%arg0, %add3A_618, %dma_wait3A_664] : memref<2x10240x128xf32, #tpu.memory_space<hbm>> -> memref<1x40x128xf32, #tpu.memory_space<hbm>>
    %dma_wait3A_666 = tpu.memref_squeeze %dma_wait3A_665 : memref<1x40x128xf32, #tpu.memory_space<hbm>> -> memref<40x128xf32, #tpu.memory_space<hbm>>
    tpu.wait_dma2 semaphore(%arg23 : memref<!tpu.dma_semaphore, #tpu.memory_space<semaphore_mem>>) src(%arg13 : memref<40x128xf32, #tpu.memory_space<vmem>>) dst(%dma_wait3A_666 : memref<40x128xf32, #tpu.memory_space<hbm>>)
    %dma_wait3A_667 = arith.constant 0 : i32
    %dma_wait3A_668 = tpu.memref_slice %arg5[%arg0, %add3A_632, %dma_wait3A_667] : memref<2x10240x128xf32, #tpu.memory_space<hbm>> -> memref<1x40x128xf32, #tpu.memory_space<hbm>>
    %dma_wait3A_669 = tpu.memref_squeeze %dma_wait3A_668 : memref<1x40x128xf32, #tpu.memory_space<hbm>> -> memref<40x128xf32, #tpu.memory_space<hbm>>
    %dma_wait3A_670 = arith.constant 0 : i32
    %dma_wait3A_671 = tpu.memref_slice %arg5[%arg0, %add3A_632, %dma_wait3A_670] : memref<2x10240x128xf32, #tpu.memory_space<hbm>> -> memref<1x40x128xf32, #tpu.memory_space<hbm>>
    %dma_wait3A_672 = tpu.memref_squeeze %dma_wait3A_671 : memref<1x40x128xf32, #tpu.memory_space<hbm>> -> memref<40x128xf32, #tpu.memory_space<hbm>>
    tpu.wait_dma2 semaphore(%arg19 : memref<!tpu.dma_semaphore, #tpu.memory_space<semaphore_mem>>) src(%arg9 : memref<40x128xf32, #tpu.memory_space<vmem>>) dst(%dma_wait3A_672 : memref<40x128xf32, #tpu.memory_space<hbm>>)
    return
  }
}

module attributes {stable_mosaic.version = 14 : i64} {
  func.func @_embed_body(%arg0: i32, %arg1: memref<2000x128xf32, #tpu.memory_space<vmem>>, %arg2: memref<128x128xf32, #tpu.memory_space<vmem>>, %arg3: memref<1x128xf32, #tpu.memory_space<vmem>>, %arg4: memref<2x2000x16xf32, #tpu.memory_space<vmem>>, %arg5: memref<2000x128xf32, #tpu.memory_space<vmem>>, %arg6: memref<2000x128xf32, #tpu.memory_space<vmem>>) attributes {dimension_semantics = [#tpu.dimension_semantics<arbitrary>], iteration_bounds = array<i64: 5>, scalar_prefetch = 0 : i64, scratch_operands = 0 : i64, tpu.core_type = #tpu.core_type<tc>, window_params = [{transform_indices = @transform_0, window_bounds = array<i64: 2000, 128>}, {pipeline_mode = #tpu.pipeline_mode<synchronous>, transform_indices = @transform_1, window_bounds = array<i64: 128, 128>}, {pipeline_mode = #tpu.pipeline_mode<synchronous>, transform_indices = @transform_2, window_bounds = array<i64: 1, 128>}, {transform_indices = @transform_3, window_bounds = array<i64: 2, 2000, 16>}, {transform_indices = @transform_4, window_bounds = array<i64: 2000, 128>}, {transform_indices = @transform_5, window_bounds = array<i64: 2000, 128>}]} {
    %get3A = arith.constant 0 : index
    %get3A_0 = arith.constant 0 : index
    %get3A_1 = vector.load %arg1[%get3A, %get3A_0] : memref<2000x128xf32, #tpu.memory_space<vmem>>, vector<2000x128xf32>
    %get3A_2 = arith.constant 0 : index
    %get3A_3 = arith.constant 0 : index
    %get3A_4 = vector.load %arg2[%get3A_2, %get3A_3] : memref<128x128xf32, #tpu.memory_space<vmem>>, vector<128x128xf32>
    %dot_general3A = arith.constant dense<0.000000e+00> : vector<2000x128xf32>
    %dot_general3A_5 = tpu.matmul %get3A_1, %get3A_4, %dot_general3A {dimension_numbers = #tpu.dot_dimension_numbers<[1], [0], [0], [1], [0, 0, 1, 1], [], []>, transpose_lhs_hint = false} : vector<2000x128xf32>, vector<128x128xf32>, vector<2000x128xf32> -> vector<2000x128xf32>
    %get3A_6 = arith.constant 0 : index
    %get3A_7 = arith.constant 0 : index
    %get3A_8 = vector.load %arg3[%get3A_6, %get3A_7] : memref<1x128xf32, #tpu.memory_space<vmem>>, vector<1x128xf32>
    %add3A = vector.broadcast %get3A_8 : vector<1x128xf32> to vector<2000x128xf32>
    %add3A_9 = arith.addf %dot_general3A_5, %add3A : vector<2000x128xf32>
    %swap3A = arith.constant 0 : index
    %swap3A_10 = arith.constant 0 : index
    %swap3A_11 = vector.load %arg5[%swap3A, %swap3A_10] : memref<2000x128xf32, #tpu.memory_space<vmem>>, vector<2000x128xf32>
    tpu.vector_store %arg5[%swap3A, %swap3A_10], %add3A_9 {strides = array<i32>} : memref<2000x128xf32, #tpu.memory_space<vmem>>, vector<2000x128xf32>,
    %get3A_12 = arith.constant 0 : index
    %get3A_13 = arith.constant 0 : index
    %get3A_14 = arith.constant 0 : index
    %get3A_15 = vector.load %arg4[%get3A_12, %get3A_13, %get3A_14] : memref<2x2000x16xf32, #tpu.memory_space<vmem>>, vector<2x2000x16xf32>
    %slice3A = vector.extract_strided_slice %get3A_15 {offsets = [0, 0, 0], sizes = [1, 2000, 1], strides = [1, 1, 1]} : vector<2x2000x16xf32> to vector<1x2000x1xf32>
    %squeeze3A = vector.shape_cast %slice3A : vector<1x2000x1xf32> to vector<2000xf32>
    %slice3A_16 = vector.extract_strided_slice %get3A_15 {offsets = [1, 0, 0], sizes = [1, 2000, 1], strides = [1, 1, 1]} : vector<2x2000x16xf32> to vector<1x2000x1xf32>
    %squeeze3A_17 = vector.shape_cast %slice3A_16 : vector<1x2000x1xf32> to vector<2000xf32>
    %add3A_18 = arith.addf %squeeze3A, %squeeze3A_17 : vector<2000xf32>
    %max3A = arith.constant 1.000000e+00 : f32
    %max3A_19 = vector.broadcast %max3A : f32 to vector<2000xf32>
    %max3A_20 = arith.maximumf %add3A_18, %max3A_19 : vector<2000xf32>
    %rsqrt3A = math.rsqrt %max3A_20 : vector<2000xf32>
    %broadcast_in_dim3A = vector.shape_cast %rsqrt3A : vector<2000xf32> to vector<2000x1xf32>
    %mul3A = vector.broadcast %broadcast_in_dim3A : vector<2000x1xf32> to vector<2000x128xf32>
    %mul3A_21 = arith.mulf %add3A_9, %mul3A : vector<2000x128xf32>
    %swap3A_22 = arith.constant 0 : index
    %swap3A_23 = arith.constant 0 : index
    %swap3A_24 = vector.load %arg6[%swap3A_22, %swap3A_23] : memref<2000x128xf32, #tpu.memory_space<vmem>>, vector<2000x128xf32>
    tpu.vector_store %arg6[%swap3A_22, %swap3A_23], %mul3A_21 {strides = array<i32>} : memref<2000x128xf32, #tpu.memory_space<vmem>>, vector<2000x128xf32>,
    return
  }
  func.func @transform_0(%arg0: i32) -> (i32, i32) {
    %c0_i32 = arith.constant 0 : i32
    %c0_i32_0 = arith.constant 0 : i32
    return %arg0, %c0_i32 : i32, i32
  }
  func.func @transform_1(%arg0: i32) -> (i32, i32) {
    %c0_i32 = arith.constant 0 : i32
    %c0_i32_0 = arith.constant 0 : i32
    %c0_i32_1 = arith.constant 0 : i32
    return %c0_i32, %c0_i32_0 : i32, i32
  }
  func.func @transform_2(%arg0: i32) -> (i32, i32) {
    %c0_i32 = arith.constant 0 : i32
    %c0_i32_0 = arith.constant 0 : i32
    %c0_i32_1 = arith.constant 0 : i32
    return %c0_i32, %c0_i32_0 : i32, i32
  }
  func.func @transform_3(%arg0: i32) -> (i32, i32, i32) {
    %c0_i32 = arith.constant 0 : i32
    %c0_i32_0 = arith.constant 0 : i32
    %c0_i32_1 = arith.constant 0 : i32
    return %c0_i32, %arg0, %c0_i32_0 : i32, i32, i32
  }
  func.func @transform_4(%arg0: i32) -> (i32, i32) {
    %c0_i32 = arith.constant 0 : i32
    %c0_i32_0 = arith.constant 0 : i32
    return %arg0, %c0_i32 : i32, i32
  }
  func.func @transform_5(%arg0: i32) -> (i32, i32) {
    %c0_i32 = arith.constant 0 : i32
    %c0_i32_0 = arith.constant 0 : i32
    return %arg0, %c0_i32 : i32, i32
  }
}

module attributes {stable_mosaic.version = 14 : i64} {
  func.func @_mid_body(%arg0: i32, %arg1: memref<2x2000x128xf32, #tpu.memory_space<vmem>>, %arg2: memref<2000x128xf32, #tpu.memory_space<vmem>>, %arg3: memref<2x2000x16xf32, #tpu.memory_space<vmem>>, %arg4: memref<2x2000x16xf32, #tpu.memory_space<vmem>>, %arg5: memref<128x128xf32, #tpu.memory_space<vmem>>, %arg6: memref<1x128xf32, #tpu.memory_space<vmem>>, %arg7: memref<1x128xf32, #tpu.memory_space<vmem>>, %arg8: memref<1x128xf32, #tpu.memory_space<vmem>>, %arg9: memref<128x128xf32, #tpu.memory_space<vmem>>, %arg10: memref<1x128xf32, #tpu.memory_space<vmem>>, %arg11: memref<2000x128xf32, #tpu.memory_space<vmem>>, %arg12: memref<2x128xf32, #tpu.memory_space<vmem>>, %arg13: memref<10000x128xf32, #tpu.memory_space<vmem>>) attributes {dimension_semantics = [#tpu.dimension_semantics<arbitrary>], iteration_bounds = array<i64: 10>, scalar_prefetch = 0 : i64, scratch_operands = 2 : i64, tpu.core_type = #tpu.core_type<tc>, window_params = [{transform_indices = @transform_0, window_bounds = array<i64: 2, 2000, 128>}, {transform_indices = @transform_1, window_bounds = array<i64: 2000, 128>}, {transform_indices = @transform_2, window_bounds = array<i64: 2, 2000, 16>}, {transform_indices = @transform_3, window_bounds = array<i64: 2, 2000, 16>}, {pipeline_mode = #tpu.pipeline_mode<synchronous>, transform_indices = @transform_4, window_bounds = array<i64: 128, 128>}, {pipeline_mode = #tpu.pipeline_mode<synchronous>, transform_indices = @transform_5, window_bounds = array<i64: 1, 128>}, {pipeline_mode = #tpu.pipeline_mode<synchronous>, transform_indices = @transform_6, window_bounds = array<i64: 1, 128>}, {pipeline_mode = #tpu.pipeline_mode<synchronous>, transform_indices = @transform_7, window_bounds = array<i64: 1, 128>}, {pipeline_mode = #tpu.pipeline_mode<synchronous>, transform_indices = @transform_8, window_bounds = array<i64: 128, 128>}, {pipeline_mode = #tpu.pipeline_mode<synchronous>, transform_indices = @transform_9, window_bounds = array<i64: 1, 128>}, {transform_indices = @transform_10, window_bounds = array<i64: 2000, 128>}]} {
    %eq3A = arith.constant 0 : i32
    %eq3A_0 = arith.cmpi eq, %arg0, %eq3A : i32
    %convert_element_type3A = arith.extui %eq3A_0 : i1 to i32
    %cond3A = arith.constant 0 : i32
    %cond3A_1 = arith.cmpi ne, %convert_element_type3A, %cond3A : i32
    scf.if %cond3A_1 {
      %broadcast_in_dim3A = arith.constant 0.000000e+00 : f32
      %broadcast_in_dim3A_10 = vector.broadcast %broadcast_in_dim3A : f32 to vector<2x128xf32>
      %swap3A = arith.constant 0 : index
      %swap3A_11 = arith.constant 0 : index
      %swap3A_12 = vector.load %arg12[%swap3A, %swap3A_11] : memref<2x128xf32, #tpu.memory_space<vmem>>, vector<2x128xf32>
      tpu.vector_store %arg12[%swap3A, %swap3A_11], %broadcast_in_dim3A_10 {strides = array<i32>} : memref<2x128xf32, #tpu.memory_space<vmem>>, vector<2x128xf32>,
    } else {
    }
    %lt3A = arith.constant 5 : i32
    %lt3A_2 = arith.cmpi slt, %arg0, %lt3A : i32
    %convert_element_type3A_3 = arith.extui %lt3A_2 : i1 to i32
    %cond3A_4 = arith.constant 0 : i32
    %cond3A_5 = arith.cmpi ne, %convert_element_type3A_3, %cond3A_4 : i32
    scf.if %cond3A_5 {
      %get3A = arith.constant 0 : index
      %get3A_10 = arith.constant 0 : index
      %get3A_11 = arith.constant 0 : index
      %get3A_12 = vector.load %arg4[%get3A, %get3A_10, %get3A_11] : memref<2x2000x16xf32, #tpu.memory_space<vmem>>, vector<2x2000x16xf32>
      %slice3A = vector.extract_strided_slice %get3A_12 {offsets = [0, 0, 0], sizes = [1, 2000, 1], strides = [1, 1, 1]} : vector<2x2000x16xf32> to vector<1x2000x1xf32>
      %squeeze3A = vector.shape_cast %slice3A : vector<1x2000x1xf32> to vector<2000xf32>
      %slice3A_13 = vector.extract_strided_slice %get3A_12 {offsets = [1, 0, 0], sizes = [1, 2000, 1], strides = [1, 1, 1]} : vector<2x2000x16xf32> to vector<1x2000x1xf32>
      %squeeze3A_14 = vector.shape_cast %slice3A_13 : vector<1x2000x1xf32> to vector<2000xf32>
      %add3A = arith.addf %squeeze3A, %squeeze3A_14 : vector<2000xf32>
      %max3A = arith.constant 1.000000e+00 : f32
      %max3A_15 = vector.broadcast %max3A : f32 to vector<2000xf32>
      %max3A_16 = arith.maximumf %add3A, %max3A_15 : vector<2000xf32>
      %rsqrt3A = math.rsqrt %max3A_16 : vector<2000xf32>
      %get3A_17 = arith.constant 0 : index
      %get3A_18 = arith.constant 0 : index
      %get3A_19 = arith.constant 0 : index
      %get3A_20 = vector.load %arg1[%get3A_17, %get3A_18, %get3A_19] : memref<2x2000x128xf32, #tpu.memory_space<vmem>>, vector<1x2000x128xf32>
      %get3A_21 = vector.shape_cast %get3A_20 : vector<1x2000x128xf32> to vector<2000x128xf32>
      %get3A_22 = arith.constant 1 : index
      %get3A_23 = arith.constant 0 : index
      %get3A_24 = arith.constant 0 : index
      %get3A_25 = vector.load %arg1[%get3A_22, %get3A_23, %get3A_24] : memref<2x2000x128xf32, #tpu.memory_space<vmem>>, vector<1x2000x128xf32>
      %get3A_26 = vector.shape_cast %get3A_25 : vector<1x2000x128xf32> to vector<2000x128xf32>
      %add3A_27 = arith.addf %get3A_21, %get3A_26 : vector<2000x128xf32>
      %broadcast_in_dim3A = vector.shape_cast %rsqrt3A : vector<2000xf32> to vector<2000x1xf32>
      %mul3A = vector.broadcast %broadcast_in_dim3A : vector<2000x1xf32> to vector<2000x128xf32>
      %mul3A_28 = arith.mulf %add3A_27, %mul3A : vector<2000x128xf32>
      %get3A_29 = arith.constant 0 : index
      %get3A_30 = arith.constant 0 : index
      %get3A_31 = vector.load %arg2[%get3A_29, %get3A_30] : memref<2000x128xf32, #tpu.memory_space<vmem>>, vector<2000x128xf32>
      %get3A_32 = arith.constant 0 : index
      %get3A_33 = arith.constant 0 : index
      %get3A_34 = vector.load %arg5[%get3A_32, %get3A_33] : memref<128x128xf32, #tpu.memory_space<vmem>>, vector<128x128xf32>
      %dot_general3A = arith.constant dense<0.000000e+00> : vector<2000x128xf32>
      %dot_general3A_35 = tpu.matmul %mul3A_28, %get3A_34, %dot_general3A {dimension_numbers = #tpu.dot_dimension_numbers<[1], [0], [0], [1], [0, 0, 1, 1], [], []>, transpose_lhs_hint = false} : vector<2000x128xf32>, vector<128x128xf32>, vector<2000x128xf32> -> vector<2000x128xf32>
      %add3A_36 = arith.addf %get3A_31, %dot_general3A_35 : vector<2000x128xf32>
      %get3A_37 = arith.constant 0 : index
      %get3A_38 = arith.constant 0 : index
      %get3A_39 = vector.load %arg6[%get3A_37, %get3A_38] : memref<1x128xf32, #tpu.memory_space<vmem>>, vector<1x128xf32>
      %add3A_40 = vector.broadcast %get3A_39 : vector<1x128xf32> to vector<2000x128xf32>
      %add3A_41 = arith.addf %add3A_36, %add3A_40 : vector<2000x128xf32>
      %mul3A_42 = arith.constant 2000 : i32
      %mul3A_43 = arith.muli %arg0, %mul3A_42 : i32
      %swap3A = arith.index_cast %mul3A_43 : i32 to index
      %swap3A_44 = arith.constant 0 : index
      %swap3A_45 = vector.load %arg13[%swap3A, %swap3A_44] : memref<10000x128xf32, #tpu.memory_space<vmem>>, vector<2000x128xf32>
      tpu.vector_store %arg13[%swap3A, %swap3A_44], %add3A_41 {strides = array<i32>} : memref<10000x128xf32, #tpu.memory_space<vmem>>, vector<2000x128xf32>,
      %get3A_46 = arith.constant 0 : index
      %get3A_47 = arith.constant 0 : index
      %get3A_48 = vector.load %arg12[%get3A_46, %get3A_47] : memref<2x128xf32, #tpu.memory_space<vmem>>, vector<1x128xf32>
      %get3A_49 = vector.shape_cast %get3A_48 : vector<1x128xf32> to vector<128xf32>
      %reduce_sum3A = arith.constant dense<0.000000e+00> : vector<128xf32>
      %reduce_sum3A_50 = vector.multi_reduction <add>, %add3A_41, %reduce_sum3A [0] : vector<2000x128xf32> to vector<128xf32>
      %add3A_51 = arith.addf %get3A_49, %reduce_sum3A_50 : vector<128xf32>
      %swap3A_52 = arith.constant 0 : index
      %swap3A_53 = arith.constant 0 : index
      %swap3A_54 = vector.load %arg12[%swap3A_52, %swap3A_53] : memref<2x128xf32, #tpu.memory_space<vmem>>, vector<1x128xf32>
      %swap3A_55 = vector.shape_cast %swap3A_54 : vector<1x128xf32> to vector<128xf32>
      %swap3A_56 = vector.shape_cast %add3A_51 : vector<128xf32> to vector<1x128xf32>
      tpu.vector_store %arg12[%swap3A_52, %swap3A_53], %swap3A_56 {strides = array<i32>} : memref<2x128xf32, #tpu.memory_space<vmem>>, vector<1x128xf32>,
      %get3A_57 = arith.constant 1 : index
      %get3A_58 = arith.constant 0 : index
      %get3A_59 = vector.load %arg12[%get3A_57, %get3A_58] : memref<2x128xf32, #tpu.memory_space<vmem>>, vector<1x128xf32>
      %get3A_60 = vector.shape_cast %get3A_59 : vector<1x128xf32> to vector<128xf32>
      %mul3A_61 = arith.mulf %add3A_41, %add3A_41 : vector<2000x128xf32>
      %reduce_sum3A_62 = arith.constant dense<0.000000e+00> : vector<128xf32>
      %reduce_sum3A_63 = vector.multi_reduction <add>, %mul3A_61, %reduce_sum3A_62 [0] : vector<2000x128xf32> to vector<128xf32>
      %add3A_64 = arith.addf %get3A_60, %reduce_sum3A_63 : vector<128xf32>
      %swap3A_65 = arith.constant 1 : index
      %swap3A_66 = arith.constant 0 : index
      %swap3A_67 = vector.load %arg12[%swap3A_65, %swap3A_66] : memref<2x128xf32, #tpu.memory_space<vmem>>, vector<1x128xf32>
      %swap3A_68 = vector.shape_cast %swap3A_67 : vector<1x128xf32> to vector<128xf32>
      %swap3A_69 = vector.shape_cast %add3A_64 : vector<128xf32> to vector<1x128xf32>
      tpu.vector_store %arg12[%swap3A_65, %swap3A_66], %swap3A_69 {strides = array<i32>} : memref<2x128xf32, #tpu.memory_space<vmem>>, vector<1x128xf32>,
    } else {
    }
    %ge3A = arith.constant 5 : i32
    %ge3A_6 = arith.cmpi sge, %arg0, %ge3A : i32
    %convert_element_type3A_7 = arith.extui %ge3A_6 : i1 to i32
    %cond3A_8 = arith.constant 0 : i32
    %cond3A_9 = arith.cmpi ne, %convert_element_type3A_7, %cond3A_8 : i32
    scf.if %cond3A_9 {
      %sub3A = arith.constant 5 : i32
      %sub3A_10 = arith.subi %arg0, %sub3A : i32
      %mul3A = arith.constant 2000 : i32
      %mul3A_11 = arith.muli %sub3A_10, %mul3A : i32
      %get3A = arith.index_cast %mul3A_11 : i32 to index
      %get3A_12 = arith.constant 0 : index
      %get3A_13 = vector.load %arg13[%get3A, %get3A_12] : memref<10000x128xf32, #tpu.memory_space<vmem>>, vector<2000x128xf32>
      %get3A_14 = arith.constant 0 : index
      %get3A_15 = arith.constant 0 : index
      %get3A_16 = vector.load %arg12[%get3A_14, %get3A_15] : memref<2x128xf32, #tpu.memory_space<vmem>>, vector<2x128xf32>
      %get3A_17 = arith.constant 0 : index
      %get3A_18 = arith.constant 0 : index
      %get3A_19 = vector.load %arg7[%get3A_17, %get3A_18] : memref<1x128xf32, #tpu.memory_space<vmem>>, vector<1x128xf32>
      %get3A_20 = arith.constant 0 : index
      %get3A_21 = arith.constant 0 : index
      %get3A_22 = vector.load %arg8[%get3A_20, %get3A_21] : memref<1x128xf32, #tpu.memory_space<vmem>>, vector<1x128xf32>
      %slice3A = vector.extract_strided_slice %get3A_16 {offsets = [0, 0], sizes = [1, 128], strides = [1, 1]} : vector<2x128xf32> to vector<1x128xf32>
      %squeeze3A = vector.shape_cast %slice3A : vector<1x128xf32> to vector<128xf32>
      %div3A = arith.constant 1.000000e+04 : f32
      %div3A_23 = vector.broadcast %div3A : f32 to vector<128xf32>
      %div3A_24 = arith.divf %squeeze3A, %div3A_23 : vector<128xf32>
      %slice3A_25 = vector.extract_strided_slice %get3A_16 {offsets = [1, 0], sizes = [1, 128], strides = [1, 1]} : vector<2x128xf32> to vector<1x128xf32>
      %squeeze3A_26 = vector.shape_cast %slice3A_25 : vector<1x128xf32> to vector<128xf32>
      %div3A_27 = arith.constant 1.000000e+04 : f32
      %div3A_28 = vector.broadcast %div3A_27 : f32 to vector<128xf32>
      %div3A_29 = arith.divf %squeeze3A_26, %div3A_28 : vector<128xf32>
      %mul3A_30 = arith.mulf %div3A_24, %div3A_24 : vector<128xf32>
      %sub3A_31 = arith.subf %div3A_29, %mul3A_30 : vector<128xf32>
      %add3A = arith.constant 9.99999974E-6 : f32
      %add3A_32 = vector.broadcast %add3A : f32 to vector<128xf32>
      %add3A_33 = arith.addf %sub3A_31, %add3A_32 : vector<128xf32>
      %rsqrt3A = math.rsqrt %add3A_33 : vector<128xf32>
      %broadcast_in_dim3A = vector.shape_cast %div3A_24 : vector<128xf32> to vector<1x128xf32>
      %sub3A_34 = vector.broadcast %broadcast_in_dim3A : vector<1x128xf32> to vector<2000x128xf32>
      %sub3A_35 = arith.subf %get3A_13, %sub3A_34 : vector<2000x128xf32>
      %broadcast_in_dim3A_36 = vector.shape_cast %rsqrt3A : vector<128xf32> to vector<1x128xf32>
      %mul3A_37 = vector.broadcast %broadcast_in_dim3A_36 : vector<1x128xf32> to vector<2000x128xf32>
      %mul3A_38 = arith.mulf %sub3A_35, %mul3A_37 : vector<2000x128xf32>
      %mul3A_39 = vector.broadcast %get3A_19 : vector<1x128xf32> to vector<2000x128xf32>
      %mul3A_40 = arith.mulf %mul3A_38, %mul3A_39 : vector<2000x128xf32>
      %add3A_41 = vector.broadcast %get3A_22 : vector<1x128xf32> to vector<2000x128xf32>
      %add3A_42 = arith.addf %mul3A_40, %add3A_41 : vector<2000x128xf32>
      %max3A = arith.constant 0.000000e+00 : f32
      %max3A_43 = vector.broadcast %max3A : f32 to vector<2000x128xf32>
      %max3A_44 = arith.maximumf %add3A_42, %max3A_43 : vector<2000x128xf32>
      %get3A_45 = arith.constant 0 : index
      %get3A_46 = arith.constant 0 : index
      %get3A_47 = vector.load %arg9[%get3A_45, %get3A_46] : memref<128x128xf32, #tpu.memory_space<vmem>>, vector<128x128xf32>
      %dot_general3A = arith.constant dense<0.000000e+00> : vector<2000x128xf32>
      %dot_general3A_48 = tpu.matmul %max3A_44, %get3A_47, %dot_general3A {dimension_numbers = #tpu.dot_dimension_numbers<[1], [0], [0], [1], [0, 0, 1, 1], [], []>, transpose_lhs_hint = false} : vector<2000x128xf32>, vector<128x128xf32>, vector<2000x128xf32> -> vector<2000x128xf32>
      %get3A_49 = arith.constant 0 : index
      %get3A_50 = arith.constant 0 : index
      %get3A_51 = vector.load %arg10[%get3A_49, %get3A_50] : memref<1x128xf32, #tpu.memory_space<vmem>>, vector<1x128xf32>
      %add3A_52 = vector.broadcast %get3A_51 : vector<1x128xf32> to vector<2000x128xf32>
      %add3A_53 = arith.addf %dot_general3A_48, %add3A_52 : vector<2000x128xf32>
      %get3A_54 = arith.constant 0 : index
      %get3A_55 = arith.constant 0 : index
      %get3A_56 = arith.constant 0 : index
      %get3A_57 = vector.load %arg3[%get3A_54, %get3A_55, %get3A_56] : memref<2x2000x16xf32, #tpu.memory_space<vmem>>, vector<2x2000x16xf32>
      %slice3A_58 = vector.extract_strided_slice %get3A_57 {offsets = [0, 0, 0], sizes = [1, 2000, 1], strides = [1, 1, 1]} : vector<2x2000x16xf32> to vector<1x2000x1xf32>
      %squeeze3A_59 = vector.shape_cast %slice3A_58 : vector<1x2000x1xf32> to vector<2000xf32>
      %slice3A_60 = vector.extract_strided_slice %get3A_57 {offsets = [1, 0, 0], sizes = [1, 2000, 1], strides = [1, 1, 1]} : vector<2x2000x16xf32> to vector<1x2000x1xf32>
      %squeeze3A_61 = vector.shape_cast %slice3A_60 : vector<1x2000x1xf32> to vector<2000xf32>
      %add3A_62 = arith.addf %squeeze3A_59, %squeeze3A_61 : vector<2000xf32>
      %max3A_63 = arith.constant 1.000000e+00 : f32
      %max3A_64 = vector.broadcast %max3A_63 : f32 to vector<2000xf32>
      %max3A_65 = arith.maximumf %add3A_62, %max3A_64 : vector<2000xf32>
      %rsqrt3A_66 = math.rsqrt %max3A_65 : vector<2000xf32>
      %broadcast_in_dim3A_67 = vector.shape_cast %rsqrt3A_66 : vector<2000xf32> to vector<2000x1xf32>
      %mul3A_68 = vector.broadcast %broadcast_in_dim3A_67 : vector<2000x1xf32> to vector<2000x128xf32>
      %mul3A_69 = arith.mulf %add3A_53, %mul3A_68 : vector<2000x128xf32>
      %swap3A = arith.constant 0 : index
      %swap3A_70 = arith.constant 0 : index
      %swap3A_71 = vector.load %arg11[%swap3A, %swap3A_70] : memref<2000x128xf32, #tpu.memory_space<vmem>>, vector<2000x128xf32>
      tpu.vector_store %arg11[%swap3A, %swap3A_70], %mul3A_69 {strides = array<i32>} : memref<2000x128xf32, #tpu.memory_space<vmem>>, vector<2000x128xf32>,
    } else {
    }
    return
  }
  func.func @transform_0(%arg0: i32) -> (i32, i32, i32) {
    %lt3A = arith.constant 5 : i32
    %lt3A_0 = arith.cmpi slt, %arg0, %lt3A : i32
    %jit3A = arith.constant 4 : i32
    %select_n3A = arith.select %lt3A_0, %arg0, %jit3A : i32
    %c0_i32 = arith.constant 0 : i32
    %c0_i32_1 = arith.constant 0 : i32
    %c0_i32_2 = arith.constant 0 : i32
    return %c0_i32, %select_n3A, %c0_i32_1 : i32, i32, i32
  }
  func.func @transform_1(%arg0: i32) -> (i32, i32) {
    %lt3A = arith.constant 5 : i32
    %lt3A_0 = arith.cmpi slt, %arg0, %lt3A : i32
    %jit3A = arith.constant 4 : i32
    %select_n3A = arith.select %lt3A_0, %arg0, %jit3A : i32
    %c0_i32 = arith.constant 0 : i32
    %c0_i32_1 = arith.constant 0 : i32
    return %select_n3A, %c0_i32 : i32, i32
  }
  func.func @transform_2(%arg0: i32) -> (i32, i32, i32) {
    %lt3A = arith.constant 5 : i32
    %lt3A_0 = arith.cmpi slt, %arg0, %lt3A : i32
    %sub3A = arith.constant 5 : i32
    %sub3A_1 = arith.subi %arg0, %sub3A : i32
    %jit3A = arith.constant 0 : i32
    %select_n3A = arith.select %lt3A_0, %jit3A, %sub3A_1 : i32
    %c0_i32 = arith.constant 0 : i32
    %c0_i32_2 = arith.constant 0 : i32
    %c0_i32_3 = arith.constant 0 : i32
    return %c0_i32, %select_n3A, %c0_i32_2 : i32, i32, i32
  }
  func.func @transform_3(%arg0: i32) -> (i32, i32, i32) {
    %lt3A = arith.constant 5 : i32
    %lt3A_0 = arith.cmpi slt, %arg0, %lt3A : i32
    %jit3A = arith.constant 4 : i32
    %select_n3A = arith.select %lt3A_0, %arg0, %jit3A : i32
    %c0_i32 = arith.constant 0 : i32
    %c0_i32_1 = arith.constant 0 : i32
    %c0_i32_2 = arith.constant 0 : i32
    return %c0_i32, %select_n3A, %c0_i32_1 : i32, i32, i32
  }
  func.func @transform_4(%arg0: i32) -> (i32, i32) {
    %c0_i32 = arith.constant 0 : i32
    %c0_i32_0 = arith.constant 0 : i32
    %c0_i32_1 = arith.constant 0 : i32
    return %c0_i32, %c0_i32_0 : i32, i32
  }
  func.func @transform_5(%arg0: i32) -> (i32, i32) {
    %c0_i32 = arith.constant 0 : i32
    %c0_i32_0 = arith.constant 0 : i32
    %c0_i32_1 = arith.constant 0 : i32
    return %c0_i32, %c0_i32_0 : i32, i32
  }
  func.func @transform_6(%arg0: i32) -> (i32, i32) {
    %c0_i32 = arith.constant 0 : i32
    %c0_i32_0 = arith.constant 0 : i32
    %c0_i32_1 = arith.constant 0 : i32
    return %c0_i32, %c0_i32_0 : i32, i32
  }
  func.func @transform_7(%arg0: i32) -> (i32, i32) {
    %c0_i32 = arith.constant 0 : i32
    %c0_i32_0 = arith.constant 0 : i32
    %c0_i32_1 = arith.constant 0 : i32
    return %c0_i32, %c0_i32_0 : i32, i32
  }
  func.func @transform_8(%arg0: i32) -> (i32, i32) {
    %c0_i32 = arith.constant 0 : i32
    %c0_i32_0 = arith.constant 0 : i32
    %c0_i32_1 = arith.constant 0 : i32
    return %c0_i32, %c0_i32_0 : i32, i32
  }
  func.func @transform_9(%arg0: i32) -> (i32, i32) {
    %c0_i32 = arith.constant 0 : i32
    %c0_i32_0 = arith.constant 0 : i32
    %c0_i32_1 = arith.constant 0 : i32
    return %c0_i32, %c0_i32_0 : i32, i32
  }
  func.func @transform_10(%arg0: i32) -> (i32, i32) {
    %lt3A = arith.constant 5 : i32
    %lt3A_0 = arith.cmpi slt, %arg0, %lt3A : i32
    %sub3A = arith.constant 5 : i32
    %sub3A_1 = arith.subi %arg0, %sub3A : i32
    %jit3A = arith.constant 0 : i32
    %select_n3A = arith.select %lt3A_0, %jit3A, %sub3A_1 : i32
    %c0_i32 = arith.constant 0 : i32
    %c0_i32_2 = arith.constant 0 : i32
    return %select_n3A, %c0_i32 : i32, i32
  }
}

module attributes {stable_mosaic.version = 14 : i64} {
  func.func @_fin_body(%arg0: i32, %arg1: memref<2x2000x128xf32, #tpu.memory_space<vmem>>, %arg2: memref<2000x128xf32, #tpu.memory_space<vmem>>, %arg3: memref<2x2000x16xf32, #tpu.memory_space<vmem>>, %arg4: memref<128x128xf32, #tpu.memory_space<vmem>>, %arg5: memref<1x128xf32, #tpu.memory_space<vmem>>, %arg6: memref<1x128xf32, #tpu.memory_space<vmem>>, %arg7: memref<1x128xf32, #tpu.memory_space<vmem>>, %arg8: memref<128x128xf32, #tpu.memory_space<vmem>>, %arg9: memref<1x128xf32, #tpu.memory_space<vmem>>, %arg10: memref<128x60xf32, #tpu.memory_space<vmem>>, %arg11: memref<1x60xf32, #tpu.memory_space<vmem>>, %arg12: memref<2000x128xf32, #tpu.memory_space<vmem>>, %arg13: memref<1x60xf32, #tpu.memory_space<vmem>>, %arg14: memref<3x128xf32, #tpu.memory_space<vmem>>, %arg15: memref<10000x128xf32, #tpu.memory_space<vmem>>) attributes {dimension_semantics = [#tpu.dimension_semantics<arbitrary>], iteration_bounds = array<i64: 10>, scalar_prefetch = 0 : i64, scratch_operands = 2 : i64, tpu.core_type = #tpu.core_type<tc>, window_params = [{transform_indices = @transform_0, window_bounds = array<i64: 2, 2000, 128>}, {transform_indices = @transform_1, window_bounds = array<i64: 2000, 128>}, {transform_indices = @transform_2, window_bounds = array<i64: 2, 2000, 16>}, {pipeline_mode = #tpu.pipeline_mode<synchronous>, transform_indices = @transform_3, window_bounds = array<i64: 128, 128>}, {pipeline_mode = #tpu.pipeline_mode<synchronous>, transform_indices = @transform_4, window_bounds = array<i64: 1, 128>}, {pipeline_mode = #tpu.pipeline_mode<synchronous>, transform_indices = @transform_5, window_bounds = array<i64: 1, 128>}, {pipeline_mode = #tpu.pipeline_mode<synchronous>, transform_indices = @transform_6, window_bounds = array<i64: 1, 128>}, {pipeline_mode = #tpu.pipeline_mode<synchronous>, transform_indices = @transform_7, window_bounds = array<i64: 128, 128>}, {pipeline_mode = #tpu.pipeline_mode<synchronous>, transform_indices = @transform_8, window_bounds = array<i64: 1, 128>}, {pipeline_mode = #tpu.pipeline_mode<synchronous>, transform_indices = @transform_9, window_bounds = array<i64: 128, 60>}, {pipeline_mode = #tpu.pipeline_mode<synchronous>, transform_indices = @transform_10, window_bounds = array<i64: 1, 60>}, {transform_indices = @transform_11, window_bounds = array<i64: 2000, 128>}, {pipeline_mode = #tpu.pipeline_mode<synchronous>, transform_indices = @transform_12, window_bounds = array<i64: 1, 60>}]} {
    %eq3A = arith.constant 0 : i32
    %eq3A_0 = arith.cmpi eq, %arg0, %eq3A : i32
    %convert_element_type3A = arith.extui %eq3A_0 : i1 to i32
    %cond3A = arith.constant 0 : i32
    %cond3A_1 = arith.cmpi ne, %convert_element_type3A, %cond3A : i32
    scf.if %cond3A_1 {
      %broadcast_in_dim3A = arith.constant 0.000000e+00 : f32
      %broadcast_in_dim3A_15 = vector.broadcast %broadcast_in_dim3A : f32 to vector<3x128xf32>
      %swap3A = arith.constant 0 : index
      %swap3A_16 = arith.constant 0 : index
      %swap3A_17 = vector.load %arg14[%swap3A, %swap3A_16] : memref<3x128xf32, #tpu.memory_space<vmem>>, vector<3x128xf32>
      tpu.vector_store %arg14[%swap3A, %swap3A_16], %broadcast_in_dim3A_15 {strides = array<i32>} : memref<3x128xf32, #tpu.memory_space<vmem>>, vector<3x128xf32>,
    } else {
    }
    %lt3A = arith.constant 5 : i32
    %lt3A_2 = arith.cmpi slt, %arg0, %lt3A : i32
    %convert_element_type3A_3 = arith.extui %lt3A_2 : i1 to i32
    %cond3A_4 = arith.constant 0 : i32
    %cond3A_5 = arith.cmpi ne, %convert_element_type3A_3, %cond3A_4 : i32
    scf.if %cond3A_5 {
      %get3A = arith.constant 0 : index
      %get3A_15 = arith.constant 0 : index
      %get3A_16 = arith.constant 0 : index
      %get3A_17 = vector.load %arg3[%get3A, %get3A_15, %get3A_16] : memref<2x2000x16xf32, #tpu.memory_space<vmem>>, vector<2x2000x16xf32>
      %slice3A = vector.extract_strided_slice %get3A_17 {offsets = [0, 0, 0], sizes = [1, 2000, 1], strides = [1, 1, 1]} : vector<2x2000x16xf32> to vector<1x2000x1xf32>
      %squeeze3A = vector.shape_cast %slice3A : vector<1x2000x1xf32> to vector<2000xf32>
      %slice3A_18 = vector.extract_strided_slice %get3A_17 {offsets = [1, 0, 0], sizes = [1, 2000, 1], strides = [1, 1, 1]} : vector<2x2000x16xf32> to vector<1x2000x1xf32>
      %squeeze3A_19 = vector.shape_cast %slice3A_18 : vector<1x2000x1xf32> to vector<2000xf32>
      %add3A = arith.addf %squeeze3A, %squeeze3A_19 : vector<2000xf32>
      %max3A = arith.constant 1.000000e+00 : f32
      %max3A_20 = vector.broadcast %max3A : f32 to vector<2000xf32>
      %max3A_21 = arith.maximumf %add3A, %max3A_20 : vector<2000xf32>
      %rsqrt3A = math.rsqrt %max3A_21 : vector<2000xf32>
      %get3A_22 = arith.constant 0 : index
      %get3A_23 = arith.constant 0 : index
      %get3A_24 = arith.constant 0 : index
      %get3A_25 = vector.load %arg1[%get3A_22, %get3A_23, %get3A_24] : memref<2x2000x128xf32, #tpu.memory_space<vmem>>, vector<1x2000x128xf32>
      %get3A_26 = vector.shape_cast %get3A_25 : vector<1x2000x128xf32> to vector<2000x128xf32>
      %get3A_27 = arith.constant 1 : index
      %get3A_28 = arith.constant 0 : index
      %get3A_29 = arith.constant 0 : index
      %get3A_30 = vector.load %arg1[%get3A_27, %get3A_28, %get3A_29] : memref<2x2000x128xf32, #tpu.memory_space<vmem>>, vector<1x2000x128xf32>
      %get3A_31 = vector.shape_cast %get3A_30 : vector<1x2000x128xf32> to vector<2000x128xf32>
      %add3A_32 = arith.addf %get3A_26, %get3A_31 : vector<2000x128xf32>
      %broadcast_in_dim3A = vector.shape_cast %rsqrt3A : vector<2000xf32> to vector<2000x1xf32>
      %mul3A = vector.broadcast %broadcast_in_dim3A : vector<2000x1xf32> to vector<2000x128xf32>
      %mul3A_33 = arith.mulf %add3A_32, %mul3A : vector<2000x128xf32>
      %get3A_34 = arith.constant 0 : index
      %get3A_35 = arith.constant 0 : index
      %get3A_36 = vector.load %arg2[%get3A_34, %get3A_35] : memref<2000x128xf32, #tpu.memory_space<vmem>>, vector<2000x128xf32>
      %get3A_37 = arith.constant 0 : index
      %get3A_38 = arith.constant 0 : index
      %get3A_39 = vector.load %arg4[%get3A_37, %get3A_38] : memref<128x128xf32, #tpu.memory_space<vmem>>, vector<128x128xf32>
      %dot_general3A = arith.constant dense<0.000000e+00> : vector<2000x128xf32>
      %dot_general3A_40 = tpu.matmul %mul3A_33, %get3A_39, %dot_general3A {dimension_numbers = #tpu.dot_dimension_numbers<[1], [0], [0], [1], [0, 0, 1, 1], [], []>, transpose_lhs_hint = false} : vector<2000x128xf32>, vector<128x128xf32>, vector<2000x128xf32> -> vector<2000x128xf32>
      %add3A_41 = arith.addf %get3A_36, %dot_general3A_40 : vector<2000x128xf32>
      %get3A_42 = arith.constant 0 : index
      %get3A_43 = arith.constant 0 : index
      %get3A_44 = vector.load %arg5[%get3A_42, %get3A_43] : memref<1x128xf32, #tpu.memory_space<vmem>>, vector<1x128xf32>
      %add3A_45 = vector.broadcast %get3A_44 : vector<1x128xf32> to vector<2000x128xf32>
      %add3A_46 = arith.addf %add3A_41, %add3A_45 : vector<2000x128xf32>
      %mul3A_47 = arith.constant 2000 : i32
      %mul3A_48 = arith.muli %arg0, %mul3A_47 : i32
      %swap3A = arith.index_cast %mul3A_48 : i32 to index
      %swap3A_49 = arith.constant 0 : index
      %swap3A_50 = vector.load %arg15[%swap3A, %swap3A_49] : memref<10000x128xf32, #tpu.memory_space<vmem>>, vector<2000x128xf32>
      tpu.vector_store %arg15[%swap3A, %swap3A_49], %add3A_46 {strides = array<i32>} : memref<10000x128xf32, #tpu.memory_space<vmem>>, vector<2000x128xf32>,
      %get3A_51 = arith.constant 0 : index
      %get3A_52 = arith.constant 0 : index
      %get3A_53 = vector.load %arg14[%get3A_51, %get3A_52] : memref<3x128xf32, #tpu.memory_space<vmem>>, vector<1x128xf32>
      %get3A_54 = vector.shape_cast %get3A_53 : vector<1x128xf32> to vector<128xf32>
      %reduce_sum3A = arith.constant dense<0.000000e+00> : vector<128xf32>
      %reduce_sum3A_55 = vector.multi_reduction <add>, %add3A_46, %reduce_sum3A [0] : vector<2000x128xf32> to vector<128xf32>
      %add3A_56 = arith.addf %get3A_54, %reduce_sum3A_55 : vector<128xf32>
      %swap3A_57 = arith.constant 0 : index
      %swap3A_58 = arith.constant 0 : index
      %swap3A_59 = vector.load %arg14[%swap3A_57, %swap3A_58] : memref<3x128xf32, #tpu.memory_space<vmem>>, vector<1x128xf32>
      %swap3A_60 = vector.shape_cast %swap3A_59 : vector<1x128xf32> to vector<128xf32>
      %swap3A_61 = vector.shape_cast %add3A_56 : vector<128xf32> to vector<1x128xf32>
      tpu.vector_store %arg14[%swap3A_57, %swap3A_58], %swap3A_61 {strides = array<i32>} : memref<3x128xf32, #tpu.memory_space<vmem>>, vector<1x128xf32>,
      %get3A_62 = arith.constant 1 : index
      %get3A_63 = arith.constant 0 : index
      %get3A_64 = vector.load %arg14[%get3A_62, %get3A_63] : memref<3x128xf32, #tpu.memory_space<vmem>>, vector<1x128xf32>
      %get3A_65 = vector.shape_cast %get3A_64 : vector<1x128xf32> to vector<128xf32>
      %mul3A_66 = arith.mulf %add3A_46, %add3A_46 : vector<2000x128xf32>
      %reduce_sum3A_67 = arith.constant dense<0.000000e+00> : vector<128xf32>
      %reduce_sum3A_68 = vector.multi_reduction <add>, %mul3A_66, %reduce_sum3A_67 [0] : vector<2000x128xf32> to vector<128xf32>
      %add3A_69 = arith.addf %get3A_65, %reduce_sum3A_68 : vector<128xf32>
      %swap3A_70 = arith.constant 1 : index
      %swap3A_71 = arith.constant 0 : index
      %swap3A_72 = vector.load %arg14[%swap3A_70, %swap3A_71] : memref<3x128xf32, #tpu.memory_space<vmem>>, vector<1x128xf32>
      %swap3A_73 = vector.shape_cast %swap3A_72 : vector<1x128xf32> to vector<128xf32>
      %swap3A_74 = vector.shape_cast %add3A_69 : vector<128xf32> to vector<1x128xf32>
      tpu.vector_store %arg14[%swap3A_70, %swap3A_71], %swap3A_74 {strides = array<i32>} : memref<3x128xf32, #tpu.memory_space<vmem>>, vector<1x128xf32>,
    } else {
    }
    %ge3A = arith.constant 5 : i32
    %ge3A_6 = arith.cmpi sge, %arg0, %ge3A : i32
    %convert_element_type3A_7 = arith.extui %ge3A_6 : i1 to i32
    %cond3A_8 = arith.constant 0 : i32
    %cond3A_9 = arith.cmpi ne, %convert_element_type3A_7, %cond3A_8 : i32
    scf.if %cond3A_9 {
      %sub3A = arith.constant 5 : i32
      %sub3A_15 = arith.subi %arg0, %sub3A : i32
      %mul3A = arith.constant 2000 : i32
      %mul3A_16 = arith.muli %sub3A_15, %mul3A : i32
      %get3A = arith.index_cast %mul3A_16 : i32 to index
      %get3A_17 = arith.constant 0 : index
      %get3A_18 = vector.load %arg15[%get3A, %get3A_17] : memref<10000x128xf32, #tpu.memory_space<vmem>>, vector<2000x128xf32>
      %get3A_19 = arith.constant 0 : index
      %get3A_20 = arith.constant 0 : index
      %get3A_21 = vector.load %arg14[%get3A_19, %get3A_20] : memref<3x128xf32, #tpu.memory_space<vmem>>, vector<3x128xf32>
      %get3A_22 = arith.constant 0 : index
      %get3A_23 = arith.constant 0 : index
      %get3A_24 = vector.load %arg6[%get3A_22, %get3A_23] : memref<1x128xf32, #tpu.memory_space<vmem>>, vector<1x128xf32>
      %get3A_25 = arith.constant 0 : index
      %get3A_26 = arith.constant 0 : index
      %get3A_27 = vector.load %arg7[%get3A_25, %get3A_26] : memref<1x128xf32, #tpu.memory_space<vmem>>, vector<1x128xf32>
      %slice3A = vector.extract_strided_slice %get3A_21 {offsets = [0, 0], sizes = [1, 128], strides = [1, 1]} : vector<3x128xf32> to vector<1x128xf32>
      %squeeze3A = vector.shape_cast %slice3A : vector<1x128xf32> to vector<128xf32>
      %div3A = arith.constant 1.000000e+04 : f32
      %div3A_28 = vector.broadcast %div3A : f32 to vector<128xf32>
      %div3A_29 = arith.divf %squeeze3A, %div3A_28 : vector<128xf32>
      %slice3A_30 = vector.extract_strided_slice %get3A_21 {offsets = [1, 0], sizes = [1, 128], strides = [1, 1]} : vector<3x128xf32> to vector<1x128xf32>
      %squeeze3A_31 = vector.shape_cast %slice3A_30 : vector<1x128xf32> to vector<128xf32>
      %div3A_32 = arith.constant 1.000000e+04 : f32
      %div3A_33 = vector.broadcast %div3A_32 : f32 to vector<128xf32>
      %div3A_34 = arith.divf %squeeze3A_31, %div3A_33 : vector<128xf32>
      %mul3A_35 = arith.mulf %div3A_29, %div3A_29 : vector<128xf32>
      %sub3A_36 = arith.subf %div3A_34, %mul3A_35 : vector<128xf32>
      %add3A = arith.constant 9.99999974E-6 : f32
      %add3A_37 = vector.broadcast %add3A : f32 to vector<128xf32>
      %add3A_38 = arith.addf %sub3A_36, %add3A_37 : vector<128xf32>
      %rsqrt3A = math.rsqrt %add3A_38 : vector<128xf32>
      %broadcast_in_dim3A = vector.shape_cast %div3A_29 : vector<128xf32> to vector<1x128xf32>
      %sub3A_39 = vector.broadcast %broadcast_in_dim3A : vector<1x128xf32> to vector<2000x128xf32>
      %sub3A_40 = arith.subf %get3A_18, %sub3A_39 : vector<2000x128xf32>
      %broadcast_in_dim3A_41 = vector.shape_cast %rsqrt3A : vector<128xf32> to vector<1x128xf32>
      %mul3A_42 = vector.broadcast %broadcast_in_dim3A_41 : vector<1x128xf32> to vector<2000x128xf32>
      %mul3A_43 = arith.mulf %sub3A_40, %mul3A_42 : vector<2000x128xf32>
      %mul3A_44 = vector.broadcast %get3A_24 : vector<1x128xf32> to vector<2000x128xf32>
      %mul3A_45 = arith.mulf %mul3A_43, %mul3A_44 : vector<2000x128xf32>
      %add3A_46 = vector.broadcast %get3A_27 : vector<1x128xf32> to vector<2000x128xf32>
      %add3A_47 = arith.addf %mul3A_45, %add3A_46 : vector<2000x128xf32>
      %max3A = arith.constant 0.000000e+00 : f32
      %max3A_48 = vector.broadcast %max3A : f32 to vector<2000x128xf32>
      %max3A_49 = arith.maximumf %add3A_47, %max3A_48 : vector<2000x128xf32>
      %get3A_50 = arith.constant 0 : index
      %get3A_51 = arith.constant 0 : index
      %get3A_52 = vector.load %arg8[%get3A_50, %get3A_51] : memref<128x128xf32, #tpu.memory_space<vmem>>, vector<128x128xf32>
      %dot_general3A = arith.constant dense<0.000000e+00> : vector<2000x128xf32>
      %dot_general3A_53 = tpu.matmul %max3A_49, %get3A_52, %dot_general3A {dimension_numbers = #tpu.dot_dimension_numbers<[1], [0], [0], [1], [0, 0, 1, 1], [], []>, transpose_lhs_hint = false} : vector<2000x128xf32>, vector<128x128xf32>, vector<2000x128xf32> -> vector<2000x128xf32>
      %get3A_54 = arith.constant 0 : index
      %get3A_55 = arith.constant 0 : index
      %get3A_56 = vector.load %arg9[%get3A_54, %get3A_55] : memref<1x128xf32, #tpu.memory_space<vmem>>, vector<1x128xf32>
      %add3A_57 = vector.broadcast %get3A_56 : vector<1x128xf32> to vector<2000x128xf32>
      %add3A_58 = arith.addf %dot_general3A_53, %add3A_57 : vector<2000x128xf32>
      %swap3A = arith.constant 0 : index
      %swap3A_59 = arith.constant 0 : index
      %swap3A_60 = vector.load %arg12[%swap3A, %swap3A_59] : memref<2000x128xf32, #tpu.memory_space<vmem>>, vector<2000x128xf32>
      tpu.vector_store %arg12[%swap3A, %swap3A_59], %add3A_58 {strides = array<i32>} : memref<2000x128xf32, #tpu.memory_space<vmem>>, vector<2000x128xf32>,
      %get3A_61 = arith.constant 2 : index
      %get3A_62 = arith.constant 0 : index
      %get3A_63 = vector.load %arg14[%get3A_61, %get3A_62] : memref<3x128xf32, #tpu.memory_space<vmem>>, vector<1x128xf32>
      %get3A_64 = vector.shape_cast %get3A_63 : vector<1x128xf32> to vector<128xf32>
      %reduce_sum3A = arith.constant dense<0.000000e+00> : vector<128xf32>
      %reduce_sum3A_65 = vector.multi_reduction <add>, %add3A_58, %reduce_sum3A [0] : vector<2000x128xf32> to vector<128xf32>
      %add3A_66 = arith.addf %get3A_64, %reduce_sum3A_65 : vector<128xf32>
      %swap3A_67 = arith.constant 2 : index
      %swap3A_68 = arith.constant 0 : index
      %swap3A_69 = vector.load %arg14[%swap3A_67, %swap3A_68] : memref<3x128xf32, #tpu.memory_space<vmem>>, vector<1x128xf32>
      %swap3A_70 = vector.shape_cast %swap3A_69 : vector<1x128xf32> to vector<128xf32>
      %swap3A_71 = vector.shape_cast %add3A_66 : vector<128xf32> to vector<1x128xf32>
      tpu.vector_store %arg14[%swap3A_67, %swap3A_68], %swap3A_71 {strides = array<i32>} : memref<3x128xf32, #tpu.memory_space<vmem>>, vector<1x128xf32>,
    } else {
    }
    %eq3A_10 = arith.constant 9 : i32
    %eq3A_11 = arith.cmpi eq, %arg0, %eq3A_10 : i32
    %convert_element_type3A_12 = arith.extui %eq3A_11 : i1 to i32
    %cond3A_13 = arith.constant 0 : i32
    %cond3A_14 = arith.cmpi ne, %convert_element_type3A_12, %cond3A_13 : i32
    scf.if %cond3A_14 {
      %get3A = arith.constant 2 : index
      %get3A_15 = arith.constant 0 : index
      %get3A_16 = vector.load %arg14[%get3A, %get3A_15] : memref<3x128xf32, #tpu.memory_space<vmem>>, vector<1x128xf32>
      %div3A = arith.constant 1.000000e+04 : f32
      %div3A_17 = vector.broadcast %div3A : f32 to vector<1x128xf32>
      %div3A_18 = arith.divf %get3A_16, %div3A_17 : vector<1x128xf32>
      %get3A_19 = arith.constant 0 : index
      %get3A_20 = arith.constant 0 : index
      %get3A_21 = vector.load %arg10[%get3A_19, %get3A_20] : memref<128x60xf32, #tpu.memory_space<vmem>>, vector<128x60xf32>
      %dot_general3A = arith.constant dense<0.000000e+00> : vector<1x60xf32>
      %dot_general3A_22 = tpu.matmul %div3A_18, %get3A_21, %dot_general3A {dimension_numbers = #tpu.dot_dimension_numbers<[1], [0], [0], [1], [0, 0, 1, 1], [], []>, transpose_lhs_hint = false} : vector<1x128xf32>, vector<128x60xf32>, vector<1x60xf32> -> vector<1x60xf32>
      %get3A_23 = arith.constant 0 : index
      %get3A_24 = arith.constant 0 : index
      %get3A_25 = vector.load %arg11[%get3A_23, %get3A_24] : memref<1x60xf32, #tpu.memory_space<vmem>>, vector<1x60xf32>
      %add3A = arith.addf %dot_general3A_22, %get3A_25 : vector<1x60xf32>
      %swap3A = arith.constant 0 : index
      %swap3A_26 = arith.constant 0 : index
      %swap3A_27 = vector.load %arg13[%swap3A, %swap3A_26] : memref<1x60xf32, #tpu.memory_space<vmem>>, vector<1x60xf32>
      tpu.vector_store %arg13[%swap3A, %swap3A_26], %add3A {strides = array<i32>} : memref<1x60xf32, #tpu.memory_space<vmem>>, vector<1x60xf32>,
    } else {
    }
    return
  }
  func.func @transform_0(%arg0: i32) -> (i32, i32, i32) {
    %lt3A = arith.constant 5 : i32
    %lt3A_0 = arith.cmpi slt, %arg0, %lt3A : i32
    %jit3A = arith.constant 4 : i32
    %select_n3A = arith.select %lt3A_0, %arg0, %jit3A : i32
    %c0_i32 = arith.constant 0 : i32
    %c0_i32_1 = arith.constant 0 : i32
    %c0_i32_2 = arith.constant 0 : i32
    return %c0_i32, %select_n3A, %c0_i32_1 : i32, i32, i32
  }
  func.func @transform_1(%arg0: i32) -> (i32, i32) {
    %lt3A = arith.constant 5 : i32
    %lt3A_0 = arith.cmpi slt, %arg0, %lt3A : i32
    %jit3A = arith.constant 4 : i32
    %select_n3A = arith.select %lt3A_0, %arg0, %jit3A : i32
    %c0_i32 = arith.constant 0 : i32
    %c0_i32_1 = arith.constant 0 : i32
    return %select_n3A, %c0_i32 : i32, i32
  }
  func.func @transform_2(%arg0: i32) -> (i32, i32, i32) {
    %lt3A = arith.constant 5 : i32
    %lt3A_0 = arith.cmpi slt, %arg0, %lt3A : i32
    %jit3A = arith.constant 4 : i32
    %select_n3A = arith.select %lt3A_0, %arg0, %jit3A : i32
    %c0_i32 = arith.constant 0 : i32
    %c0_i32_1 = arith.constant 0 : i32
    %c0_i32_2 = arith.constant 0 : i32
    return %c0_i32, %select_n3A, %c0_i32_1 : i32, i32, i32
  }
  func.func @transform_3(%arg0: i32) -> (i32, i32) {
    %c0_i32 = arith.constant 0 : i32
    %c0_i32_0 = arith.constant 0 : i32
    %c0_i32_1 = arith.constant 0 : i32
    return %c0_i32, %c0_i32_0 : i32, i32
  }
  func.func @transform_4(%arg0: i32) -> (i32, i32) {
    %c0_i32 = arith.constant 0 : i32
    %c0_i32_0 = arith.constant 0 : i32
    %c0_i32_1 = arith.constant 0 : i32
    return %c0_i32, %c0_i32_0 : i32, i32
  }
  func.func @transform_5(%arg0: i32) -> (i32, i32) {
    %c0_i32 = arith.constant 0 : i32
    %c0_i32_0 = arith.constant 0 : i32
    %c0_i32_1 = arith.constant 0 : i32
    return %c0_i32, %c0_i32_0 : i32, i32
  }
  func.func @transform_6(%arg0: i32) -> (i32, i32) {
    %c0_i32 = arith.constant 0 : i32
    %c0_i32_0 = arith.constant 0 : i32
    %c0_i32_1 = arith.constant 0 : i32
    return %c0_i32, %c0_i32_0 : i32, i32
  }
  func.func @transform_7(%arg0: i32) -> (i32, i32) {
    %c0_i32 = arith.constant 0 : i32
    %c0_i32_0 = arith.constant 0 : i32
    %c0_i32_1 = arith.constant 0 : i32
    return %c0_i32, %c0_i32_0 : i32, i32
  }
  func.func @transform_8(%arg0: i32) -> (i32, i32) {
    %c0_i32 = arith.constant 0 : i32
    %c0_i32_0 = arith.constant 0 : i32
    %c0_i32_1 = arith.constant 0 : i32
    return %c0_i32, %c0_i32_0 : i32, i32
  }
  func.func @transform_9(%arg0: i32) -> (i32, i32) {
    %c0_i32 = arith.constant 0 : i32
    %c0_i32_0 = arith.constant 0 : i32
    %c0_i32_1 = arith.constant 0 : i32
    return %c0_i32, %c0_i32_0 : i32, i32
  }
  func.func @transform_10(%arg0: i32) -> (i32, i32) {
    %c0_i32 = arith.constant 0 : i32
    %c0_i32_0 = arith.constant 0 : i32
    %c0_i32_1 = arith.constant 0 : i32
    return %c0_i32, %c0_i32_0 : i32, i32
  }
  func.func @transform_11(%arg0: i32) -> (i32, i32) {
    %lt3A = arith.constant 5 : i32
    %lt3A_0 = arith.cmpi slt, %arg0, %lt3A : i32
    %sub3A = arith.constant 5 : i32
    %sub3A_1 = arith.subi %arg0, %sub3A : i32
    %jit3A = arith.constant 0 : i32
    %select_n3A = arith.select %lt3A_0, %jit3A, %sub3A_1 : i32
    %c0_i32 = arith.constant 0 : i32
    %c0_i32_2 = arith.constant 0 : i32
    return %select_n3A, %c0_i32 : i32, i32
  }
  func.func @transform_12(%arg0: i32) -> (i32, i32) {
    %c0_i32 = arith.constant 0 : i32
    %c0_i32_0 = arith.constant 0 : i32
    %c0_i32_1 = arith.constant 0 : i32
    return %c0_i32, %c0_i32_0 : i32, i32
  }
}

</mosaic_0001>

<sc_bundles>
// kernel: kernel.11.cloned.1.call-start
scs
__scs_entry_jumppad:
0x0: {  	(pc) =	sbr.rel $0x88, $3  }
0x1: {  	(tag) =	ssettag $0x0;
	lr =	simm.s32 $0x1  }
0x2: {  	[smem:$0x3F8F] =	sst lr;
	_ =	strace $0xD0000000  }
0x3: {  	_ = 	snop  }
0x4: {  	_ = 	snop  }
0x5: {  	_ = 	snop  }
0x6: {  	_ = 	snop  }
0x7: {  	_ = 	snop  }
__scs_overlays_trampoline_lowered:
0x8: {  	[smem:$0x3F9E] =	sst s0  }
0x9: {  	[smem:$0x3F9F] =	sst s1  }
0xa: {  	[smem:$0x3FA0] =	sst s2  }
0xb: {  	[smem:$0x3FA1] =	sst s3  }
0xc: {  	[smem:$0x3FA2] =	sst s4  }
0xd: {  	[smem:$0x3FA3] =	sst s5  }
0xe: {  	[smem:$0x3FA4] =	sst s6  }
0xf: {  	[smem:$0x3FA5] =	sst s7  }
0x10: {  	[smem:$0x3FA6] =	sst s8  }
0x11: {  	[smem:$0x3FA7] =	sst s9;
	s0 =	simm.s32 @!p0 $0x0  }
0x12: {  	s1 =	sld [smem:$0x3F8D];
	s0 =	simm.s32 @p0 $0x1  }
0x13: {  	[smem:$0x3FA8] =	sst s0;
	s0 =	simm.s32 @!p1 $0x0  }
0x14: {  	s2 =	sld [smem:$0x3F8C];
	s0 =	simm.s32 @p1 $0x1  }
0x15: {  	[smem:$0x3FA9] =	sst s0;
	s0 =	simm.s32 @!p2 $0x0  }
0x16: {  	s3 =	sld [smem:$0x3FDB];
	s0 =	simm.s32 @p2 $0x1  }
0x17: {  	s4 =	simm.s32 $0x1BF5;
	[smem:$0x3FAB] =	sst s0  }
0x18: {  	s0 =	sld [smem:$0x3F8E];
	_ =	swait.ge [sflag:s4], $0x0  }
0x19: {  	s7 =	sld [smem:$0x3F8F]  }
0x1a: {  	s8 =	sadd.s32 $0xFFFFE003, lr  }
0x1b: {  	s9 =	sadd.s32 $0xFFFFFEF7, lr;
	s5 =	simm.s32 $0xFFFFFFFF;
	p2 =	slt.u32 s8, $0xFFFFF086  }
0x1c: {  	p1 =	slt.u32 s9, $0xF7A;
	s5 =	simm.s32 @!p2 $0x0  }
0x1d: {  	s5 =	simm.s32 @p1 $0x1;
	p0 =	seq.s32 s7, s2  }
0x1e: {  	s7 =	smul.u32 @!p0 $0xF7A, s2;
	p2 =	seq.s32 @!p0 s5, $0x0  }
0x1f: {  	s9 =	smul.u32 $0xF7A, s1;
	s8 =	simm.s32 @!p0 $0x1BF5;
	p2 =	por !p2, p0  }
0x20: {  	[sflag:s8] =	ssyncset.s32 @!p0 $0xFFFFF086;
	s6 =	sadd.s32 @!p0 s3, s7;
	s7 =	simm.s32 @!p0 $0x108  }
0x21: {  	s3 =	sadd.s32 s3, s9;
	s6 =	sadd.s32 @!p0 $0x88, s6;
	s7 =	simm.s32 @p2 $0x1082  }
0x22: {  	[simem:s7], [sflag:s8] =	dma.local @!p0 [hbm:s6], $0xF7A  }
0x23: {  	s9 =	sor.u32 $0xD0000000, s2;
	s6 =	simm.s32 $0x108;
	_ =	swait.ge @!p0 [sflag:s8], $0x0  }
0x24: {  	s3 =	sadd.s32 $0x88, s3;
	s6 =	simm.s32 @!p1 $0x1082;
	[sflag:s4] =	ssyncset.s32 $0xFFFFF086  }
0x25: {  	[simem:s6], [sflag:s4] =	dma.local [hbm:s3], $0xF7A  }
0x26: {  	[smem:$0x3F8F] =	sst s1;
	(tag) =	ssettag s2;
	_ =	strace s9  }
0x27: {  	s1 =	sld [smem:$0x3F9F]  }
0x28: {  	s2 =	sld [smem:$0x3FA0]  }
0x29: {  	s4 =	sld [smem:$0x3FA2]  }
0x2a: {  	p0 =	seq.s32 s5, $0x0;
	s5 =	sld [smem:$0x3FA3]  }
0x2b: {  	s6 =	sld [smem:$0x3FA4]  }
0x2c: {  	s7 =	sld [smem:$0x3FA5]  }
0x2d: {  	s3 =	simm.s32 $0x108;
	s8 =	sld [smem:$0x3FA6]  }
0x2e: {  	s3 =	simm.s32 @!p0 $0x1082;
	s9 =	sld [smem:$0x3FA7]  }
0x2f: {  	lr =	sadd.s32 s0, s3;
	s0 =	sld [smem:$0x3F9E]  }
0x30: {  	s3 =	sld [smem:$0x3FA1]  }
0x31: {  	[smem:$0x3FAA] =	sst s10  }
0x32: {  	s10 =	sld [smem:$0x3FA8];
	_ =	sdelay $0x3  }
0x33: {  	p0 =	seq.s32 s10, $0x1;
	s10 =	sld [smem:$0x3FAA];
	_ =	sdelay $0x3  }
0x34: {  	[smem:$0x3FAA] =	sst s10  }
0x35: {  	s10 =	sld [smem:$0x3FA9];
	_ =	sdelay $0x3  }
0x36: {  	p1 =	seq.s32 s10, $0x1;
	s10 =	sld [smem:$0x3FAA];
	_ =	sdelay $0x3  }
0x37: {  	[smem:$0x3FAA] =	sst s10  }
0x38: {  	s10 =	sld [smem:$0x3FAB]  }
0x39: {  	_ = 	snop;
	(pc) =	sbr.ind lr, $3  }
0x3a: {  	_ = 	snop  }
0x3b: {  	_ = 	snop  }
0x3c: {  	p2 =	seq.s32 s10, $0x1;
	s10 =	sld [smem:$0x3FAA]  }
0x3d: {  	_ =	shalt  }
0x3e: {  	_ =	shalt  }
0x3f: {  	_ =	shalt  }
0x40: {  	_ =	shalt  }
0x41: {  	_ =	shalt  }
0x42: {  	_ =	shalt  }
0x43: {  	_ =	shalt  }
0x44: {  	_ =	shalt  }
0x45: {  	_ =	shalt  }
0x46: {  	_ =	shalt  }
0x47: {  	_ =	shalt  }
0x48: {  	_ =	shalt  }
0x49: {  	_ =	shalt  }
0x4a: {  	_ =	shalt  }
0x4b: {  	_ =	shalt  }
0x4c: {  	_ =	shalt  }
0x4d: {  	_ =	shalt  }
0x4e: {  	_ =	shalt  }
0x4f: {  	_ =	shalt  }
0x50: {  	_ =	shalt  }
0x51: {  	_ =	shalt  }
0x52: {  	_ =	shalt  }
0x53: {  	_ =	shalt  }
0x54: {  	_ =	shalt  }
0x55: {  	_ =	shalt  }
0x56: {  	_ =	shalt  }
0x57: {  	_ =	shalt  }
0x58: {  	_ =	shalt  }
0x59: {  	_ =	shalt  }
0x5a: {  	_ =	shalt  }
0x5b: {  	_ =	shalt  }
0x5c: {  	_ =	shalt  }
0x5d: {  	_ =	shalt  }
0x5e: {  	_ =	shalt  }
0x5f: {  	_ =	shalt  }
0x60: {  	_ =	shalt  }
0x61: {  	_ =	shalt  }
0x62: {  	_ =	shalt  }
0x63: {  	_ =	shalt  }
0x64: {  	_ =	shalt  }
0x65: {  	_ =	shalt  }
0x66: {  	_ =	shalt  }
0x67: {  	_ =	shalt  }
0x68: {  	_ =	shalt  }
0x69: {  	_ =	shalt  }
0x6a: {  	_ =	shalt  }
0x6b: {  	_ =	shalt  }
0x6c: {  	_ =	shalt  }
0x6d: {  	_ =	shalt  }
0x6e: {  	_ =	shalt  }
0x6f: {  	_ =	shalt  }
0x70: {  	_ =	shalt  }
0x71: {  	_ =	shalt  }
0x72: {  	_ =	shalt  }
0x73: {  	_ =	shalt  }
0x74: {  	_ =	shalt  }
0x75: {  	_ =	shalt  }
0x76: {  	_ =	shalt  }
0x77: {  	_ =	shalt  }
0x78: {  	_ =	shalt  }
0x79: {  	_ =	shalt  }
0x7a: {  	_ =	shalt  }
0x7b: {  	_ =	shalt  }
0x7c: {  	_ =	shalt  }
0x7d: {  	_ =	shalt  }
0x7e: {  	_ =	shalt  }
0x7f: {  	_ =	shalt  }
0x80: {  	_ =	shalt  }
0x81: {  	_ =	shalt  }
0x82: {  	_ =	shalt  }
0x83: {  	_ =	shalt  }
0x84: {  	_ =	shalt  }
0x85: {  	_ =	shalt  }
0x86: {  	_ =	shalt  }
0x87: {  	_ =	shalt  }
.Lfunc_end0:
.L_simem_size_0:
called_computation.1_lowered:
.L_overlay_start_0:
0x88: {  	s2 =	sld [smem:$0x3FD9]  }
0x89: {  	s3 =	sld [smem:$0x3FFE];
	_ =	sdelay $0x1  }
0x8a: {  	s1 =	srdreg.scid  }
0x8b: {  	s0 =	sand.u32 $0x1, s1  }
0x8c: {  	s14 =	sshll.u32 s0, $0xA;
	s2 =	sadd.s32 s3, s2  }
0x8d: {  	s2 =	sadd.s32 s2, s14  }
0x8e: {  	[smem:$0x3FB6] =	sst s2  }
0x8f: {  	_ = 	snop  }
0x90: {  	s2 =	sld [smem:$0x3FD0];
	_ =	sdelay $0x2  }
0x91: {  	s15 =	simm.s32 $0xA;
	s4 =	simm.s32 $0x10  }
0x92: {  	[smem:s4], [sflag:s15] =	dma.local [hbm:s2], $0x1  }
0x93: {  	_ =	swait.eq [sflag:s15], $0x1  }
0x94: {  	[sflag:s15] =	ssyncset.done $0x0  }
0x95: {  	[sflag:s15] =	ssyncadd.s32 $0xFFFFFFFF  }
0x96: {  	s16 =	sld [smem:$0x10];
	(tm) =	ssettm $0x1  }
0x97: {  	s17 =	sld [smem:$0x3FFB];
	_ =	sdelay $0x3  }
0x98: {  	_ =	strace s17  }
0x99: {  	s3 =	sld [smem:$0x3FFC];
	_ =	sdelay $0x3  }
0x9a: {  	_ =	strace s3  }
0x9b: {  	s3 =	sld [smem:$0x3FFD];
	_ =	sdelay $0x3  }
0x9c: {  	_ =	strace s3  }
0x9d: {  	_ =	strace $0x8FFFFFFF  }
0x9e: {  	s18 =	sld [smem:$0x3FDB];
	_ =	sdelay $0x1  }
0x9f: {  	s19 =	simm.s32 $_scs_section_size  }
0xa0: {  	s5 =	simm.s32 $_size__tile_overlayer_lowered;
	s6 =	simm.s32 $_tile_overlayer_lowered  }
0xa1: {  	s22 =	simm.s32 $0x1BFF;
	s21 =	sshll.u32 s6, $0x1;
	s3 =	sadd.s32 s19, s18  }
0xa2: {  	s7 =	simm.s32 $0x0;
	s20 =	sshll.u32 s5, $0x1;
	s5 =	sadd.s32 s21, s3  }
0xa3: {  	[timem:s7], [sflag:s22] =	dma.local [hbm:s5], s20  }
0xa4: {  	_ =	swait.ge [sflag:s22], s20  }
0xa5: {  	s4 =	ssub.s32 $0x0, s20;
	[sflag:s22] =	ssyncset.done $0x0  }
0xa6: {  	[sflag:s22] =	ssyncadd.s32 s4;
	_ =	sdelay $0x1  }
0xa7: {  	s23 =	simm.s32 $0x1B8B  }
0xa8: {  	_ =	swait.ge [sflag:s23], $0x1  }
0xa9: {  	[sflag:s23] =	ssyncset.done $0x0  }
0xaa: {  	s25 =	simm.s32 $0x1B8E;
	s24 =	sld [smem:$0x3FFE];
	[sflag:s23] =	ssyncadd.s32 $0xFFFFFFFF  }
0xab: {  	s26 =	simm.s32 $execute0_lowered;
	[smem:$0x3FD2] =	sst s25  }
0xac: {  	s5 =	sshll.u32 s26, $0x1;
	_ =	strace $0x80000049;
	[dreg:$0x1] =	wrdreg $0xFFFFFFFF  }
0xad: {  	s28 =	simm.s32 $_size_execute0_lowered;
	s3 =	sadd.s32 s3, s5;
	[dreg:$0x0] =	wrdreg $0x0  }
0xae: {  	s5 =	sshll.u32 s28, $0x1;
	[dreg:$0x2] =	wrdreg s3  }
0xaf: {  	[dreg:$0x3] =	wrdreg s5  }
0xb0: {  	[dreg:$0x4] =	wrdreg $0xC0  }
0xb1: {  	_ =	task [dreg:s7], $0x5FFFF  }
0xb2: {  	[dreg:$0x1] =	wrdreg $0xFFFFFFFF  }
0xb3: {  	[dreg:$0x0] =	wrdreg $0x60  }
0xb4: {  	[dreg:$0x2] =	wrdreg s16  }
0xb5: {  	[dreg:$0x3] =	wrdreg s24  }
0xb6: {  	[dreg:$0x4] =	wrdreg $0x0  }
0xb7: {  	[dreg:$0x5] =	wrdreg $0x9  }
0xb8: {  	_ =	task.clear_ibuf [dreg:s7], $0x6FFFF;
	_ =	strace $0x90000049  }
0xb9: {  	s29 =	simm.s32 $0x9;
	_ =	strace $0x8000004B  }
0xba: {  	_ =	swait.ge [sflag:s29], $0x1  }
0xbb: {  	[sflag:s29] =	ssyncadd.s32 $0xFFFFFFFF  }
0xbc: {  	_ =	strace $0x9000004B  }
0xbd: {  	_ =	sfence  }
0xbe: {  	s30 =	sld [smem:$0x0];
	_ =	sdelay $0x2  }
0xbf: {  	s31 =	sshll.u32 s1, $0xD;
	s1 =	sshrl.u32 s1, $0x2  }
0xc0: {  	s3 =	sand.u32 $0x4000, s31;
	s1 =	sadd.s32 s1, s30  }
0xc1: {  	s0 =	sor.u32 s3, s0;
	s1 =	sshll.u32 s1, $0x11  }
0xc2: {  	s0 =	sor.u32 s1, s0  }
0xc3: {  	s0 =	sadd.s32 $0x8F2B, s0  }
0xc4: {  	[sflag:s0] =	ssyncadd.remote.s32 $0x1  }
0xc5: {  	_ =	sfence.sel $0xFFFF  }
0xc6: {  	[dreg:$0x0] =	wrdreg $0xFFFFFFFF;
	(pc) =	sbr.abs _section_cstart, $3  }
0xc7: {  	[dreg:$0x1] =	wrdreg $0xFFFFFFFF  }
0xc8: {  	_ =	task.clear_ibuf [dreg:s7], $0x2FFFF;
	_ =	strace $0x9FFFFFFF  }
0xc9: {  	(tm) =	ssettm $0x7FFFFFFF  }
tec
execute0_lowered:
.L_overlay_start_1:
0x0: {  	(tag) =	ssettag $0x1  }
0x1: {  	s2 =	srdreg.scid;
	s0 =	rddreg [dreg:$0x1];
	s1 =	simm.s32 $0x0  }
0x2: {  	s5 =	stileid.u32;
	s7 =	sand.u32 $0x1, s2;
	[smem:$0x7FF] =	sst s1  }
0x3: {  	s2 =	sshll.u32 s7, $0x4;
	s4 =	ssub.s32 $0x2, s7;
	s15 =	smul.u32 $0x140000, s7  }
0x4: {  	s3 =	sor.u32 s5, s2;
	s2 =	smul.u32 $0x14000, s5;
	s17 =	sshrl.u32 s4, $0x1  }
0x5: {  	s14 =	sadd.s32 $0x72600, s0;
	s13 =	smul.u32 $0x2710, s3;
	s9 =	ssub.s32 s4, s17  }
0x6: {  	s3 =	sor.u32 $0x1400, s2;
	s24 =	sor.u32 $0x2800, s2;
	s5 =	sor.u32 $0x3C00, s2  }
0x7: {  	s6 =	sadd.s32 $0x5000, s2;
	s25 =	sadd.s32 $0x6400, s2;
	s8 =	sadd.s32 $0x7800, s2  }
0x8: {  	s10 =	sadd.s32 $0x8C00, s2;
	s11 =	sadd.s32 $0xA000, s2;
	s16 =	sadd.s32 s2, s15  }
0x9: {  	s12 =	sadd.s32 $0xB400, s2;
	s17 =	sadd.s32 s15, s3;
	s16 =	sshrl.u32 s16, $0x3  }
0xa: {  	s19 =	sadd.s32 s15, s24;
	s20 =	sadd.s32 s15, s5;
	s26 =	sadd.s32 s15, s25  }
0xb: {  	s4 =	sadd.s32 s15, s8;
	s7 =	sadd.s32 s15, s10;
	s16 =	sadd.s32 s14, s16  }
0xc: {  	s17 =	sshrl.u32 s17, $0x3;
	s21 =	sshrl.u32 s20, $0x3;
	[dreg:$0x4] =	wrdreg s16  }
0xd: {  	s18 =	sadd.s32 s14, s17;
	s16 =	sshrl.u32 s19, $0x3;
	s17 =	sshrl.u32 s4, $0x3  }
0xe: {  	s19 =	sshrl.u32 s7, $0x3;
	[dreg:$0x5] =	wrdreg s18;
	s16 =	sadd.s32 s14, s16  }
0xf: {  	s18 =	sadd.s32 s15, s6;
	s20 =	sadd.s32 s14, s19;
	[dreg:$0x6] =	wrdreg s16  }
0x10: {  	s22 =	sshrl.u32 s18, $0x3;
	s16 =	sadd.s32 s14, s21;
	[dreg:$0xb] =	wrdreg s20  }
0x11: {  	s21 =	sadd.s32 s15, s11;
	s18 =	sadd.s32 $0xC800, s2;
	s20 =	sadd.s32 $0xDC00, s2  }
0x12: {  	[dreg:$0x7] =	wrdreg s16;
	s23 =	sadd.s32 s14, s22;
	s16 =	sshrl.u32 s26, $0x3  }
0x13: {  	s22 =	sadd.s32 s15, s12;
	[dreg:$0x8] =	wrdreg s23;
	s16 =	sadd.s32 s14, s16  }
0x14: {  	s26 =	sadd.s32 s15, s18;
	[dreg:$0x9] =	wrdreg s16;
	s16 =	sadd.s32 s14, s17  }
0x15: {  	s7 =	sadd.s32 s15, s20;
	[dreg:$0xa] =	wrdreg s16;
	s16 =	sshrl.u32 s21, $0x3  }
0x16: {  	s23 =	sshrl.u32 s22, $0x3;
	s4 =	sshrl.u32 s26, $0x3;
	s16 =	sadd.s32 s14, s16  }
0x17: {  	s17 =	sshrl.u32 s7, $0x3;
	[dreg:$0xc] =	wrdreg s16;
	s16 =	sadd.s32 s14, s23  }
0x18: {  	s21 =	sadd.s32 $0x10400, s2;
	[dreg:$0xd] =	wrdreg s16;
	s16 =	sadd.s32 s14, s4  }
0x19: {  	s22 =	sadd.s32 s15, s21;
	[dreg:$0xe] =	wrdreg s16;
	s16 =	sadd.s32 $0xF000, s2  }
0x1a: {  	s23 =	sshrl.u32 s22, $0x3;
	s22 =	sadd.s32 $0x11800, s2;
	s19 =	sadd.s32 s15, s16  }
0x1b: {  	s17 =	sadd.s32 s14, s17;
	s26 =	sadd.s32 s15, s22;
	s19 =	sshrl.u32 s19, $0x3  }
0x1c: {  	[dreg:$0xf] =	wrdreg s17;
	s4 =	sshrl.u32 s26, $0x3;
	s17 =	sadd.s32 s14, s19  }
0x1d: {  	s19 =	sadd.s32 s14, s4;
	[dreg:$0x10] =	wrdreg s17  }
0x1e: {  	s17 =	sadd.s32 s14, s23;
	s23 =	sadd.s32 $0x12C00, s2;
	[dreg:$0x12] =	wrdreg s19  }
0x1f: {  	s19 =	rddreg [dreg:$0x2];
	s15 =	sadd.s32 s15, s23  }
0x20: {  	[dreg:$0x11] =	wrdreg s17;
	s15 =	sshrl.u32 s15, $0x3  }
0x21: {  	s13 =	sshrl.u32 s13, $0x3;
	s17 =	rddreg [dreg:$0x0];
	s14 =	sadd.s32 s14, s15  }
0x22: {  	s13 =	sadd.s32 s13, s0;
	s0 =	sadd.s32 $0x17E00, s0;
	[dreg:$0x13] =	wrdreg s14  }
0x23: {  	s7 =	sadd.s32 $0x4400, s13;
	_ =	strace $0x8000004A;
	[dreg:$0x14] =	wrdreg s0  }
0x24: {  	s14 =	sadd.s32 $0xE040, s13;
	[dreg:$0x15] =	wrdreg s7  }
0x25: {  	s26 =	sadd.s32 s3, s19;
	s15 =	sadd.s32 s2, s19;
	[dreg:$0x16] =	wrdreg s14  }
0x26: {  	s30 =	sadd.s32 s24, s19;
	s13 =	sadd.s32 s8, s19;
	[dreg:$0x18] =	wrdreg s15  }
0x27: {  	s24 =	sadd.s32 s12, s19;
	s3 =	sadd.s32 s16, s19;
	[dreg:$0x1e] =	wrdreg s13  }
0x28: {  	s16 =	smov.u32 s26;
	s26 =	smax.u32 s9, $0x1;
	[smem:$0x7F8] =	sst s24  }
0x29: {  	s28 =	simm.s32 $0x9;
	[smem:$0x7FA] =	sst s26  }
0x2a: {  	s29 =	simm.s32 $0xA;
	s4 =	sadd.s32 s5, s19;
	[dreg:$0x17] =	wrdreg s16  }
0x2b: {  	s31 =	sadd.s32 s20, s19;
	s12 =	simm.s32 $0x18E20;
	[dreg:$0x19] =	wrdreg s4  }
0x2c: {  	s20 =	simm.s32 $0x1B620;
	s9 =	simm.s32 $0x3;
	[dreg:$0x1a] =	wrdreg s31  }
0x2d: {  	s2 =	sadd.s32 s6, s19;
	s6 =	sadd.s32 s22, s19;
	[dreg:$0x1b] =	wrdreg s30  }
0x2e: {  	s22 =	simm.s32 $0x1DE20;
	s8 =	sadd.s32 s21, s19;
	[dreg:$0x1d] =	wrdreg s3  }
0x2f: {  	s21 =	simm.s32 $0x1CA20;
	s7 =	sadd.s32 s25, s19;
	[dreg:$0x1f] =	wrdreg s8  }
0x30: {  	s14 =	sadd.s32 s10, s19;
	s15 =	sadd.s32 s11, s19;
	[smem:$0x7FB] =	sst s6  }
0x31: {  	s25 =	sadd.s32 s18, s19;
	s11 =	sadd.s32 s23, s19;
	[smem:$0x7FD] =	sst s2  }
0x32: {  	s13 =	simm.s32 $0x6;
	s18 =	simm.s32 $0x1A220;
	[dreg:$0x1c] =	wrdreg s7  }
0x33: {  	s23 =	simm.s32 $0x1;
	s10 =	simm.s32 $0x2;
	[smem:$0x7F6] =	sst s14  }
0x34: {  	s24 =	simm.s32 $0x4;
	s26 =	simm.s32 $0x8;
	[smem:$0x7F7] =	sst s15  }
0x35: {  	[smem:$0x7F9] =	sst s25;
	s14 =	simm.s32 $0x7;
	s15 =	simm.s32 $0x28  }
0x36: {  	s25 =	simm.s32 $0x5;
	s7 =	simm.s32 $0x0;
	[smem:$0x7FC] =	sst s11  }
.LBB2_1:
0x37: {  	[smem:$0x7F5] =	sst s7  }
0x38: {  	s0 =	rddreg [dreg:$0x15];
	s5 =	simm.s32 $0x14000;
	s7 =	simm.s32 $0xB  }
0x39: {  	[tilespmem:s5], [sflag:$0xB] =	stream.linear.gather [hbm4b:s0+s1], $0x2710, $0x38;
	[tilespmem:$0x1F220] =	vst v63  }
0x3a: {  	_ =	swait.ge [sflag:s7], $0x2710  }
0x3b: {  	s5 =	smov.u32 s30;
	[sflag:s7] =	ssyncset.done $0x0  }
0x3c: {  	s30 =	simm.s32 $0x16710;
	s0 =	rddreg [dreg:$0x16];
	[sflag:s7] =	ssyncadd.s32 $0xFFFFD8F0  }
0x3d: {  	[tilespmem:s30], [sflag:$0xB] =	stream.linear.gather [hbm4b:s0+s1], $0x2710, $0x38;
	[tilespmem:$0x1F220] =	vst v63  }
0x3e: {  	_ =	swait.ge [sflag:s7], $0x2710  }
0x3f: {  	[sflag:s7] =	ssyncset.done $0x0  }
0x40: {  	s30 =	rddreg [dreg:$0x14];
	[sflag:s7] =	ssyncadd.s32 $0xFFFFD8F0  }
0x41: {  	[tilespmem:s12], [sflag:$0xB] =	stream.linear.gather [hbm4b:s30+s1], $0x1400, $0x38;
	[tilespmem:$0x1F220] =	vst v63  }
0x42: {  	_ =	swait.ge [sflag:s7], $0x1400  }
0x43: {  	[sflag:s7] =	ssyncset.done $0x0  }
0x44: {  	s0 =	rddreg [dreg:$0x18];
	[sflag:s7] =	ssyncadd.s32 $0xFFFFEC00  }
0x45: {  	[spmem:s0] =	stream.linear.scatter [tilespmem:s12], [sflag:$0x6], $0x1400, $0x38;
	[tilespmem:$0x1F220] =	vst v63  }
0x46: {  	_ = 	snop  }
0x47: {  	[spmem:s16] =	stream.linear.scatter [tilespmem:s12], [sflag:$0x7], $0x1400, $0x38;
	[tilespmem:$0x1F220] =	vst v63  }
0x48: {  	_ = 	snop  }
0x49: {  	[spmem:s5] =	stream.linear.scatter [tilespmem:s12], [sflag:$0x6], $0x1400, $0x38;
	[tilespmem:$0x1F220] =	vst v63  }
0x4a: {  	_ = 	snop  }
0x4b: {  	[spmem:s4] =	stream.linear.scatter [tilespmem:s12], [sflag:$0x7], $0x1400, $0x38;
	[tilespmem:$0x1F220] =	vst v63  }
0x4c: {  	s7 =	rddreg [dreg:$0x1e]  }
0x4d: {  	[spmem:s2] =	stream.linear.scatter [tilespmem:s12], [sflag:$0x6], $0x1400, $0x38;
	[tilespmem:$0x1F220] =	vst v63  }
0x4e: {  	s5 =	rddreg [dreg:$0x1c]  }
0x4f: {  	[spmem:s5] =	stream.linear.scatter [tilespmem:s12], [sflag:$0x7], $0x1400, $0x38;
	[tilespmem:$0x1F220] =	vst v63  }
0x50: {  	s16 =	sld [smem:$0x7F6]  }
0x51: {  	[spmem:s7] =	stream.linear.scatter [tilespmem:s12], [sflag:$0x6], $0x1400, $0x38;
	[tilespmem:$0x1F220] =	vst v63  }
0x52: {  	s30 =	sld [smem:$0x7F7]  }
0x53: {  	[spmem:s16] =	stream.linear.scatter [tilespmem:s12], [sflag:$0x7], $0x1400, $0x38;
	[tilespmem:$0x1F220] =	vst v63  }
0x54: {  	s1 =	sld [smem:$0x7F8]  }
0x55: {  	[spmem:s30] =	stream.linear.scatter [tilespmem:s12], [sflag:$0x6], $0x1400, $0x38;
	[tilespmem:$0x1F220] =	vst v63  }
0x56: {  	s2 =	sld [smem:$0x7F9]  }
0x57: {  	[spmem:s1] =	stream.linear.scatter [tilespmem:s12], [sflag:$0x7], $0x1400, $0x38;
	[tilespmem:$0x1F220] =	vst v63  }
0x58: {  	_ = 	snop  }
0x59: {  	[spmem:s2] =	stream.linear.scatter [tilespmem:s12], [sflag:$0x6], $0x1400, $0x38;
	[tilespmem:$0x1F220] =	vst v63  }
0x5a: {  	_ = 	snop  }
0x5b: {  	[spmem:s31] =	stream.linear.scatter [tilespmem:s12], [sflag:$0x7], $0x1400, $0x38;
	[tilespmem:$0x1F220] =	vst v63  }
0x5c: {  	_ = 	snop  }
0x5d: {  	[spmem:s3] =	stream.linear.scatter [tilespmem:s12], [sflag:$0x6], $0x1400, $0x38;
	[tilespmem:$0x1F220] =	vst v63  }
0x5e: {  	_ = 	snop  }
0x5f: {  	[spmem:s8] =	stream.linear.scatter [tilespmem:s12], [sflag:$0x7], $0x1400, $0x38;
	[tilespmem:$0x1F220] =	vst v63  }
0x60: {  	_ = 	snop  }
0x61: {  	[spmem:s6] =	stream.linear.scatter [tilespmem:s12], [sflag:$0x6], $0x1400, $0x38;
	[tilespmem:$0x1F220] =	vst v63  }
0x62: {  	_ = 	snop  }
0x63: {  	[spmem:s11] =	stream.linear.scatter [tilespmem:s12], [sflag:$0x7], $0x1400, $0x38;
	[tilespmem:$0x1F220] =	vst v63  }
0x64: {  	_ =	swait.ge [sflag:s13], $0x1400  }
0x65: {  	[sflag:s13] =	ssyncset.done $0x0  }
0x66: {  	[sflag:s13] =	ssyncadd.s32 $0xFFFFEC00  }
0x67: {  	_ =	swait.ge [sflag:s14], $0x1400  }
0x68: {  	[sflag:s14] =	ssyncset.done $0x0  }
0x69: {  	[sflag:s14] =	ssyncadd.s32 $0xFFFFEC00  }
0x6a: {  	_ =	swait.ge [sflag:s13], $0x1400  }
0x6b: {  	[sflag:s13] =	ssyncset.done $0x0  }
0x6c: {  	[sflag:s13] =	ssyncadd.s32 $0xFFFFEC00  }
0x6d: {  	_ =	swait.ge [sflag:s14], $0x1400  }
0x6e: {  	[sflag:s14] =	ssyncset.done $0x0  }
0x6f: {  	[sflag:s14] =	ssyncadd.s32 $0xFFFFEC00  }
0x70: {  	_ =	swait.ge [sflag:s13], $0x1400  }
0x71: {  	[sflag:s13] =	ssyncset.done $0x0  }
0x72: {  	[sflag:s13] =	ssyncadd.s32 $0xFFFFEC00  }
0x73: {  	_ =	swait.ge [sflag:s14], $0x1400  }
0x74: {  	[sflag:s14] =	ssyncset.done $0x0  }
0x75: {  	[sflag:s14] =	ssyncadd.s32 $0xFFFFEC00  }
0x76: {  	_ =	swait.ge [sflag:s13], $0x1400  }
0x77: {  	[sflag:s13] =	ssyncset.done $0x0  }
0x78: {  	[sflag:s13] =	ssyncadd.s32 $0xFFFFEC00  }
0x79: {  	_ =	swait.ge [sflag:s14], $0x1400  }
0x7a: {  	[sflag:s14] =	ssyncset.done $0x0  }
0x7b: {  	[sflag:s14] =	ssyncadd.s32 $0xFFFFEC00  }
0x7c: {  	_ =	swait.ge [sflag:s13], $0x1400  }
0x7d: {  	[sflag:s13] =	ssyncset.done $0x0  }
0x7e: {  	[sflag:s13] =	ssyncadd.s32 $0xFFFFEC00  }
0x7f: {  	_ =	swait.ge [sflag:s14], $0x1400  }
0x80: {  	[sflag:s14] =	ssyncset.done $0x0  }
0x81: {  	[sflag:s14] =	ssyncadd.s32 $0xFFFFEC00  }
0x82: {  	_ =	swait.ge [sflag:s13], $0x1400  }
0x83: {  	[sflag:s13] =	ssyncset.done $0x0  }
0x84: {  	[sflag:s13] =	ssyncadd.s32 $0xFFFFEC00  }
0x85: {  	_ =	swait.ge [sflag:s14], $0x1400  }
0x86: {  	[sflag:s14] =	ssyncset.done $0x0  }
0x87: {  	[sflag:s14] =	ssyncadd.s32 $0xFFFFEC00  }
0x88: {  	_ =	swait.ge [sflag:s13], $0x1400  }
0x89: {  	[sflag:s13] =	ssyncset.done $0x0  }
0x8a: {  	[sflag:s13] =	ssyncadd.s32 $0xFFFFEC00  }
0x8b: {  	_ =	swait.ge [sflag:s14], $0x1400  }
0x8c: {  	[sflag:s14] =	ssyncset.done $0x0  }
0x8d: {  	[sflag:s14] =	ssyncadd.s32 $0xFFFFEC00  }
0x8e: {  	_ =	swait.ge [sflag:s13], $0x1400  }
0x8f: {  	[sflag:s13] =	ssyncset.done $0x0  }
0x90: {  	[sflag:s13] =	ssyncadd.s32 $0xFFFFEC00  }
0x91: {  	_ =	swait.ge [sflag:s14], $0x1400  }
0x92: {  	[sflag:s14] =	ssyncset.done $0x0  }
0x93: {  	[sflag:s14] =	ssyncadd.s32 $0xFFFFEC00  }
0x94: {  	s8 =	simm.s32 $0x14000;
	[bflag:$0x0] =	sbarrier.arrive $0xFFFF  }
0x95: {  	[tilespmem:s12], [sflag:$0x1] =	stream.indirect.gather [hbm4b:s17+s15], $0x80, s8, s15, $0xb8;
	[tilespmem:$0x1F220] =	vst v63  }
0x96: {  	s11 =	simm.s32 $0x14028  }
0x97: {  	[tilespmem:s18], [sflag:$0x2] =	stream.indirect.gather [hbm4b:s17+s15], $0x80, s11, s15, $0xb8;
	[tilespmem:$0x1F220] =	vst v63  }
0x98: {  	s16 =	simm.s32 $0x14050  }
0x99: {  	[tilespmem:s20], [sflag:$0x3] =	stream.indirect.gather [hbm4b:s17+s15], $0x80, s16, s15, $0xb8;
	[tilespmem:$0x1F220] =	vst v63  }
0x9a: {  	s30 =	simm.s32 $0x14078  }
0x9b: {  	[tilespmem:s21], [sflag:$0x4] =	stream.indirect.gather [hbm4b:s17+s15], $0x80, s30, s15, $0xb8;
	[tilespmem:$0x1F220] =	vst v63  }
0x9c: {  	s1 =	simm.s32 $0x140A0  }
0x9d: {  	[tilespmem:s22], [sflag:$0x5] =	stream.indirect.gather [hbm4b:s17+s15], $0x80, s1, s15, $0xb8;
	[tilespmem:$0x1F220] =	vst v63  }
0x9e: {  	_ =	swait.ge [sflag:s23], $0x1400  }
0x9f: {  	[sflag:s23] =	ssyncset.done $0x0  }
0xa0: {  	s2 =	simm.s32 $0x16710;
	[sflag:s23] =	ssyncadd.s32 $0xFFFFEC00  }
0xa1: {  	[spmem:s19] =	stream.indirect.scatter.add.f32 [tilespmem:s12], [sflag:$0x6], $0x80, s2, s15, $0xb8;
	[tilespmem:$0x1F220] =	vst v63  }
0xa2: {  	_ =	swait.ge [sflag:s10], $0x1400  }
0xa3: {  	[sflag:s10] =	ssyncset.done $0x0  }
0xa4: {  	s3 =	simm.s32 $0x16738;
	[sflag:s10] =	ssyncadd.s32 $0xFFFFEC00  }
0xa5: {  	[spmem:s19] =	stream.indirect.scatter.add.f32 [tilespmem:s18], [sflag:$0x7], $0x80, s3, s15, $0xb8;
	[tilespmem:$0x1F220] =	vst v63  }
0xa6: {  	_ =	swait.ge [sflag:s9], $0x1400  }
0xa7: {  	[sflag:s9] =	ssyncset.done $0x0  }
0xa8: {  	s4 =	simm.s32 $0x16760;
	[sflag:s9] =	ssyncadd.s32 $0xFFFFEC00  }
0xa9: {  	[spmem:s19] =	stream.indirect.scatter.add.f32 [tilespmem:s20], [sflag:$0x8], $0x80, s4, s15, $0xb8;
	[tilespmem:$0x1F220] =	vst v63  }
0xaa: {  	_ =	swait.ge [sflag:s24], $0x1400  }
0xab: {  	[sflag:s24] =	ssyncset.done $0x0  }
0xac: {  	s5 =	simm.s32 $0x16788;
	[sflag:s24] =	ssyncadd.s32 $0xFFFFEC00  }
0xad: {  	[spmem:s19] =	stream.indirect.scatter.add.f32 [tilespmem:s21], [sflag:$0x9], $0x80, s5, s15, $0xb8;
	[tilespmem:$0x1F220] =	vst v63  }
0xae: {  	_ =	swait.ge [sflag:s25], $0x1400  }
0xaf: {  	[sflag:s25] =	ssyncset.done $0x0  }
0xb0: {  	s6 =	simm.s32 $0x167B0;
	[sflag:s25] =	ssyncadd.s32 $0xFFFFEC00  }
0xb1: {  	[spmem:s19] =	stream.indirect.scatter.add.f32 [tilespmem:s22], [sflag:$0xA], $0x80, s6, s15, $0xb8;
	[tilespmem:$0x1F220] =	vst v63  }
0xb2: {  	_ =	swait.ge [sflag:s13], $0x1400  }
0xb3: {  	[sflag:s13] =	ssyncset.done $0x0  }
0xb4: {  	s7 =	simm.s32 $0x140C8;
	[sflag:s13] =	ssyncadd.s32 $0xFFFFEC00  }
0xb5: {  	[tilespmem:s12], [sflag:$0x1] =	stream.indirect.gather [hbm4b:s17+s15], $0x80, s7, s15, $0xb8;
	[tilespmem:$0x1F220] =	vst v63  }
0xb6: {  	_ =	swait.ge [sflag:s14], $0x1400  }
0xb7: {  	[sflag:s14] =	ssyncset.done $0x0  }
0xb8: {  	s8 =	simm.s32 $0x140F0;
	[sflag:s14] =	ssyncadd.s32 $0xFFFFEC00  }
0xb9: {  	[tilespmem:s18], [sflag:$0x2] =	stream.indirect.gather [hbm4b:s17+s15], $0x80, s8, s15, $0xb8;
	[tilespmem:$0x1F220] =	vst v63  }
0xba: {  	_ =	swait.ge [sflag:s26], $0x1400  }
0xbb: {  	[sflag:s26] =	ssyncset.done $0x0  }
0xbc: {  	s11 =	simm.s32 $0x14118;
	[sflag:s26] =	ssyncadd.s32 $0xFFFFEC00  }
0xbd: {  	[tilespmem:s20], [sflag:$0x3] =	stream.indirect.gather [hbm4b:s17+s15], $0x80, s11, s15, $0xb8;
	[tilespmem:$0x1F220] =	vst v63  }
0xbe: {  	_ =	swait.ge [sflag:s28], $0x1400  }
0xbf: {  	[sflag:s28] =	ssyncset.done $0x0  }
0xc0: {  	s30 =	simm.s32 $0x14140;
	[sflag:s28] =	ssyncadd.s32 $0xFFFFEC00  }
0xc1: {  	[tilespmem:s21], [sflag:$0x4] =	stream.indirect.gather [hbm4b:s17+s15], $0x80, s30, s15, $0xb8;
	[tilespmem:$0x1F220] =	vst v63  }
0xc2: {  	_ =	swait.ge [sflag:s29], $0x1400  }
0xc3: {  	[sflag:s29] =	ssyncset.done $0x0  }
0xc4: {  	s31 =	simm.s32 $0x320;
	s16 =	simm.s32 $0x14168;
	[sflag:s29] =	ssyncadd.s32 $0xFFFFEC00  }
.LBB2_2:
0xc5: {  	[tilespmem:s22], [sflag:$0x5] =	stream.indirect.gather [hbm4b:s17+s15], $0x80, s16, s15, $0xb8;
	[tilespmem:$0x1F220] =	vst v63  }
0xc6: {  	s16 =	smov.u32 s31  }
0xc7: {  	p0 =	sne.s32 s31, $0x9600;
	s31 =	sadd.s32 $0x320, s31;
	_ =	swait.ge [sflag:s23], $0x1400  }
0xc8: {  	s16 =	sshra.s32 s16, $0x2;
	[sflag:s23] =	ssyncset.done $0x0  }
0xc9: {  	s0 =	sadd.s32 $0x16710, s16;
	[sflag:s23] =	ssyncadd.s32 $0xFFFFEC00  }
0xca: {  	[spmem:s19] =	stream.indirect.scatter.add.f32 [tilespmem:s12], [sflag:$0x6], $0x80, s0, s15, $0xb8;
	[tilespmem:$0x1F220] =	vst v63  }
0xcb: {  	_ =	swait.ge [sflag:s10], $0x1400  }
0xcc: {  	[sflag:s10] =	ssyncset.done $0x0  }
0xcd: {  	s0 =	sadd.s32 $0x16738, s16;
	[sflag:s10] =	ssyncadd.s32 $0xFFFFEC00  }
0xce: {  	[spmem:s19] =	stream.indirect.scatter.add.f32 [tilespmem:s18], [sflag:$0x7], $0x80, s0, s15, $0xb8;
	[tilespmem:$0x1F220] =	vst v63  }
0xcf: {  	_ =	swait.ge [sflag:s9], $0x1400  }
0xd0: {  	[sflag:s9] =	ssyncset.done $0x0  }
0xd1: {  	s0 =	sadd.s32 $0x16760, s16;
	[sflag:s9] =	ssyncadd.s32 $0xFFFFEC00  }
0xd2: {  	[spmem:s19] =	stream.indirect.scatter.add.f32 [tilespmem:s20], [sflag:$0x8], $0x80, s0, s15, $0xb8;
	[tilespmem:$0x1F220] =	vst v63  }
0xd3: {  	_ =	swait.ge [sflag:s24], $0x1400  }
0xd4: {  	[sflag:s24] =	ssyncset.done $0x0  }
0xd5: {  	s0 =	sadd.s32 $0x16788, s16;
	[sflag:s24] =	ssyncadd.s32 $0xFFFFEC00  }
0xd6: {  	[spmem:s19] =	stream.indirect.scatter.add.f32 [tilespmem:s21], [sflag:$0x9], $0x80, s0, s15, $0xb8;
	[tilespmem:$0x1F220] =	vst v63  }
0xd7: {  	_ =	swait.ge [sflag:s25], $0x1400  }
0xd8: {  	[sflag:s25] =	ssyncset.done $0x0  }
0xd9: {  	s0 =	sadd.s32 $0x167B0, s16;
	[sflag:s25] =	ssyncadd.s32 $0xFFFFEC00  }
0xda: {  	[spmem:s19] =	stream.indirect.scatter.add.f32 [tilespmem:s22], [sflag:$0xA], $0x80, s0, s15, $0xb8;
	[tilespmem:$0x1F220] =	vst v63  }
0xdb: {  	_ =	swait.ge [sflag:s13], $0x1400  }
0xdc: {  	[sflag:s13] =	ssyncset.done $0x0  }
0xdd: {  	s0 =	sadd.s32 $0x140C8, s16;
	[sflag:s13] =	ssyncadd.s32 $0xFFFFEC00  }
0xde: {  	[tilespmem:s12], [sflag:$0x1] =	stream.indirect.gather [hbm4b:s17+s15], $0x80, s0, s15, $0xb8;
	[tilespmem:$0x1F220] =	vst v63  }
0xdf: {  	_ =	swait.ge [sflag:s14], $0x1400  }
0xe0: {  	[sflag:s14] =	ssyncset.done $0x0  }
0xe1: {  	s0 =	sadd.s32 $0x140F0, s16;
	[sflag:s14] =	ssyncadd.s32 $0xFFFFEC00  }
0xe2: {  	[tilespmem:s18], [sflag:$0x2] =	stream.indirect.gather [hbm4b:s17+s15], $0x80, s0, s15, $0xb8;
	[tilespmem:$0x1F220] =	vst v63  }
0xe3: {  	_ =	swait.ge [sflag:s26], $0x1400  }
0xe4: {  	[sflag:s26] =	ssyncset.done $0x0  }
0xe5: {  	s0 =	sadd.s32 $0x14118, s16;
	[sflag:s26] =	ssyncadd.s32 $0xFFFFEC00  }
0xe6: {  	[tilespmem:s20], [sflag:$0x3] =	stream.indirect.gather [hbm4b:s17+s15], $0x80, s0, s15, $0xb8;
	[tilespmem:$0x1F220] =	vst v63  }
0xe7: {  	_ =	swait.ge [sflag:s28], $0x1400  }
0xe8: {  	[sflag:s28] =	ssyncset.done $0x0  }
.Ltmp0:
0xe9: {  	s0 =	sadd.s32 $0x14140, s16;
	[sflag:s28] =	ssyncadd.s32 $0xFFFFEC00;
	(pc) =	sbr.rel @p0 .LBB2_2-.Ltmp0, $4  }
0xea: {  	[tilespmem:s21], [sflag:$0x4] =	stream.indirect.gather [hbm4b:s17+s15], $0x80, s0, s15, $0xb8;
	[tilespmem:$0x1F220] =	vst v63  }
0xeb: {  	_ =	swait.ge [sflag:s29], $0x1400  }
0xec: {  	[sflag:s29] =	ssyncset.done $0x0  }
0xed: {  	s16 =	sadd.s32 $0x14168, s16;
	[sflag:s29] =	ssyncadd.s32 $0xFFFFEC00  }
0xee: {  	[tilespmem:s22], [sflag:$0x5] =	stream.indirect.gather [hbm4b:s17+s15], $0x80, s16, s15, $0xb8;
	[tilespmem:$0x1F220] =	vst v63  }
0xef: {  	_ =	swait.ge [sflag:s23], $0x1400  }
0xf0: {  	[sflag:s23] =	ssyncset.done $0x0  }
0xf1: {  	s0 =	simm.s32 $0x18D58;
	[sflag:s23] =	ssyncadd.s32 $0xFFFFEC00  }
0xf2: {  	[spmem:s19] =	stream.indirect.scatter.add.f32 [tilespmem:s12], [sflag:$0x6], $0x80, s0, s15, $0xb8;
	[tilespmem:$0x1F220] =	vst v63  }
0xf3: {  	_ =	swait.ge [sflag:s10], $0x1400  }
0xf4: {  	[sflag:s10] =	ssyncset.done $0x0  }
0xf5: {  	s1 =	simm.s32 $0x18D80;
	[sflag:s10] =	ssyncadd.s32 $0xFFFFEC00  }
0xf6: {  	[spmem:s19] =	stream.indirect.scatter.add.f32 [tilespmem:s18], [sflag:$0x7], $0x80, s1, s15, $0xb8;
	[tilespmem:$0x1F220] =	vst v63  }
0xf7: {  	_ =	swait.ge [sflag:s9], $0x1400  }
0xf8: {  	[sflag:s9] =	ssyncset.done $0x0  }
0xf9: {  	s2 =	simm.s32 $0x18DA8;
	[sflag:s9] =	ssyncadd.s32 $0xFFFFEC00  }
0xfa: {  	[spmem:s19] =	stream.indirect.scatter.add.f32 [tilespmem:s20], [sflag:$0x8], $0x80, s2, s15, $0xb8;
	[tilespmem:$0x1F220] =	vst v63  }
0xfb: {  	_ =	swait.ge [sflag:s24], $0x1400  }
0xfc: {  	[sflag:s24] =	ssyncset.done $0x0  }
0xfd: {  	s3 =	simm.s32 $0x18DD0;
	[sflag:s24] =	ssyncadd.s32 $0xFFFFEC00  }
0xfe: {  	[spmem:s19] =	stream.indirect.scatter.add.f32 [tilespmem:s21], [sflag:$0x9], $0x80, s3, s15, $0xb8;
	[tilespmem:$0x1F220] =	vst v63  }
0xff: {  	_ =	swait.ge [sflag:s25], $0x1400  }
0x100: {  	[sflag:s25] =	ssyncset.done $0x0  }
0x101: {  	s4 =	simm.s32 $0x18DF8;
	[sflag:s25] =	ssyncadd.s32 $0xFFFFEC00  }
0x102: {  	[spmem:s19] =	stream.indirect.scatter.add.f32 [tilespmem:s22], [sflag:$0xA], $0x80, s4, s15, $0xb8;
	[tilespmem:$0x1F220] =	vst v63  }
0x103: {  	_ =	swait.ge [sflag:s13], $0x1400  }
0x104: {  	[sflag:s13] =	ssyncset.done $0x0  }
0x105: {  	[sflag:s13] =	ssyncadd.s32 $0xFFFFEC00  }
0x106: {  	_ =	swait.ge [sflag:s14], $0x1400  }
0x107: {  	[sflag:s14] =	ssyncset.done $0x0  }
0x108: {  	[sflag:s14] =	ssyncadd.s32 $0xFFFFEC00  }
0x109: {  	_ =	swait.ge [sflag:s26], $0x1400  }
0x10a: {  	[sflag:s26] =	ssyncset.done $0x0  }
0x10b: {  	[sflag:s26] =	ssyncadd.s32 $0xFFFFEC00  }
0x10c: {  	_ =	swait.ge [sflag:s28], $0x1400  }
0x10d: {  	[sflag:s28] =	ssyncset.done $0x0  }
0x10e: {  	[sflag:s28] =	ssyncadd.s32 $0xFFFFEC00  }
0x10f: {  	_ =	swait.ge [sflag:s29], $0x1400  }
0x110: {  	[sflag:s29] =	ssyncset.done $0x0  }
0x111: {  	[sflag:s29] =	ssyncadd.s32 $0xFFFFEC00  }
0x112: {  	[bflag:$0x0] =	sbarrier.arrive $0xFFFF  }
0x113: {  	s5 =	rddreg [dreg:$0x18]  }
0x114: {  	s16 =	rddreg [dreg:$0x17]  }
0x115: {  	[tilespmem:s12], [sflag:$0x1] =	stream.linear.gather [spmem:s5], $0x1400, $0x38;
	[tilespmem:$0x1F220] =	vst v63  }
0x116: {  	s30 =	rddreg [dreg:$0x1b]  }
0x117: {  	[tilespmem:s18], [sflag:$0x2] =	stream.linear.gather [spmem:s16], $0x1400, $0x38;
	[tilespmem:$0x1F220] =	vst v63  }
0x118: {  	s4 =	rddreg [dreg:$0x19]  }
0x119: {  	[tilespmem:s20], [sflag:$0x3] =	stream.linear.gather [spmem:s30], $0x1400, $0x38;
	[tilespmem:$0x1F220] =	vst v63  }
0x11a: {  	s2 =	sld [smem:$0x7FD]  }
0x11b: {  	[tilespmem:s21], [sflag:$0x4] =	stream.linear.gather [spmem:s4], $0x1400, $0x38;
	[tilespmem:$0x1F220] =	vst v63  }
0x11c: {  	_ = 	snop  }
0x11d: {  	[tilespmem:s22], [sflag:$0x5] =	stream.linear.gather [spmem:s2], $0x1400, $0x38;
	[tilespmem:$0x1F220] =	vst v63  }
0x11e: {  	_ =	swait.ge [sflag:s23], $0x1400  }
0x11f: {  	[sflag:s23] =	ssyncset.done $0x0  }
0x120: {  	s1 =	simm.s32 $0x0;
	s6 =	rddreg [dreg:$0x4];
	[sflag:s23] =	ssyncadd.s32 $0xFFFFEC00  }
0x121: {  	[hbm4b:s6+s1] =	stream.linear.scatter [tilespmem:s12], [sflag:$0x6], $0x1400, $0x38;
	[tilespmem:$0x1F220] =	vst v63  }
0x122: {  	_ =	swait.ge [sflag:s13], $0x1400  }
0x123: {  	[sflag:s13] =	ssyncset.done $0x0  }
0x124: {  	s7 =	rddreg [dreg:$0x1c];
	[sflag:s13] =	ssyncadd.s32 $0xFFFFEC00  }
0x125: {  	[tilespmem:s12], [sflag:$0x1] =	stream.linear.gather [spmem:s7], $0x1400, $0x38;
	[tilespmem:$0x1F220] =	vst v63  }
0x126: {  	_ =	swait.ge [sflag:s10], $0x1400  }
0x127: {  	[sflag:s10] =	ssyncset.done $0x0  }
0x128: {  	s8 =	rddreg [dreg:$0x5];
	[sflag:s10] =	ssyncadd.s32 $0xFFFFEC00  }
0x129: {  	[hbm4b:s8+s1] =	stream.linear.scatter [tilespmem:s18], [sflag:$0x7], $0x1400, $0x38;
	[tilespmem:$0x1F220] =	vst v63  }
0x12a: {  	_ =	swait.ge [sflag:s14], $0x1400  }
0x12b: {  	[sflag:s14] =	ssyncset.done $0x0  }
0x12c: {  	s11 =	rddreg [dreg:$0x1e];
	[sflag:s14] =	ssyncadd.s32 $0xFFFFEC00  }
0x12d: {  	[tilespmem:s18], [sflag:$0x2] =	stream.linear.gather [spmem:s11], $0x1400, $0x38;
	[tilespmem:$0x1F220] =	vst v63  }
0x12e: {  	_ =	swait.ge [sflag:s9], $0x1400  }
0x12f: {  	[sflag:s9] =	ssyncset.done $0x0  }
0x130: {  	s3 =	rddreg [dreg:$0x6];
	[sflag:s9] =	ssyncadd.s32 $0xFFFFEC00  }
0x131: {  	[hbm4b:s3+s1] =	stream.linear.scatter [tilespmem:s20], [sflag:$0x8], $0x1400, $0x38;
	[tilespmem:$0x1F220] =	vst v63  }
0x132: {  	_ =	swait.ge [sflag:s26], $0x1400  }
0x133: {  	s5 =	sld [smem:$0x7F6]  }
0x134: {  	[sflag:s26] =	ssyncset.done $0x0  }
0x135: {  	[sflag:s26] =	ssyncadd.s32 $0xFFFFEC00  }
0x136: {  	[tilespmem:s20], [sflag:$0x3] =	stream.linear.gather [spmem:s5], $0x1400, $0x38;
	[tilespmem:$0x1F220] =	vst v63  }
0x137: {  	_ =	swait.ge [sflag:s24], $0x1400  }
0x138: {  	[sflag:s24] =	ssyncset.done $0x0  }
0x139: {  	s6 =	rddreg [dreg:$0x7];
	[sflag:s24] =	ssyncadd.s32 $0xFFFFEC00  }
0x13a: {  	[hbm4b:s6+s1] =	stream.linear.scatter [tilespmem:s21], [sflag:$0x9], $0x1400, $0x38;
	[tilespmem:$0x1F220] =	vst v63  }
0x13b: {  	_ =	swait.ge [sflag:s28], $0x1400  }
0x13c: {  	s7 =	sld [smem:$0x7F7]  }
0x13d: {  	[sflag:s28] =	ssyncset.done $0x0  }
0x13e: {  	[sflag:s28] =	ssyncadd.s32 $0xFFFFEC00  }
0x13f: {  	[tilespmem:s21], [sflag:$0x4] =	stream.linear.gather [spmem:s7], $0x1400, $0x38;
	[tilespmem:$0x1F220] =	vst v63  }
0x140: {  	_ =	swait.ge [sflag:s25], $0x1400  }
0x141: {  	[sflag:s25] =	ssyncset.done $0x0  }
0x142: {  	s8 =	rddreg [dreg:$0x8];
	[sflag:s25] =	ssyncadd.s32 $0xFFFFEC00  }
0x143: {  	[hbm4b:s8+s1] =	stream.linear.scatter [tilespmem:s22], [sflag:$0xA], $0x1400, $0x38;
	[tilespmem:$0x1F220] =	vst v63  }
0x144: {  	_ =	swait.ge [sflag:s29], $0x1400  }
0x145: {  	s11 =	sld [smem:$0x7F8]  }
0x146: {  	[sflag:s29] =	ssyncset.done $0x0  }
0x147: {  	[sflag:s29] =	ssyncadd.s32 $0xFFFFEC00  }
0x148: {  	[tilespmem:s22], [sflag:$0x5] =	stream.linear.gather [spmem:s11], $0x1400, $0x38;
	[tilespmem:$0x1F220] =	vst v63  }
0x149: {  	_ =	swait.ge [sflag:s23], $0x1400  }
0x14a: {  	[sflag:s23] =	ssyncset.done $0x0  }
0x14b: {  	s3 =	rddreg [dreg:$0x9];
	[sflag:s23] =	ssyncadd.s32 $0xFFFFEC00  }
0x14c: {  	[hbm4b:s3+s1] =	stream.linear.scatter [tilespmem:s12], [sflag:$0x6], $0x1400, $0x38;
	[tilespmem:$0x1F220] =	vst v63  }
0x14d: {  	_ =	swait.ge [sflag:s13], $0x1400  }
0x14e: {  	s5 =	sld [smem:$0x7F9]  }
0x14f: {  	[sflag:s13] =	ssyncset.done $0x0  }
0x150: {  	[sflag:s13] =	ssyncadd.s32 $0xFFFFEC00  }
0x151: {  	[tilespmem:s12], [sflag:$0x1] =	stream.linear.gather [spmem:s5], $0x1400, $0x38;
	[tilespmem:$0x1F220] =	vst v63  }
0x152: {  	_ =	swait.ge [sflag:s10], $0x1400  }
0x153: {  	[sflag:s10] =	ssyncset.done $0x0  }
0x154: {  	s6 =	rddreg [dreg:$0xa];
	[sflag:s10] =	ssyncadd.s32 $0xFFFFEC00  }
0x155: {  	[hbm4b:s6+s1] =	stream.linear.scatter [tilespmem:s18], [sflag:$0x7], $0x1400, $0x38;
	[tilespmem:$0x1F220] =	vst v63  }
0x156: {  	_ =	swait.ge [sflag:s14], $0x1400  }
0x157: {  	[sflag:s14] =	ssyncset.done $0x0  }
0x158: {  	s31 =	rddreg [dreg:$0x1a];
	[sflag:s14] =	ssyncadd.s32 $0xFFFFEC00  }
0x159: {  	[tilespmem:s18], [sflag:$0x2] =	stream.linear.gather [spmem:s31], $0x1400, $0x38;
	[tilespmem:$0x1F220] =	vst v63  }
0x15a: {  	_ =	swait.ge [sflag:s9], $0x1400  }
0x15b: {  	[sflag:s9] =	ssyncset.done $0x0  }
0x15c: {  	s7 =	rddreg [dreg:$0xb];
	[sflag:s9] =	ssyncadd.s32 $0xFFFFEC00  }
0x15d: {  	[hbm4b:s7+s1] =	stream.linear.scatter [tilespmem:s20], [sflag:$0x8], $0x1400, $0x38;
	[tilespmem:$0x1F220] =	vst v63  }
0x15e: {  	_ =	swait.ge [sflag:s26], $0x1400  }
0x15f: {  	[sflag:s26] =	ssyncset.done $0x0  }
0x160: {  	s3 =	rddreg [dreg:$0x1d];
	[sflag:s26] =	ssyncadd.s32 $0xFFFFEC00  }
0x161: {  	[tilespmem:s20], [sflag:$0x3] =	stream.linear.gather [spmem:s3], $0x1400, $0x38;
	[tilespmem:$0x1F220] =	vst v63  }
0x162: {  	_ =	swait.ge [sflag:s24], $0x1400  }
0x163: {  	[sflag:s24] =	ssyncset.done $0x0  }
0x164: {  	s8 =	rddreg [dreg:$0xc];
	[sflag:s24] =	ssyncadd.s32 $0xFFFFEC00  }
0x165: {  	[hbm4b:s8+s1] =	stream.linear.scatter [tilespmem:s21], [sflag:$0x9], $0x1400, $0x38;
	[tilespmem:$0x1F220] =	vst v63  }
0x166: {  	_ =	swait.ge [sflag:s28], $0x1400  }
0x167: {  	[sflag:s28] =	ssyncset.done $0x0  }
0x168: {  	s8 =	rddreg [dreg:$0x1f];
	[sflag:s28] =	ssyncadd.s32 $0xFFFFEC00  }
0x169: {  	[tilespmem:s21], [sflag:$0x4] =	stream.linear.gather [spmem:s8], $0x1400, $0x38;
	[tilespmem:$0x1F220] =	vst v63  }
0x16a: {  	_ =	swait.ge [sflag:s25], $0x1400  }
0x16b: {  	[sflag:s25] =	ssyncset.done $0x0  }
0x16c: {  	s11 =	rddreg [dreg:$0xd];
	[sflag:s25] =	ssyncadd.s32 $0xFFFFEC00  }
0x16d: {  	[hbm4b:s11+s1] =	stream.linear.scatter [tilespmem:s22], [sflag:$0xA], $0x1400, $0x38;
	[tilespmem:$0x1F220] =	vst v63  }
0x16e: {  	_ =	swait.ge [sflag:s29], $0x1400  }
0x16f: {  	s6 =	sld [smem:$0x7FB]  }
0x170: {  	[sflag:s29] =	ssyncset.done $0x0  }
0x171: {  	[sflag:s29] =	ssyncadd.s32 $0xFFFFEC00  }
0x172: {  	[tilespmem:s22], [sflag:$0x5] =	stream.linear.gather [spmem:s6], $0x1400, $0x38;
	[tilespmem:$0x1F220] =	vst v63  }
0x173: {  	_ =	swait.ge [sflag:s23], $0x1400  }
0x174: {  	[sflag:s23] =	ssyncset.done $0x0  }
0x175: {  	s5 =	rddreg [dreg:$0xe];
	[sflag:s23] =	ssyncadd.s32 $0xFFFFEC00  }
0x176: {  	[hbm4b:s5+s1] =	stream.linear.scatter [tilespmem:s12], [sflag:$0x6], $0x1400, $0x38;
	[tilespmem:$0x1F220] =	vst v63  }
0x177: {  	_ =	swait.ge [sflag:s13], $0x1400  }
0x178: {  	s11 =	sld [smem:$0x7FC]  }
0x179: {  	[sflag:s13] =	ssyncset.done $0x0  }
0x17a: {  	[sflag:s13] =	ssyncadd.s32 $0xFFFFEC00  }
0x17b: {  	[tilespmem:s12], [sflag:$0x1] =	stream.linear.gather [spmem:s11], $0x1400, $0x38;
	[tilespmem:$0x1F220] =	vst v63  }
0x17c: {  	_ =	swait.ge [sflag:s10], $0x1400  }
0x17d: {  	[sflag:s10] =	ssyncset.done $0x0  }
0x17e: {  	s7 =	rddreg [dreg:$0xf];
	[sflag:s10] =	ssyncadd.s32 $0xFFFFEC00  }
0x17f: {  	[hbm4b:s7+s1] =	stream.linear.scatter [tilespmem:s18], [sflag:$0x7], $0x1400, $0x38;
	[tilespmem:$0x1F220] =	vst v63  }
0x180: {  	_ =	swait.ge [sflag:s9], $0x1400  }
0x181: {  	[sflag:s9] =	ssyncset.done $0x0  }
0x182: {  	s5 =	rddreg [dreg:$0x10];
	[sflag:s9] =	ssyncadd.s32 $0xFFFFEC00  }
0x183: {  	[hbm4b:s5+s1] =	stream.linear.scatter [tilespmem:s20], [sflag:$0x8], $0x1400, $0x38;
	[tilespmem:$0x1F220] =	vst v63  }
0x184: {  	_ =	swait.ge [sflag:s24], $0x1400  }
0x185: {  	[sflag:s24] =	ssyncset.done $0x0  }
0x186: {  	s7 =	rddreg [dreg:$0x11];
	[sflag:s24] =	ssyncadd.s32 $0xFFFFEC00  }
0x187: {  	[hbm4b:s7+s1] =	stream.linear.scatter [tilespmem:s21], [sflag:$0x9], $0x1400, $0x38;
	[tilespmem:$0x1F220] =	vst v63  }
0x188: {  	_ =	swait.ge [sflag:s25], $0x1400  }
0x189: {  	[sflag:s25] =	ssyncset.done $0x0  }
0x18a: {  	s5 =	rddreg [dreg:$0x12];
	[sflag:s25] =	ssyncadd.s32 $0xFFFFEC00  }
0x18b: {  	[hbm4b:s5+s1] =	stream.linear.scatter [tilespmem:s22], [sflag:$0xA], $0x1400, $0x38;
	[tilespmem:$0x1F220] =	vst v63  }
0x18c: {  	_ =	swait.ge [sflag:s23], $0x1400  }
0x18d: {  	[sflag:s23] =	ssyncset.done $0x0  }
0x18e: {  	s7 =	rddreg [dreg:$0x13];
	[sflag:s23] =	ssyncadd.s32 $0xFFFFEC00  }
0x18f: {  	[hbm4b:s7+s1] =	stream.linear.scatter [tilespmem:s12], [sflag:$0x6], $0x1400, $0x38;
	[tilespmem:$0x1F220] =	vst v63  }
0x190: {  	_ =	swait.ge [sflag:s14], $0x1400  }
0x191: {  	[sflag:s14] =	ssyncset.done $0x0  }
0x192: {  	[sflag:s14] =	ssyncadd.s32 $0xFFFFEC00  }
0x193: {  	_ =	swait.ge [sflag:s26], $0x1400  }
0x194: {  	[sflag:s26] =	ssyncset.done $0x0  }
0x195: {  	[sflag:s26] =	ssyncadd.s32 $0xFFFFEC00  }
0x196: {  	_ =	swait.ge [sflag:s28], $0x1400  }
0x197: {  	[sflag:s28] =	ssyncset.done $0x0  }
0x198: {  	[sflag:s28] =	ssyncadd.s32 $0xFFFFEC00  }
0x199: {  	_ =	swait.ge [sflag:s29], $0x1400  }
0x19a: {  	[sflag:s29] =	ssyncset.done $0x0  }
0x19b: {  	[sflag:s29] =	ssyncadd.s32 $0xFFFFEC00  }
0x19c: {  	_ =	swait.ge [sflag:s13], $0x1400  }
0x19d: {  	s7 =	sld [smem:$0x7F5]  }
0x19e: {  	s5 =	sld [smem:$0x7FA];
	_ =	sdelay $0x1  }
0x19f: {  	s7 =	sadd.s32 $0x1, s7  }
0x1a0: {  	p0 =	sne.s32 s7, s5  }
.Ltmp1:
0x1a1: {  	_ = 	snop;
	(pc) =	sbr.rel @p0 .LBB2_1-.Ltmp1, $3  }
0x1a2: {  	_ =	sdelay $0x1  }
0x1a3: {  	[sflag:s13] =	ssyncset.done $0x0  }
0x1a4: {  	[sflag:s13] =	ssyncadd.s32 $0xFFFFEC00  }
0x1a5: {  	_ =	sfence.sel $0x180000  }
0x1a6: {  	[bflag:$0x0] =	sbarrier.arrive $0xFFFF  }
0x1a7: {  	_ =	strace $0x9000004A  }
0x1a8: {  	s0 =	stileid.u32;
	[bflag:$0x2] =	sbarrier.arrive $0xFFFF  }
0x1a9: {  	p0 =	sne.s32 s0, $0x0;
	s0 =	rddreg [dreg:$0x3]  }
0x1aa: {  	s0 =	sadd.s32 @!p0 $0x100000, s0  }
0x1ab: {  	[sflag:s0] =	ssyncadd.tile.s32 @!p0 $0x1;
	_ =	shalt  }
.Lfunc_end2:
_tile_overlayer_lowered:
.L_overlay_start_2:
0x1ac: {  	(tag) =	ssettag $0x2  }
0x1ad: {  	s0 =	rddreg [dreg:$0x0];
	s2 =	stileid.u32  }
0x1ae: {  	s1 =	rddreg [dreg:$0x1];
	p0 =	sne.s32 s2, $0x0  }
0x1af: {  	s3 =	rddreg [dreg:$0x2];
	[bflag:$0x3] =	sbarrier.arrive $0xFFFF;
	s2 =	simm.s32 @!p0 $0x1C0B  }
0x1b0: {  	[timem:s3], [sflag:s2] =	dma.local @!p0 [hbm:s0], s1  }
0x1b1: {  	s0 =	simm.s32 @!p0 $0xB  }
0x1b2: {  	_ =	swait.ge @!p0 [sflag:s0], s1  }
0x1b3: {  	s1 =	ssub.s32 @!p0 $0x0, s1;
	[sflag:s0] =	ssyncset.done @!p0 $0x0  }
0x1b4: {  	[sflag:s0] =	ssyncadd.s32 @!p0 s1  }
0x1b5: {  	[bflag:$0x3] =	sbarrier.arrive $0xFFFF  }
0x1b6: {  	_ =	shalt  }

// kernel: kernel.14.cloned.1.call-start
scs
__scs_entry_jumppad:
0x0: {  	(pc) =	sbr.rel $0x88, $3  }
0x1: {  	(tag) =	ssettag $0x0;
	lr =	simm.s32 $0x1  }
0x2: {  	[smem:$0x3F8F] =	sst lr;
	_ =	strace $0xD0000000  }
0x3: {  	_ = 	snop  }
0x4: {  	_ = 	snop  }
0x5: {  	_ = 	snop  }
0x6: {  	_ = 	snop  }
0x7: {  	_ = 	snop  }
__scs_overlays_trampoline_lowered:
0x8: {  	[smem:$0x3F9E] =	sst s0  }
0x9: {  	[smem:$0x3F9F] =	sst s1  }
0xa: {  	[smem:$0x3FA0] =	sst s2  }
0xb: {  	[smem:$0x3FA1] =	sst s3  }
0xc: {  	[smem:$0x3FA2] =	sst s4  }
0xd: {  	[smem:$0x3FA3] =	sst s5  }
0xe: {  	[smem:$0x3FA4] =	sst s6  }
0xf: {  	[smem:$0x3FA5] =	sst s7  }
0x10: {  	[smem:$0x3FA6] =	sst s8  }
0x11: {  	[smem:$0x3FA7] =	sst s9;
	s0 =	simm.s32 @!p0 $0x0  }
0x12: {  	s1 =	sld [smem:$0x3F8D];
	s0 =	simm.s32 @p0 $0x1  }
0x13: {  	[smem:$0x3FA8] =	sst s0;
	s0 =	simm.s32 @!p1 $0x0  }
0x14: {  	s2 =	sld [smem:$0x3F8C];
	s0 =	simm.s32 @p1 $0x1  }
0x15: {  	[smem:$0x3FA9] =	sst s0;
	s0 =	simm.s32 @!p2 $0x0  }
0x16: {  	s3 =	sld [smem:$0x3FDB];
	s0 =	simm.s32 @p2 $0x1  }
0x17: {  	s4 =	simm.s32 $0x1BF5;
	[smem:$0x3FAB] =	sst s0  }
0x18: {  	s0 =	sld [smem:$0x3F8E];
	_ =	swait.ge [sflag:s4], $0x0  }
0x19: {  	s7 =	sld [smem:$0x3F8F]  }
0x1a: {  	s8 =	sadd.s32 $0xFFFFE003, lr  }
0x1b: {  	s9 =	sadd.s32 $0xFFFFFEF7, lr;
	s5 =	simm.s32 $0xFFFFFFFF;
	p2 =	slt.u32 s8, $0xFFFFF086  }
0x1c: {  	p1 =	slt.u32 s9, $0xF7A;
	s5 =	simm.s32 @!p2 $0x0  }
0x1d: {  	s5 =	simm.s32 @p1 $0x1;
	p0 =	seq.s32 s7, s2  }
0x1e: {  	s7 =	smul.u32 @!p0 $0xF7A, s2;
	p2 =	seq.s32 @!p0 s5, $0x0  }
0x1f: {  	s9 =	smul.u32 $0xF7A, s1;
	s8 =	simm.s32 @!p0 $0x1BF5;
	p2 =	por !p2, p0  }
0x20: {  	[sflag:s8] =	ssyncset.s32 @!p0 $0xFFFFF086;
	s6 =	sadd.s32 @!p0 s3, s7;
	s7 =	simm.s32 @!p0 $0x108  }
0x21: {  	s3 =	sadd.s32 s3, s9;
	s6 =	sadd.s32 @!p0 $0x88, s6;
	s7 =	simm.s32 @p2 $0x1082  }
0x22: {  	[simem:s7], [sflag:s8] =	dma.local @!p0 [hbm:s6], $0xF7A  }
0x23: {  	s9 =	sor.u32 $0xD0000000, s2;
	s6 =	simm.s32 $0x108;
	_ =	swait.ge @!p0 [sflag:s8], $0x0  }
0x24: {  	s3 =	sadd.s32 $0x88, s3;
	s6 =	simm.s32 @!p1 $0x1082;
	[sflag:s4] =	ssyncset.s32 $0xFFFFF086  }
0x25: {  	[simem:s6], [sflag:s4] =	dma.local [hbm:s3], $0xF7A  }
0x26: {  	[smem:$0x3F8F] =	sst s1;
	(tag) =	ssettag s2;
	_ =	strace s9  }
0x27: {  	s1 =	sld [smem:$0x3F9F]  }
0x28: {  	s2 =	sld [smem:$0x3FA0]  }
0x29: {  	s4 =	sld [smem:$0x3FA2]  }
0x2a: {  	p0 =	seq.s32 s5, $0x0;
	s5 =	sld [smem:$0x3FA3]  }
0x2b: {  	s6 =	sld [smem:$0x3FA4]  }
0x2c: {  	s7 =	sld [smem:$0x3FA5]  }
0x2d: {  	s3 =	simm.s32 $0x108;
	s8 =	sld [smem:$0x3FA6]  }
0x2e: {  	s3 =	simm.s32 @!p0 $0x1082;
	s9 =	sld [smem:$0x3FA7]  }
0x2f: {  	lr =	sadd.s32 s0, s3;
	s0 =	sld [smem:$0x3F9E]  }
0x30: {  	s3 =	sld [smem:$0x3FA1]  }
0x31: {  	[smem:$0x3FAA] =	sst s10  }
0x32: {  	s10 =	sld [smem:$0x3FA8];
	_ =	sdelay $0x3  }
0x33: {  	p0 =	seq.s32 s10, $0x1;
	s10 =	sld [smem:$0x3FAA];
	_ =	sdelay $0x3  }
0x34: {  	[smem:$0x3FAA] =	sst s10  }
0x35: {  	s10 =	sld [smem:$0x3FA9];
	_ =	sdelay $0x3  }
0x36: {  	p1 =	seq.s32 s10, $0x1;
	s10 =	sld [smem:$0x3FAA];
	_ =	sdelay $0x3  }
0x37: {  	[smem:$0x3FAA] =	sst s10  }
0x38: {  	s10 =	sld [smem:$0x3FAB]  }
0x39: {  	_ = 	snop;
	(pc) =	sbr.ind lr, $3  }
0x3a: {  	_ = 	snop  }
0x3b: {  	_ = 	snop  }
0x3c: {  	p2 =	seq.s32 s10, $0x1;
	s10 =	sld [smem:$0x3FAA]  }
0x3d: {  	_ =	shalt  }
0x3e: {  	_ =	shalt  }
0x3f: {  	_ =	shalt  }
0x40: {  	_ =	shalt  }
0x41: {  	_ =	shalt  }
0x42: {  	_ =	shalt  }
0x43: {  	_ =	shalt  }
0x44: {  	_ =	shalt  }
0x45: {  	_ =	shalt  }
0x46: {  	_ =	shalt  }
0x47: {  	_ =	shalt  }
0x48: {  	_ =	shalt  }
0x49: {  	_ =	shalt  }
0x4a: {  	_ =	shalt  }
0x4b: {  	_ =	shalt  }
0x4c: {  	_ =	shalt  }
0x4d: {  	_ =	shalt  }
0x4e: {  	_ =	shalt  }
0x4f: {  	_ =	shalt  }
0x50: {  	_ =	shalt  }
0x51: {  	_ =	shalt  }
0x52: {  	_ =	shalt  }
0x53: {  	_ =	shalt  }
0x54: {  	_ =	shalt  }
0x55: {  	_ =	shalt  }
0x56: {  	_ =	shalt  }
0x57: {  	_ =	shalt  }
0x58: {  	_ =	shalt  }
0x59: {  	_ =	shalt  }
0x5a: {  	_ =	shalt  }
0x5b: {  	_ =	shalt  }
0x5c: {  	_ =	shalt  }
0x5d: {  	_ =	shalt  }
0x5e: {  	_ =	shalt  }
0x5f: {  	_ =	shalt  }
0x60: {  	_ =	shalt  }
0x61: {  	_ =	shalt  }
0x62: {  	_ =	shalt  }
0x63: {  	_ =	shalt  }
0x64: {  	_ =	shalt  }
0x65: {  	_ =	shalt  }
0x66: {  	_ =	shalt  }
0x67: {  	_ =	shalt  }
0x68: {  	_ =	shalt  }
0x69: {  	_ =	shalt  }
0x6a: {  	_ =	shalt  }
0x6b: {  	_ =	shalt  }
0x6c: {  	_ =	shalt  }
0x6d: {  	_ =	shalt  }
0x6e: {  	_ =	shalt  }
0x6f: {  	_ =	shalt  }
0x70: {  	_ =	shalt  }
0x71: {  	_ =	shalt  }
0x72: {  	_ =	shalt  }
0x73: {  	_ =	shalt  }
0x74: {  	_ =	shalt  }
0x75: {  	_ =	shalt  }
0x76: {  	_ =	shalt  }
0x77: {  	_ =	shalt  }
0x78: {  	_ =	shalt  }
0x79: {  	_ =	shalt  }
0x7a: {  	_ =	shalt  }
0x7b: {  	_ =	shalt  }
0x7c: {  	_ =	shalt  }
0x7d: {  	_ =	shalt  }
0x7e: {  	_ =	shalt  }
0x7f: {  	_ =	shalt  }
0x80: {  	_ =	shalt  }
0x81: {  	_ =	shalt  }
0x82: {  	_ =	shalt  }
0x83: {  	_ =	shalt  }
0x84: {  	_ =	shalt  }
0x85: {  	_ =	shalt  }
0x86: {  	_ =	shalt  }
0x87: {  	_ =	shalt  }
.Lfunc_end0:
.L_simem_size_0:
called_computation.2_lowered:
.L_overlay_start_0:
0x88: {  	s2 =	sld [smem:$0x3FD9]  }
0x89: {  	s3 =	sld [smem:$0x3FFE];
	_ =	sdelay $0x1  }
0x8a: {  	s1 =	srdreg.scid  }
0x8b: {  	s0 =	sand.u32 $0x1, s1  }
0x8c: {  	s14 =	sshll.u32 s0, $0xA;
	s2 =	sadd.s32 s3, s2  }
0x8d: {  	s2 =	sadd.s32 s2, s14  }
0x8e: {  	[smem:$0x3FB6] =	sst s2  }
0x8f: {  	_ = 	snop  }
0x90: {  	s2 =	sld [smem:$0x3FD0];
	_ =	sdelay $0x2  }
0x91: {  	s15 =	simm.s32 $0xA;
	s4 =	simm.s32 $0x10  }
0x92: {  	[smem:s4], [sflag:s15] =	dma.local [hbm:s2], $0x1  }
0x93: {  	_ =	swait.eq [sflag:s15], $0x1  }
0x94: {  	[sflag:s15] =	ssyncset.done $0x0  }
0x95: {  	[sflag:s15] =	ssyncadd.s32 $0xFFFFFFFF  }
0x96: {  	s16 =	sld [smem:$0x10];
	(tm) =	ssettm $0x1  }
0x97: {  	s17 =	sld [smem:$0x3FFB];
	_ =	sdelay $0x3  }
0x98: {  	_ =	strace s17  }
0x99: {  	s3 =	sld [smem:$0x3FFC];
	_ =	sdelay $0x3  }
0x9a: {  	_ =	strace s3  }
0x9b: {  	s3 =	sld [smem:$0x3FFD];
	_ =	sdelay $0x3  }
0x9c: {  	_ =	strace s3  }
0x9d: {  	_ =	strace $0x8FFFFFFF  }
0x9e: {  	s18 =	sld [smem:$0x3FDB];
	_ =	sdelay $0x1  }
0x9f: {  	s19 =	simm.s32 $_scs_section_size  }
0xa0: {  	s5 =	simm.s32 $_size__tile_overlayer_lowered;
	s6 =	simm.s32 $_tile_overlayer_lowered  }
0xa1: {  	s22 =	simm.s32 $0x1BFF;
	s21 =	sshll.u32 s6, $0x1;
	s3 =	sadd.s32 s19, s18  }
0xa2: {  	s7 =	simm.s32 $0x0;
	s20 =	sshll.u32 s5, $0x1;
	s5 =	sadd.s32 s21, s3  }
0xa3: {  	[timem:s7], [sflag:s22] =	dma.local [hbm:s5], s20  }
0xa4: {  	_ =	swait.ge [sflag:s22], s20  }
0xa5: {  	s4 =	ssub.s32 $0x0, s20;
	[sflag:s22] =	ssyncset.done $0x0  }
0xa6: {  	[sflag:s22] =	ssyncadd.s32 s4;
	_ =	sdelay $0x1  }
0xa7: {  	s23 =	simm.s32 $0x1B8B  }
0xa8: {  	_ =	swait.ge [sflag:s23], $0x1  }
0xa9: {  	[sflag:s23] =	ssyncset.done $0x0  }
0xaa: {  	s25 =	simm.s32 $0x1B8E;
	s24 =	sld [smem:$0x3FFE];
	[sflag:s23] =	ssyncadd.s32 $0xFFFFFFFF  }
0xab: {  	s26 =	simm.s32 $execute0_lowered;
	[smem:$0x3FD2] =	sst s25  }
0xac: {  	s5 =	sshll.u32 s26, $0x1;
	_ =	strace $0x8000004C;
	[dreg:$0x1] =	wrdreg $0xFFFFFFFF  }
0xad: {  	s28 =	simm.s32 $_size_execute0_lowered;
	s3 =	sadd.s32 s3, s5;
	[dreg:$0x0] =	wrdreg $0x0  }
0xae: {  	s5 =	sshll.u32 s28, $0x1;
	[dreg:$0x2] =	wrdreg s3  }
0xaf: {  	[dreg:$0x3] =	wrdreg s5  }
0xb0: {  	[dreg:$0x4] =	wrdreg $0xC0  }
0xb1: {  	_ =	task [dreg:s7], $0x5FFFF  }
0xb2: {  	[dreg:$0x1] =	wrdreg $0xFFFFFFFF  }
0xb3: {  	[dreg:$0x0] =	wrdreg $0x60  }
0xb4: {  	[dreg:$0x2] =	wrdreg s16  }
0xb5: {  	[dreg:$0x3] =	wrdreg s24  }
0xb6: {  	[dreg:$0x4] =	wrdreg $0x0  }
0xb7: {  	[dreg:$0x5] =	wrdreg $0x9  }
0xb8: {  	_ =	task.clear_ibuf [dreg:s7], $0x6FFFF;
	_ =	strace $0x9000004C  }
0xb9: {  	s29 =	simm.s32 $0x9;
	_ =	strace $0x8000004E  }
0xba: {  	_ =	swait.ge [sflag:s29], $0x1  }
0xbb: {  	[sflag:s29] =	ssyncadd.s32 $0xFFFFFFFF  }
0xbc: {  	_ =	strace $0x9000004E  }
0xbd: {  	_ =	sfence  }
0xbe: {  	s30 =	sld [smem:$0x0];
	_ =	sdelay $0x2  }
0xbf: {  	s31 =	sshll.u32 s1, $0xD;
	s1 =	sshrl.u32 s1, $0x2  }
0xc0: {  	s3 =	sand.u32 $0x4000, s31;
	s1 =	sadd.s32 s1, s30  }
0xc1: {  	s0 =	sor.u32 s3, s0;
	s1 =	sshll.u32 s1, $0x11  }
0xc2: {  	s0 =	sor.u32 s1, s0  }
0xc3: {  	s0 =	sadd.s32 $0x8F2B, s0  }
0xc4: {  	[sflag:s0] =	ssyncadd.remote.s32 $0x1  }
0xc5: {  	_ =	sfence.sel $0xFFFF  }
0xc6: {  	[dreg:$0x0] =	wrdreg $0xFFFFFFFF;
	(pc) =	sbr.abs _section_cstart, $3  }
0xc7: {  	[dreg:$0x1] =	wrdreg $0xFFFFFFFF  }
0xc8: {  	_ =	task.clear_ibuf [dreg:s7], $0x2FFFF;
	_ =	strace $0x9FFFFFFF  }
0xc9: {  	(tm) =	ssettm $0x7FFFFFFF  }
tec
execute0_lowered:
.L_overlay_start_1:
0x0: {  	(tag) =	ssettag $0x1  }
0x1: {  	s2 =	srdreg.scid;
	s0 =	rddreg [dreg:$0x1];
	s1 =	simm.s32 $0x0  }
0x2: {  	s5 =	stileid.u32;
	s7 =	sand.u32 $0x1, s2;
	[smem:$0x7FF] =	sst s1  }
0x3: {  	s2 =	sshll.u32 s7, $0x4;
	s4 =	ssub.s32 $0x2, s7;
	s15 =	smul.u32 $0x140000, s7  }
0x4: {  	s3 =	sor.u32 s5, s2;
	s2 =	smul.u32 $0x14000, s5;
	s17 =	sshrl.u32 s4, $0x1  }
0x5: {  	s14 =	sadd.s32 $0x18200, s0;
	s13 =	smul.u32 $0x2710, s3;
	s9 =	ssub.s32 s4, s17  }
0x6: {  	s3 =	sor.u32 $0x1400, s2;
	s24 =	sor.u32 $0x2800, s2;
	s5 =	sor.u32 $0x3C00, s2  }
0x7: {  	s6 =	sadd.s32 $0x5000, s2;
	s25 =	sadd.s32 $0x6400, s2;
	s8 =	sadd.s32 $0x7800, s2  }
0x8: {  	s10 =	sadd.s32 $0x8C00, s2;
	s11 =	sadd.s32 $0xA000, s2;
	s16 =	sadd.s32 s2, s15  }
0x9: {  	s12 =	sadd.s32 $0xB400, s2;
	s17 =	sadd.s32 s15, s3;
	s16 =	sshrl.u32 s16, $0x3  }
0xa: {  	s19 =	sadd.s32 s15, s24;
	s20 =	sadd.s32 s15, s5;
	s26 =	sadd.s32 s15, s25  }
0xb: {  	s4 =	sadd.s32 s15, s8;
	s7 =	sadd.s32 s15, s10;
	s16 =	sadd.s32 s14, s16  }
0xc: {  	s17 =	sshrl.u32 s17, $0x3;
	s21 =	sshrl.u32 s20, $0x3;
	[dreg:$0x4] =	wrdreg s16  }
0xd: {  	s18 =	sadd.s32 s14, s17;
	s16 =	sshrl.u32 s19, $0x3;
	s17 =	sshrl.u32 s4, $0x3  }
0xe: {  	s19 =	sshrl.u32 s7, $0x3;
	[dreg:$0x5] =	wrdreg s18;
	s16 =	sadd.s32 s14, s16  }
0xf: {  	s18 =	sadd.s32 s15, s6;
	s20 =	sadd.s32 s14, s19;
	[dreg:$0x6] =	wrdreg s16  }
0x10: {  	s22 =	sshrl.u32 s18, $0x3;
	s16 =	sadd.s32 s14, s21;
	[dreg:$0xb] =	wrdreg s20  }
0x11: {  	s21 =	sadd.s32 s15, s11;
	s18 =	sadd.s32 $0xC800, s2;
	s20 =	sadd.s32 $0xDC00, s2  }
0x12: {  	[dreg:$0x7] =	wrdreg s16;
	s23 =	sadd.s32 s14, s22;
	s16 =	sshrl.u32 s26, $0x3  }
0x13: {  	s22 =	sadd.s32 s15, s12;
	[dreg:$0x8] =	wrdreg s23;
	s16 =	sadd.s32 s14, s16  }
0x14: {  	s26 =	sadd.s32 s15, s18;
	[dreg:$0x9] =	wrdreg s16;
	s16 =	sadd.s32 s14, s17  }
0x15: {  	s7 =	sadd.s32 s15, s20;
	[dreg:$0xa] =	wrdreg s16;
	s16 =	sshrl.u32 s21, $0x3  }
0x16: {  	s23 =	sshrl.u32 s22, $0x3;
	s4 =	sshrl.u32 s26, $0x3;
	s16 =	sadd.s32 s14, s16  }
0x17: {  	s17 =	sshrl.u32 s7, $0x3;
	[dreg:$0xc] =	wrdreg s16;
	s16 =	sadd.s32 s14, s23  }
0x18: {  	s21 =	sadd.s32 $0x10400, s2;
	[dreg:$0xd] =	wrdreg s16;
	s16 =	sadd.s32 s14, s4  }
0x19: {  	s22 =	sadd.s32 s15, s21;
	[dreg:$0xe] =	wrdreg s16;
	s16 =	sadd.s32 $0xF000, s2  }
0x1a: {  	s23 =	sshrl.u32 s22, $0x3;
	s22 =	sadd.s32 $0x11800, s2;
	s19 =	sadd.s32 s15, s16  }
0x1b: {  	s17 =	sadd.s32 s14, s17;
	s26 =	sadd.s32 s15, s22;
	s19 =	sshrl.u32 s19, $0x3  }
0x1c: {  	[dreg:$0xf] =	wrdreg s17;
	s4 =	sshrl.u32 s26, $0x3;
	s17 =	sadd.s32 s14, s19  }
0x1d: {  	s19 =	sadd.s32 s14, s4;
	[dreg:$0x10] =	wrdreg s17  }
0x1e: {  	s17 =	sadd.s32 s14, s23;
	s23 =	sadd.s32 $0x12C00, s2;
	[dreg:$0x12] =	wrdreg s19  }
0x1f: {  	s19 =	rddreg [dreg:$0x2];
	s15 =	sadd.s32 s15, s23  }
0x20: {  	[dreg:$0x11] =	wrdreg s17;
	s15 =	sshrl.u32 s15, $0x3  }
0x21: {  	s13 =	sshrl.u32 s13, $0x3;
	s17 =	rddreg [dreg:$0x0];
	s14 =	sadd.s32 s14, s15  }
0x22: {  	s13 =	sadd.s32 s13, s0;
	s0 =	sadd.s32 $0x17E00, s0;
	[dreg:$0x13] =	wrdreg s14  }
0x23: {  	s7 =	sadd.s32 $0x4400, s13;
	_ =	strace $0x8000004D;
	[dreg:$0x14] =	wrdreg s0  }
0x24: {  	s14 =	sadd.s32 $0xE040, s13;
	[dreg:$0x15] =	wrdreg s7  }
0x25: {  	s26 =	sadd.s32 s3, s19;
	s15 =	sadd.s32 s2, s19;
	[dreg:$0x16] =	wrdreg s14  }
0x26: {  	s30 =	sadd.s32 s24, s19;
	s13 =	sadd.s32 s8, s19;
	[dreg:$0x18] =	wrdreg s15  }
0x27: {  	s24 =	sadd.s32 s12, s19;
	s3 =	sadd.s32 s16, s19;
	[dreg:$0x1e] =	wrdreg s13  }
0x28: {  	s16 =	smov.u32 s26;
	s26 =	smax.u32 s9, $0x1;
	[smem:$0x7F8] =	sst s24  }
0x29: {  	s28 =	simm.s32 $0x9;
	[smem:$0x7FA] =	sst s26  }
0x2a: {  	s29 =	simm.s32 $0xA;
	s4 =	sadd.s32 s5, s19;
	[dreg:$0x17] =	wrdreg s16  }
0x2b: {  	s31 =	sadd.s32 s20, s19;
	s12 =	simm.s32 $0x18E20;
	[dreg:$0x19] =	wrdreg s4  }
0x2c: {  	s20 =	simm.s32 $0x1B620;
	s9 =	simm.s32 $0x3;
	[dreg:$0x1a] =	wrdreg s31  }
0x2d: {  	s2 =	sadd.s32 s6, s19;
	s6 =	sadd.s32 s22, s19;
	[dreg:$0x1b] =	wrdreg s30  }
0x2e: {  	s22 =	simm.s32 $0x1DE20;
	s8 =	sadd.s32 s21, s19;
	[dreg:$0x1d] =	wrdreg s3  }
0x2f: {  	s21 =	simm.s32 $0x1CA20;
	s7 =	sadd.s32 s25, s19;
	[dreg:$0x1f] =	wrdreg s8  }
0x30: {  	s14 =	sadd.s32 s10, s19;
	s15 =	sadd.s32 s11, s19;
	[smem:$0x7FB] =	sst s6  }
0x31: {  	s25 =	sadd.s32 s18, s19;
	s11 =	sadd.s32 s23, s19;
	[smem:$0x7FD] =	sst s2  }
0x32: {  	s13 =	simm.s32 $0x6;
	s18 =	simm.s32 $0x1A220;
	[dreg:$0x1c] =	wrdreg s7  }
0x33: {  	s23 =	simm.s32 $0x1;
	s10 =	simm.s32 $0x2;
	[smem:$0x7F6] =	sst s14  }
0x34: {  	s24 =	simm.s32 $0x4;
	s26 =	simm.s32 $0x8;
	[smem:$0x7F7] =	sst s15  }
0x35: {  	[smem:$0x7F9] =	sst s25;
	s14 =	simm.s32 $0x7;
	s15 =	simm.s32 $0x28  }
0x36: {  	s25 =	simm.s32 $0x5;
	s7 =	simm.s32 $0x0;
	[smem:$0x7FC] =	sst s11  }
.LBB2_1:
0x37: {  	[smem:$0x7F5] =	sst s7  }
0x38: {  	s0 =	rddreg [dreg:$0x15];
	s5 =	simm.s32 $0x14000;
	s7 =	simm.s32 $0xB  }
0x39: {  	[tilespmem:s5], [sflag:$0xB] =	stream.linear.gather [hbm4b:s0+s1], $0x2710, $0x38;
	[tilespmem:$0x1F220] =	vst v63  }
0x3a: {  	_ =	swait.ge [sflag:s7], $0x2710  }
0x3b: {  	s5 =	smov.u32 s30;
	[sflag:s7] =	ssyncset.done $0x0  }
0x3c: {  	s30 =	simm.s32 $0x16710;
	s0 =	rddreg [dreg:$0x16];
	[sflag:s7] =	ssyncadd.s32 $0xFFFFD8F0  }
0x3d: {  	[tilespmem:s30], [sflag:$0xB] =	stream.linear.gather [hbm4b:s0+s1], $0x2710, $0x38;
	[tilespmem:$0x1F220] =	vst v63  }
0x3e: {  	_ =	swait.ge [sflag:s7], $0x2710  }
0x3f: {  	[sflag:s7] =	ssyncset.done $0x0  }
0x40: {  	s30 =	rddreg [dreg:$0x14];
	[sflag:s7] =	ssyncadd.s32 $0xFFFFD8F0  }
0x41: {  	[tilespmem:s12], [sflag:$0xB] =	stream.linear.gather [hbm4b:s30+s1], $0x1400, $0x38;
	[tilespmem:$0x1F220] =	vst v63  }
0x42: {  	_ =	swait.ge [sflag:s7], $0x1400  }
0x43: {  	[sflag:s7] =	ssyncset.done $0x0  }
0x44: {  	s0 =	rddreg [dreg:$0x18];
	[sflag:s7] =	ssyncadd.s32 $0xFFFFEC00  }
0x45: {  	[spmem:s0] =	stream.linear.scatter [tilespmem:s12], [sflag:$0x6], $0x1400, $0x38;
	[tilespmem:$0x1F220] =	vst v63  }
0x46: {  	_ = 	snop  }
0x47: {  	[spmem:s16] =	stream.linear.scatter [tilespmem:s12], [sflag:$0x7], $0x1400, $0x38;
	[tilespmem:$0x1F220] =	vst v63  }
0x48: {  	_ = 	snop  }
0x49: {  	[spmem:s5] =	stream.linear.scatter [tilespmem:s12], [sflag:$0x6], $0x1400, $0x38;
	[tilespmem:$0x1F220] =	vst v63  }
0x4a: {  	_ = 	snop  }
0x4b: {  	[spmem:s4] =	stream.linear.scatter [tilespmem:s12], [sflag:$0x7], $0x1400, $0x38;
	[tilespmem:$0x1F220] =	vst v63  }
0x4c: {  	s7 =	rddreg [dreg:$0x1e]  }
0x4d: {  	[spmem:s2] =	stream.linear.scatter [tilespmem:s12], [sflag:$0x6], $0x1400, $0x38;
	[tilespmem:$0x1F220] =	vst v63  }
0x4e: {  	s5 =	rddreg [dreg:$0x1c]  }
0x4f: {  	[spmem:s5] =	stream.linear.scatter [tilespmem:s12], [sflag:$0x7], $0x1400, $0x38;
	[tilespmem:$0x1F220] =	vst v63  }
0x50: {  	s16 =	sld [smem:$0x7F6]  }
0x51: {  	[spmem:s7] =	stream.linear.scatter [tilespmem:s12], [sflag:$0x6], $0x1400, $0x38;
	[tilespmem:$0x1F220] =	vst v63  }
0x52: {  	s30 =	sld [smem:$0x7F7]  }
0x53: {  	[spmem:s16] =	stream.linear.scatter [tilespmem:s12], [sflag:$0x7], $0x1400, $0x38;
	[tilespmem:$0x1F220] =	vst v63  }
0x54: {  	s1 =	sld [smem:$0x7F8]  }
0x55: {  	[spmem:s30] =	stream.linear.scatter [tilespmem:s12], [sflag:$0x6], $0x1400, $0x38;
	[tilespmem:$0x1F220] =	vst v63  }
0x56: {  	s2 =	sld [smem:$0x7F9]  }
0x57: {  	[spmem:s1] =	stream.linear.scatter [tilespmem:s12], [sflag:$0x7], $0x1400, $0x38;
	[tilespmem:$0x1F220] =	vst v63  }
0x58: {  	_ = 	snop  }
0x59: {  	[spmem:s2] =	stream.linear.scatter [tilespmem:s12], [sflag:$0x6], $0x1400, $0x38;
	[tilespmem:$0x1F220] =	vst v63  }
0x5a: {  	_ = 	snop  }
0x5b: {  	[spmem:s31] =	stream.linear.scatter [tilespmem:s12], [sflag:$0x7], $0x1400, $0x38;
	[tilespmem:$0x1F220] =	vst v63  }
0x5c: {  	_ = 	snop  }
0x5d: {  	[spmem:s3] =	stream.linear.scatter [tilespmem:s12], [sflag:$0x6], $0x1400, $0x38;
	[tilespmem:$0x1F220] =	vst v63  }
0x5e: {  	_ = 	snop  }
0x5f: {  	[spmem:s8] =	stream.linear.scatter [tilespmem:s12], [sflag:$0x7], $0x1400, $0x38;
	[tilespmem:$0x1F220] =	vst v63  }
0x60: {  	_ = 	snop  }
0x61: {  	[spmem:s6] =	stream.linear.scatter [tilespmem:s12], [sflag:$0x6], $0x1400, $0x38;
	[tilespmem:$0x1F220] =	vst v63  }
0x62: {  	_ = 	snop  }
0x63: {  	[spmem:s11] =	stream.linear.scatter [tilespmem:s12], [sflag:$0x7], $0x1400, $0x38;
	[tilespmem:$0x1F220] =	vst v63  }
0x64: {  	_ =	swait.ge [sflag:s13], $0x1400  }
0x65: {  	[sflag:s13] =	ssyncset.done $0x0  }
0x66: {  	[sflag:s13] =	ssyncadd.s32 $0xFFFFEC00  }
0x67: {  	_ =	swait.ge [sflag:s14], $0x1400  }
0x68: {  	[sflag:s14] =	ssyncset.done $0x0  }
0x69: {  	[sflag:s14] =	ssyncadd.s32 $0xFFFFEC00  }
0x6a: {  	_ =	swait.ge [sflag:s13], $0x1400  }
0x6b: {  	[sflag:s13] =	ssyncset.done $0x0  }
0x6c: {  	[sflag:s13] =	ssyncadd.s32 $0xFFFFEC00  }
0x6d: {  	_ =	swait.ge [sflag:s14], $0x1400  }
0x6e: {  	[sflag:s14] =	ssyncset.done $0x0  }
0x6f: {  	[sflag:s14] =	ssyncadd.s32 $0xFFFFEC00  }
0x70: {  	_ =	swait.ge [sflag:s13], $0x1400  }
0x71: {  	[sflag:s13] =	ssyncset.done $0x0  }
0x72: {  	[sflag:s13] =	ssyncadd.s32 $0xFFFFEC00  }
0x73: {  	_ =	swait.ge [sflag:s14], $0x1400  }
0x74: {  	[sflag:s14] =	ssyncset.done $0x0  }
0x75: {  	[sflag:s14] =	ssyncadd.s32 $0xFFFFEC00  }
0x76: {  	_ =	swait.ge [sflag:s13], $0x1400  }
0x77: {  	[sflag:s13] =	ssyncset.done $0x0  }
0x78: {  	[sflag:s13] =	ssyncadd.s32 $0xFFFFEC00  }
0x79: {  	_ =	swait.ge [sflag:s14], $0x1400  }
0x7a: {  	[sflag:s14] =	ssyncset.done $0x0  }
0x7b: {  	[sflag:s14] =	ssyncadd.s32 $0xFFFFEC00  }
0x7c: {  	_ =	swait.ge [sflag:s13], $0x1400  }
0x7d: {  	[sflag:s13] =	ssyncset.done $0x0  }
0x7e: {  	[sflag:s13] =	ssyncadd.s32 $0xFFFFEC00  }
0x7f: {  	_ =	swait.ge [sflag:s14], $0x1400  }
0x80: {  	[sflag:s14] =	ssyncset.done $0x0  }
0x81: {  	[sflag:s14] =	ssyncadd.s32 $0xFFFFEC00  }
0x82: {  	_ =	swait.ge [sflag:s13], $0x1400  }
0x83: {  	[sflag:s13] =	ssyncset.done $0x0  }
0x84: {  	[sflag:s13] =	ssyncadd.s32 $0xFFFFEC00  }
0x85: {  	_ =	swait.ge [sflag:s14], $0x1400  }
0x86: {  	[sflag:s14] =	ssyncset.done $0x0  }
0x87: {  	[sflag:s14] =	ssyncadd.s32 $0xFFFFEC00  }
0x88: {  	_ =	swait.ge [sflag:s13], $0x1400  }
0x89: {  	[sflag:s13] =	ssyncset.done $0x0  }
0x8a: {  	[sflag:s13] =	ssyncadd.s32 $0xFFFFEC00  }
0x8b: {  	_ =	swait.ge [sflag:s14], $0x1400  }
0x8c: {  	[sflag:s14] =	ssyncset.done $0x0  }
0x8d: {  	[sflag:s14] =	ssyncadd.s32 $0xFFFFEC00  }
0x8e: {  	_ =	swait.ge [sflag:s13], $0x1400  }
0x8f: {  	[sflag:s13] =	ssyncset.done $0x0  }
0x90: {  	[sflag:s13] =	ssyncadd.s32 $0xFFFFEC00  }
0x91: {  	_ =	swait.ge [sflag:s14], $0x1400  }
0x92: {  	[sflag:s14] =	ssyncset.done $0x0  }
0x93: {  	[sflag:s14] =	ssyncadd.s32 $0xFFFFEC00  }
0x94: {  	s8 =	simm.s32 $0x14000;
	[bflag:$0x0] =	sbarrier.arrive $0xFFFF  }
0x95: {  	[tilespmem:s12], [sflag:$0x1] =	stream.indirect.gather [hbm4b:s17+s15], $0x80, s8, s15, $0xb8;
	[tilespmem:$0x1F220] =	vst v63  }
0x96: {  	s11 =	simm.s32 $0x14028  }
0x97: {  	[tilespmem:s18], [sflag:$0x2] =	stream.indirect.gather [hbm4b:s17+s15], $0x80, s11, s15, $0xb8;
	[tilespmem:$0x1F220] =	vst v63  }
0x98: {  	s16 =	simm.s32 $0x14050  }
0x99: {  	[tilespmem:s20], [sflag:$0x3] =	stream.indirect.gather [hbm4b:s17+s15], $0x80, s16, s15, $0xb8;
	[tilespmem:$0x1F220] =	vst v63  }
0x9a: {  	s30 =	simm.s32 $0x14078  }
0x9b: {  	[tilespmem:s21], [sflag:$0x4] =	stream.indirect.gather [hbm4b:s17+s15], $0x80, s30, s15, $0xb8;
	[tilespmem:$0x1F220] =	vst v63  }
0x9c: {  	s1 =	simm.s32 $0x140A0  }
0x9d: {  	[tilespmem:s22], [sflag:$0x5] =	stream.indirect.gather [hbm4b:s17+s15], $0x80, s1, s15, $0xb8;
	[tilespmem:$0x1F220] =	vst v63  }
0x9e: {  	_ =	swait.ge [sflag:s23], $0x1400  }
0x9f: {  	[sflag:s23] =	ssyncset.done $0x0  }
0xa0: {  	s2 =	simm.s32 $0x16710;
	[sflag:s23] =	ssyncadd.s32 $0xFFFFEC00  }
0xa1: {  	[spmem:s19] =	stream.indirect.scatter.add.f32 [tilespmem:s12], [sflag:$0x6], $0x80, s2, s15, $0xb8;
	[tilespmem:$0x1F220] =	vst v63  }
0xa2: {  	_ =	swait.ge [sflag:s10], $0x1400  }
0xa3: {  	[sflag:s10] =	ssyncset.done $0x0  }
0xa4: {  	s3 =	simm.s32 $0x16738;
	[sflag:s10] =	ssyncadd.s32 $0xFFFFEC00  }
0xa5: {  	[spmem:s19] =	stream.indirect.scatter.add.f32 [tilespmem:s18], [sflag:$0x7], $0x80, s3, s15, $0xb8;
	[tilespmem:$0x1F220] =	vst v63  }
0xa6: {  	_ =	swait.ge [sflag:s9], $0x1400  }
0xa7: {  	[sflag:s9] =	ssyncset.done $0x0  }
0xa8: {  	s4 =	simm.s32 $0x16760;
	[sflag:s9] =	ssyncadd.s32 $0xFFFFEC00  }
0xa9: {  	[spmem:s19] =	stream.indirect.scatter.add.f32 [tilespmem:s20], [sflag:$0x8], $0x80, s4, s15, $0xb8;
	[tilespmem:$0x1F220] =	vst v63  }
0xaa: {  	_ =	swait.ge [sflag:s24], $0x1400  }
0xab: {  	[sflag:s24] =	ssyncset.done $0x0  }
0xac: {  	s5 =	simm.s32 $0x16788;
	[sflag:s24] =	ssyncadd.s32 $0xFFFFEC00  }
0xad: {  	[spmem:s19] =	stream.indirect.scatter.add.f32 [tilespmem:s21], [sflag:$0x9], $0x80, s5, s15, $0xb8;
	[tilespmem:$0x1F220] =	vst v63  }
0xae: {  	_ =	swait.ge [sflag:s25], $0x1400  }
0xaf: {  	[sflag:s25] =	ssyncset.done $0x0  }
0xb0: {  	s6 =	simm.s32 $0x167B0;
	[sflag:s25] =	ssyncadd.s32 $0xFFFFEC00  }
0xb1: {  	[spmem:s19] =	stream.indirect.scatter.add.f32 [tilespmem:s22], [sflag:$0xA], $0x80, s6, s15, $0xb8;
	[tilespmem:$0x1F220] =	vst v63  }
0xb2: {  	_ =	swait.ge [sflag:s13], $0x1400  }
0xb3: {  	[sflag:s13] =	ssyncset.done $0x0  }
0xb4: {  	s7 =	simm.s32 $0x140C8;
	[sflag:s13] =	ssyncadd.s32 $0xFFFFEC00  }
0xb5: {  	[tilespmem:s12], [sflag:$0x1] =	stream.indirect.gather [hbm4b:s17+s15], $0x80, s7, s15, $0xb8;
	[tilespmem:$0x1F220] =	vst v63  }
0xb6: {  	_ =	swait.ge [sflag:s14], $0x1400  }
0xb7: {  	[sflag:s14] =	ssyncset.done $0x0  }
0xb8: {  	s8 =	simm.s32 $0x140F0;
	[sflag:s14] =	ssyncadd.s32 $0xFFFFEC00  }
0xb9: {  	[tilespmem:s18], [sflag:$0x2] =	stream.indirect.gather [hbm4b:s17+s15], $0x80, s8, s15, $0xb8;
	[tilespmem:$0x1F220] =	vst v63  }
0xba: {  	_ =	swait.ge [sflag:s26], $0x1400  }
0xbb: {  	[sflag:s26] =	ssyncset.done $0x0  }
0xbc: {  	s11 =	simm.s32 $0x14118;
	[sflag:s26] =	ssyncadd.s32 $0xFFFFEC00  }
0xbd: {  	[tilespmem:s20], [sflag:$0x3] =	stream.indirect.gather [hbm4b:s17+s15], $0x80, s11, s15, $0xb8;
	[tilespmem:$0x1F220] =	vst v63  }
0xbe: {  	_ =	swait.ge [sflag:s28], $0x1400  }
0xbf: {  	[sflag:s28] =	ssyncset.done $0x0  }
0xc0: {  	s30 =	simm.s32 $0x14140;
	[sflag:s28] =	ssyncadd.s32 $0xFFFFEC00  }
0xc1: {  	[tilespmem:s21], [sflag:$0x4] =	stream.indirect.gather [hbm4b:s17+s15], $0x80, s30, s15, $0xb8;
	[tilespmem:$0x1F220] =	vst v63  }
0xc2: {  	_ =	swait.ge [sflag:s29], $0x1400  }
0xc3: {  	[sflag:s29] =	ssyncset.done $0x0  }
0xc4: {  	s31 =	simm.s32 $0x320;
	s16 =	simm.s32 $0x14168;
	[sflag:s29] =	ssyncadd.s32 $0xFFFFEC00  }
.LBB2_2:
0xc5: {  	[tilespmem:s22], [sflag:$0x5] =	stream.indirect.gather [hbm4b:s17+s15], $0x80, s16, s15, $0xb8;
	[tilespmem:$0x1F220] =	vst v63  }
0xc6: {  	s16 =	smov.u32 s31  }
0xc7: {  	p0 =	sne.s32 s31, $0x9600;
	s31 =	sadd.s32 $0x320, s31;
	_ =	swait.ge [sflag:s23], $0x1400  }
0xc8: {  	s16 =	sshra.s32 s16, $0x2;
	[sflag:s23] =	ssyncset.done $0x0  }
0xc9: {  	s0 =	sadd.s32 $0x16710, s16;
	[sflag:s23] =	ssyncadd.s32 $0xFFFFEC00  }
0xca: {  	[spmem:s19] =	stream.indirect.scatter.add.f32 [tilespmem:s12], [sflag:$0x6], $0x80, s0, s15, $0xb8;
	[tilespmem:$0x1F220] =	vst v63  }
0xcb: {  	_ =	swait.ge [sflag:s10], $0x1400  }
0xcc: {  	[sflag:s10] =	ssyncset.done $0x0  }
0xcd: {  	s0 =	sadd.s32 $0x16738, s16;
	[sflag:s10] =	ssyncadd.s32 $0xFFFFEC00  }
0xce: {  	[spmem:s19] =	stream.indirect.scatter.add.f32 [tilespmem:s18], [sflag:$0x7], $0x80, s0, s15, $0xb8;
	[tilespmem:$0x1F220] =	vst v63  }
0xcf: {  	_ =	swait.ge [sflag:s9], $0x1400  }
0xd0: {  	[sflag:s9] =	ssyncset.done $0x0  }
0xd1: {  	s0 =	sadd.s32 $0x16760, s16;
	[sflag:s9] =	ssyncadd.s32 $0xFFFFEC00  }
0xd2: {  	[spmem:s19] =	stream.indirect.scatter.add.f32 [tilespmem:s20], [sflag:$0x8], $0x80, s0, s15, $0xb8;
	[tilespmem:$0x1F220] =	vst v63  }
0xd3: {  	_ =	swait.ge [sflag:s24], $0x1400  }
0xd4: {  	[sflag:s24] =	ssyncset.done $0x0  }
0xd5: {  	s0 =	sadd.s32 $0x16788, s16;
	[sflag:s24] =	ssyncadd.s32 $0xFFFFEC00  }
0xd6: {  	[spmem:s19] =	stream.indirect.scatter.add.f32 [tilespmem:s21], [sflag:$0x9], $0x80, s0, s15, $0xb8;
	[tilespmem:$0x1F220] =	vst v63  }
0xd7: {  	_ =	swait.ge [sflag:s25], $0x1400  }
0xd8: {  	[sflag:s25] =	ssyncset.done $0x0  }
0xd9: {  	s0 =	sadd.s32 $0x167B0, s16;
	[sflag:s25] =	ssyncadd.s32 $0xFFFFEC00  }
0xda: {  	[spmem:s19] =	stream.indirect.scatter.add.f32 [tilespmem:s22], [sflag:$0xA], $0x80, s0, s15, $0xb8;
	[tilespmem:$0x1F220] =	vst v63  }
0xdb: {  	_ =	swait.ge [sflag:s13], $0x1400  }
0xdc: {  	[sflag:s13] =	ssyncset.done $0x0  }
0xdd: {  	s0 =	sadd.s32 $0x140C8, s16;
	[sflag:s13] =	ssyncadd.s32 $0xFFFFEC00  }
0xde: {  	[tilespmem:s12], [sflag:$0x1] =	stream.indirect.gather [hbm4b:s17+s15], $0x80, s0, s15, $0xb8;
	[tilespmem:$0x1F220] =	vst v63  }
0xdf: {  	_ =	swait.ge [sflag:s14], $0x1400  }
0xe0: {  	[sflag:s14] =	ssyncset.done $0x0  }
0xe1: {  	s0 =	sadd.s32 $0x140F0, s16;
	[sflag:s14] =	ssyncadd.s32 $0xFFFFEC00  }
0xe2: {  	[tilespmem:s18], [sflag:$0x2] =	stream.indirect.gather [hbm4b:s17+s15], $0x80, s0, s15, $0xb8;
	[tilespmem:$0x1F220] =	vst v63  }
0xe3: {  	_ =	swait.ge [sflag:s26], $0x1400  }
0xe4: {  	[sflag:s26] =	ssyncset.done $0x0  }
0xe5: {  	s0 =	sadd.s32 $0x14118, s16;
	[sflag:s26] =	ssyncadd.s32 $0xFFFFEC00  }
0xe6: {  	[tilespmem:s20], [sflag:$0x3] =	stream.indirect.gather [hbm4b:s17+s15], $0x80, s0, s15, $0xb8;
	[tilespmem:$0x1F220] =	vst v63  }
0xe7: {  	_ =	swait.ge [sflag:s28], $0x1400  }
0xe8: {  	[sflag:s28] =	ssyncset.done $0x0  }
.Ltmp0:
0xe9: {  	s0 =	sadd.s32 $0x14140, s16;
	[sflag:s28] =	ssyncadd.s32 $0xFFFFEC00;
	(pc) =	sbr.rel @p0 .LBB2_2-.Ltmp0, $4  }
0xea: {  	[tilespmem:s21], [sflag:$0x4] =	stream.indirect.gather [hbm4b:s17+s15], $0x80, s0, s15, $0xb8;
	[tilespmem:$0x1F220] =	vst v63  }
0xeb: {  	_ =	swait.ge [sflag:s29], $0x1400  }
0xec: {  	[sflag:s29] =	ssyncset.done $0x0  }
0xed: {  	s16 =	sadd.s32 $0x14168, s16;
	[sflag:s29] =	ssyncadd.s32 $0xFFFFEC00  }
0xee: {  	[tilespmem:s22], [sflag:$0x5] =	stream.indirect.gather [hbm4b:s17+s15], $0x80, s16, s15, $0xb8;
	[tilespmem:$0x1F220] =	vst v63  }
0xef: {  	_ =	swait.ge [sflag:s23], $0x1400  }
0xf0: {  	[sflag:s23] =	ssyncset.done $0x0  }
0xf1: {  	s0 =	simm.s32 $0x18D58;
	[sflag:s23] =	ssyncadd.s32 $0xFFFFEC00  }
0xf2: {  	[spmem:s19] =	stream.indirect.scatter.add.f32 [tilespmem:s12], [sflag:$0x6], $0x80, s0, s15, $0xb8;
	[tilespmem:$0x1F220] =	vst v63  }
0xf3: {  	_ =	swait.ge [sflag:s10], $0x1400  }
0xf4: {  	[sflag:s10] =	ssyncset.done $0x0  }
0xf5: {  	s1 =	simm.s32 $0x18D80;
	[sflag:s10] =	ssyncadd.s32 $0xFFFFEC00  }
0xf6: {  	[spmem:s19] =	stream.indirect.scatter.add.f32 [tilespmem:s18], [sflag:$0x7], $0x80, s1, s15, $0xb8;
	[tilespmem:$0x1F220] =	vst v63  }
0xf7: {  	_ =	swait.ge [sflag:s9], $0x1400  }
0xf8: {  	[sflag:s9] =	ssyncset.done $0x0  }
0xf9: {  	s2 =	simm.s32 $0x18DA8;
	[sflag:s9] =	ssyncadd.s32 $0xFFFFEC00  }
0xfa: {  	[spmem:s19] =	stream.indirect.scatter.add.f32 [tilespmem:s20], [sflag:$0x8], $0x80, s2, s15, $0xb8;
	[tilespmem:$0x1F220] =	vst v63  }
0xfb: {  	_ =	swait.ge [sflag:s24], $0x1400  }
0xfc: {  	[sflag:s24] =	ssyncset.done $0x0  }
0xfd: {  	s3 =	simm.s32 $0x18DD0;
	[sflag:s24] =	ssyncadd.s32 $0xFFFFEC00  }
0xfe: {  	[spmem:s19] =	stream.indirect.scatter.add.f32 [tilespmem:s21], [sflag:$0x9], $0x80, s3, s15, $0xb8;
	[tilespmem:$0x1F220] =	vst v63  }
0xff: {  	_ =	swait.ge [sflag:s25], $0x1400  }
0x100: {  	[sflag:s25] =	ssyncset.done $0x0  }
0x101: {  	s4 =	simm.s32 $0x18DF8;
	[sflag:s25] =	ssyncadd.s32 $0xFFFFEC00  }
0x102: {  	[spmem:s19] =	stream.indirect.scatter.add.f32 [tilespmem:s22], [sflag:$0xA], $0x80, s4, s15, $0xb8;
	[tilespmem:$0x1F220] =	vst v63  }
0x103: {  	_ =	swait.ge [sflag:s13], $0x1400  }
0x104: {  	[sflag:s13] =	ssyncset.done $0x0  }
0x105: {  	[sflag:s13] =	ssyncadd.s32 $0xFFFFEC00  }
0x106: {  	_ =	swait.ge [sflag:s14], $0x1400  }
0x107: {  	[sflag:s14] =	ssyncset.done $0x0  }
0x108: {  	[sflag:s14] =	ssyncadd.s32 $0xFFFFEC00  }
0x109: {  	_ =	swait.ge [sflag:s26], $0x1400  }
0x10a: {  	[sflag:s26] =	ssyncset.done $0x0  }
0x10b: {  	[sflag:s26] =	ssyncadd.s32 $0xFFFFEC00  }
0x10c: {  	_ =	swait.ge [sflag:s28], $0x1400  }
0x10d: {  	[sflag:s28] =	ssyncset.done $0x0  }
0x10e: {  	[sflag:s28] =	ssyncadd.s32 $0xFFFFEC00  }
0x10f: {  	_ =	swait.ge [sflag:s29], $0x1400  }
0x110: {  	[sflag:s29] =	ssyncset.done $0x0  }
0x111: {  	[sflag:s29] =	ssyncadd.s32 $0xFFFFEC00  }
0x112: {  	[bflag:$0x0] =	sbarrier.arrive $0xFFFF  }
0x113: {  	s5 =	rddreg [dreg:$0x18]  }
0x114: {  	s16 =	rddreg [dreg:$0x17]  }
0x115: {  	[tilespmem:s12], [sflag:$0x1] =	stream.linear.gather [spmem:s5], $0x1400, $0x38;
	[tilespmem:$0x1F220] =	vst v63  }
0x116: {  	s30 =	rddreg [dreg:$0x1b]  }
0x117: {  	[tilespmem:s18], [sflag:$0x2] =	stream.linear.gather [spmem:s16], $0x1400, $0x38;
	[tilespmem:$0x1F220] =	vst v63  }
0x118: {  	s4 =	rddreg [dreg:$0x19]  }
0x119: {  	[tilespmem:s20], [sflag:$0x3] =	stream.linear.gather [spmem:s30], $0x1400, $0x38;
	[tilespmem:$0x1F220] =	vst v63  }
0x11a: {  	s2 =	sld [smem:$0x7FD]  }
0x11b: {  	[tilespmem:s21], [sflag:$0x4] =	stream.linear.gather [spmem:s4], $0x1400, $0x38;
	[tilespmem:$0x1F220] =	vst v63  }
0x11c: {  	_ = 	snop  }
0x11d: {  	[tilespmem:s22], [sflag:$0x5] =	stream.linear.gather [spmem:s2], $0x1400, $0x38;
	[tilespmem:$0x1F220] =	vst v63  }
0x11e: {  	_ =	swait.ge [sflag:s23], $0x1400  }
0x11f: {  	[sflag:s23] =	ssyncset.done $0x0  }
0x120: {  	s1 =	simm.s32 $0x0;
	s6 =	rddreg [dreg:$0x4];
	[sflag:s23] =	ssyncadd.s32 $0xFFFFEC00  }
0x121: {  	[hbm4b:s6+s1] =	stream.linear.scatter [tilespmem:s12], [sflag:$0x6], $0x1400, $0x38;
	[tilespmem:$0x1F220] =	vst v63  }
0x122: {  	_ =	swait.ge [sflag:s13], $0x1400  }
0x123: {  	[sflag:s13] =	ssyncset.done $0x0  }
0x124: {  	s7 =	rddreg [dreg:$0x1c];
	[sflag:s13] =	ssyncadd.s32 $0xFFFFEC00  }
0x125: {  	[tilespmem:s12], [sflag:$0x1] =	stream.linear.gather [spmem:s7], $0x1400, $0x38;
	[tilespmem:$0x1F220] =	vst v63  }
0x126: {  	_ =	swait.ge [sflag:s10], $0x1400  }
0x127: {  	[sflag:s10] =	ssyncset.done $0x0  }
0x128: {  	s8 =	rddreg [dreg:$0x5];
	[sflag:s10] =	ssyncadd.s32 $0xFFFFEC00  }
0x129: {  	[hbm4b:s8+s1] =	stream.linear.scatter [tilespmem:s18], [sflag:$0x7], $0x1400, $0x38;
	[tilespmem:$0x1F220] =	vst v63  }
0x12a: {  	_ =	swait.ge [sflag:s14], $0x1400  }
0x12b: {  	[sflag:s14] =	ssyncset.done $0x0  }
0x12c: {  	s11 =	rddreg [dreg:$0x1e];
	[sflag:s14] =	ssyncadd.s32 $0xFFFFEC00  }
0x12d: {  	[tilespmem:s18], [sflag:$0x2] =	stream.linear.gather [spmem:s11], $0x1400, $0x38;
	[tilespmem:$0x1F220] =	vst v63  }
0x12e: {  	_ =	swait.ge [sflag:s9], $0x1400  }
0x12f: {  	[sflag:s9] =	ssyncset.done $0x0  }
0x130: {  	s3 =	rddreg [dreg:$0x6];
	[sflag:s9] =	ssyncadd.s32 $0xFFFFEC00  }
0x131: {  	[hbm4b:s3+s1] =	stream.linear.scatter [tilespmem:s20], [sflag:$0x8], $0x1400, $0x38;
	[tilespmem:$0x1F220] =	vst v63  }
0x132: {  	_ =	swait.ge [sflag:s26], $0x1400  }
0x133: {  	s5 =	sld [smem:$0x7F6]  }
0x134: {  	[sflag:s26] =	ssyncset.done $0x0  }
0x135: {  	[sflag:s26] =	ssyncadd.s32 $0xFFFFEC00  }
0x136: {  	[tilespmem:s20], [sflag:$0x3] =	stream.linear.gather [spmem:s5], $0x1400, $0x38;
	[tilespmem:$0x1F220] =	vst v63  }
0x137: {  	_ =	swait.ge [sflag:s24], $0x1400  }
0x138: {  	[sflag:s24] =	ssyncset.done $0x0  }
0x139: {  	s6 =	rddreg [dreg:$0x7];
	[sflag:s24] =	ssyncadd.s32 $0xFFFFEC00  }
0x13a: {  	[hbm4b:s6+s1] =	stream.linear.scatter [tilespmem:s21], [sflag:$0x9], $0x1400, $0x38;
	[tilespmem:$0x1F220] =	vst v63  }
0x13b: {  	_ =	swait.ge [sflag:s28], $0x1400  }
0x13c: {  	s7 =	sld [smem:$0x7F7]  }
0x13d: {  	[sflag:s28] =	ssyncset.done $0x0  }
0x13e: {  	[sflag:s28] =	ssyncadd.s32 $0xFFFFEC00  }
0x13f: {  	[tilespmem:s21], [sflag:$0x4] =	stream.linear.gather [spmem:s7], $0x1400, $0x38;
	[tilespmem:$0x1F220] =	vst v63  }
0x140: {  	_ =	swait.ge [sflag:s25], $0x1400  }
0x141: {  	[sflag:s25] =	ssyncset.done $0x0  }
0x142: {  	s8 =	rddreg [dreg:$0x8];
	[sflag:s25] =	ssyncadd.s32 $0xFFFFEC00  }
0x143: {  	[hbm4b:s8+s1] =	stream.linear.scatter [tilespmem:s22], [sflag:$0xA], $0x1400, $0x38;
	[tilespmem:$0x1F220] =	vst v63  }
0x144: {  	_ =	swait.ge [sflag:s29], $0x1400  }
0x145: {  	s11 =	sld [smem:$0x7F8]  }
0x146: {  	[sflag:s29] =	ssyncset.done $0x0  }
0x147: {  	[sflag:s29] =	ssyncadd.s32 $0xFFFFEC00  }
0x148: {  	[tilespmem:s22], [sflag:$0x5] =	stream.linear.gather [spmem:s11], $0x1400, $0x38;
	[tilespmem:$0x1F220] =	vst v63  }
0x149: {  	_ =	swait.ge [sflag:s23], $0x1400  }
0x14a: {  	[sflag:s23] =	ssyncset.done $0x0  }
0x14b: {  	s3 =	rddreg [dreg:$0x9];
	[sflag:s23] =	ssyncadd.s32 $0xFFFFEC00  }
0x14c: {  	[hbm4b:s3+s1] =	stream.linear.scatter [tilespmem:s12], [sflag:$0x6], $0x1400, $0x38;
	[tilespmem:$0x1F220] =	vst v63  }
0x14d: {  	_ =	swait.ge [sflag:s13], $0x1400  }
0x14e: {  	s5 =	sld [smem:$0x7F9]  }
0x14f: {  	[sflag:s13] =	ssyncset.done $0x0  }
0x150: {  	[sflag:s13] =	ssyncadd.s32 $0xFFFFEC00  }
0x151: {  	[tilespmem:s12], [sflag:$0x1] =	stream.linear.gather [spmem:s5], $0x1400, $0x38;
	[tilespmem:$0x1F220] =	vst v63  }
0x152: {  	_ =	swait.ge [sflag:s10], $0x1400  }
0x153: {  	[sflag:s10] =	ssyncset.done $0x0  }
0x154: {  	s6 =	rddreg [dreg:$0xa];
	[sflag:s10] =	ssyncadd.s32 $0xFFFFEC00  }
0x155: {  	[hbm4b:s6+s1] =	stream.linear.scatter [tilespmem:s18], [sflag:$0x7], $0x1400, $0x38;
	[tilespmem:$0x1F220] =	vst v63  }
0x156: {  	_ =	swait.ge [sflag:s14], $0x1400  }
0x157: {  	[sflag:s14] =	ssyncset.done $0x0  }
0x158: {  	s31 =	rddreg [dreg:$0x1a];
	[sflag:s14] =	ssyncadd.s32 $0xFFFFEC00  }
0x159: {  	[tilespmem:s18], [sflag:$0x2] =	stream.linear.gather [spmem:s31], $0x1400, $0x38;
	[tilespmem:$0x1F220] =	vst v63  }
0x15a: {  	_ =	swait.ge [sflag:s9], $0x1400  }
0x15b: {  	[sflag:s9] =	ssyncset.done $0x0  }
0x15c: {  	s7 =	rddreg [dreg:$0xb];
	[sflag:s9] =	ssyncadd.s32 $0xFFFFEC00  }
0x15d: {  	[hbm4b:s7+s1] =	stream.linear.scatter [tilespmem:s20], [sflag:$0x8], $0x1400, $0x38;
	[tilespmem:$0x1F220] =	vst v63  }
0x15e: {  	_ =	swait.ge [sflag:s26], $0x1400  }
0x15f: {  	[sflag:s26] =	ssyncset.done $0x0  }
0x160: {  	s3 =	rddreg [dreg:$0x1d];
	[sflag:s26] =	ssyncadd.s32 $0xFFFFEC00  }
0x161: {  	[tilespmem:s20], [sflag:$0x3] =	stream.linear.gather [spmem:s3], $0x1400, $0x38;
	[tilespmem:$0x1F220] =	vst v63  }
0x162: {  	_ =	swait.ge [sflag:s24], $0x1400  }
0x163: {  	[sflag:s24] =	ssyncset.done $0x0  }
0x164: {  	s8 =	rddreg [dreg:$0xc];
	[sflag:s24] =	ssyncadd.s32 $0xFFFFEC00  }
0x165: {  	[hbm4b:s8+s1] =	stream.linear.scatter [tilespmem:s21], [sflag:$0x9], $0x1400, $0x38;
	[tilespmem:$0x1F220] =	vst v63  }
0x166: {  	_ =	swait.ge [sflag:s28], $0x1400  }
0x167: {  	[sflag:s28] =	ssyncset.done $0x0  }
0x168: {  	s8 =	rddreg [dreg:$0x1f];
	[sflag:s28] =	ssyncadd.s32 $0xFFFFEC00  }
0x169: {  	[tilespmem:s21], [sflag:$0x4] =	stream.linear.gather [spmem:s8], $0x1400, $0x38;
	[tilespmem:$0x1F220] =	vst v63  }
0x16a: {  	_ =	swait.ge [sflag:s25], $0x1400  }
0x16b: {  	[sflag:s25] =	ssyncset.done $0x0  }
0x16c: {  	s11 =	rddreg [dreg:$0xd];
	[sflag:s25] =	ssyncadd.s32 $0xFFFFEC00  }
0x16d: {  	[hbm4b:s11+s1] =	stream.linear.scatter [tilespmem:s22], [sflag:$0xA], $0x1400, $0x38;
	[tilespmem:$0x1F220] =	vst v63  }
0x16e: {  	_ =	swait.ge [sflag:s29], $0x1400  }
0x16f: {  	s6 =	sld [smem:$0x7FB]  }
0x170: {  	[sflag:s29] =	ssyncset.done $0x0  }
0x171: {  	[sflag:s29] =	ssyncadd.s32 $0xFFFFEC00  }
0x172: {  	[tilespmem:s22], [sflag:$0x5] =	stream.linear.gather [spmem:s6], $0x1400, $0x38;
	[tilespmem:$0x1F220] =	vst v63  }
0x173: {  	_ =	swait.ge [sflag:s23], $0x1400  }
0x174: {  	[sflag:s23] =	ssyncset.done $0x0  }
0x175: {  	s5 =	rddreg [dreg:$0xe];
	[sflag:s23] =	ssyncadd.s32 $0xFFFFEC00  }
0x176: {  	[hbm4b:s5+s1] =	stream.linear.scatter [tilespmem:s12], [sflag:$0x6], $0x1400, $0x38;
	[tilespmem:$0x1F220] =	vst v63  }
0x177: {  	_ =	swait.ge [sflag:s13], $0x1400  }
0x178: {  	s11 =	sld [smem:$0x7FC]  }
0x179: {  	[sflag:s13] =	ssyncset.done $0x0  }
0x17a: {  	[sflag:s13] =	ssyncadd.s32 $0xFFFFEC00  }
0x17b: {  	[tilespmem:s12], [sflag:$0x1] =	stream.linear.gather [spmem:s11], $0x1400, $0x38;
	[tilespmem:$0x1F220] =	vst v63  }
0x17c: {  	_ =	swait.ge [sflag:s10], $0x1400  }
0x17d: {  	[sflag:s10] =	ssyncset.done $0x0  }
0x17e: {  	s7 =	rddreg [dreg:$0xf];
	[sflag:s10] =	ssyncadd.s32 $0xFFFFEC00  }
0x17f: {  	[hbm4b:s7+s1] =	stream.linear.scatter [tilespmem:s18], [sflag:$0x7], $0x1400, $0x38;
	[tilespmem:$0x1F220] =	vst v63  }
0x180: {  	_ =	swait.ge [sflag:s9], $0x1400  }
0x181: {  	[sflag:s9] =	ssyncset.done $0x0  }
0x182: {  	s5 =	rddreg [dreg:$0x10];
	[sflag:s9] =	ssyncadd.s32 $0xFFFFEC00  }
0x183: {  	[hbm4b:s5+s1] =	stream.linear.scatter [tilespmem:s20], [sflag:$0x8], $0x1400, $0x38;
	[tilespmem:$0x1F220] =	vst v63  }
0x184: {  	_ =	swait.ge [sflag:s24], $0x1400  }
0x185: {  	[sflag:s24] =	ssyncset.done $0x0  }
0x186: {  	s7 =	rddreg [dreg:$0x11];
	[sflag:s24] =	ssyncadd.s32 $0xFFFFEC00  }
0x187: {  	[hbm4b:s7+s1] =	stream.linear.scatter [tilespmem:s21], [sflag:$0x9], $0x1400, $0x38;
	[tilespmem:$0x1F220] =	vst v63  }
0x188: {  	_ =	swait.ge [sflag:s25], $0x1400  }
0x189: {  	[sflag:s25] =	ssyncset.done $0x0  }
0x18a: {  	s5 =	rddreg [dreg:$0x12];
	[sflag:s25] =	ssyncadd.s32 $0xFFFFEC00  }
0x18b: {  	[hbm4b:s5+s1] =	stream.linear.scatter [tilespmem:s22], [sflag:$0xA], $0x1400, $0x38;
	[tilespmem:$0x1F220] =	vst v63  }
0x18c: {  	_ =	swait.ge [sflag:s23], $0x1400  }
0x18d: {  	[sflag:s23] =	ssyncset.done $0x0  }
0x18e: {  	s7 =	rddreg [dreg:$0x13];
	[sflag:s23] =	ssyncadd.s32 $0xFFFFEC00  }
0x18f: {  	[hbm4b:s7+s1] =	stream.linear.scatter [tilespmem:s12], [sflag:$0x6], $0x1400, $0x38;
	[tilespmem:$0x1F220] =	vst v63  }
0x190: {  	_ =	swait.ge [sflag:s14], $0x1400  }
0x191: {  	[sflag:s14] =	ssyncset.done $0x0  }
0x192: {  	[sflag:s14] =	ssyncadd.s32 $0xFFFFEC00  }
0x193: {  	_ =	swait.ge [sflag:s26], $0x1400  }
0x194: {  	[sflag:s26] =	ssyncset.done $0x0  }
0x195: {  	[sflag:s26] =	ssyncadd.s32 $0xFFFFEC00  }
0x196: {  	_ =	swait.ge [sflag:s28], $0x1400  }
0x197: {  	[sflag:s28] =	ssyncset.done $0x0  }
0x198: {  	[sflag:s28] =	ssyncadd.s32 $0xFFFFEC00  }
0x199: {  	_ =	swait.ge [sflag:s29], $0x1400  }
0x19a: {  	[sflag:s29] =	ssyncset.done $0x0  }
0x19b: {  	[sflag:s29] =	ssyncadd.s32 $0xFFFFEC00  }
0x19c: {  	_ =	swait.ge [sflag:s13], $0x1400  }
0x19d: {  	s7 =	sld [smem:$0x7F5]  }
0x19e: {  	s5 =	sld [smem:$0x7FA];
	_ =	sdelay $0x1  }
0x19f: {  	s7 =	sadd.s32 $0x1, s7  }
0x1a0: {  	p0 =	sne.s32 s7, s5  }
.Ltmp1:
0x1a1: {  	_ = 	snop;
	(pc) =	sbr.rel @p0 .LBB2_1-.Ltmp1, $3  }
0x1a2: {  	_ =	sdelay $0x1  }
0x1a3: {  	[sflag:s13] =	ssyncset.done $0x0  }
0x1a4: {  	[sflag:s13] =	ssyncadd.s32 $0xFFFFEC00  }
0x1a5: {  	_ =	sfence.sel $0x180000  }
0x1a6: {  	[bflag:$0x0] =	sbarrier.arrive $0xFFFF  }
0x1a7: {  	_ =	strace $0x9000004D  }
0x1a8: {  	s0 =	stileid.u32;
	[bflag:$0x2] =	sbarrier.arrive $0xFFFF  }
0x1a9: {  	p0 =	sne.s32 s0, $0x0;
	s0 =	rddreg [dreg:$0x3]  }
0x1aa: {  	s0 =	sadd.s32 @!p0 $0x100000, s0  }
0x1ab: {  	[sflag:s0] =	ssyncadd.tile.s32 @!p0 $0x1;
	_ =	shalt  }
.Lfunc_end2:
_tile_overlayer_lowered:
.L_overlay_start_2:
0x1ac: {  	(tag) =	ssettag $0x2  }
0x1ad: {  	s0 =	rddreg [dreg:$0x0];
	s2 =	stileid.u32  }
0x1ae: {  	s1 =	rddreg [dreg:$0x1];
	p0 =	sne.s32 s2, $0x0  }
0x1af: {  	s3 =	rddreg [dreg:$0x2];
	[bflag:$0x3] =	sbarrier.arrive $0xFFFF;
	s2 =	simm.s32 @!p0 $0x1C0B  }
0x1b0: {  	[timem:s3], [sflag:s2] =	dma.local @!p0 [hbm:s0], s1  }
0x1b1: {  	s0 =	simm.s32 @!p0 $0xB  }
0x1b2: {  	_ =	swait.ge @!p0 [sflag:s0], s1  }
0x1b3: {  	s1 =	ssub.s32 @!p0 $0x0, s1;
	[sflag:s0] =	ssyncset.done @!p0 $0x0  }
0x1b4: {  	[sflag:s0] =	ssyncadd.s32 @!p0 s1  }
0x1b5: {  	[bflag:$0x3] =	sbarrier.arrive $0xFFFF  }
0x1b6: {  	_ =	shalt  }

// kernel: kernel.8.cloned.1.call-start
scs
__scs_entry_jumppad:
0x0: {  	(pc) =	sbr.rel $0x88, $3  }
0x1: {  	(tag) =	ssettag $0x0;
	lr =	simm.s32 $0x1  }
0x2: {  	[smem:$0x3F8F] =	sst lr;
	_ =	strace $0xD0000000  }
0x3: {  	_ = 	snop  }
0x4: {  	_ = 	snop  }
0x5: {  	_ = 	snop  }
0x6: {  	_ = 	snop  }
0x7: {  	_ = 	snop  }
__scs_overlays_trampoline_lowered:
0x8: {  	[smem:$0x3F9E] =	sst s0  }
0x9: {  	[smem:$0x3F9F] =	sst s1  }
0xa: {  	[smem:$0x3FA0] =	sst s2  }
0xb: {  	[smem:$0x3FA1] =	sst s3  }
0xc: {  	[smem:$0x3FA2] =	sst s4  }
0xd: {  	[smem:$0x3FA3] =	sst s5  }
0xe: {  	[smem:$0x3FA4] =	sst s6  }
0xf: {  	[smem:$0x3FA5] =	sst s7  }
0x10: {  	[smem:$0x3FA6] =	sst s8  }
0x11: {  	[smem:$0x3FA7] =	sst s9;
	s0 =	simm.s32 @!p0 $0x0  }
0x12: {  	s1 =	sld [smem:$0x3F8D];
	s0 =	simm.s32 @p0 $0x1  }
0x13: {  	[smem:$0x3FA8] =	sst s0;
	s0 =	simm.s32 @!p1 $0x0  }
0x14: {  	s2 =	sld [smem:$0x3F8C];
	s0 =	simm.s32 @p1 $0x1  }
0x15: {  	[smem:$0x3FA9] =	sst s0;
	s0 =	simm.s32 @!p2 $0x0  }
0x16: {  	s3 =	sld [smem:$0x3FDB];
	s0 =	simm.s32 @p2 $0x1  }
0x17: {  	s4 =	simm.s32 $0x1BF5;
	[smem:$0x3FAB] =	sst s0  }
0x18: {  	s0 =	sld [smem:$0x3F8E];
	_ =	swait.ge [sflag:s4], $0x0  }
0x19: {  	s7 =	sld [smem:$0x3F8F]  }
0x1a: {  	s8 =	sadd.s32 $0xFFFFE003, lr  }
0x1b: {  	s9 =	sadd.s32 $0xFFFFFEF7, lr;
	s5 =	simm.s32 $0xFFFFFFFF;
	p2 =	slt.u32 s8, $0xFFFFF086  }
0x1c: {  	p1 =	slt.u32 s9, $0xF7A;
	s5 =	simm.s32 @!p2 $0x0  }
0x1d: {  	s5 =	simm.s32 @p1 $0x1;
	p0 =	seq.s32 s7, s2  }
0x1e: {  	s7 =	smul.u32 @!p0 $0xF7A, s2;
	p2 =	seq.s32 @!p0 s5, $0x0  }
0x1f: {  	s9 =	smul.u32 $0xF7A, s1;
	s8 =	simm.s32 @!p0 $0x1BF5;
	p2 =	por !p2, p0  }
0x20: {  	[sflag:s8] =	ssyncset.s32 @!p0 $0xFFFFF086;
	s6 =	sadd.s32 @!p0 s3, s7;
	s7 =	simm.s32 @!p0 $0x108  }
0x21: {  	s3 =	sadd.s32 s3, s9;
	s6 =	sadd.s32 @!p0 $0x88, s6;
	s7 =	simm.s32 @p2 $0x1082  }
0x22: {  	[simem:s7], [sflag:s8] =	dma.local @!p0 [hbm:s6], $0xF7A  }
0x23: {  	s9 =	sor.u32 $0xD0000000, s2;
	s6 =	simm.s32 $0x108;
	_ =	swait.ge @!p0 [sflag:s8], $0x0  }
0x24: {  	s3 =	sadd.s32 $0x88, s3;
	s6 =	simm.s32 @!p1 $0x1082;
	[sflag:s4] =	ssyncset.s32 $0xFFFFF086  }
0x25: {  	[simem:s6], [sflag:s4] =	dma.local [hbm:s3], $0xF7A  }
0x26: {  	[smem:$0x3F8F] =	sst s1;
	(tag) =	ssettag s2;
	_ =	strace s9  }
0x27: {  	s1 =	sld [smem:$0x3F9F]  }
0x28: {  	s2 =	sld [smem:$0x3FA0]  }
0x29: {  	s4 =	sld [smem:$0x3FA2]  }
0x2a: {  	p0 =	seq.s32 s5, $0x0;
	s5 =	sld [smem:$0x3FA3]  }
0x2b: {  	s6 =	sld [smem:$0x3FA4]  }
0x2c: {  	s7 =	sld [smem:$0x3FA5]  }
0x2d: {  	s3 =	simm.s32 $0x108;
	s8 =	sld [smem:$0x3FA6]  }
0x2e: {  	s3 =	simm.s32 @!p0 $0x1082;
	s9 =	sld [smem:$0x3FA7]  }
0x2f: {  	lr =	sadd.s32 s0, s3;
	s0 =	sld [smem:$0x3F9E]  }
0x30: {  	s3 =	sld [smem:$0x3FA1]  }
0x31: {  	[smem:$0x3FAA] =	sst s10  }
0x32: {  	s10 =	sld [smem:$0x3FA8];
	_ =	sdelay $0x3  }
0x33: {  	p0 =	seq.s32 s10, $0x1;
	s10 =	sld [smem:$0x3FAA];
	_ =	sdelay $0x3  }
0x34: {  	[smem:$0x3FAA] =	sst s10  }
0x35: {  	s10 =	sld [smem:$0x3FA9];
	_ =	sdelay $0x3  }
0x36: {  	p1 =	seq.s32 s10, $0x1;
	s10 =	sld [smem:$0x3FAA];
	_ =	sdelay $0x3  }
0x37: {  	[smem:$0x3FAA] =	sst s10  }
0x38: {  	s10 =	sld [smem:$0x3FAB]  }
0x39: {  	_ = 	snop;
	(pc) =	sbr.ind lr, $3  }
0x3a: {  	_ = 	snop  }
0x3b: {  	_ = 	snop  }
0x3c: {  	p2 =	seq.s32 s10, $0x1;
	s10 =	sld [smem:$0x3FAA]  }
0x3d: {  	_ =	shalt  }
0x3e: {  	_ =	shalt  }
0x3f: {  	_ =	shalt  }
0x40: {  	_ =	shalt  }
0x41: {  	_ =	shalt  }
0x42: {  	_ =	shalt  }
0x43: {  	_ =	shalt  }
0x44: {  	_ =	shalt  }
0x45: {  	_ =	shalt  }
0x46: {  	_ =	shalt  }
0x47: {  	_ =	shalt  }
0x48: {  	_ =	shalt  }
0x49: {  	_ =	shalt  }
0x4a: {  	_ =	shalt  }
0x4b: {  	_ =	shalt  }
0x4c: {  	_ =	shalt  }
0x4d: {  	_ =	shalt  }
0x4e: {  	_ =	shalt  }
0x4f: {  	_ =	shalt  }
0x50: {  	_ =	shalt  }
0x51: {  	_ =	shalt  }
0x52: {  	_ =	shalt  }
0x53: {  	_ =	shalt  }
0x54: {  	_ =	shalt  }
0x55: {  	_ =	shalt  }
0x56: {  	_ =	shalt  }
0x57: {  	_ =	shalt  }
0x58: {  	_ =	shalt  }
0x59: {  	_ =	shalt  }
0x5a: {  	_ =	shalt  }
0x5b: {  	_ =	shalt  }
0x5c: {  	_ =	shalt  }
0x5d: {  	_ =	shalt  }
0x5e: {  	_ =	shalt  }
0x5f: {  	_ =	shalt  }
0x60: {  	_ =	shalt  }
0x61: {  	_ =	shalt  }
0x62: {  	_ =	shalt  }
0x63: {  	_ =	shalt  }
0x64: {  	_ =	shalt  }
0x65: {  	_ =	shalt  }
0x66: {  	_ =	shalt  }
0x67: {  	_ =	shalt  }
0x68: {  	_ =	shalt  }
0x69: {  	_ =	shalt  }
0x6a: {  	_ =	shalt  }
0x6b: {  	_ =	shalt  }
0x6c: {  	_ =	shalt  }
0x6d: {  	_ =	shalt  }
0x6e: {  	_ =	shalt  }
0x6f: {  	_ =	shalt  }
0x70: {  	_ =	shalt  }
0x71: {  	_ =	shalt  }
0x72: {  	_ =	shalt  }
0x73: {  	_ =	shalt  }
0x74: {  	_ =	shalt  }
0x75: {  	_ =	shalt  }
0x76: {  	_ =	shalt  }
0x77: {  	_ =	shalt  }
0x78: {  	_ =	shalt  }
0x79: {  	_ =	shalt  }
0x7a: {  	_ =	shalt  }
0x7b: {  	_ =	shalt  }
0x7c: {  	_ =	shalt  }
0x7d: {  	_ =	shalt  }
0x7e: {  	_ =	shalt  }
0x7f: {  	_ =	shalt  }
0x80: {  	_ =	shalt  }
0x81: {  	_ =	shalt  }
0x82: {  	_ =	shalt  }
0x83: {  	_ =	shalt  }
0x84: {  	_ =	shalt  }
0x85: {  	_ =	shalt  }
0x86: {  	_ =	shalt  }
0x87: {  	_ =	shalt  }
.Lfunc_end0:
.L_simem_size_0:
called_computation_lowered:
.L_overlay_start_0:
0x88: {  	s2 =	sld [smem:$0x3FD9]  }
0x89: {  	s3 =	sld [smem:$0x3FFE];
	_ =	sdelay $0x1  }
0x8a: {  	s1 =	srdreg.scid  }
0x8b: {  	s0 =	sand.u32 $0x1, s1  }
0x8c: {  	s14 =	sshll.u32 s0, $0xA;
	s2 =	sadd.s32 s3, s2  }
0x8d: {  	s2 =	sadd.s32 s2, s14  }
0x8e: {  	[smem:$0x3FB6] =	sst s2  }
0x8f: {  	_ = 	snop  }
0x90: {  	s2 =	sld [smem:$0x3FD0];
	_ =	sdelay $0x2  }
0x91: {  	s15 =	simm.s32 $0xA;
	s4 =	simm.s32 $0x10  }
0x92: {  	[smem:s4], [sflag:s15] =	dma.local [hbm:s2], $0x1  }
0x93: {  	_ =	swait.eq [sflag:s15], $0x1  }
0x94: {  	[sflag:s15] =	ssyncset.done $0x0  }
0x95: {  	[sflag:s15] =	ssyncadd.s32 $0xFFFFFFFF  }
0x96: {  	s16 =	sld [smem:$0x10];
	(tm) =	ssettm $0x1  }
0x97: {  	s17 =	sld [smem:$0x3FFB];
	_ =	sdelay $0x3  }
0x98: {  	_ =	strace s17  }
0x99: {  	s3 =	sld [smem:$0x3FFC];
	_ =	sdelay $0x3  }
0x9a: {  	_ =	strace s3  }
0x9b: {  	s3 =	sld [smem:$0x3FFD];
	_ =	sdelay $0x3  }
0x9c: {  	_ =	strace s3  }
0x9d: {  	_ =	strace $0x8FFFFFFF  }
0x9e: {  	s18 =	sld [smem:$0x3FDB];
	_ =	sdelay $0x1  }
0x9f: {  	s19 =	simm.s32 $_scs_section_size  }
0xa0: {  	s5 =	simm.s32 $_size__tile_overlayer_lowered;
	s6 =	simm.s32 $_tile_overlayer_lowered  }
0xa1: {  	s22 =	simm.s32 $0x1BFF;
	s21 =	sshll.u32 s6, $0x1;
	s3 =	sadd.s32 s19, s18  }
0xa2: {  	s7 =	simm.s32 $0x0;
	s20 =	sshll.u32 s5, $0x1;
	s5 =	sadd.s32 s21, s3  }
0xa3: {  	[timem:s7], [sflag:s22] =	dma.local [hbm:s5], s20  }
0xa4: {  	_ =	swait.ge [sflag:s22], s20  }
0xa5: {  	s4 =	ssub.s32 $0x0, s20;
	[sflag:s22] =	ssyncset.done $0x0  }
0xa6: {  	[sflag:s22] =	ssyncadd.s32 s4;
	_ =	sdelay $0x1  }
0xa7: {  	s23 =	simm.s32 $0x1B8B  }
0xa8: {  	_ =	swait.ge [sflag:s23], $0x1  }
0xa9: {  	[sflag:s23] =	ssyncset.done $0x0  }
0xaa: {  	s25 =	simm.s32 $0x1B8E;
	s24 =	sld [smem:$0x3FFE];
	[sflag:s23] =	ssyncadd.s32 $0xFFFFFFFF  }
0xab: {  	s26 =	simm.s32 $execute0_lowered;
	[smem:$0x3FD2] =	sst s25  }
0xac: {  	s5 =	sshll.u32 s26, $0x1;
	_ =	strace $0x80000046;
	[dreg:$0x1] =	wrdreg $0xFFFFFFFF  }
0xad: {  	s28 =	simm.s32 $_size_execute0_lowered;
	s3 =	sadd.s32 s3, s5;
	[dreg:$0x0] =	wrdreg $0x0  }
0xae: {  	s5 =	sshll.u32 s28, $0x1;
	[dreg:$0x2] =	wrdreg s3  }
0xaf: {  	[dreg:$0x3] =	wrdreg s5  }
0xb0: {  	[dreg:$0x4] =	wrdreg $0xC0  }
0xb1: {  	_ =	task [dreg:s7], $0x5FFFF  }
0xb2: {  	[dreg:$0x1] =	wrdreg $0xFFFFFFFF  }
0xb3: {  	[dreg:$0x0] =	wrdreg $0x60  }
0xb4: {  	[dreg:$0x2] =	wrdreg s24  }
0xb5: {  	[dreg:$0x3] =	wrdreg s16  }
0xb6: {  	[dreg:$0x4] =	wrdreg $0x0  }
0xb7: {  	[dreg:$0x5] =	wrdreg $0x28000  }
0xb8: {  	[dreg:$0x6] =	wrdreg $0x9  }
0xb9: {  	_ =	task.clear_ibuf [dreg:s7], $0x7FFFF;
	_ =	strace $0x90000046  }
0xba: {  	s29 =	simm.s32 $0x9;
	_ =	strace $0x80000048  }
0xbb: {  	_ =	swait.ge [sflag:s29], $0x1  }
0xbc: {  	[sflag:s29] =	ssyncadd.s32 $0xFFFFFFFF  }
0xbd: {  	_ =	strace $0x90000048  }
0xbe: {  	_ =	sfence  }
0xbf: {  	s30 =	sld [smem:$0x0];
	_ =	sdelay $0x2  }
0xc0: {  	s31 =	sshll.u32 s1, $0xD;
	s1 =	sshrl.u32 s1, $0x2  }
0xc1: {  	s3 =	sand.u32 $0x4000, s31;
	s1 =	sadd.s32 s1, s30  }
0xc2: {  	s0 =	sor.u32 s3, s0;
	s1 =	sshll.u32 s1, $0x11  }
0xc3: {  	s0 =	sor.u32 s1, s0  }
0xc4: {  	s0 =	sadd.s32 $0x8F2B, s0  }
0xc5: {  	[sflag:s0] =	ssyncadd.remote.s32 $0x1  }
0xc6: {  	_ =	sfence.sel $0xFFFF  }
0xc7: {  	[dreg:$0x0] =	wrdreg $0xFFFFFFFF;
	(pc) =	sbr.abs _section_cstart, $3  }
0xc8: {  	[dreg:$0x1] =	wrdreg $0xFFFFFFFF  }
0xc9: {  	_ =	task.clear_ibuf [dreg:s7], $0x2FFFF;
	_ =	strace $0x9FFFFFFF  }
0xca: {  	(tm) =	ssettm $0x7FFFFFFF  }
0xcb: {  	_ =	shalt  }
tec
execute0_lowered:
.L_overlay_start_1:
0x0: {  	(tag) =	ssettag $0x1  }
0x1: {  	s0 =	srdreg.scid;
	s1 =	rddreg [dreg:$0x0]  }
0x2: {  	s4 =	stileid.u32;
	s11 =	rddreg [dreg:$0x1]  }
0x3: {  	s14 =	simm.s32 $0xAAA0;
	s15 =	simm.s32 $0x9;
	s16 =	simm.s32 $0x9E20  }
0x4: {  	s19 =	simm.s32 $0xC8;
	s20 =	simm.s32 $0x1;
	s21 =	simm.s32 $0x2  }
0x5: {  	s22 =	simm.s32 $0x3;
	s23 =	simm.s32 $0x4;
	s24 =	simm.s32 $0x5  }
0x6: {  	s25 =	simm.s32 $0x6;
	s0 =	sand.u32 $0x1, s0;
	s8 =	smul.u32 $0x2800, s4  }
0x7: {  	s26 =	simm.s32 $0x7;
	s2 =	sshll.u32 s0, $0x4;
	s6 =	smul.u32 $0x28000, s0  }
0x8: {  	s0 =	ssub.s32 $0x2, s0;
	s3 =	sor.u32 s4, s2;
	s2 =	rddreg [dreg:$0x2]  }
0x9: {  	s4 =	simm.s32 $0x0;
	s5 =	smul.u32 $0x2710, s3;
	s3 =	rddreg [dreg:$0x3]  }
0xa: {  	s28 =	simm.s32 $0x8;
	s7 =	sshrl.u32 s0, $0x1;
	[smem:$0x7FF] =	sst s4  }
0xb: {  	s6 =	sadd.s32 s8, s6;
	s0 =	ssub.s32 s0, s7;
	s7 =	sadd.s32 s8, s2  }
0xc: {  	_ =	strace $0x80000047;
	s12 =	sshrl.u32 s6, $0x3;
	s6 =	sadd.s32 $0x17E00, s1  }
0xd: {  	s8 =	sadd.s32 s8, s3;
	s13 =	smax.u32 s0, $0x1;
	s5 =	sshrl.u32 s5, $0x3  }
0xe: {  	s0 =	simm.s32 $0x0;
	s11 =	sadd.s32 s11, s12;
	s10 =	sadd.s32 s5, s1  }
0xf: {  	s5 =	sadd.s32 $0x18400, s1;
	s1 =	sadd.s32 s12, s1;
	s9 =	sadd.s32 $0x4400, s10  }
0x10: {  	s10 =	sadd.s32 $0xE040, s10;
	s12 =	sadd.s32 $0x18600, s1;
	s1 =	simm.s32 $0x9D58  }
.LBB2_1:
0x11: {  	[tilespmem:s14], [sflag:$0x9] =	stream.linear.gather [hbm4b:s6+s4], $0x2800, $0x38;
	[tilespmem:$0xD2A0] =	vst v63  }
0x12: {  	_ =	swait.ge [sflag:s15], $0x2800  }
0x13: {  	[sflag:s15] =	ssyncset.done $0x0  }
0x14: {  	[sflag:s15] =	ssyncadd.s32 $0xFFFFD800  }
0x15: {  	[spmem:s7] =	stream.linear.scatter [tilespmem:s14], [sflag:$0x9], $0x2800, $0x38;
	[tilespmem:$0xD2A0] =	vst v63  }
0x16: {  	_ =	swait.ge [sflag:s15], $0x2800  }
0x17: {  	[sflag:s15] =	ssyncset.done $0x0  }
0x18: {  	[sflag:s15] =	ssyncadd.s32 $0xFFFFD800  }
0x19: {  	[spmem:s8] =	stream.linear.scatter [tilespmem:s14], [sflag:$0x9], $0x2800, $0x38;
	[tilespmem:$0xD2A0] =	vst v63  }
0x1a: {  	_ =	swait.ge [sflag:s15], $0x2800  }
0x1b: {  	[sflag:s15] =	ssyncset.done $0x0  }
0x1c: {  	[sflag:s15] =	ssyncadd.s32 $0xFFFFD800  }
0x1d: {  	[tilespmem:s16], [sflag:$0x9] =	stream.linear.gather [hbm4b:s5+s4], $0xC80, $0x38;
	[tilespmem:$0xD2A0] =	vst v63  }
0x1e: {  	_ =	swait.ge [sflag:s15], $0xC80  }
0x1f: {  	[sflag:s15] =	ssyncset.done $0x0  }
0x20: {  	s17 =	simm.s32 $0x5000;
	[sflag:s15] =	ssyncadd.s32 $0xFFFFF380  }
0x21: {  	[tilespmem:s17], [sflag:$0x9] =	stream.linear.gather [hbm4b:s9+s4], $0x2710, $0x38;
	[tilespmem:$0xD2A0] =	vst v63  }
0x22: {  	_ =	swait.ge [sflag:s15], $0x2710  }
0x23: {  	[sflag:s15] =	ssyncset.done $0x0  }
0x24: {  	s18 =	simm.s32 $0x7710;
	[sflag:s15] =	ssyncadd.s32 $0xFFFFD8F0  }
0x25: {  	[tilespmem:s18], [sflag:$0x9] =	stream.linear.gather [hbm4b:s10+s4], $0x2710, $0x38;
	[tilespmem:$0xD2A0] =	vst v63  }
0x26: {  	_ =	swait.ge [sflag:s15], $0x2710  }
0x27: {  	[sflag:s15] =	ssyncset.done $0x0  }
0x28: {  	[sflag:s15] =	ssyncadd.s32 $0xFFFFD8F0  }
0x29: {  	s30 =	simm.s32 $0x5000;
	[bflag:$0x0] =	sbarrier.arrive $0xFFFF  }
0x2a: {  	[spmem:s2] =	stream.indirect.scatter.add.f32 [tilespmem:s16], [sflag:$0x1], $0x10, s30, s19, $0xb8;
	[tilespmem:$0xD2A0] =	vst v63  }
0x2b: {  	s31 =	simm.s32 $0x7710  }
0x2c: {  	[spmem:s3] =	stream.indirect.scatter.add.f32 [tilespmem:s16], [sflag:$0x2], $0x10, s31, s19, $0xb8;
	[tilespmem:$0xD2A0] =	vst v63  }
0x2d: {  	s18 =	simm.s32 $0x50C8  }
0x2e: {  	[spmem:s2] =	stream.indirect.scatter.add.f32 [tilespmem:s16], [sflag:$0x3], $0x10, s18, s19, $0xb8;
	[tilespmem:$0xD2A0] =	vst v63  }
0x2f: {  	s30 =	simm.s32 $0x77D8  }
0x30: {  	[spmem:s3] =	stream.indirect.scatter.add.f32 [tilespmem:s16], [sflag:$0x4], $0x10, s30, s19, $0xb8;
	[tilespmem:$0xD2A0] =	vst v63  }
0x31: {  	s31 =	simm.s32 $0x5190  }
0x32: {  	[spmem:s2] =	stream.indirect.scatter.add.f32 [tilespmem:s16], [sflag:$0x5], $0x10, s31, s19, $0xb8;
	[tilespmem:$0xD2A0] =	vst v63  }
0x33: {  	s18 =	simm.s32 $0x78A0  }
0x34: {  	[spmem:s3] =	stream.indirect.scatter.add.f32 [tilespmem:s16], [sflag:$0x6], $0x10, s18, s19, $0xb8;
	[tilespmem:$0xD2A0] =	vst v63  }
0x35: {  	s30 =	simm.s32 $0x5258  }
0x36: {  	[spmem:s2] =	stream.indirect.scatter.add.f32 [tilespmem:s16], [sflag:$0x7], $0x10, s30, s19, $0xb8;
	[tilespmem:$0xD2A0] =	vst v63  }
0x37: {  	s31 =	simm.s32 $0x7968  }
0x38: {  	[spmem:s3] =	stream.indirect.scatter.add.f32 [tilespmem:s16], [sflag:$0x8], $0x10, s31, s19, $0xb8;
	[tilespmem:$0xD2A0] =	vst v63  }
0x39: {  	_ =	swait.ge [sflag:s20], $0xC80  }
0x3a: {  	[sflag:s20] =	ssyncset.done $0x0  }
0x3b: {  	[sflag:s20] =	ssyncadd.s32 $0xFFFFF380  }
0x3c: {  	_ =	swait.ge [sflag:s21], $0xC80  }
0x3d: {  	[sflag:s21] =	ssyncset.done $0x0  }
0x3e: {  	[sflag:s21] =	ssyncadd.s32 $0xFFFFF380  }
0x3f: {  	_ =	swait.ge [sflag:s22], $0xC80  }
0x40: {  	[sflag:s22] =	ssyncset.done $0x0  }
0x41: {  	[sflag:s22] =	ssyncadd.s32 $0xFFFFF380  }
0x42: {  	_ =	swait.ge [sflag:s23], $0xC80  }
0x43: {  	[sflag:s23] =	ssyncset.done $0x0  }
0x44: {  	[sflag:s23] =	ssyncadd.s32 $0xFFFFF380  }
0x45: {  	_ =	swait.ge [sflag:s24], $0xC80  }
0x46: {  	[sflag:s24] =	ssyncset.done $0x0  }
0x47: {  	[sflag:s24] =	ssyncadd.s32 $0xFFFFF380  }
0x48: {  	_ =	swait.ge [sflag:s25], $0xC80  }
0x49: {  	[sflag:s25] =	ssyncset.done $0x0  }
0x4a: {  	[sflag:s25] =	ssyncadd.s32 $0xFFFFF380  }
0x4b: {  	_ =	swait.ge [sflag:s26], $0xC80  }
0x4c: {  	[sflag:s26] =	ssyncset.done $0x0  }
0x4d: {  	[sflag:s26] =	ssyncadd.s32 $0xFFFFF380  }
0x4e: {  	_ =	swait.ge [sflag:s28], $0xC80  }
0x4f: {  	s29 =	simm.s32 $0x320;
	s17 =	simm.s32 $0x1900;
	[sflag:s28] =	ssyncset.done $0x0  }
.LBB2_2:
0x50: {  	s31 =	sadd.s32 $0x5000, s29  }
0x51: {  	[sflag:s28] =	ssyncadd.s32 $0xFFFFF380;
	s18 =	smov.u32 s17;
	s30 =	sadd.s32 $0xC80, s17  }
0x52: {  	[spmem:s2] =	stream.indirect.scatter.add.f32 [tilespmem:s16], [sflag:$0x1], $0x10, s31, s19, $0xb8;
	[tilespmem:$0xD2A0] =	vst v63  }
0x53: {  	p0 =	sne.s32 s17, $0x8980;
	s17 =	sadd.s32 $0x7710, s29  }
0x54: {  	[spmem:s3] =	stream.indirect.scatter.add.f32 [tilespmem:s16], [sflag:$0x2], $0x10, s17, s19, $0xb8;
	[tilespmem:$0xD2A0] =	vst v63  }
0x55: {  	s17 =	sadd.s32 $0x50C8, s29  }
0x56: {  	[spmem:s2] =	stream.indirect.scatter.add.f32 [tilespmem:s16], [sflag:$0x3], $0x10, s17, s19, $0xb8;
	[tilespmem:$0xD2A0] =	vst v63  }
0x57: {  	s17 =	sadd.s32 $0x77D8, s29  }
0x58: {  	[spmem:s3] =	stream.indirect.scatter.add.f32 [tilespmem:s16], [sflag:$0x4], $0x10, s17, s19, $0xb8;
	[tilespmem:$0xD2A0] =	vst v63  }
0x59: {  	s17 =	sadd.s32 $0x5190, s29  }
0x5a: {  	[spmem:s2] =	stream.indirect.scatter.add.f32 [tilespmem:s16], [sflag:$0x5], $0x10, s17, s19, $0xb8;
	[tilespmem:$0xD2A0] =	vst v63  }
0x5b: {  	s17 =	sadd.s32 $0x78A0, s29  }
0x5c: {  	[spmem:s3] =	stream.indirect.scatter.add.f32 [tilespmem:s16], [sflag:$0x6], $0x10, s17, s19, $0xb8;
	[tilespmem:$0xD2A0] =	vst v63  }
0x5d: {  	s17 =	sadd.s32 $0x5258, s29  }
0x5e: {  	[spmem:s2] =	stream.indirect.scatter.add.f32 [tilespmem:s16], [sflag:$0x7], $0x10, s17, s19, $0xb8;
	[tilespmem:$0xD2A0] =	vst v63  }
0x5f: {  	s17 =	sadd.s32 $0x7968, s29  }
0x60: {  	[spmem:s3] =	stream.indirect.scatter.add.f32 [tilespmem:s16], [sflag:$0x8], $0x10, s17, s19, $0xb8;
	[tilespmem:$0xD2A0] =	vst v63  }
0x61: {  	_ =	swait.ge [sflag:s20], $0xC80  }
0x62: {  	[sflag:s20] =	ssyncset.done $0x0  }
0x63: {  	[sflag:s20] =	ssyncadd.s32 $0xFFFFF380  }
0x64: {  	_ =	swait.ge [sflag:s21], $0xC80  }
0x65: {  	[sflag:s21] =	ssyncset.done $0x0  }
0x66: {  	[sflag:s21] =	ssyncadd.s32 $0xFFFFF380  }
0x67: {  	_ =	swait.ge [sflag:s22], $0xC80  }
0x68: {  	[sflag:s22] =	ssyncset.done $0x0  }
0x69: {  	[sflag:s22] =	ssyncadd.s32 $0xFFFFF380  }
0x6a: {  	_ =	swait.ge [sflag:s23], $0xC80  }
0x6b: {  	[sflag:s23] =	ssyncset.done $0x0  }
0x6c: {  	[sflag:s23] =	ssyncadd.s32 $0xFFFFF380  }
0x6d: {  	_ =	swait.ge [sflag:s24], $0xC80  }
0x6e: {  	[sflag:s24] =	ssyncset.done $0x0  }
0x6f: {  	[sflag:s24] =	ssyncadd.s32 $0xFFFFF380  }
0x70: {  	_ =	swait.ge [sflag:s25], $0xC80  }
0x71: {  	[sflag:s25] =	ssyncset.done $0x0  }
0x72: {  	[sflag:s25] =	ssyncadd.s32 $0xFFFFF380  }
.Ltmp0:
0x73: {  	_ =	swait.ge [sflag:s26], $0xC80;
	(pc) =	sbr.rel @p0 .LBB2_2-.Ltmp0, $4  }
0x74: {  	[sflag:s26] =	ssyncset.done $0x0  }
0x75: {  	[sflag:s26] =	ssyncadd.s32 $0xFFFFF380  }
0x76: {  	_ =	swait.ge [sflag:s28], $0xC80  }
0x77: {  	s29 =	sshra.s32 s18, $0x2;
	s17 =	smov.u32 s30;
	[sflag:s28] =	ssyncset.done $0x0  }
0x78: {  	s17 =	sadd.s32 $0x5000, s29;
	[sflag:s28] =	ssyncadd.s32 $0xFFFFF380  }
0x79: {  	[spmem:s2] =	stream.indirect.scatter.add.f32 [tilespmem:s16], [sflag:$0x1], $0x10, s17, s19, $0xb8;
	[tilespmem:$0xD2A0] =	vst v63  }
0x7a: {  	s18 =	sadd.s32 $0x7710, s29  }
0x7b: {  	[spmem:s3] =	stream.indirect.scatter.add.f32 [tilespmem:s16], [sflag:$0x2], $0x10, s18, s19, $0xb8;
	[tilespmem:$0xD2A0] =	vst v63  }
0x7c: {  	s30 =	sadd.s32 $0x50C8, s29  }
0x7d: {  	[spmem:s2] =	stream.indirect.scatter.add.f32 [tilespmem:s16], [sflag:$0x3], $0x10, s30, s19, $0xb8;
	[tilespmem:$0xD2A0] =	vst v63  }
0x7e: {  	s31 =	sadd.s32 $0x77D8, s29  }
0x7f: {  	[spmem:s3] =	stream.indirect.scatter.add.f32 [tilespmem:s16], [sflag:$0x4], $0x10, s31, s19, $0xb8;
	[tilespmem:$0xD2A0] =	vst v63  }
0x80: {  	s18 =	sadd.s32 $0x5190, s29  }
0x81: {  	[spmem:s2] =	stream.indirect.scatter.add.f32 [tilespmem:s16], [sflag:$0x5], $0x10, s18, s19, $0xb8;
	[tilespmem:$0xD2A0] =	vst v63  }
0x82: {  	s30 =	sadd.s32 $0x78A0, s29  }
0x83: {  	[spmem:s3] =	stream.indirect.scatter.add.f32 [tilespmem:s16], [sflag:$0x6], $0x10, s30, s19, $0xb8;
	[tilespmem:$0xD2A0] =	vst v63  }
0x84: {  	s31 =	sadd.s32 $0x5258, s29  }
0x85: {  	[spmem:s2] =	stream.indirect.scatter.add.f32 [tilespmem:s16], [sflag:$0x7], $0x10, s31, s19, $0xb8;
	[tilespmem:$0xD2A0] =	vst v63  }
0x86: {  	s18 =	sadd.s32 $0x7968, s29  }
0x87: {  	[spmem:s3] =	stream.indirect.scatter.add.f32 [tilespmem:s16], [sflag:$0x8], $0x10, s18, s19, $0xb8;
	[tilespmem:$0xD2A0] =	vst v63  }
0x88: {  	_ =	swait.ge [sflag:s20], $0xC80  }
0x89: {  	[sflag:s20] =	ssyncset.done $0x0  }
0x8a: {  	[sflag:s20] =	ssyncadd.s32 $0xFFFFF380  }
0x8b: {  	_ =	swait.ge [sflag:s21], $0xC80  }
0x8c: {  	[sflag:s21] =	ssyncset.done $0x0  }
0x8d: {  	[sflag:s21] =	ssyncadd.s32 $0xFFFFF380  }
0x8e: {  	_ =	swait.ge [sflag:s22], $0xC80  }
0x8f: {  	[sflag:s22] =	ssyncset.done $0x0  }
0x90: {  	[sflag:s22] =	ssyncadd.s32 $0xFFFFF380  }
0x91: {  	_ =	swait.ge [sflag:s23], $0xC80  }
0x92: {  	[sflag:s23] =	ssyncset.done $0x0  }
0x93: {  	[sflag:s23] =	ssyncadd.s32 $0xFFFFF380  }
0x94: {  	_ =	swait.ge [sflag:s24], $0xC80  }
0x95: {  	[sflag:s24] =	ssyncset.done $0x0  }
0x96: {  	[sflag:s24] =	ssyncadd.s32 $0xFFFFF380  }
0x97: {  	_ =	swait.ge [sflag:s25], $0xC80  }
0x98: {  	[sflag:s25] =	ssyncset.done $0x0  }
0x99: {  	[sflag:s25] =	ssyncadd.s32 $0xFFFFF380  }
0x9a: {  	_ =	swait.ge [sflag:s26], $0xC80  }
0x9b: {  	[sflag:s26] =	ssyncset.done $0x0  }
0x9c: {  	[sflag:s26] =	ssyncadd.s32 $0xFFFFF380  }
0x9d: {  	_ =	swait.ge [sflag:s28], $0xC80  }
0x9e: {  	[sflag:s28] =	ssyncset.done $0x0  }
0x9f: {  	s29 =	simm.s32 $0x7580;
	[sflag:s28] =	ssyncadd.s32 $0xFFFFF380  }
0xa0: {  	[spmem:s2] =	stream.indirect.scatter.add.f32 [tilespmem:s16], [sflag:$0x1], $0x10, s29, s19, $0xb8;
	[tilespmem:$0xD2A0] =	vst v63  }
0xa1: {  	_ =	swait.ge [sflag:s20], $0xC80  }
0xa2: {  	[sflag:s20] =	ssyncset.done $0x0  }
0xa3: {  	s30 =	simm.s32 $0x9C90;
	[sflag:s20] =	ssyncadd.s32 $0xFFFFF380  }
0xa4: {  	[spmem:s3] =	stream.indirect.scatter.add.f32 [tilespmem:s16], [sflag:$0x2], $0x10, s30, s19, $0xb8;
	[tilespmem:$0xD2A0] =	vst v63  }
0xa5: {  	_ =	swait.ge [sflag:s21], $0xC80  }
0xa6: {  	[sflag:s21] =	ssyncset.done $0x0  }
0xa7: {  	s31 =	simm.s32 $0x7648;
	[sflag:s21] =	ssyncadd.s32 $0xFFFFF380  }
0xa8: {  	[spmem:s2] =	stream.indirect.scatter.add.f32 [tilespmem:s16], [sflag:$0x1], $0x10, s31, s19, $0xb8;
	[tilespmem:$0xD2A0] =	vst v63  }
0xa9: {  	_ =	swait.ge [sflag:s20], $0xC80  }
0xaa: {  	[sflag:s20] =	ssyncset.done $0x0  }
0xab: {  	[sflag:s20] =	ssyncadd.s32 $0xFFFFF380  }
0xac: {  	[spmem:s3] =	stream.indirect.scatter.add.f32 [tilespmem:s16], [sflag:$0x2], $0x10, s1, s19, $0xb8;
	[tilespmem:$0xD2A0] =	vst v63  }
0xad: {  	_ =	swait.ge [sflag:s21], $0xC80  }
0xae: {  	[sflag:s21] =	ssyncset.done $0x0  }
0xaf: {  	[sflag:s21] =	ssyncadd.s32 $0xFFFFF380  }
0xb0: {  	[bflag:$0x0] =	sbarrier.arrive $0xFFFF  }
0xb1: {  	[tilespmem:s14], [sflag:$0x9] =	stream.linear.gather [spmem:s7], $0x2800, $0x38;
	[tilespmem:$0xD2A0] =	vst v63  }
0xb2: {  	_ =	swait.ge [sflag:s15], $0x2800  }
0xb3: {  	[sflag:s15] =	ssyncset.done $0x0  }
0xb4: {  	[sflag:s15] =	ssyncadd.s32 $0xFFFFD800  }
0xb5: {  	[hbm4b:s11+s4] =	stream.linear.scatter [tilespmem:s14], [sflag:$0x9], $0x2800, $0x38;
	[tilespmem:$0xD2A0] =	vst v63  }
0xb6: {  	_ =	swait.ge [sflag:s15], $0x2800  }
0xb7: {  	[sflag:s15] =	ssyncset.done $0x0  }
0xb8: {  	[sflag:s15] =	ssyncadd.s32 $0xFFFFD800  }
0xb9: {  	[tilespmem:s14], [sflag:$0x9] =	stream.linear.gather [spmem:s8], $0x2800, $0x38;
	[tilespmem:$0xD2A0] =	vst v63  }
0xba: {  	s0 =	sadd.s32 $0x1, s0;
	_ =	swait.ge [sflag:s15], $0x2800  }
0xbb: {  	p0 =	sne.s32 s0, s13;
	[sflag:s15] =	ssyncset.done $0x0  }
.Ltmp1:
0xbc: {  	[sflag:s15] =	ssyncadd.s32 $0xFFFFD800;
	(pc) =	sbr.rel @p0 .LBB2_1-.Ltmp1, $4  }
0xbd: {  	[hbm4b:s12+s4] =	stream.linear.scatter [tilespmem:s14], [sflag:$0x9], $0x2800, $0x38;
	[tilespmem:$0xD2A0] =	vst v63  }
0xbe: {  	_ =	swait.ge [sflag:s15], $0x2800  }
0xbf: {  	[sflag:s15] =	ssyncset.done $0x0  }
0xc0: {  	[sflag:s15] =	ssyncadd.s32 $0xFFFFD800  }
0xc1: {  	_ =	sfence.sel $0x180000  }
0xc2: {  	[bflag:$0x0] =	sbarrier.arrive $0xFFFF  }
0xc3: {  	_ =	strace $0x90000047  }
0xc4: {  	s0 =	stileid.u32;
	[bflag:$0x2] =	sbarrier.arrive $0xFFFF  }
0xc5: {  	p0 =	sne.s32 s0, $0x0;
	s0 =	rddreg [dreg:$0x4]  }
0xc6: {  	s0 =	sadd.s32 @!p0 $0x100000, s0  }
0xc7: {  	[sflag:s0] =	ssyncadd.tile.s32 @!p0 $0x1;
	_ =	shalt  }
.Lfunc_end2:
_tile_overlayer_lowered:
.L_overlay_start_2:
0xc8: {  	(tag) =	ssettag $0x2  }
0xc9: {  	s0 =	rddreg [dreg:$0x0];
	s2 =	stileid.u32  }
0xca: {  	s1 =	rddreg [dreg:$0x1];
	p0 =	sne.s32 s2, $0x0  }
0xcb: {  	s3 =	rddreg [dreg:$0x2];
	[bflag:$0x3] =	sbarrier.arrive $0xFFFF;
	s2 =	simm.s32 @!p0 $0x1C09  }
0xcc: {  	[timem:s3], [sflag:s2] =	dma.local @!p0 [hbm:s0], s1  }
0xcd: {  	s0 =	simm.s32 @!p0 $0x9  }
0xce: {  	_ =	swait.ge @!p0 [sflag:s0], s1  }
0xcf: {  	s1 =	ssub.s32 @!p0 $0x0, s1;
	[sflag:s0] =	ssyncset.done @!p0 $0x0  }
0xd0: {  	[sflag:s0] =	ssyncadd.s32 @!p0 s1  }
0xd1: {  	[bflag:$0x3] =	sbarrier.arrive $0xFFFF  }
0xd2: {  	_ =	shalt  }

</sc_bundles>
